<compile_context>
chip_gen: v7x
topology: tpu7x:2x2x1
jax: 0.10.2.dev20260603
libtpu: 0.0.44.dev20260713+nightly
codegen_flags: <defaults>
</compile_context>

<pallas_src>
import jax
import jax.numpy as jnp
from jax import lax
from jax.experimental import pallas as pl
from jax.experimental.pallas import tpu as pltpu
from jax.experimental.pallas import tpu_sc as plsc

_NC = 2
_NS = 16
_NW = _NC * _NS

_D = 32
_N_ROWS = 1_000_000
_B = 4096 * 200
_B_PER_W = _B // _NW
_CHUNK = 512
_NCHUNK = _B_PER_W // _CHUNK
_NBUF = 6


def _body(table_hbm, idx_hbm, out_hbm, idx_v, rows_v, gsems, osems):
    wid = lax.axis_index("s") * _NC + lax.axis_index("c")
    base = wid * _B_PER_W
    pltpu.sync_copy(idx_hbm.at[pl.ds(base, _B_PER_W)], idx_v)

    def start_gather(c):
        b = c % _NBUF
        return pltpu.async_copy(
            table_hbm.at[idx_v.at[pl.ds(c * _CHUNK, _CHUNK)]],
            rows_v.at[b], gsems[b])

    def start_out(c):
        b = c % _NBUF
        return pltpu.async_copy(
            rows_v.at[b], out_hbm.at[pl.ds(base + c * _CHUNK, _CHUNK)],
            osems[b])

    gds = [start_gather(c) for c in range(_NBUF)]
    ods = [None] * _NCHUNK
    for c in range(_NCHUNK):
        gds[c % _NBUF].wait()
        ods[c] = start_out(c)
        p = c - 1
        if p >= 0 and p + _NBUF < _NCHUNK:
            ods[p].wait()
            gds[p % _NBUF] = start_gather(p + _NBUF)
    for c in range(_NCHUNK - _NBUF, _NCHUNK):
        ods[c].wait()


@jax.jit
def kernel(indices, table):
    flat_idx = indices.reshape(_B)
    mesh = plsc.VectorSubcoreMesh(core_axis_name="c", subcore_axis_name="s")
    out = pl.kernel(
        _body,
        out_type=jax.ShapeDtypeStruct((_B, _D), jnp.float32),
        mesh=mesh,
        scratch_types=[
            pltpu.VMEM((_B_PER_W,), jnp.int32),
            pltpu.VMEM((_NBUF, _CHUNK, _D), jnp.float32),
            [pltpu.SemaphoreType.DMA] * _NBUF,
            [pltpu.SemaphoreType.DMA] * _NBUF,
        ],
        compiler_params=pltpu.CompilerParams(use_tc_tiling_on_sc=False),
    )(table, flat_idx)
    return out.reshape(indices.shape[0], indices.shape[1], _D)

# --- scband reference (transcript-rebuilt; emitter-appended) ---
"""Pipeline reference for scband-embedding-6725918785949 (READ-ONLY COPY).

The authoritative reference and input builder live on the scoring server;
editing this copy changes nothing except your own understanding.
"""

import jax, jax.numpy as jnp
import numpy as np

VOCAB = 1000000
EMBED_DIM = 32
BATCH = 4096
HIST = 200

def setup_inputs(seed: int = 0) -> dict:
    key = jax.random.key(seed)
    k_idx, k_tab = jax.random.split(key)
    indices = jax.random.randint(k_idx, (BATCH, HIST), 0, VOCAB, dtype=jnp.int64 if jax.config.jax_enable_x64 else jnp.int32).astype(jnp.int32)
    table = jax.random.normal(k_tab, (VOCAB, EMBED_DIM), dtype=jnp.float32)
    return {"indices": indices, "table": table}

def reference(indices, table):
    # Faithful to nn.Embedding forward: gather rows of the embedding table.
    # padding_idx is None, so no special-casing is needed.
    return jnp.take(table, indices, axis=0)

if __name__ == "__main__":
    import jax
    _d = setup_inputs()
    print(jax.jit(kernel)(*tuple(_d.values())))

</pallas_src>

<mosaic_0001>
#map = affine_map<(d0, d1) -> (0, 0)>
#map1 = affine_map<(d0, d1) -> (0)>
module attributes {stable_mosaic.version = 14 : i64} {
  func.func @_body(%arg0: i32, %arg1: i32, %arg2: memref<1000000x32xf32, #tpu.memory_space<hbm>>, %arg3: memref<819200xi32, #tpu.memory_space<hbm>>, %arg4: memref<819200x32xf32, #tpu.memory_space<hbm>>, %arg5: memref<25600xi32, #tpu.memory_space<vmem>>, %arg6: memref<6x512x32xf32, #tpu.memory_space<vmem>>, %arg7: memref<!tpu.dma_semaphore, #tpu.memory_space<semaphore_mem>>, %arg8: memref<!tpu.dma_semaphore, #tpu.memory_space<semaphore_mem>>, %arg9: memref<!tpu.dma_semaphore, #tpu.memory_space<semaphore_mem>>, %arg10: memref<!tpu.dma_semaphore, #tpu.memory_space<semaphore_mem>>, %arg11: memref<!tpu.dma_semaphore, #tpu.memory_space<semaphore_mem>>, %arg12: memref<!tpu.dma_semaphore, #tpu.memory_space<semaphore_mem>>, %arg13: memref<!tpu.dma_semaphore, #tpu.memory_space<semaphore_mem>>, %arg14: memref<!tpu.dma_semaphore, #tpu.memory_space<semaphore_mem>>, %arg15: memref<!tpu.dma_semaphore, #tpu.memory_space<semaphore_mem>>, %arg16: memref<!tpu.dma_semaphore, #tpu.memory_space<semaphore_mem>>, %arg17: memref<!tpu.dma_semaphore, #tpu.memory_space<semaphore_mem>>, %arg18: memref<!tpu.dma_semaphore, #tpu.memory_space<semaphore_mem>>) attributes {dimension_semantics = [#tpu.dimension_semantics<core_parallel>, #tpu.dimension_semantics<subcore_parallel>], iteration_bounds = array<i64: 2, 16>, scalar_prefetch = 0 : i64, scratch_operands = 14 : i64, tpu.core_type = #tpu.core_type<sc_vector_subcore>, window_params = [{transform_indices = #map}, {transform_indices = #map1}, {transform_indices = #map}]} {
    %mul3A = arith.constant 2 : i32
    %mul3A_0 = arith.muli %arg1, %mul3A : i32
    %add3A = arith.addi %mul3A_0, %arg0 : i32
    %mul3A_1 = arith.constant 25600 : i32
    %mul3A_2 = arith.muli %add3A, %mul3A_1 : i32
    "tpu.region"() ({
      %run_scoped3A = tpu.sem_alloc : memref<!tpu.dma_semaphore, #tpu.memory_space<semaphore_mem>>
      %dma_start3A_2401 = tpu.memref_slice %arg3[%mul3A_2] : memref<819200xi32, #tpu.memory_space<hbm>> -> memref<25600xi32, #tpu.memory_space<hbm>>
      %dma_start3A_2402 = tpu.memref_slice %arg3[%mul3A_2] : memref<819200xi32, #tpu.memory_space<hbm>> -> memref<25600xi32, #tpu.memory_space<hbm>>
      tpu.enqueue_dma source(%dma_start3A_2402 : memref<25600xi32, #tpu.memory_space<hbm>>) target(%arg5 : memref<25600xi32, #tpu.memory_space<vmem>>) target_semaphore(%run_scoped3A : memref<!tpu.dma_semaphore, #tpu.memory_space<semaphore_mem>>)
      %dma_wait3A_2403 = tpu.memref_slice %arg3[%mul3A_2] : memref<819200xi32, #tpu.memory_space<hbm>> -> memref<25600xi32, #tpu.memory_space<hbm>>
      %dma_wait3A_2404 = tpu.memref_slice %arg3[%mul3A_2] : memref<819200xi32, #tpu.memory_space<hbm>> -> memref<25600xi32, #tpu.memory_space<hbm>>
      tpu.wait_dma2 semaphore(%run_scoped3A : memref<!tpu.dma_semaphore, #tpu.memory_space<semaphore_mem>>) src(%dma_wait3A_2404 : memref<25600xi32, #tpu.memory_space<hbm>>) dst(%arg5 : memref<25600xi32, #tpu.memory_space<vmem>>)
      tpu.yield
    }) : () -> ()
    %dma_start3A = arith.constant 0 : i32
    %dma_start3A_3 = arith.constant 0 : i32
    %dma_start3A_4 = arith.constant 0 : i32
    %dma_start3A_5 = tpu.memref_slice %arg6[%dma_start3A, %dma_start3A_3, %dma_start3A_4] : memref<6x512x32xf32, #tpu.memory_space<vmem>> -> memref<1x512x32xf32, #tpu.memory_space<vmem>>
    %dma_start3A_6 = tpu.memref_squeeze %dma_start3A_5 : memref<1x512x32xf32, #tpu.memory_space<vmem>> -> memref<512x32xf32, #tpu.memory_space<vmem>>
    %dma_start3A_7 = arith.constant 0 : i32
    %dma_start3A_8 = tpu.memref_slice %arg5[%dma_start3A_7] : memref<25600xi32, #tpu.memory_space<vmem>> -> memref<512xi32, #tpu.memory_space<vmem>>
    %dma_start3A_9 = arith.constant 0 : i32
    %dma_start3A_10 = arith.constant 0 : i32
    %dma_start3A_11 = tpu.memref_slice %arg2[%dma_start3A_9, %dma_start3A_10] : memref<1000000x32xf32, #tpu.memory_space<hbm>> -> memref<1000000x32xf32, #tpu.memory_space<hbm>>
    tpu.enqueue_indirect_dma source(%dma_start3A_11 : memref<1000000x32xf32, #tpu.memory_space<hbm>>) target(%dma_start3A_6 : memref<512x32xf32, #tpu.memory_space<vmem>>) offsets(%dma_start3A_8 : memref<512xi32, #tpu.memory_space<vmem>>) semaphore(%arg7 : memref<!tpu.dma_semaphore, #tpu.memory_space<semaphore_mem>>)
    %dma_start3A_12 = arith.constant 1 : i32
    %dma_start3A_13 = arith.constant 0 : i32
    %dma_start3A_14 = arith.constant 0 : i32
    %dma_start3A_15 = tpu.memref_slice %arg6[%dma_start3A_12, %dma_start3A_13, %dma_start3A_14] : memref<6x512x32xf32, #tpu.memory_space<vmem>> -> memref<1x512x32xf32, #tpu.memory_space<vmem>>
    %dma_start3A_16 = tpu.memref_squeeze %dma_start3A_15 : memref<1x512x32xf32, #tpu.memory_space<vmem>> -> memref<512x32xf32, #tpu.memory_space<vmem>>
    %dma_start3A_17 = arith.constant 512 : i32
    %dma_start3A_18 = tpu.memref_slice %arg5[%dma_start3A_17] : memref<25600xi32, #tpu.memory_space<vmem>> -> memref<512xi32, #tpu.memory_space<vmem>>
    %dma_start3A_19 = arith.constant 0 : i32
    %dma_start3A_20 = arith.constant 0 : i32
    %dma_start3A_21 = tpu.memref_slice %arg2[%dma_start3A_19, %dma_start3A_20] : memref<1000000x32xf32, #tpu.memory_space<hbm>> -> memref<1000000x32xf32, #tpu.memory_space<hbm>>
    tpu.enqueue_indirect_dma source(%dma_start3A_21 : memref<1000000x32xf32, #tpu.memory_space<hbm>>) target(%dma_start3A_16 : memref<512x32xf32, #tpu.memory_space<vmem>>) offsets(%dma_start3A_18 : memref<512xi32, #tpu.memory_space<vmem>>) semaphore(%arg8 : memref<!tpu.dma_semaphore, #tpu.memory_space<semaphore_mem>>)
    %dma_start3A_22 = arith.constant 2 : i32
    %dma_start3A_23 = arith.constant 0 : i32
    %dma_start3A_24 = arith.constant 0 : i32
    %dma_start3A_25 = tpu.memref_slice %arg6[%dma_start3A_22, %dma_start3A_23, %dma_start3A_24] : memref<6x512x32xf32, #tpu.memory_space<vmem>> -> memref<1x512x32xf32, #tpu.memory_space<vmem>>
    %dma_start3A_26 = tpu.memref_squeeze %dma_start3A_25 : memref<1x512x32xf32, #tpu.memory_space<vmem>> -> memref<512x32xf32, #tpu.memory_space<vmem>>
    %dma_start3A_27 = arith.constant 1024 : i32
    %dma_start3A_28 = tpu.memref_slice %arg5[%dma_start3A_27] : memref<25600xi32, #tpu.memory_space<vmem>> -> memref<512xi32, #tpu.memory_space<vmem>>
    %dma_start3A_29 = arith.constant 0 : i32
    %dma_start3A_30 = arith.constant 0 : i32
    %dma_start3A_31 = tpu.memref_slice %arg2[%dma_start3A_29, %dma_start3A_30] : memref<1000000x32xf32, #tpu.memory_space<hbm>> -> memref<1000000x32xf32, #tpu.memory_space<hbm>>
    tpu.enqueue_indirect_dma source(%dma_start3A_31 : memref<1000000x32xf32, #tpu.memory_space<hbm>>) target(%dma_start3A_26 : memref<512x32xf32, #tpu.memory_space<vmem>>) offsets(%dma_start3A_28 : memref<512xi32, #tpu.memory_space<vmem>>) semaphore(%arg9 : memref<!tpu.dma_semaphore, #tpu.memory_space<semaphore_mem>>)
    %dma_start3A_32 = arith.constant 3 : i32
    %dma_start3A_33 = arith.constant 0 : i32
    %dma_start3A_34 = arith.constant 0 : i32
    %dma_start3A_35 = tpu.memref_slice %arg6[%dma_start3A_32, %dma_start3A_33, %dma_start3A_34] : memref<6x512x32xf32, #tpu.memory_space<vmem>> -> memref<1x512x32xf32, #tpu.memory_space<vmem>>
    %dma_start3A_36 = tpu.memref_squeeze %dma_start3A_35 : memref<1x512x32xf32, #tpu.memory_space<vmem>> -> memref<512x32xf32, #tpu.memory_space<vmem>>
    %dma_start3A_37 = arith.constant 1536 : i32
    %dma_start3A_38 = tpu.memref_slice %arg5[%dma_start3A_37] : memref<25600xi32, #tpu.memory_space<vmem>> -> memref<512xi32, #tpu.memory_space<vmem>>
    %dma_start3A_39 = arith.constant 0 : i32
    %dma_start3A_40 = arith.constant 0 : i32
    %dma_start3A_41 = tpu.memref_slice %arg2[%dma_start3A_39, %dma_start3A_40] : memref<1000000x32xf32, #tpu.memory_space<hbm>> -> memref<1000000x32xf32, #tpu.memory_space<hbm>>
    tpu.enqueue_indirect_dma source(%dma_start3A_41 : memref<1000000x32xf32, #tpu.memory_space<hbm>>) target(%dma_start3A_36 : memref<512x32xf32, #tpu.memory_space<vmem>>) offsets(%dma_start3A_38 : memref<512xi32, #tpu.memory_space<vmem>>) semaphore(%arg10 : memref<!tpu.dma_semaphore, #tpu.memory_space<semaphore_mem>>)
    %dma_start3A_42 = arith.constant 4 : i32
    %dma_start3A_43 = arith.constant 0 : i32
    %dma_start3A_44 = arith.constant 0 : i32
    %dma_start3A_45 = tpu.memref_slice %arg6[%dma_start3A_42, %dma_start3A_43, %dma_start3A_44] : memref<6x512x32xf32, #tpu.memory_space<vmem>> -> memref<1x512x32xf32, #tpu.memory_space<vmem>>
    %dma_start3A_46 = tpu.memref_squeeze %dma_start3A_45 : memref<1x512x32xf32, #tpu.memory_space<vmem>> -> memref<512x32xf32, #tpu.memory_space<vmem>>
    %dma_start3A_47 = arith.constant 2048 : i32
    %dma_start3A_48 = tpu.memref_slice %arg5[%dma_start3A_47] : memref<25600xi32, #tpu.memory_space<vmem>> -> memref<512xi32, #tpu.memory_space<vmem>>
    %dma_start3A_49 = arith.constant 0 : i32
    %dma_start3A_50 = arith.constant 0 : i32
    %dma_start3A_51 = tpu.memref_slice %arg2[%dma_start3A_49, %dma_start3A_50] : memref<1000000x32xf32, #tpu.memory_space<hbm>> -> memref<1000000x32xf32, #tpu.memory_space<hbm>>
    tpu.enqueue_indirect_dma source(%dma_start3A_51 : memref<1000000x32xf32, #tpu.memory_space<hbm>>) target(%dma_start3A_46 : memref<512x32xf32, #tpu.memory_space<vmem>>) offsets(%dma_start3A_48 : memref<512xi32, #tpu.memory_space<vmem>>) semaphore(%arg11 : memref<!tpu.dma_semaphore, #tpu.memory_space<semaphore_mem>>)
    %dma_start3A_52 = arith.constant 5 : i32
    %dma_start3A_53 = arith.constant 0 : i32
    %dma_start3A_54 = arith.constant 0 : i32
    %dma_start3A_55 = tpu.memref_slice %arg6[%dma_start3A_52, %dma_start3A_53, %dma_start3A_54] : memref<6x512x32xf32, #tpu.memory_space<vmem>> -> memref<1x512x32xf32, #tpu.memory_space<vmem>>
    %dma_start3A_56 = tpu.memref_squeeze %dma_start3A_55 : memref<1x512x32xf32, #tpu.memory_space<vmem>> -> memref<512x32xf32, #tpu.memory_space<vmem>>
    %dma_start3A_57 = arith.constant 2560 : i32
    %dma_start3A_58 = tpu.memref_slice %arg5[%dma_start3A_57] : memref<25600xi32, #tpu.memory_space<vmem>> -> memref<512xi32, #tpu.memory_space<vmem>>
    %dma_start3A_59 = arith.constant 0 : i32
    %dma_start3A_60 = arith.constant 0 : i32
    %dma_start3A_61 = tpu.memref_slice %arg2[%dma_start3A_59, %dma_start3A_60] : memref<1000000x32xf32, #tpu.memory_space<hbm>> -> memref<1000000x32xf32, #tpu.memory_space<hbm>>
    tpu.enqueue_indirect_dma source(%dma_start3A_61 : memref<1000000x32xf32, #tpu.memory_space<hbm>>) target(%dma_start3A_56 : memref<512x32xf32, #tpu.memory_space<vmem>>) offsets(%dma_start3A_58 : memref<512xi32, #tpu.memory_space<vmem>>) semaphore(%arg12 : memref<!tpu.dma_semaphore, #tpu.memory_space<semaphore_mem>>)
    %dma_wait3A = arith.constant 0 : i32
    %dma_wait3A_62 = arith.constant 0 : i32
    %dma_wait3A_63 = arith.constant 0 : i32
    %dma_wait3A_64 = tpu.memref_slice %arg6[%dma_wait3A, %dma_wait3A_62, %dma_wait3A_63] : memref<6x512x32xf32, #tpu.memory_space<vmem>> -> memref<1x512x32xf32, #tpu.memory_space<vmem>>
    %dma_wait3A_65 = tpu.memref_squeeze %dma_wait3A_64 : memref<1x512x32xf32, #tpu.memory_space<vmem>> -> memref<512x32xf32, #tpu.memory_space<vmem>>
    %dma_wait3A_66 = arith.constant 0 : i32
    %dma_wait3A_67 = tpu.memref_slice %arg5[%dma_wait3A_66] : memref<25600xi32, #tpu.memory_space<vmem>> -> memref<512xi32, #tpu.memory_space<vmem>>
    %dma_wait3A_68 = arith.constant 0 : i32
    %dma_wait3A_69 = arith.constant 0 : i32
    %dma_wait3A_70 = tpu.memref_slice %arg2[%dma_wait3A_68, %dma_wait3A_69] : memref<1000000x32xf32, #tpu.memory_space<hbm>> -> memref<1000000x32xf32, #tpu.memory_space<hbm>>
    tpu.wait_indirect_dma semaphore(%arg7 : memref<!tpu.dma_semaphore, #tpu.memory_space<semaphore_mem>>) src(%dma_wait3A_70 : memref<1000000x32xf32, #tpu.memory_space<hbm>>) dst(%dma_wait3A_65 : memref<512x32xf32, #tpu.memory_space<vmem>>)
    %add3A_71 = arith.constant 0 : i32
    %add3A_72 = arith.addi %mul3A_2, %add3A_71 : i32
    %dma_start3A_73 = arith.constant 0 : i32
    %dma_start3A_74 = arith.constant 0 : i32
    %dma_start3A_75 = arith.constant 0 : i32
    %dma_start3A_76 = tpu.memref_slice %arg6[%dma_start3A_73, %dma_start3A_74, %dma_start3A_75] : memref<6x512x32xf32, #tpu.memory_space<vmem>> -> memref<1x512x32xf32, #tpu.memory_space<vmem>>
    %dma_start3A_77 = tpu.memref_squeeze %dma_start3A_76 : memref<1x512x32xf32, #tpu.memory_space<vmem>> -> memref<512x32xf32, #tpu.memory_space<vmem>>
    %dma_start3A_78 = arith.constant 0 : i32
    %dma_start3A_79 = tpu.memref_slice %arg4[%add3A_72, %dma_start3A_78] : memref<819200x32xf32, #tpu.memory_space<hbm>> -> memref<512x32xf32, #tpu.memory_space<hbm>>
    %dma_start3A_80 = arith.constant 0 : i32
    %dma_start3A_81 = tpu.memref_slice %arg4[%add3A_72, %dma_start3A_80] : memref<819200x32xf32, #tpu.memory_space<hbm>> -> memref<512x32xf32, #tpu.memory_space<hbm>>
    %dma_start3A_82 = arith.constant 0 : i32
    %dma_start3A_83 = arith.constant 0 : i32
    %dma_start3A_84 = tpu.memref_slice %arg6[%dma_start3A_73, %dma_start3A_82, %dma_start3A_83] : memref<6x512x32xf32, #tpu.memory_space<vmem>> -> memref<1x512x32xf32, #tpu.memory_space<vmem>>
    %dma_start3A_85 = tpu.memref_squeeze %dma_start3A_84 : memref<1x512x32xf32, #tpu.memory_space<vmem>> -> memref<512x32xf32, #tpu.memory_space<vmem>>
    tpu.enqueue_dma source(%dma_start3A_85 : memref<512x32xf32, #tpu.memory_space<vmem>>) target(%dma_start3A_81 : memref<512x32xf32, #tpu.memory_space<hbm>>) target_semaphore(%arg13 : memref<!tpu.dma_semaphore, #tpu.memory_space<semaphore_mem>>)
    %dma_wait3A_86 = arith.constant 1 : i32
    %dma_wait3A_87 = arith.constant 0 : i32
    %dma_wait3A_88 = arith.constant 0 : i32
    %dma_wait3A_89 = tpu.memref_slice %arg6[%dma_wait3A_86, %dma_wait3A_87, %dma_wait3A_88] : memref<6x512x32xf32, #tpu.memory_space<vmem>> -> memref<1x512x32xf32, #tpu.memory_space<vmem>>
    %dma_wait3A_90 = tpu.memref_squeeze %dma_wait3A_89 : memref<1x512x32xf32, #tpu.memory_space<vmem>> -> memref<512x32xf32, #tpu.memory_space<vmem>>
    %dma_wait3A_91 = arith.constant 512 : i32
    %dma_wait3A_92 = tpu.memref_slice %arg5[%dma_wait3A_91] : memref<25600xi32, #tpu.memory_space<vmem>> -> memref<512xi32, #tpu.memory_space<vmem>>
    %dma_wait3A_93 = arith.constant 0 : i32
    %dma_wait3A_94 = arith.constant 0 : i32
    %dma_wait3A_95 = tpu.memref_slice %arg2[%dma_wait3A_93, %dma_wait3A_94] : memref<1000000x32xf32, #tpu.memory_space<hbm>> -> memref<1000000x32xf32, #tpu.memory_space<hbm>>
    tpu.wait_indirect_dma semaphore(%arg8 : memref<!tpu.dma_semaphore, #tpu.memory_space<semaphore_mem>>) src(%dma_wait3A_95 : memref<1000000x32xf32, #tpu.memory_space<hbm>>) dst(%dma_wait3A_90 : memref<512x32xf32, #tpu.memory_space<vmem>>)
    %add3A_96 = arith.constant 512 : i32
    %add3A_97 = arith.addi %mul3A_2, %add3A_96 : i32
    %dma_start3A_98 = arith.constant 1 : i32
    %dma_start3A_99 = arith.constant 0 : i32
    %dma_start3A_100 = arith.constant 0 : i32
    %dma_start3A_101 = tpu.memref_slice %arg6[%dma_start3A_98, %dma_start3A_99, %dma_start3A_100] : memref<6x512x32xf32, #tpu.memory_space<vmem>> -> memref<1x512x32xf32, #tpu.memory_space<vmem>>
    %dma_start3A_102 = tpu.memref_squeeze %dma_start3A_101 : memref<1x512x32xf32, #tpu.memory_space<vmem>> -> memref<512x32xf32, #tpu.memory_space<vmem>>
    %dma_start3A_103 = arith.constant 0 : i32
    %dma_start3A_104 = tpu.memref_slice %arg4[%add3A_97, %dma_start3A_103] : memref<819200x32xf32, #tpu.memory_space<hbm>> -> memref<512x32xf32, #tpu.memory_space<hbm>>
    %dma_start3A_105 = arith.constant 0 : i32
    %dma_start3A_106 = tpu.memref_slice %arg4[%add3A_97, %dma_start3A_105] : memref<819200x32xf32, #tpu.memory_space<hbm>> -> memref<512x32xf32, #tpu.memory_space<hbm>>
    %dma_start3A_107 = arith.constant 0 : i32
    %dma_start3A_108 = arith.constant 0 : i32
    %dma_start3A_109 = tpu.memref_slice %arg6[%dma_start3A_98, %dma_start3A_107, %dma_start3A_108] : memref<6x512x32xf32, #tpu.memory_space<vmem>> -> memref<1x512x32xf32, #tpu.memory_space<vmem>>
    %dma_start3A_110 = tpu.memref_squeeze %dma_start3A_109 : memref<1x512x32xf32, #tpu.memory_space<vmem>> -> memref<512x32xf32, #tpu.memory_space<vmem>>
    tpu.enqueue_dma source(%dma_start3A_110 : memref<512x32xf32, #tpu.memory_space<vmem>>) target(%dma_start3A_106 : memref<512x32xf32, #tpu.memory_space<hbm>>) target_semaphore(%arg14 : memref<!tpu.dma_semaphore, #tpu.memory_space<semaphore_mem>>)
    %dma_wait3A_111 = arith.constant 0 : i32
    %dma_wait3A_112 = arith.constant 0 : i32
    %dma_wait3A_113 = arith.constant 0 : i32
    %dma_wait3A_114 = tpu.memref_slice %arg6[%dma_wait3A_111, %dma_wait3A_112, %dma_wait3A_113] : memref<6x512x32xf32, #tpu.memory_space<vmem>> -> memref<1x512x32xf32, #tpu.memory_space<vmem>>
    %dma_wait3A_115 = tpu.memref_squeeze %dma_wait3A_114 : memref<1x512x32xf32, #tpu.memory_space<vmem>> -> memref<512x32xf32, #tpu.memory_space<vmem>>
    %dma_wait3A_116 = arith.constant 0 : i32
    %dma_wait3A_117 = tpu.memref_slice %arg4[%add3A_72, %dma_wait3A_116] : memref<819200x32xf32, #tpu.memory_space<hbm>> -> memref<512x32xf32, #tpu.memory_space<hbm>>
    %dma_wait3A_118 = arith.constant 0 : i32
    %dma_wait3A_119 = tpu.memref_slice %arg4[%add3A_72, %dma_wait3A_118] : memref<819200x32xf32, #tpu.memory_space<hbm>> -> memref<512x32xf32, #tpu.memory_space<hbm>>
    %dma_wait3A_120 = arith.constant 0 : i32
    %dma_wait3A_121 = arith.constant 0 : i32
    %dma_wait3A_122 = tpu.memref_slice %arg6[%dma_wait3A_111, %dma_wait3A_120, %dma_wait3A_121] : memref<6x512x32xf32, #tpu.memory_space<vmem>> -> memref<1x512x32xf32, #tpu.memory_space<vmem>>
    %dma_wait3A_123 = tpu.memref_squeeze %dma_wait3A_122 : memref<1x512x32xf32, #tpu.memory_space<vmem>> -> memref<512x32xf32, #tpu.memory_space<vmem>>
    tpu.wait_dma2 semaphore(%arg13 : memref<!tpu.dma_semaphore, #tpu.memory_space<semaphore_mem>>) src(%dma_wait3A_123 : memref<512x32xf32, #tpu.memory_space<vmem>>) dst(%dma_wait3A_119 : memref<512x32xf32, #tpu.memory_space<hbm>>)
    %dma_start3A_124 = arith.constant 0 : i32
    %dma_start3A_125 = arith.constant 0 : i32
    %dma_start3A_126 = arith.constant 0 : i32
    %dma_start3A_127 = tpu.memref_slice %arg6[%dma_start3A_124, %dma_start3A_125, %dma_start3A_126] : memref<6x512x32xf32, #tpu.memory_space<vmem>> -> memref<1x512x32xf32, #tpu.memory_space<vmem>>
    %dma_start3A_128 = tpu.memref_squeeze %dma_start3A_127 : memref<1x512x32xf32, #tpu.memory_space<vmem>> -> memref<512x32xf32, #tpu.memory_space<vmem>>
    %dma_start3A_129 = arith.constant 3072 : i32
    %dma_start3A_130 = tpu.memref_slice %arg5[%dma_start3A_129] : memref<25600xi32, #tpu.memory_space<vmem>> -> memref<512xi32, #tpu.memory_space<vmem>>
    %dma_start3A_131 = arith.constant 0 : i32
    %dma_start3A_132 = arith.constant 0 : i32
    %dma_start3A_133 = tpu.memref_slice %arg2[%dma_start3A_131, %dma_start3A_132] : memref<1000000x32xf32, #tpu.memory_space<hbm>> -> memref<1000000x32xf32, #tpu.memory_space<hbm>>
    tpu.enqueue_indirect_dma source(%dma_start3A_133 : memref<1000000x32xf32, #tpu.memory_space<hbm>>) target(%dma_start3A_128 : memref<512x32xf32, #tpu.memory_space<vmem>>) offsets(%dma_start3A_130 : memref<512xi32, #tpu.memory_space<vmem>>) semaphore(%arg7 : memref<!tpu.dma_semaphore, #tpu.memory_space<semaphore_mem>>)
    %dma_wait3A_134 = arith.constant 2 : i32
    %dma_wait3A_135 = arith.constant 0 : i32
    %dma_wait3A_136 = arith.constant 0 : i32
    %dma_wait3A_137 = tpu.memref_slice %arg6[%dma_wait3A_134, %dma_wait3A_135, %dma_wait3A_136] : memref<6x512x32xf32, #tpu.memory_space<vmem>> -> memref<1x512x32xf32, #tpu.memory_space<vmem>>
    %dma_wait3A_138 = tpu.memref_squeeze %dma_wait3A_137 : memref<1x512x32xf32, #tpu.memory_space<vmem>> -> memref<512x32xf32, #tpu.memory_space<vmem>>
    %dma_wait3A_139 = arith.constant 1024 : i32
    %dma_wait3A_140 = tpu.memref_slice %arg5[%dma_wait3A_139] : memref<25600xi32, #tpu.memory_space<vmem>> -> memref<512xi32, #tpu.memory_space<vmem>>
    %dma_wait3A_141 = arith.constant 0 : i32
    %dma_wait3A_142 = arith.constant 0 : i32
    %dma_wait3A_143 = tpu.memref_slice %arg2[%dma_wait3A_141, %dma_wait3A_142] : memref<1000000x32xf32, #tpu.memory_space<hbm>> -> memref<1000000x32xf32, #tpu.memory_space<hbm>>
    tpu.wait_indirect_dma semaphore(%arg9 : memref<!tpu.dma_semaphore, #tpu.memory_space<semaphore_mem>>) src(%dma_wait3A_143 : memref<1000000x32xf32, #tpu.memory_space<hbm>>) dst(%dma_wait3A_138 : memref<512x32xf32, #tpu.memory_space<vmem>>)
    %add3A_144 = arith.constant 1024 : i32
    %add3A_145 = arith.addi %mul3A_2, %add3A_144 : i32
    %dma_start3A_146 = arith.constant 2 : i32
    %dma_start3A_147 = arith.constant 0 : i32
    %dma_start3A_148 = arith.constant 0 : i32
    %dma_start3A_149 = tpu.memref_slice %arg6[%dma_start3A_146, %dma_start3A_147, %dma_start3A_148] : memref<6x512x32xf32, #tpu.memory_space<vmem>> -> memref<1x512x32xf32, #tpu.memory_space<vmem>>
    %dma_start3A_150 = tpu.memref_squeeze %dma_start3A_149 : memref<1x512x32xf32, #tpu.memory_space<vmem>> -> memref<512x32xf32, #tpu.memory_space<vmem>>
    %dma_start3A_151 = arith.constant 0 : i32
    %dma_start3A_152 = tpu.memref_slice %arg4[%add3A_145, %dma_start3A_151] : memref<819200x32xf32, #tpu.memory_space<hbm>> -> memref<512x32xf32, #tpu.memory_space<hbm>>
    %dma_start3A_153 = arith.constant 0 : i32
    %dma_start3A_154 = tpu.memref_slice %arg4[%add3A_145, %dma_start3A_153] : memref<819200x32xf32, #tpu.memory_space<hbm>> -> memref<512x32xf32, #tpu.memory_space<hbm>>
    %dma_start3A_155 = arith.constant 0 : i32
    %dma_start3A_156 = arith.constant 0 : i32
    %dma_start3A_157 = tpu.memref_slice %arg6[%dma_start3A_146, %dma_start3A_155, %dma_start3A_156] : memref<6x512x32xf32, #tpu.memory_space<vmem>> -> memref<1x512x32xf32, #tpu.memory_space<vmem>>
    %dma_start3A_158 = tpu.memref_squeeze %dma_start3A_157 : memref<1x512x32xf32, #tpu.memory_space<vmem>> -> memref<512x32xf32, #tpu.memory_space<vmem>>
    tpu.enqueue_dma source(%dma_start3A_158 : memref<512x32xf32, #tpu.memory_space<vmem>>) target(%dma_start3A_154 : memref<512x32xf32, #tpu.memory_space<hbm>>) target_semaphore(%arg15 : memref<!tpu.dma_semaphore, #tpu.memory_space<semaphore_mem>>)
    %dma_wait3A_159 = arith.constant 1 : i32
    %dma_wait3A_160 = arith.constant 0 : i32
    %dma_wait3A_161 = arith.constant 0 : i32
    %dma_wait3A_162 = tpu.memref_slice %arg6[%dma_wait3A_159, %dma_wait3A_160, %dma_wait3A_161] : memref<6x512x32xf32, #tpu.memory_space<vmem>> -> memref<1x512x32xf32, #tpu.memory_space<vmem>>
    %dma_wait3A_163 = tpu.memref_squeeze %dma_wait3A_162 : memref<1x512x32xf32, #tpu.memory_space<vmem>> -> memref<512x32xf32, #tpu.memory_space<vmem>>
    %dma_wait3A_164 = arith.constant 0 : i32
    %dma_wait3A_165 = tpu.memref_slice %arg4[%add3A_97, %dma_wait3A_164] : memref<819200x32xf32, #tpu.memory_space<hbm>> -> memref<512x32xf32, #tpu.memory_space<hbm>>
    %dma_wait3A_166 = arith.constant 0 : i32
    %dma_wait3A_167 = tpu.memref_slice %arg4[%add3A_97, %dma_wait3A_166] : memref<819200x32xf32, #tpu.memory_space<hbm>> -> memref<512x32xf32, #tpu.memory_space<hbm>>
    %dma_wait3A_168 = arith.constant 0 : i32
    %dma_wait3A_169 = arith.constant 0 : i32
    %dma_wait3A_170 = tpu.memref_slice %arg6[%dma_wait3A_159, %dma_wait3A_168, %dma_wait3A_169] : memref<6x512x32xf32, #tpu.memory_space<vmem>> -> memref<1x512x32xf32, #tpu.memory_space<vmem>>
    %dma_wait3A_171 = tpu.memref_squeeze %dma_wait3A_170 : memref<1x512x32xf32, #tpu.memory_space<vmem>> -> memref<512x32xf32, #tpu.memory_space<vmem>>
    tpu.wait_dma2 semaphore(%arg14 : memref<!tpu.dma_semaphore, #tpu.memory_space<semaphore_mem>>) src(%dma_wait3A_171 : memref<512x32xf32, #tpu.memory_space<vmem>>) dst(%dma_wait3A_167 : memref<512x32xf32, #tpu.memory_space<hbm>>)
    %dma_start3A_172 = arith.constant 1 : i32
    %dma_start3A_173 = arith.constant 0 : i32
    %dma_start3A_174 = arith.constant 0 : i32
    %dma_start3A_175 = tpu.memref_slice %arg6[%dma_start3A_172, %dma_start3A_173, %dma_start3A_174] : memref<6x512x32xf32, #tpu.memory_space<vmem>> -> memref<1x512x32xf32, #tpu.memory_space<vmem>>
    %dma_start3A_176 = tpu.memref_squeeze %dma_start3A_175 : memref<1x512x32xf32, #tpu.memory_space<vmem>> -> memref<512x32xf32, #tpu.memory_space<vmem>>
    %dma_start3A_177 = arith.constant 3584 : i32
    %dma_start3A_178 = tpu.memref_slice %arg5[%dma_start3A_177] : memref<25600xi32, #tpu.memory_space<vmem>> -> memref<512xi32, #tpu.memory_space<vmem>>
    %dma_start3A_179 = arith.constant 0 : i32
    %dma_start3A_180 = arith.constant 0 : i32
    %dma_start3A_181 = tpu.memref_slice %arg2[%dma_start3A_179, %dma_start3A_180] : memref<1000000x32xf32, #tpu.memory_space<hbm>> -> memref<1000000x32xf32, #tpu.memory_space<hbm>>
    tpu.enqueue_indirect_dma source(%dma_start3A_181 : memref<1000000x32xf32, #tpu.memory_space<hbm>>) target(%dma_start3A_176 : memref<512x32xf32, #tpu.memory_space<vmem>>) offsets(%dma_start3A_178 : memref<512xi32, #tpu.memory_space<vmem>>) semaphore(%arg8 : memref<!tpu.dma_semaphore, #tpu.memory_space<semaphore_mem>>)
    %dma_wait3A_182 = arith.constant 3 : i32
    %dma_wait3A_183 = arith.constant 0 : i32
    %dma_wait3A_184 = arith.constant 0 : i32
    %dma_wait3A_185 = tpu.memref_slice %arg6[%dma_wait3A_182, %dma_wait3A_183, %dma_wait3A_184] : memref<6x512x32xf32, #tpu.memory_space<vmem>> -> memref<1x512x32xf32, #tpu.memory_space<vmem>>
    %dma_wait3A_186 = tpu.memref_squeeze %dma_wait3A_185 : memref<1x512x32xf32, #tpu.memory_space<vmem>> -> memref<512x32xf32, #tpu.memory_space<vmem>>
    %dma_wait3A_187 = arith.constant 1536 : i32
    %dma_wait3A_188 = tpu.memref_slice %arg5[%dma_wait3A_187] : memref<25600xi32, #tpu.memory_space<vmem>> -> memref<512xi32, #tpu.memory_space<vmem>>
    %dma_wait3A_189 = arith.constant 0 : i32
    %dma_wait3A_190 = arith.constant 0 : i32
    %dma_wait3A_191 = tpu.memref_slice %arg2[%dma_wait3A_189, %dma_wait3A_190] : memref<1000000x32xf32, #tpu.memory_space<hbm>> -> memref<1000000x32xf32, #tpu.memory_space<hbm>>
    tpu.wait_indirect_dma semaphore(%arg10 : memref<!tpu.dma_semaphore, #tpu.memory_space<semaphore_mem>>) src(%dma_wait3A_191 : memref<1000000x32xf32, #tpu.memory_space<hbm>>) dst(%dma_wait3A_186 : memref<512x32xf32, #tpu.memory_space<vmem>>)
    %add3A_192 = arith.constant 1536 : i32
    %add3A_193 = arith.addi %mul3A_2, %add3A_192 : i32
    %dma_start3A_194 = arith.constant 3 : i32
    %dma_start3A_195 = arith.constant 0 : i32
    %dma_start3A_196 = arith.constant 0 : i32
    %dma_start3A_197 = tpu.memref_slice %arg6[%dma_start3A_194, %dma_start3A_195, %dma_start3A_196] : memref<6x512x32xf32, #tpu.memory_space<vmem>> -> memref<1x512x32xf32, #tpu.memory_space<vmem>>
    %dma_start3A_198 = tpu.memref_squeeze %dma_start3A_197 : memref<1x512x32xf32, #tpu.memory_space<vmem>> -> memref<512x32xf32, #tpu.memory_space<vmem>>
    %dma_start3A_199 = arith.constant 0 : i32
    %dma_start3A_200 = tpu.memref_slice %arg4[%add3A_193, %dma_start3A_199] : memref<819200x32xf32, #tpu.memory_space<hbm>> -> memref<512x32xf32, #tpu.memory_space<hbm>>
    %dma_start3A_201 = arith.constant 0 : i32
    %dma_start3A_202 = tpu.memref_slice %arg4[%add3A_193, %dma_start3A_201] : memref<819200x32xf32, #tpu.memory_space<hbm>> -> memref<512x32xf32, #tpu.memory_space<hbm>>
    %dma_start3A_203 = arith.constant 0 : i32
    %dma_start3A_204 = arith.constant 0 : i32
    %dma_start3A_205 = tpu.memref_slice %arg6[%dma_start3A_194, %dma_start3A_203, %dma_start3A_204] : memref<6x512x32xf32, #tpu.memory_space<vmem>> -> memref<1x512x32xf32, #tpu.memory_space<vmem>>
    %dma_start3A_206 = tpu.memref_squeeze %dma_start3A_205 : memref<1x512x32xf32, #tpu.memory_space<vmem>> -> memref<512x32xf32, #tpu.memory_space<vmem>>
    tpu.enqueue_dma source(%dma_start3A_206 : memref<512x32xf32, #tpu.memory_space<vmem>>) target(%dma_start3A_202 : memref<512x32xf32, #tpu.memory_space<hbm>>) target_semaphore(%arg16 : memref<!tpu.dma_semaphore, #tpu.memory_space<semaphore_mem>>)
    %dma_wait3A_207 = arith.constant 2 : i32
    %dma_wait3A_208 = arith.constant 0 : i32
    %dma_wait3A_209 = arith.constant 0 : i32
    %dma_wait3A_210 = tpu.memref_slice %arg6[%dma_wait3A_207, %dma_wait3A_208, %dma_wait3A_209] : memref<6x512x32xf32, #tpu.memory_space<vmem>> -> memref<1x512x32xf32, #tpu.memory_space<vmem>>
    %dma_wait3A_211 = tpu.memref_squeeze %dma_wait3A_210 : memref<1x512x32xf32, #tpu.memory_space<vmem>> -> memref<512x32xf32, #tpu.memory_space<vmem>>
    %dma_wait3A_212 = arith.constant 0 : i32
    %dma_wait3A_213 = tpu.memref_slice %arg4[%add3A_145, %dma_wait3A_212] : memref<819200x32xf32, #tpu.memory_space<hbm>> -> memref<512x32xf32, #tpu.memory_space<hbm>>
    %dma_wait3A_214 = arith.constant 0 : i32
    %dma_wait3A_215 = tpu.memref_slice %arg4[%add3A_145, %dma_wait3A_214] : memref<819200x32xf32, #tpu.memory_space<hbm>> -> memref<512x32xf32, #tpu.memory_space<hbm>>
    %dma_wait3A_216 = arith.constant 0 : i32
    %dma_wait3A_217 = arith.constant 0 : i32
    %dma_wait3A_218 = tpu.memref_slice %arg6[%dma_wait3A_207, %dma_wait3A_216, %dma_wait3A_217] : memref<6x512x32xf32, #tpu.memory_space<vmem>> -> memref<1x512x32xf32, #tpu.memory_space<vmem>>
    %dma_wait3A_219 = tpu.memref_squeeze %dma_wait3A_218 : memref<1x512x32xf32, #tpu.memory_space<vmem>> -> memref<512x32xf32, #tpu.memory_space<vmem>>
    tpu.wait_dma2 semaphore(%arg15 : memref<!tpu.dma_semaphore, #tpu.memory_space<semaphore_mem>>) src(%dma_wait3A_219 : memref<512x32xf32, #tpu.memory_space<vmem>>) dst(%dma_wait3A_215 : memref<512x32xf32, #tpu.memory_space<hbm>>)
    %dma_start3A_220 = arith.constant 2 : i32
    %dma_start3A_221 = arith.constant 0 : i32
    %dma_start3A_222 = arith.constant 0 : i32
    %dma_start3A_223 = tpu.memref_slice %arg6[%dma_start3A_220, %dma_start3A_221, %dma_start3A_222] : memref<6x512x32xf32, #tpu.memory_space<vmem>> -> memref<1x512x32xf32, #tpu.memory_space<vmem>>
    %dma_start3A_224 = tpu.memref_squeeze %dma_start3A_223 : memref<1x512x32xf32, #tpu.memory_space<vmem>> -> memref<512x32xf32, #tpu.memory_space<vmem>>
    %dma_start3A_225 = arith.constant 4096 : i32
    %dma_start3A_226 = tpu.memref_slice %arg5[%dma_start3A_225] : memref<25600xi32, #tpu.memory_space<vmem>> -> memref<512xi32, #tpu.memory_space<vmem>>
    %dma_start3A_227 = arith.constant 0 : i32
    %dma_start3A_228 = arith.constant 0 : i32
    %dma_start3A_229 = tpu.memref_slice %arg2[%dma_start3A_227, %dma_start3A_228] : memref<1000000x32xf32, #tpu.memory_space<hbm>> -> memref<1000000x32xf32, #tpu.memory_space<hbm>>
    tpu.enqueue_indirect_dma source(%dma_start3A_229 : memref<1000000x32xf32, #tpu.memory_space<hbm>>) target(%dma_start3A_224 : memref<512x32xf32, #tpu.memory_space<vmem>>) offsets(%dma_start3A_226 : memref<512xi32, #tpu.memory_space<vmem>>) semaphore(%arg9 : memref<!tpu.dma_semaphore, #tpu.memory_space<semaphore_mem>>)
    %dma_wait3A_230 = arith.constant 4 : i32
    %dma_wait3A_231 = arith.constant 0 : i32
    %dma_wait3A_232 = arith.constant 0 : i32
    %dma_wait3A_233 = tpu.memref_slice %arg6[%dma_wait3A_230, %dma_wait3A_231, %dma_wait3A_232] : memref<6x512x32xf32, #tpu.memory_space<vmem>> -> memref<1x512x32xf32, #tpu.memory_space<vmem>>
    %dma_wait3A_234 = tpu.memref_squeeze %dma_wait3A_233 : memref<1x512x32xf32, #tpu.memory_space<vmem>> -> memref<512x32xf32, #tpu.memory_space<vmem>>
    %dma_wait3A_235 = arith.constant 2048 : i32
    %dma_wait3A_236 = tpu.memref_slice %arg5[%dma_wait3A_235] : memref<25600xi32, #tpu.memory_space<vmem>> -> memref<512xi32, #tpu.memory_space<vmem>>
    %dma_wait3A_237 = arith.constant 0 : i32
    %dma_wait3A_238 = arith.constant 0 : i32
    %dma_wait3A_239 = tpu.memref_slice %arg2[%dma_wait3A_237, %dma_wait3A_238] : memref<1000000x32xf32, #tpu.memory_space<hbm>> -> memref<1000000x32xf32, #tpu.memory_space<hbm>>
    tpu.wait_indirect_dma semaphore(%arg11 : memref<!tpu.dma_semaphore, #tpu.memory_space<semaphore_mem>>) src(%dma_wait3A_239 : memref<1000000x32xf32, #tpu.memory_space<hbm>>) dst(%dma_wait3A_234 : memref<512x32xf32, #tpu.memory_space<vmem>>)
    %add3A_240 = arith.constant 2048 : i32
    %add3A_241 = arith.addi %mul3A_2, %add3A_240 : i32
    %dma_start3A_242 = arith.constant 4 : i32
    %dma_start3A_243 = arith.constant 0 : i32
    %dma_start3A_244 = arith.constant 0 : i32
    %dma_start3A_245 = tpu.memref_slice %arg6[%dma_start3A_242, %dma_start3A_243, %dma_start3A_244] : memref<6x512x32xf32, #tpu.memory_space<vmem>> -> memref<1x512x32xf32, #tpu.memory_space<vmem>>
    %dma_start3A_246 = tpu.memref_squeeze %dma_start3A_245 : memref<1x512x32xf32, #tpu.memory_space<vmem>> -> memref<512x32xf32, #tpu.memory_space<vmem>>
    %dma_start3A_247 = arith.constant 0 : i32
    %dma_start3A_248 = tpu.memref_slice %arg4[%add3A_241, %dma_start3A_247] : memref<819200x32xf32, #tpu.memory_space<hbm>> -> memref<512x32xf32, #tpu.memory_space<hbm>>
    %dma_start3A_249 = arith.constant 0 : i32
    %dma_start3A_250 = tpu.memref_slice %arg4[%add3A_241, %dma_start3A_249] : memref<819200x32xf32, #tpu.memory_space<hbm>> -> memref<512x32xf32, #tpu.memory_space<hbm>>
    %dma_start3A_251 = arith.constant 0 : i32
    %dma_start3A_252 = arith.constant 0 : i32
    %dma_start3A_253 = tpu.memref_slice %arg6[%dma_start3A_242, %dma_start3A_251, %dma_start3A_252] : memref<6x512x32xf32, #tpu.memory_space<vmem>> -> memref<1x512x32xf32, #tpu.memory_space<vmem>>
    %dma_start3A_254 = tpu.memref_squeeze %dma_start3A_253 : memref<1x512x32xf32, #tpu.memory_space<vmem>> -> memref<512x32xf32, #tpu.memory_space<vmem>>
    tpu.enqueue_dma source(%dma_start3A_254 : memref<512x32xf32, #tpu.memory_space<vmem>>) target(%dma_start3A_250 : memref<512x32xf32, #tpu.memory_space<hbm>>) target_semaphore(%arg17 : memref<!tpu.dma_semaphore, #tpu.memory_space<semaphore_mem>>)
    %dma_wait3A_255 = arith.constant 3 : i32
    %dma_wait3A_256 = arith.constant 0 : i32
    %dma_wait3A_257 = arith.constant 0 : i32
    %dma_wait3A_258 = tpu.memref_slice %arg6[%dma_wait3A_255, %dma_wait3A_256, %dma_wait3A_257] : memref<6x512x32xf32, #tpu.memory_space<vmem>> -> memref<1x512x32xf32, #tpu.memory_space<vmem>>
    %dma_wait3A_259 = tpu.memref_squeeze %dma_wait3A_258 : memref<1x512x32xf32, #tpu.memory_space<vmem>> -> memref<512x32xf32, #tpu.memory_space<vmem>>
    %dma_wait3A_260 = arith.constant 0 : i32
    %dma_wait3A_261 = tpu.memref_slice %arg4[%add3A_193, %dma_wait3A_260] : memref<819200x32xf32, #tpu.memory_space<hbm>> -> memref<512x32xf32, #tpu.memory_space<hbm>>
    %dma_wait3A_262 = arith.constant 0 : i32
    %dma_wait3A_263 = tpu.memref_slice %arg4[%add3A_193, %dma_wait3A_262] : memref<819200x32xf32, #tpu.memory_space<hbm>> -> memref<512x32xf32, #tpu.memory_space<hbm>>
    %dma_wait3A_264 = arith.constant 0 : i32
    %dma_wait3A_265 = arith.constant 0 : i32
    %dma_wait3A_266 = tpu.memref_slice %arg6[%dma_wait3A_255, %dma_wait3A_264, %dma_wait3A_265] : memref<6x512x32xf32, #tpu.memory_space<vmem>> -> memref<1x512x32xf32, #tpu.memory_space<vmem>>
    %dma_wait3A_267 = tpu.memref_squeeze %dma_wait3A_266 : memref<1x512x32xf32, #tpu.memory_space<vmem>> -> memref<512x32xf32, #tpu.memory_space<vmem>>
    tpu.wait_dma2 semaphore(%arg16 : memref<!tpu.dma_semaphore, #tpu.memory_space<semaphore_mem>>) src(%dma_wait3A_267 : memref<512x32xf32, #tpu.memory_space<vmem>>) dst(%dma_wait3A_263 : memref<512x32xf32, #tpu.memory_space<hbm>>)
    %dma_start3A_268 = arith.constant 3 : i32
    %dma_start3A_269 = arith.constant 0 : i32
    %dma_start3A_270 = arith.constant 0 : i32
    %dma_start3A_271 = tpu.memref_slice %arg6[%dma_start3A_268, %dma_start3A_269, %dma_start3A_270] : memref<6x512x32xf32, #tpu.memory_space<vmem>> -> memref<1x512x32xf32, #tpu.memory_space<vmem>>
    %dma_start3A_272 = tpu.memref_squeeze %dma_start3A_271 : memref<1x512x32xf32, #tpu.memory_space<vmem>> -> memref<512x32xf32, #tpu.memory_space<vmem>>
    %dma_start3A_273 = arith.constant 4608 : i32
    %dma_start3A_274 = tpu.memref_slice %arg5[%dma_start3A_273] : memref<25600xi32, #tpu.memory_space<vmem>> -> memref<512xi32, #tpu.memory_space<vmem>>
    %dma_start3A_275 = arith.constant 0 : i32
    %dma_start3A_276 = arith.constant 0 : i32
    %dma_start3A_277 = tpu.memref_slice %arg2[%dma_start3A_275, %dma_start3A_276] : memref<1000000x32xf32, #tpu.memory_space<hbm>> -> memref<1000000x32xf32, #tpu.memory_space<hbm>>
    tpu.enqueue_indirect_dma source(%dma_start3A_277 : memref<1000000x32xf32, #tpu.memory_space<hbm>>) target(%dma_start3A_272 : memref<512x32xf32, #tpu.memory_space<vmem>>) offsets(%dma_start3A_274 : memref<512xi32, #tpu.memory_space<vmem>>) semaphore(%arg10 : memref<!tpu.dma_semaphore, #tpu.memory_space<semaphore_mem>>)
    %dma_wait3A_278 = arith.constant 5 : i32
    %dma_wait3A_279 = arith.constant 0 : i32
    %dma_wait3A_280 = arith.constant 0 : i32
    %dma_wait3A_281 = tpu.memref_slice %arg6[%dma_wait3A_278, %dma_wait3A_279, %dma_wait3A_280] : memref<6x512x32xf32, #tpu.memory_space<vmem>> -> memref<1x512x32xf32, #tpu.memory_space<vmem>>
    %dma_wait3A_282 = tpu.memref_squeeze %dma_wait3A_281 : memref<1x512x32xf32, #tpu.memory_space<vmem>> -> memref<512x32xf32, #tpu.memory_space<vmem>>
    %dma_wait3A_283 = arith.constant 2560 : i32
    %dma_wait3A_284 = tpu.memref_slice %arg5[%dma_wait3A_283] : memref<25600xi32, #tpu.memory_space<vmem>> -> memref<512xi32, #tpu.memory_space<vmem>>
    %dma_wait3A_285 = arith.constant 0 : i32
    %dma_wait3A_286 = arith.constant 0 : i32
    %dma_wait3A_287 = tpu.memref_slice %arg2[%dma_wait3A_285, %dma_wait3A_286] : memref<1000000x32xf32, #tpu.memory_space<hbm>> -> memref<1000000x32xf32, #tpu.memory_space<hbm>>
    tpu.wait_indirect_dma semaphore(%arg12 : memref<!tpu.dma_semaphore, #tpu.memory_space<semaphore_mem>>) src(%dma_wait3A_287 : memref<1000000x32xf32, #tpu.memory_space<hbm>>) dst(%dma_wait3A_282 : memref<512x32xf32, #tpu.memory_space<vmem>>)
    %add3A_288 = arith.constant 2560 : i32
    %add3A_289 = arith.addi %mul3A_2, %add3A_288 : i32
    %dma_start3A_290 = arith.constant 5 : i32
    %dma_start3A_291 = arith.constant 0 : i32
    %dma_start3A_292 = arith.constant 0 : i32
    %dma_start3A_293 = tpu.memref_slice %arg6[%dma_start3A_290, %dma_start3A_291, %dma_start3A_292] : memref<6x512x32xf32, #tpu.memory_space<vmem>> -> memref<1x512x32xf32, #tpu.memory_space<vmem>>
    %dma_start3A_294 = tpu.memref_squeeze %dma_start3A_293 : memref<1x512x32xf32, #tpu.memory_space<vmem>> -> memref<512x32xf32, #tpu.memory_space<vmem>>
    %dma_start3A_295 = arith.constant 0 : i32
    %dma_start3A_296 = tpu.memref_slice %arg4[%add3A_289, %dma_start3A_295] : memref<819200x32xf32, #tpu.memory_space<hbm>> -> memref<512x32xf32, #tpu.memory_space<hbm>>
    %dma_start3A_297 = arith.constant 0 : i32
    %dma_start3A_298 = tpu.memref_slice %arg4[%add3A_289, %dma_start3A_297] : memref<819200x32xf32, #tpu.memory_space<hbm>> -> memref<512x32xf32, #tpu.memory_space<hbm>>
    %dma_start3A_299 = arith.constant 0 : i32
    %dma_start3A_300 = arith.constant 0 : i32
    %dma_start3A_301 = tpu.memref_slice %arg6[%dma_start3A_290, %dma_start3A_299, %dma_start3A_300] : memref<6x512x32xf32, #tpu.memory_space<vmem>> -> memref<1x512x32xf32, #tpu.memory_space<vmem>>
    %dma_start3A_302 = tpu.memref_squeeze %dma_start3A_301 : memref<1x512x32xf32, #tpu.memory_space<vmem>> -> memref<512x32xf32, #tpu.memory_space<vmem>>
    tpu.enqueue_dma source(%dma_start3A_302 : memref<512x32xf32, #tpu.memory_space<vmem>>) target(%dma_start3A_298 : memref<512x32xf32, #tpu.memory_space<hbm>>) target_semaphore(%arg18 : memref<!tpu.dma_semaphore, #tpu.memory_space<semaphore_mem>>)
    %dma_wait3A_303 = arith.constant 4 : i32
    %dma_wait3A_304 = arith.constant 0 : i32
    %dma_wait3A_305 = arith.constant 0 : i32
    %dma_wait3A_306 = tpu.memref_slice %arg6[%dma_wait3A_303, %dma_wait3A_304, %dma_wait3A_305] : memref<6x512x32xf32, #tpu.memory_space<vmem>> -> memref<1x512x32xf32, #tpu.memory_space<vmem>>
    %dma_wait3A_307 = tpu.memref_squeeze %dma_wait3A_306 : memref<1x512x32xf32, #tpu.memory_space<vmem>> -> memref<512x32xf32, #tpu.memory_space<vmem>>
    %dma_wait3A_308 = arith.constant 0 : i32
    %dma_wait3A_309 = tpu.memref_slice %arg4[%add3A_241, %dma_wait3A_308] : memref<819200x32xf32, #tpu.memory_space<hbm>> -> memref<512x32xf32, #tpu.memory_space<hbm>>
    %dma_wait3A_310 = arith.constant 0 : i32
    %dma_wait3A_311 = tpu.memref_slice %arg4[%add3A_241, %dma_wait3A_310] : memref<819200x32xf32, #tpu.memory_space<hbm>> -> memref<512x32xf32, #tpu.memory_space<hbm>>
    %dma_wait3A_312 = arith.constant 0 : i32
    %dma_wait3A_313 = arith.constant 0 : i32
    %dma_wait3A_314 = tpu.memref_slice %arg6[%dma_wait3A_303, %dma_wait3A_312, %dma_wait3A_313] : memref<6x512x32xf32, #tpu.memory_space<vmem>> -> memref<1x512x32xf32, #tpu.memory_space<vmem>>
    %dma_wait3A_315 = tpu.memref_squeeze %dma_wait3A_314 : memref<1x512x32xf32, #tpu.memory_space<vmem>> -> memref<512x32xf32, #tpu.memory_space<vmem>>
    tpu.wait_dma2 semaphore(%arg17 : memref<!tpu.dma_semaphore, #tpu.memory_space<semaphore_mem>>) src(%dma_wait3A_315 : memref<512x32xf32, #tpu.memory_space<vmem>>) dst(%dma_wait3A_311 : memref<512x32xf32, #tpu.memory_space<hbm>>)
    %dma_start3A_316 = arith.constant 4 : i32
    %dma_start3A_317 = arith.constant 0 : i32
    %dma_start3A_318 = arith.constant 0 : i32
    %dma_start3A_319 = tpu.memref_slice %arg6[%dma_start3A_316, %dma_start3A_317, %dma_start3A_318] : memref<6x512x32xf32, #tpu.memory_space<vmem>> -> memref<1x512x32xf32, #tpu.memory_space<vmem>>
    %dma_start3A_320 = tpu.memref_squeeze %dma_start3A_319 : memref<1x512x32xf32, #tpu.memory_space<vmem>> -> memref<512x32xf32, #tpu.memory_space<vmem>>
    %dma_start3A_321 = arith.constant 5120 : i32
    %dma_start3A_322 = tpu.memref_slice %arg5[%dma_start3A_321] : memref<25600xi32, #tpu.memory_space<vmem>> -> memref<512xi32, #tpu.memory_space<vmem>>
    %dma_start3A_323 = arith.constant 0 : i32
    %dma_start3A_324 = arith.constant 0 : i32
    %dma_start3A_325 = tpu.memref_slice %arg2[%dma_start3A_323, %dma_start3A_324] : memref<1000000x32xf32, #tpu.memory_space<hbm>> -> memref<1000000x32xf32, #tpu.memory_space<hbm>>
    tpu.enqueue_indirect_dma source(%dma_start3A_325 : memref<1000000x32xf32, #tpu.memory_space<hbm>>) target(%dma_start3A_320 : memref<512x32xf32, #tpu.memory_space<vmem>>) offsets(%dma_start3A_322 : memref<512xi32, #tpu.memory_space<vmem>>) semaphore(%arg11 : memref<!tpu.dma_semaphore, #tpu.memory_space<semaphore_mem>>)
    %dma_wait3A_326 = arith.constant 0 : i32
    %dma_wait3A_327 = arith.constant 0 : i32
    %dma_wait3A_328 = arith.constant 0 : i32
    %dma_wait3A_329 = tpu.memref_slice %arg6[%dma_wait3A_326, %dma_wait3A_327, %dma_wait3A_328] : memref<6x512x32xf32, #tpu.memory_space<vmem>> -> memref<1x512x32xf32, #tpu.memory_space<vmem>>
    %dma_wait3A_330 = tpu.memref_squeeze %dma_wait3A_329 : memref<1x512x32xf32, #tpu.memory_space<vmem>> -> memref<512x32xf32, #tpu.memory_space<vmem>>
    %dma_wait3A_331 = arith.constant 3072 : i32
    %dma_wait3A_332 = tpu.memref_slice %arg5[%dma_wait3A_331] : memref<25600xi32, #tpu.memory_space<vmem>> -> memref<512xi32, #tpu.memory_space<vmem>>
    %dma_wait3A_333 = arith.constant 0 : i32
    %dma_wait3A_334 = arith.constant 0 : i32
    %dma_wait3A_335 = tpu.memref_slice %arg2[%dma_wait3A_333, %dma_wait3A_334] : memref<1000000x32xf32, #tpu.memory_space<hbm>> -> memref<1000000x32xf32, #tpu.memory_space<hbm>>
    tpu.wait_indirect_dma semaphore(%arg7 : memref<!tpu.dma_semaphore, #tpu.memory_space<semaphore_mem>>) src(%dma_wait3A_335 : memref<1000000x32xf32, #tpu.memory_space<hbm>>) dst(%dma_wait3A_330 : memref<512x32xf32, #tpu.memory_space<vmem>>)
    %add3A_336 = arith.constant 3072 : i32
    %add3A_337 = arith.addi %mul3A_2, %add3A_336 : i32
    %dma_start3A_338 = arith.constant 0 : i32
    %dma_start3A_339 = arith.constant 0 : i32
    %dma_start3A_340 = arith.constant 0 : i32
    %dma_start3A_341 = tpu.memref_slice %arg6[%dma_start3A_338, %dma_start3A_339, %dma_start3A_340] : memref<6x512x32xf32, #tpu.memory_space<vmem>> -> memref<1x512x32xf32, #tpu.memory_space<vmem>>
    %dma_start3A_342 = tpu.memref_squeeze %dma_start3A_341 : memref<1x512x32xf32, #tpu.memory_space<vmem>> -> memref<512x32xf32, #tpu.memory_space<vmem>>
    %dma_start3A_343 = arith.constant 0 : i32
    %dma_start3A_344 = tpu.memref_slice %arg4[%add3A_337, %dma_start3A_343] : memref<819200x32xf32, #tpu.memory_space<hbm>> -> memref<512x32xf32, #tpu.memory_space<hbm>>
    %dma_start3A_345 = arith.constant 0 : i32
    %dma_start3A_346 = tpu.memref_slice %arg4[%add3A_337, %dma_start3A_345] : memref<819200x32xf32, #tpu.memory_space<hbm>> -> memref<512x32xf32, #tpu.memory_space<hbm>>
    %dma_start3A_347 = arith.constant 0 : i32
    %dma_start3A_348 = arith.constant 0 : i32
    %dma_start3A_349 = tpu.memref_slice %arg6[%dma_start3A_338, %dma_start3A_347, %dma_start3A_348] : memref<6x512x32xf32, #tpu.memory_space<vmem>> -> memref<1x512x32xf32, #tpu.memory_space<vmem>>
    %dma_start3A_350 = tpu.memref_squeeze %dma_start3A_349 : memref<1x512x32xf32, #tpu.memory_space<vmem>> -> memref<512x32xf32, #tpu.memory_space<vmem>>
    tpu.enqueue_dma source(%dma_start3A_350 : memref<512x32xf32, #tpu.memory_space<vmem>>) target(%dma_start3A_346 : memref<512x32xf32, #tpu.memory_space<hbm>>) target_semaphore(%arg13 : memref<!tpu.dma_semaphore, #tpu.memory_space<semaphore_mem>>)
    %dma_wait3A_351 = arith.constant 5 : i32
    %dma_wait3A_352 = arith.constant 0 : i32
    %dma_wait3A_353 = arith.constant 0 : i32
    %dma_wait3A_354 = tpu.memref_slice %arg6[%dma_wait3A_351, %dma_wait3A_352, %dma_wait3A_353] : memref<6x512x32xf32, #tpu.memory_space<vmem>> -> memref<1x512x32xf32, #tpu.memory_space<vmem>>
    %dma_wait3A_355 = tpu.memref_squeeze %dma_wait3A_354 : memref<1x512x32xf32, #tpu.memory_space<vmem>> -> memref<512x32xf32, #tpu.memory_space<vmem>>
    %dma_wait3A_356 = arith.constant 0 : i32
    %dma_wait3A_357 = tpu.memref_slice %arg4[%add3A_289, %dma_wait3A_356] : memref<819200x32xf32, #tpu.memory_space<hbm>> -> memref<512x32xf32, #tpu.memory_space<hbm>>
    %dma_wait3A_358 = arith.constant 0 : i32
    %dma_wait3A_359 = tpu.memref_slice %arg4[%add3A_289, %dma_wait3A_358] : memref<819200x32xf32, #tpu.memory_space<hbm>> -> memref<512x32xf32, #tpu.memory_space<hbm>>
    %dma_wait3A_360 = arith.constant 0 : i32
    %dma_wait3A_361 = arith.constant 0 : i32
    %dma_wait3A_362 = tpu.memref_slice %arg6[%dma_wait3A_351, %dma_wait3A_360, %dma_wait3A_361] : memref<6x512x32xf32, #tpu.memory_space<vmem>> -> memref<1x512x32xf32, #tpu.memory_space<vmem>>
    %dma_wait3A_363 = tpu.memref_squeeze %dma_wait3A_362 : memref<1x512x32xf32, #tpu.memory_space<vmem>> -> memref<512x32xf32, #tpu.memory_space<vmem>>
    tpu.wait_dma2 semaphore(%arg18 : memref<!tpu.dma_semaphore, #tpu.memory_space<semaphore_mem>>) src(%dma_wait3A_363 : memref<512x32xf32, #tpu.memory_space<vmem>>) dst(%dma_wait3A_359 : memref<512x32xf32, #tpu.memory_space<hbm>>)
    %dma_start3A_364 = arith.constant 5 : i32
    %dma_start3A_365 = arith.constant 0 : i32
    %dma_start3A_366 = arith.constant 0 : i32
    %dma_start3A_367 = tpu.memref_slice %arg6[%dma_start3A_364, %dma_start3A_365, %dma_start3A_366] : memref<6x512x32xf32, #tpu.memory_space<vmem>> -> memref<1x512x32xf32, #tpu.memory_space<vmem>>
    %dma_start3A_368 = tpu.memref_squeeze %dma_start3A_367 : memref<1x512x32xf32, #tpu.memory_space<vmem>> -> memref<512x32xf32, #tpu.memory_space<vmem>>
    %dma_start3A_369 = arith.constant 5632 : i32
    %dma_start3A_370 = tpu.memref_slice %arg5[%dma_start3A_369] : memref<25600xi32, #tpu.memory_space<vmem>> -> memref<512xi32, #tpu.memory_space<vmem>>
    %dma_start3A_371 = arith.constant 0 : i32
    %dma_start3A_372 = arith.constant 0 : i32
    %dma_start3A_373 = tpu.memref_slice %arg2[%dma_start3A_371, %dma_start3A_372] : memref<1000000x32xf32, #tpu.memory_space<hbm>> -> memref<1000000x32xf32, #tpu.memory_space<hbm>>
    tpu.enqueue_indirect_dma source(%dma_start3A_373 : memref<1000000x32xf32, #tpu.memory_space<hbm>>) target(%dma_start3A_368 : memref<512x32xf32, #tpu.memory_space<vmem>>) offsets(%dma_start3A_370 : memref<512xi32, #tpu.memory_space<vmem>>) semaphore(%arg12 : memref<!tpu.dma_semaphore, #tpu.memory_space<semaphore_mem>>)
    %dma_wait3A_374 = arith.constant 1 : i32
    %dma_wait3A_375 = arith.constant 0 : i32
    %dma_wait3A_376 = arith.constant 0 : i32
    %dma_wait3A_377 = tpu.memref_slice %arg6[%dma_wait3A_374, %dma_wait3A_375, %dma_wait3A_376] : memref<6x512x32xf32, #tpu.memory_space<vmem>> -> memref<1x512x32xf32, #tpu.memory_space<vmem>>
    %dma_wait3A_378 = tpu.memref_squeeze %dma_wait3A_377 : memref<1x512x32xf32, #tpu.memory_space<vmem>> -> memref<512x32xf32, #tpu.memory_space<vmem>>
    %dma_wait3A_379 = arith.constant 3584 : i32
    %dma_wait3A_380 = tpu.memref_slice %arg5[%dma_wait3A_379] : memref<25600xi32, #tpu.memory_space<vmem>> -> memref<512xi32, #tpu.memory_space<vmem>>
    %dma_wait3A_381 = arith.constant 0 : i32
    %dma_wait3A_382 = arith.constant 0 : i32
    %dma_wait3A_383 = tpu.memref_slice %arg2[%dma_wait3A_381, %dma_wait3A_382] : memref<1000000x32xf32, #tpu.memory_space<hbm>> -> memref<1000000x32xf32, #tpu.memory_space<hbm>>
    tpu.wait_indirect_dma semaphore(%arg8 : memref<!tpu.dma_semaphore, #tpu.memory_space<semaphore_mem>>) src(%dma_wait3A_383 : memref<1000000x32xf32, #tpu.memory_space<hbm>>) dst(%dma_wait3A_378 : memref<512x32xf32, #tpu.memory_space<vmem>>)
    %add3A_384 = arith.constant 3584 : i32
    %add3A_385 = arith.addi %mul3A_2, %add3A_384 : i32
    %dma_start3A_386 = arith.constant 1 : i32
    %dma_start3A_387 = arith.constant 0 : i32
    %dma_start3A_388 = arith.constant 0 : i32
    %dma_start3A_389 = tpu.memref_slice %arg6[%dma_start3A_386, %dma_start3A_387, %dma_start3A_388] : memref<6x512x32xf32, #tpu.memory_space<vmem>> -> memref<1x512x32xf32, #tpu.memory_space<vmem>>
    %dma_start3A_390 = tpu.memref_squeeze %dma_start3A_389 : memref<1x512x32xf32, #tpu.memory_space<vmem>> -> memref<512x32xf32, #tpu.memory_space<vmem>>
    %dma_start3A_391 = arith.constant 0 : i32
    %dma_start3A_392 = tpu.memref_slice %arg4[%add3A_385, %dma_start3A_391] : memref<819200x32xf32, #tpu.memory_space<hbm>> -> memref<512x32xf32, #tpu.memory_space<hbm>>
    %dma_start3A_393 = arith.constant 0 : i32
    %dma_start3A_394 = tpu.memref_slice %arg4[%add3A_385, %dma_start3A_393] : memref<819200x32xf32, #tpu.memory_space<hbm>> -> memref<512x32xf32, #tpu.memory_space<hbm>>
    %dma_start3A_395 = arith.constant 0 : i32
    %dma_start3A_396 = arith.constant 0 : i32
    %dma_start3A_397 = tpu.memref_slice %arg6[%dma_start3A_386, %dma_start3A_395, %dma_start3A_396] : memref<6x512x32xf32, #tpu.memory_space<vmem>> -> memref<1x512x32xf32, #tpu.memory_space<vmem>>
    %dma_start3A_398 = tpu.memref_squeeze %dma_start3A_397 : memref<1x512x32xf32, #tpu.memory_space<vmem>> -> memref<512x32xf32, #tpu.memory_space<vmem>>
    tpu.enqueue_dma source(%dma_start3A_398 : memref<512x32xf32, #tpu.memory_space<vmem>>) target(%dma_start3A_394 : memref<512x32xf32, #tpu.memory_space<hbm>>) target_semaphore(%arg14 : memref<!tpu.dma_semaphore, #tpu.memory_space<semaphore_mem>>)
    %dma_wait3A_399 = arith.constant 0 : i32
    %dma_wait3A_400 = arith.constant 0 : i32
    %dma_wait3A_401 = arith.constant 0 : i32
    %dma_wait3A_402 = tpu.memref_slice %arg6[%dma_wait3A_399, %dma_wait3A_400, %dma_wait3A_401] : memref<6x512x32xf32, #tpu.memory_space<vmem>> -> memref<1x512x32xf32, #tpu.memory_space<vmem>>
    %dma_wait3A_403 = tpu.memref_squeeze %dma_wait3A_402 : memref<1x512x32xf32, #tpu.memory_space<vmem>> -> memref<512x32xf32, #tpu.memory_space<vmem>>
    %dma_wait3A_404 = arith.constant 0 : i32
    %dma_wait3A_405 = tpu.memref_slice %arg4[%add3A_337, %dma_wait3A_404] : memref<819200x32xf32, #tpu.memory_space<hbm>> -> memref<512x32xf32, #tpu.memory_space<hbm>>
    %dma_wait3A_406 = arith.constant 0 : i32
    %dma_wait3A_407 = tpu.memref_slice %arg4[%add3A_337, %dma_wait3A_406] : memref<819200x32xf32, #tpu.memory_space<hbm>> -> memref<512x32xf32, #tpu.memory_space<hbm>>
    %dma_wait3A_408 = arith.constant 0 : i32
    %dma_wait3A_409 = arith.constant 0 : i32
    %dma_wait3A_410 = tpu.memref_slice %arg6[%dma_wait3A_399, %dma_wait3A_408, %dma_wait3A_409] : memref<6x512x32xf32, #tpu.memory_space<vmem>> -> memref<1x512x32xf32, #tpu.memory_space<vmem>>
    %dma_wait3A_411 = tpu.memref_squeeze %dma_wait3A_410 : memref<1x512x32xf32, #tpu.memory_space<vmem>> -> memref<512x32xf32, #tpu.memory_space<vmem>>
    tpu.wait_dma2 semaphore(%arg13 : memref<!tpu.dma_semaphore, #tpu.memory_space<semaphore_mem>>) src(%dma_wait3A_411 : memref<512x32xf32, #tpu.memory_space<vmem>>) dst(%dma_wait3A_407 : memref<512x32xf32, #tpu.memory_space<hbm>>)
    %dma_start3A_412 = arith.constant 0 : i32
    %dma_start3A_413 = arith.constant 0 : i32
    %dma_start3A_414 = arith.constant 0 : i32
    %dma_start3A_415 = tpu.memref_slice %arg6[%dma_start3A_412, %dma_start3A_413, %dma_start3A_414] : memref<6x512x32xf32, #tpu.memory_space<vmem>> -> memref<1x512x32xf32, #tpu.memory_space<vmem>>
    %dma_start3A_416 = tpu.memref_squeeze %dma_start3A_415 : memref<1x512x32xf32, #tpu.memory_space<vmem>> -> memref<512x32xf32, #tpu.memory_space<vmem>>
    %dma_start3A_417 = arith.constant 6144 : i32
    %dma_start3A_418 = tpu.memref_slice %arg5[%dma_start3A_417] : memref<25600xi32, #tpu.memory_space<vmem>> -> memref<512xi32, #tpu.memory_space<vmem>>
    %dma_start3A_419 = arith.constant 0 : i32
    %dma_start3A_420 = arith.constant 0 : i32
    %dma_start3A_421 = tpu.memref_slice %arg2[%dma_start3A_419, %dma_start3A_420] : memref<1000000x32xf32, #tpu.memory_space<hbm>> -> memref<1000000x32xf32, #tpu.memory_space<hbm>>
    tpu.enqueue_indirect_dma source(%dma_start3A_421 : memref<1000000x32xf32, #tpu.memory_space<hbm>>) target(%dma_start3A_416 : memref<512x32xf32, #tpu.memory_space<vmem>>) offsets(%dma_start3A_418 : memref<512xi32, #tpu.memory_space<vmem>>) semaphore(%arg7 : memref<!tpu.dma_semaphore, #tpu.memory_space<semaphore_mem>>)
    %dma_wait3A_422 = arith.constant 2 : i32
    %dma_wait3A_423 = arith.constant 0 : i32
    %dma_wait3A_424 = arith.constant 0 : i32
    %dma_wait3A_425 = tpu.memref_slice %arg6[%dma_wait3A_422, %dma_wait3A_423, %dma_wait3A_424] : memref<6x512x32xf32, #tpu.memory_space<vmem>> -> memref<1x512x32xf32, #tpu.memory_space<vmem>>
    %dma_wait3A_426 = tpu.memref_squeeze %dma_wait3A_425 : memref<1x512x32xf32, #tpu.memory_space<vmem>> -> memref<512x32xf32, #tpu.memory_space<vmem>>
    %dma_wait3A_427 = arith.constant 4096 : i32
    %dma_wait3A_428 = tpu.memref_slice %arg5[%dma_wait3A_427] : memref<25600xi32, #tpu.memory_space<vmem>> -> memref<512xi32, #tpu.memory_space<vmem>>
    %dma_wait3A_429 = arith.constant 0 : i32
    %dma_wait3A_430 = arith.constant 0 : i32
    %dma_wait3A_431 = tpu.memref_slice %arg2[%dma_wait3A_429, %dma_wait3A_430] : memref<1000000x32xf32, #tpu.memory_space<hbm>> -> memref<1000000x32xf32, #tpu.memory_space<hbm>>
    tpu.wait_indirect_dma semaphore(%arg9 : memref<!tpu.dma_semaphore, #tpu.memory_space<semaphore_mem>>) src(%dma_wait3A_431 : memref<1000000x32xf32, #tpu.memory_space<hbm>>) dst(%dma_wait3A_426 : memref<512x32xf32, #tpu.memory_space<vmem>>)
    %add3A_432 = arith.constant 4096 : i32
    %add3A_433 = arith.addi %mul3A_2, %add3A_432 : i32
    %dma_start3A_434 = arith.constant 2 : i32
    %dma_start3A_435 = arith.constant 0 : i32
    %dma_start3A_436 = arith.constant 0 : i32
    %dma_start3A_437 = tpu.memref_slice %arg6[%dma_start3A_434, %dma_start3A_435, %dma_start3A_436] : memref<6x512x32xf32, #tpu.memory_space<vmem>> -> memref<1x512x32xf32, #tpu.memory_space<vmem>>
    %dma_start3A_438 = tpu.memref_squeeze %dma_start3A_437 : memref<1x512x32xf32, #tpu.memory_space<vmem>> -> memref<512x32xf32, #tpu.memory_space<vmem>>
    %dma_start3A_439 = arith.constant 0 : i32
    %dma_start3A_440 = tpu.memref_slice %arg4[%add3A_433, %dma_start3A_439] : memref<819200x32xf32, #tpu.memory_space<hbm>> -> memref<512x32xf32, #tpu.memory_space<hbm>>
    %dma_start3A_441 = arith.constant 0 : i32
    %dma_start3A_442 = tpu.memref_slice %arg4[%add3A_433, %dma_start3A_441] : memref<819200x32xf32, #tpu.memory_space<hbm>> -> memref<512x32xf32, #tpu.memory_space<hbm>>
    %dma_start3A_443 = arith.constant 0 : i32
    %dma_start3A_444 = arith.constant 0 : i32
    %dma_start3A_445 = tpu.memref_slice %arg6[%dma_start3A_434, %dma_start3A_443, %dma_start3A_444] : memref<6x512x32xf32, #tpu.memory_space<vmem>> -> memref<1x512x32xf32, #tpu.memory_space<vmem>>
    %dma_start3A_446 = tpu.memref_squeeze %dma_start3A_445 : memref<1x512x32xf32, #tpu.memory_space<vmem>> -> memref<512x32xf32, #tpu.memory_space<vmem>>
    tpu.enqueue_dma source(%dma_start3A_446 : memref<512x32xf32, #tpu.memory_space<vmem>>) target(%dma_start3A_442 : memref<512x32xf32, #tpu.memory_space<hbm>>) target_semaphore(%arg15 : memref<!tpu.dma_semaphore, #tpu.memory_space<semaphore_mem>>)
    %dma_wait3A_447 = arith.constant 1 : i32
    %dma_wait3A_448 = arith.constant 0 : i32
    %dma_wait3A_449 = arith.constant 0 : i32
    %dma_wait3A_450 = tpu.memref_slice %arg6[%dma_wait3A_447, %dma_wait3A_448, %dma_wait3A_449] : memref<6x512x32xf32, #tpu.memory_space<vmem>> -> memref<1x512x32xf32, #tpu.memory_space<vmem>>
    %dma_wait3A_451 = tpu.memref_squeeze %dma_wait3A_450 : memref<1x512x32xf32, #tpu.memory_space<vmem>> -> memref<512x32xf32, #tpu.memory_space<vmem>>
    %dma_wait3A_452 = arith.constant 0 : i32
    %dma_wait3A_453 = tpu.memref_slice %arg4[%add3A_385, %dma_wait3A_452] : memref<819200x32xf32, #tpu.memory_space<hbm>> -> memref<512x32xf32, #tpu.memory_space<hbm>>
    %dma_wait3A_454 = arith.constant 0 : i32
    %dma_wait3A_455 = tpu.memref_slice %arg4[%add3A_385, %dma_wait3A_454] : memref<819200x32xf32, #tpu.memory_space<hbm>> -> memref<512x32xf32, #tpu.memory_space<hbm>>
    %dma_wait3A_456 = arith.constant 0 : i32
    %dma_wait3A_457 = arith.constant 0 : i32
    %dma_wait3A_458 = tpu.memref_slice %arg6[%dma_wait3A_447, %dma_wait3A_456, %dma_wait3A_457] : memref<6x512x32xf32, #tpu.memory_space<vmem>> -> memref<1x512x32xf32, #tpu.memory_space<vmem>>
    %dma_wait3A_459 = tpu.memref_squeeze %dma_wait3A_458 : memref<1x512x32xf32, #tpu.memory_space<vmem>> -> memref<512x32xf32, #tpu.memory_space<vmem>>
    tpu.wait_dma2 semaphore(%arg14 : memref<!tpu.dma_semaphore, #tpu.memory_space<semaphore_mem>>) src(%dma_wait3A_459 : memref<512x32xf32, #tpu.memory_space<vmem>>) dst(%dma_wait3A_455 : memref<512x32xf32, #tpu.memory_space<hbm>>)
    %dma_start3A_460 = arith.constant 1 : i32
    %dma_start3A_461 = arith.constant 0 : i32
    %dma_start3A_462 = arith.constant 0 : i32
    %dma_start3A_463 = tpu.memref_slice %arg6[%dma_start3A_460, %dma_start3A_461, %dma_start3A_462] : memref<6x512x32xf32, #tpu.memory_space<vmem>> -> memref<1x512x32xf32, #tpu.memory_space<vmem>>
    %dma_start3A_464 = tpu.memref_squeeze %dma_start3A_463 : memref<1x512x32xf32, #tpu.memory_space<vmem>> -> memref<512x32xf32, #tpu.memory_space<vmem>>
    %dma_start3A_465 = arith.constant 6656 : i32
    %dma_start3A_466 = tpu.memref_slice %arg5[%dma_start3A_465] : memref<25600xi32, #tpu.memory_space<vmem>> -> memref<512xi32, #tpu.memory_space<vmem>>
    %dma_start3A_467 = arith.constant 0 : i32
    %dma_start3A_468 = arith.constant 0 : i32
    %dma_start3A_469 = tpu.memref_slice %arg2[%dma_start3A_467, %dma_start3A_468] : memref<1000000x32xf32, #tpu.memory_space<hbm>> -> memref<1000000x32xf32, #tpu.memory_space<hbm>>
    tpu.enqueue_indirect_dma source(%dma_start3A_469 : memref<1000000x32xf32, #tpu.memory_space<hbm>>) target(%dma_start3A_464 : memref<512x32xf32, #tpu.memory_space<vmem>>) offsets(%dma_start3A_466 : memref<512xi32, #tpu.memory_space<vmem>>) semaphore(%arg8 : memref<!tpu.dma_semaphore, #tpu.memory_space<semaphore_mem>>)
    %dma_wait3A_470 = arith.constant 3 : i32
    %dma_wait3A_471 = arith.constant 0 : i32
    %dma_wait3A_472 = arith.constant 0 : i32
    %dma_wait3A_473 = tpu.memref_slice %arg6[%dma_wait3A_470, %dma_wait3A_471, %dma_wait3A_472] : memref<6x512x32xf32, #tpu.memory_space<vmem>> -> memref<1x512x32xf32, #tpu.memory_space<vmem>>
    %dma_wait3A_474 = tpu.memref_squeeze %dma_wait3A_473 : memref<1x512x32xf32, #tpu.memory_space<vmem>> -> memref<512x32xf32, #tpu.memory_space<vmem>>
    %dma_wait3A_475 = arith.constant 4608 : i32
    %dma_wait3A_476 = tpu.memref_slice %arg5[%dma_wait3A_475] : memref<25600xi32, #tpu.memory_space<vmem>> -> memref<512xi32, #tpu.memory_space<vmem>>
    %dma_wait3A_477 = arith.constant 0 : i32
    %dma_wait3A_478 = arith.constant 0 : i32
    %dma_wait3A_479 = tpu.memref_slice %arg2[%dma_wait3A_477, %dma_wait3A_478] : memref<1000000x32xf32, #tpu.memory_space<hbm>> -> memref<1000000x32xf32, #tpu.memory_space<hbm>>
    tpu.wait_indirect_dma semaphore(%arg10 : memref<!tpu.dma_semaphore, #tpu.memory_space<semaphore_mem>>) src(%dma_wait3A_479 : memref<1000000x32xf32, #tpu.memory_space<hbm>>) dst(%dma_wait3A_474 : memref<512x32xf32, #tpu.memory_space<vmem>>)
    %add3A_480 = arith.constant 4608 : i32
    %add3A_481 = arith.addi %mul3A_2, %add3A_480 : i32
    %dma_start3A_482 = arith.constant 3 : i32
    %dma_start3A_483 = arith.constant 0 : i32
    %dma_start3A_484 = arith.constant 0 : i32
    %dma_start3A_485 = tpu.memref_slice %arg6[%dma_start3A_482, %dma_start3A_483, %dma_start3A_484] : memref<6x512x32xf32, #tpu.memory_space<vmem>> -> memref<1x512x32xf32, #tpu.memory_space<vmem>>
    %dma_start3A_486 = tpu.memref_squeeze %dma_start3A_485 : memref<1x512x32xf32, #tpu.memory_space<vmem>> -> memref<512x32xf32, #tpu.memory_space<vmem>>
    %dma_start3A_487 = arith.constant 0 : i32
    %dma_start3A_488 = tpu.memref_slice %arg4[%add3A_481, %dma_start3A_487] : memref<819200x32xf32, #tpu.memory_space<hbm>> -> memref<512x32xf32, #tpu.memory_space<hbm>>
    %dma_start3A_489 = arith.constant 0 : i32
    %dma_start3A_490 = tpu.memref_slice %arg4[%add3A_481, %dma_start3A_489] : memref<819200x32xf32, #tpu.memory_space<hbm>> -> memref<512x32xf32, #tpu.memory_space<hbm>>
    %dma_start3A_491 = arith.constant 0 : i32
    %dma_start3A_492 = arith.constant 0 : i32
    %dma_start3A_493 = tpu.memref_slice %arg6[%dma_start3A_482, %dma_start3A_491, %dma_start3A_492] : memref<6x512x32xf32, #tpu.memory_space<vmem>> -> memref<1x512x32xf32, #tpu.memory_space<vmem>>
    %dma_start3A_494 = tpu.memref_squeeze %dma_start3A_493 : memref<1x512x32xf32, #tpu.memory_space<vmem>> -> memref<512x32xf32, #tpu.memory_space<vmem>>
    tpu.enqueue_dma source(%dma_start3A_494 : memref<512x32xf32, #tpu.memory_space<vmem>>) target(%dma_start3A_490 : memref<512x32xf32, #tpu.memory_space<hbm>>) target_semaphore(%arg16 : memref<!tpu.dma_semaphore, #tpu.memory_space<semaphore_mem>>)
    %dma_wait3A_495 = arith.constant 2 : i32
    %dma_wait3A_496 = arith.constant 0 : i32
    %dma_wait3A_497 = arith.constant 0 : i32
    %dma_wait3A_498 = tpu.memref_slice %arg6[%dma_wait3A_495, %dma_wait3A_496, %dma_wait3A_497] : memref<6x512x32xf32, #tpu.memory_space<vmem>> -> memref<1x512x32xf32, #tpu.memory_space<vmem>>
    %dma_wait3A_499 = tpu.memref_squeeze %dma_wait3A_498 : memref<1x512x32xf32, #tpu.memory_space<vmem>> -> memref<512x32xf32, #tpu.memory_space<vmem>>
    %dma_wait3A_500 = arith.constant 0 : i32
    %dma_wait3A_501 = tpu.memref_slice %arg4[%add3A_433, %dma_wait3A_500] : memref<819200x32xf32, #tpu.memory_space<hbm>> -> memref<512x32xf32, #tpu.memory_space<hbm>>
    %dma_wait3A_502 = arith.constant 0 : i32
    %dma_wait3A_503 = tpu.memref_slice %arg4[%add3A_433, %dma_wait3A_502] : memref<819200x32xf32, #tpu.memory_space<hbm>> -> memref<512x32xf32, #tpu.memory_space<hbm>>
    %dma_wait3A_504 = arith.constant 0 : i32
    %dma_wait3A_505 = arith.constant 0 : i32
    %dma_wait3A_506 = tpu.memref_slice %arg6[%dma_wait3A_495, %dma_wait3A_504, %dma_wait3A_505] : memref<6x512x32xf32, #tpu.memory_space<vmem>> -> memref<1x512x32xf32, #tpu.memory_space<vmem>>
    %dma_wait3A_507 = tpu.memref_squeeze %dma_wait3A_506 : memref<1x512x32xf32, #tpu.memory_space<vmem>> -> memref<512x32xf32, #tpu.memory_space<vmem>>
    tpu.wait_dma2 semaphore(%arg15 : memref<!tpu.dma_semaphore, #tpu.memory_space<semaphore_mem>>) src(%dma_wait3A_507 : memref<512x32xf32, #tpu.memory_space<vmem>>) dst(%dma_wait3A_503 : memref<512x32xf32, #tpu.memory_space<hbm>>)
    %dma_start3A_508 = arith.constant 2 : i32
    %dma_start3A_509 = arith.constant 0 : i32
    %dma_start3A_510 = arith.constant 0 : i32
    %dma_start3A_511 = tpu.memref_slice %arg6[%dma_start3A_508, %dma_start3A_509, %dma_start3A_510] : memref<6x512x32xf32, #tpu.memory_space<vmem>> -> memref<1x512x32xf32, #tpu.memory_space<vmem>>
    %dma_start3A_512 = tpu.memref_squeeze %dma_start3A_511 : memref<1x512x32xf32, #tpu.memory_space<vmem>> -> memref<512x32xf32, #tpu.memory_space<vmem>>
    %dma_start3A_513 = arith.constant 7168 : i32
    %dma_start3A_514 = tpu.memref_slice %arg5[%dma_start3A_513] : memref<25600xi32, #tpu.memory_space<vmem>> -> memref<512xi32, #tpu.memory_space<vmem>>
    %dma_start3A_515 = arith.constant 0 : i32
    %dma_start3A_516 = arith.constant 0 : i32
    %dma_start3A_517 = tpu.memref_slice %arg2[%dma_start3A_515, %dma_start3A_516] : memref<1000000x32xf32, #tpu.memory_space<hbm>> -> memref<1000000x32xf32, #tpu.memory_space<hbm>>
    tpu.enqueue_indirect_dma source(%dma_start3A_517 : memref<1000000x32xf32, #tpu.memory_space<hbm>>) target(%dma_start3A_512 : memref<512x32xf32, #tpu.memory_space<vmem>>) offsets(%dma_start3A_514 : memref<512xi32, #tpu.memory_space<vmem>>) semaphore(%arg9 : memref<!tpu.dma_semaphore, #tpu.memory_space<semaphore_mem>>)
    %dma_wait3A_518 = arith.constant 4 : i32
    %dma_wait3A_519 = arith.constant 0 : i32
    %dma_wait3A_520 = arith.constant 0 : i32
    %dma_wait3A_521 = tpu.memref_slice %arg6[%dma_wait3A_518, %dma_wait3A_519, %dma_wait3A_520] : memref<6x512x32xf32, #tpu.memory_space<vmem>> -> memref<1x512x32xf32, #tpu.memory_space<vmem>>
    %dma_wait3A_522 = tpu.memref_squeeze %dma_wait3A_521 : memref<1x512x32xf32, #tpu.memory_space<vmem>> -> memref<512x32xf32, #tpu.memory_space<vmem>>
    %dma_wait3A_523 = arith.constant 5120 : i32
    %dma_wait3A_524 = tpu.memref_slice %arg5[%dma_wait3A_523] : memref<25600xi32, #tpu.memory_space<vmem>> -> memref<512xi32, #tpu.memory_space<vmem>>
    %dma_wait3A_525 = arith.constant 0 : i32
    %dma_wait3A_526 = arith.constant 0 : i32
    %dma_wait3A_527 = tpu.memref_slice %arg2[%dma_wait3A_525, %dma_wait3A_526] : memref<1000000x32xf32, #tpu.memory_space<hbm>> -> memref<1000000x32xf32, #tpu.memory_space<hbm>>
    tpu.wait_indirect_dma semaphore(%arg11 : memref<!tpu.dma_semaphore, #tpu.memory_space<semaphore_mem>>) src(%dma_wait3A_527 : memref<1000000x32xf32, #tpu.memory_space<hbm>>) dst(%dma_wait3A_522 : memref<512x32xf32, #tpu.memory_space<vmem>>)
    %add3A_528 = arith.constant 5120 : i32
    %add3A_529 = arith.addi %mul3A_2, %add3A_528 : i32
    %dma_start3A_530 = arith.constant 4 : i32
    %dma_start3A_531 = arith.constant 0 : i32
    %dma_start3A_532 = arith.constant 0 : i32
    %dma_start3A_533 = tpu.memref_slice %arg6[%dma_start3A_530, %dma_start3A_531, %dma_start3A_532] : memref<6x512x32xf32, #tpu.memory_space<vmem>> -> memref<1x512x32xf32, #tpu.memory_space<vmem>>
    %dma_start3A_534 = tpu.memref_squeeze %dma_start3A_533 : memref<1x512x32xf32, #tpu.memory_space<vmem>> -> memref<512x32xf32, #tpu.memory_space<vmem>>
    %dma_start3A_535 = arith.constant 0 : i32
    %dma_start3A_536 = tpu.memref_slice %arg4[%add3A_529, %dma_start3A_535] : memref<819200x32xf32, #tpu.memory_space<hbm>> -> memref<512x32xf32, #tpu.memory_space<hbm>>
    %dma_start3A_537 = arith.constant 0 : i32
    %dma_start3A_538 = tpu.memref_slice %arg4[%add3A_529, %dma_start3A_537] : memref<819200x32xf32, #tpu.memory_space<hbm>> -> memref<512x32xf32, #tpu.memory_space<hbm>>
    %dma_start3A_539 = arith.constant 0 : i32
    %dma_start3A_540 = arith.constant 0 : i32
    %dma_start3A_541 = tpu.memref_slice %arg6[%dma_start3A_530, %dma_start3A_539, %dma_start3A_540] : memref<6x512x32xf32, #tpu.memory_space<vmem>> -> memref<1x512x32xf32, #tpu.memory_space<vmem>>
    %dma_start3A_542 = tpu.memref_squeeze %dma_start3A_541 : memref<1x512x32xf32, #tpu.memory_space<vmem>> -> memref<512x32xf32, #tpu.memory_space<vmem>>
    tpu.enqueue_dma source(%dma_start3A_542 : memref<512x32xf32, #tpu.memory_space<vmem>>) target(%dma_start3A_538 : memref<512x32xf32, #tpu.memory_space<hbm>>) target_semaphore(%arg17 : memref<!tpu.dma_semaphore, #tpu.memory_space<semaphore_mem>>)
    %dma_wait3A_543 = arith.constant 3 : i32
    %dma_wait3A_544 = arith.constant 0 : i32
    %dma_wait3A_545 = arith.constant 0 : i32
    %dma_wait3A_546 = tpu.memref_slice %arg6[%dma_wait3A_543, %dma_wait3A_544, %dma_wait3A_545] : memref<6x512x32xf32, #tpu.memory_space<vmem>> -> memref<1x512x32xf32, #tpu.memory_space<vmem>>
    %dma_wait3A_547 = tpu.memref_squeeze %dma_wait3A_546 : memref<1x512x32xf32, #tpu.memory_space<vmem>> -> memref<512x32xf32, #tpu.memory_space<vmem>>
    %dma_wait3A_548 = arith.constant 0 : i32
    %dma_wait3A_549 = tpu.memref_slice %arg4[%add3A_481, %dma_wait3A_548] : memref<819200x32xf32, #tpu.memory_space<hbm>> -> memref<512x32xf32, #tpu.memory_space<hbm>>
    %dma_wait3A_550 = arith.constant 0 : i32
    %dma_wait3A_551 = tpu.memref_slice %arg4[%add3A_481, %dma_wait3A_550] : memref<819200x32xf32, #tpu.memory_space<hbm>> -> memref<512x32xf32, #tpu.memory_space<hbm>>
    %dma_wait3A_552 = arith.constant 0 : i32
    %dma_wait3A_553 = arith.constant 0 : i32
    %dma_wait3A_554 = tpu.memref_slice %arg6[%dma_wait3A_543, %dma_wait3A_552, %dma_wait3A_553] : memref<6x512x32xf32, #tpu.memory_space<vmem>> -> memref<1x512x32xf32, #tpu.memory_space<vmem>>
    %dma_wait3A_555 = tpu.memref_squeeze %dma_wait3A_554 : memref<1x512x32xf32, #tpu.memory_space<vmem>> -> memref<512x32xf32, #tpu.memory_space<vmem>>
    tpu.wait_dma2 semaphore(%arg16 : memref<!tpu.dma_semaphore, #tpu.memory_space<semaphore_mem>>) src(%dma_wait3A_555 : memref<512x32xf32, #tpu.memory_space<vmem>>) dst(%dma_wait3A_551 : memref<512x32xf32, #tpu.memory_space<hbm>>)
    %dma_start3A_556 = arith.constant 3 : i32
    %dma_start3A_557 = arith.constant 0 : i32
    %dma_start3A_558 = arith.constant 0 : i32
    %dma_start3A_559 = tpu.memref_slice %arg6[%dma_start3A_556, %dma_start3A_557, %dma_start3A_558] : memref<6x512x32xf32, #tpu.memory_space<vmem>> -> memref<1x512x32xf32, #tpu.memory_space<vmem>>
    %dma_start3A_560 = tpu.memref_squeeze %dma_start3A_559 : memref<1x512x32xf32, #tpu.memory_space<vmem>> -> memref<512x32xf32, #tpu.memory_space<vmem>>
    %dma_start3A_561 = arith.constant 7680 : i32
    %dma_start3A_562 = tpu.memref_slice %arg5[%dma_start3A_561] : memref<25600xi32, #tpu.memory_space<vmem>> -> memref<512xi32, #tpu.memory_space<vmem>>
    %dma_start3A_563 = arith.constant 0 : i32
    %dma_start3A_564 = arith.constant 0 : i32
    %dma_start3A_565 = tpu.memref_slice %arg2[%dma_start3A_563, %dma_start3A_564] : memref<1000000x32xf32, #tpu.memory_space<hbm>> -> memref<1000000x32xf32, #tpu.memory_space<hbm>>
    tpu.enqueue_indirect_dma source(%dma_start3A_565 : memref<1000000x32xf32, #tpu.memory_space<hbm>>) target(%dma_start3A_560 : memref<512x32xf32, #tpu.memory_space<vmem>>) offsets(%dma_start3A_562 : memref<512xi32, #tpu.memory_space<vmem>>) semaphore(%arg10 : memref<!tpu.dma_semaphore, #tpu.memory_space<semaphore_mem>>)
    %dma_wait3A_566 = arith.constant 5 : i32
    %dma_wait3A_567 = arith.constant 0 : i32
    %dma_wait3A_568 = arith.constant 0 : i32
    %dma_wait3A_569 = tpu.memref_slice %arg6[%dma_wait3A_566, %dma_wait3A_567, %dma_wait3A_568] : memref<6x512x32xf32, #tpu.memory_space<vmem>> -> memref<1x512x32xf32, #tpu.memory_space<vmem>>
    %dma_wait3A_570 = tpu.memref_squeeze %dma_wait3A_569 : memref<1x512x32xf32, #tpu.memory_space<vmem>> -> memref<512x32xf32, #tpu.memory_space<vmem>>
    %dma_wait3A_571 = arith.constant 5632 : i32
    %dma_wait3A_572 = tpu.memref_slice %arg5[%dma_wait3A_571] : memref<25600xi32, #tpu.memory_space<vmem>> -> memref<512xi32, #tpu.memory_space<vmem>>
    %dma_wait3A_573 = arith.constant 0 : i32
    %dma_wait3A_574 = arith.constant 0 : i32
    %dma_wait3A_575 = tpu.memref_slice %arg2[%dma_wait3A_573, %dma_wait3A_574] : memref<1000000x32xf32, #tpu.memory_space<hbm>> -> memref<1000000x32xf32, #tpu.memory_space<hbm>>
    tpu.wait_indirect_dma semaphore(%arg12 : memref<!tpu.dma_semaphore, #tpu.memory_space<semaphore_mem>>) src(%dma_wait3A_575 : memref<1000000x32xf32, #tpu.memory_space<hbm>>) dst(%dma_wait3A_570 : memref<512x32xf32, #tpu.memory_space<vmem>>)
    %add3A_576 = arith.constant 5632 : i32
    %add3A_577 = arith.addi %mul3A_2, %add3A_576 : i32
    %dma_start3A_578 = arith.constant 5 : i32
    %dma_start3A_579 = arith.constant 0 : i32
    %dma_start3A_580 = arith.constant 0 : i32
    %dma_start3A_581 = tpu.memref_slice %arg6[%dma_start3A_578, %dma_start3A_579, %dma_start3A_580] : memref<6x512x32xf32, #tpu.memory_space<vmem>> -> memref<1x512x32xf32, #tpu.memory_space<vmem>>
    %dma_start3A_582 = tpu.memref_squeeze %dma_start3A_581 : memref<1x512x32xf32, #tpu.memory_space<vmem>> -> memref<512x32xf32, #tpu.memory_space<vmem>>
    %dma_start3A_583 = arith.constant 0 : i32
    %dma_start3A_584 = tpu.memref_slice %arg4[%add3A_577, %dma_start3A_583] : memref<819200x32xf32, #tpu.memory_space<hbm>> -> memref<512x32xf32, #tpu.memory_space<hbm>>
    %dma_start3A_585 = arith.constant 0 : i32
    %dma_start3A_586 = tpu.memref_slice %arg4[%add3A_577, %dma_start3A_585] : memref<819200x32xf32, #tpu.memory_space<hbm>> -> memref<512x32xf32, #tpu.memory_space<hbm>>
    %dma_start3A_587 = arith.constant 0 : i32
    %dma_start3A_588 = arith.constant 0 : i32
    %dma_start3A_589 = tpu.memref_slice %arg6[%dma_start3A_578, %dma_start3A_587, %dma_start3A_588] : memref<6x512x32xf32, #tpu.memory_space<vmem>> -> memref<1x512x32xf32, #tpu.memory_space<vmem>>
    %dma_start3A_590 = tpu.memref_squeeze %dma_start3A_589 : memref<1x512x32xf32, #tpu.memory_space<vmem>> -> memref<512x32xf32, #tpu.memory_space<vmem>>
    tpu.enqueue_dma source(%dma_start3A_590 : memref<512x32xf32, #tpu.memory_space<vmem>>) target(%dma_start3A_586 : memref<512x32xf32, #tpu.memory_space<hbm>>) target_semaphore(%arg18 : memref<!tpu.dma_semaphore, #tpu.memory_space<semaphore_mem>>)
    %dma_wait3A_591 = arith.constant 4 : i32
    %dma_wait3A_592 = arith.constant 0 : i32
    %dma_wait3A_593 = arith.constant 0 : i32
    %dma_wait3A_594 = tpu.memref_slice %arg6[%dma_wait3A_591, %dma_wait3A_592, %dma_wait3A_593] : memref<6x512x32xf32, #tpu.memory_space<vmem>> -> memref<1x512x32xf32, #tpu.memory_space<vmem>>
    %dma_wait3A_595 = tpu.memref_squeeze %dma_wait3A_594 : memref<1x512x32xf32, #tpu.memory_space<vmem>> -> memref<512x32xf32, #tpu.memory_space<vmem>>
    %dma_wait3A_596 = arith.constant 0 : i32
    %dma_wait3A_597 = tpu.memref_slice %arg4[%add3A_529, %dma_wait3A_596] : memref<819200x32xf32, #tpu.memory_space<hbm>> -> memref<512x32xf32, #tpu.memory_space<hbm>>
    %dma_wait3A_598 = arith.constant 0 : i32
    %dma_wait3A_599 = tpu.memref_slice %arg4[%add3A_529, %dma_wait3A_598] : memref<819200x32xf32, #tpu.memory_space<hbm>> -> memref<512x32xf32, #tpu.memory_space<hbm>>
    %dma_wait3A_600 = arith.constant 0 : i32
    %dma_wait3A_601 = arith.constant 0 : i32
    %dma_wait3A_602 = tpu.memref_slice %arg6[%dma_wait3A_591, %dma_wait3A_600, %dma_wait3A_601] : memref<6x512x32xf32, #tpu.memory_space<vmem>> -> memref<1x512x32xf32, #tpu.memory_space<vmem>>
    %dma_wait3A_603 = tpu.memref_squeeze %dma_wait3A_602 : memref<1x512x32xf32, #tpu.memory_space<vmem>> -> memref<512x32xf32, #tpu.memory_space<vmem>>
    tpu.wait_dma2 semaphore(%arg17 : memref<!tpu.dma_semaphore, #tpu.memory_space<semaphore_mem>>) src(%dma_wait3A_603 : memref<512x32xf32, #tpu.memory_space<vmem>>) dst(%dma_wait3A_599 : memref<512x32xf32, #tpu.memory_space<hbm>>)
    %dma_start3A_604 = arith.constant 4 : i32
    %dma_start3A_605 = arith.constant 0 : i32
    %dma_start3A_606 = arith.constant 0 : i32
    %dma_start3A_607 = tpu.memref_slice %arg6[%dma_start3A_604, %dma_start3A_605, %dma_start3A_606] : memref<6x512x32xf32, #tpu.memory_space<vmem>> -> memref<1x512x32xf32, #tpu.memory_space<vmem>>
    %dma_start3A_608 = tpu.memref_squeeze %dma_start3A_607 : memref<1x512x32xf32, #tpu.memory_space<vmem>> -> memref<512x32xf32, #tpu.memory_space<vmem>>
    %dma_start3A_609 = arith.constant 8192 : i32
    %dma_start3A_610 = tpu.memref_slice %arg5[%dma_start3A_609] : memref<25600xi32, #tpu.memory_space<vmem>> -> memref<512xi32, #tpu.memory_space<vmem>>
    %dma_start3A_611 = arith.constant 0 : i32
    %dma_start3A_612 = arith.constant 0 : i32
    %dma_start3A_613 = tpu.memref_slice %arg2[%dma_start3A_611, %dma_start3A_612] : memref<1000000x32xf32, #tpu.memory_space<hbm>> -> memref<1000000x32xf32, #tpu.memory_space<hbm>>
    tpu.enqueue_indirect_dma source(%dma_start3A_613 : memref<1000000x32xf32, #tpu.memory_space<hbm>>) target(%dma_start3A_608 : memref<512x32xf32, #tpu.memory_space<vmem>>) offsets(%dma_start3A_610 : memref<512xi32, #tpu.memory_space<vmem>>) semaphore(%arg11 : memref<!tpu.dma_semaphore, #tpu.memory_space<semaphore_mem>>)
    %dma_wait3A_614 = arith.constant 0 : i32
    %dma_wait3A_615 = arith.constant 0 : i32
    %dma_wait3A_616 = arith.constant 0 : i32
    %dma_wait3A_617 = tpu.memref_slice %arg6[%dma_wait3A_614, %dma_wait3A_615, %dma_wait3A_616] : memref<6x512x32xf32, #tpu.memory_space<vmem>> -> memref<1x512x32xf32, #tpu.memory_space<vmem>>
    %dma_wait3A_618 = tpu.memref_squeeze %dma_wait3A_617 : memref<1x512x32xf32, #tpu.memory_space<vmem>> -> memref<512x32xf32, #tpu.memory_space<vmem>>
    %dma_wait3A_619 = arith.constant 6144 : i32
    %dma_wait3A_620 = tpu.memref_slice %arg5[%dma_wait3A_619] : memref<25600xi32, #tpu.memory_space<vmem>> -> memref<512xi32, #tpu.memory_space<vmem>>
    %dma_wait3A_621 = arith.constant 0 : i32
    %dma_wait3A_622 = arith.constant 0 : i32
    %dma_wait3A_623 = tpu.memref_slice %arg2[%dma_wait3A_621, %dma_wait3A_622] : memref<1000000x32xf32, #tpu.memory_space<hbm>> -> memref<1000000x32xf32, #tpu.memory_space<hbm>>
    tpu.wait_indirect_dma semaphore(%arg7 : memref<!tpu.dma_semaphore, #tpu.memory_space<semaphore_mem>>) src(%dma_wait3A_623 : memref<1000000x32xf32, #tpu.memory_space<hbm>>) dst(%dma_wait3A_618 : memref<512x32xf32, #tpu.memory_space<vmem>>)
    %add3A_624 = arith.constant 6144 : i32
    %add3A_625 = arith.addi %mul3A_2, %add3A_624 : i32
    %dma_start3A_626 = arith.constant 0 : i32
    %dma_start3A_627 = arith.constant 0 : i32
    %dma_start3A_628 = arith.constant 0 : i32
    %dma_start3A_629 = tpu.memref_slice %arg6[%dma_start3A_626, %dma_start3A_627, %dma_start3A_628] : memref<6x512x32xf32, #tpu.memory_space<vmem>> -> memref<1x512x32xf32, #tpu.memory_space<vmem>>
    %dma_start3A_630 = tpu.memref_squeeze %dma_start3A_629 : memref<1x512x32xf32, #tpu.memory_space<vmem>> -> memref<512x32xf32, #tpu.memory_space<vmem>>
    %dma_start3A_631 = arith.constant 0 : i32
    %dma_start3A_632 = tpu.memref_slice %arg4[%add3A_625, %dma_start3A_631] : memref<819200x32xf32, #tpu.memory_space<hbm>> -> memref<512x32xf32, #tpu.memory_space<hbm>>
    %dma_start3A_633 = arith.constant 0 : i32
    %dma_start3A_634 = tpu.memref_slice %arg4[%add3A_625, %dma_start3A_633] : memref<819200x32xf32, #tpu.memory_space<hbm>> -> memref<512x32xf32, #tpu.memory_space<hbm>>
    %dma_start3A_635 = arith.constant 0 : i32
    %dma_start3A_636 = arith.constant 0 : i32
    %dma_start3A_637 = tpu.memref_slice %arg6[%dma_start3A_626, %dma_start3A_635, %dma_start3A_636] : memref<6x512x32xf32, #tpu.memory_space<vmem>> -> memref<1x512x32xf32, #tpu.memory_space<vmem>>
    %dma_start3A_638 = tpu.memref_squeeze %dma_start3A_637 : memref<1x512x32xf32, #tpu.memory_space<vmem>> -> memref<512x32xf32, #tpu.memory_space<vmem>>
    tpu.enqueue_dma source(%dma_start3A_638 : memref<512x32xf32, #tpu.memory_space<vmem>>) target(%dma_start3A_634 : memref<512x32xf32, #tpu.memory_space<hbm>>) target_semaphore(%arg13 : memref<!tpu.dma_semaphore, #tpu.memory_space<semaphore_mem>>)
    %dma_wait3A_639 = arith.constant 5 : i32
    %dma_wait3A_640 = arith.constant 0 : i32
    %dma_wait3A_641 = arith.constant 0 : i32
    %dma_wait3A_642 = tpu.memref_slice %arg6[%dma_wait3A_639, %dma_wait3A_640, %dma_wait3A_641] : memref<6x512x32xf32, #tpu.memory_space<vmem>> -> memref<1x512x32xf32, #tpu.memory_space<vmem>>
    %dma_wait3A_643 = tpu.memref_squeeze %dma_wait3A_642 : memref<1x512x32xf32, #tpu.memory_space<vmem>> -> memref<512x32xf32, #tpu.memory_space<vmem>>
    %dma_wait3A_644 = arith.constant 0 : i32
    %dma_wait3A_645 = tpu.memref_slice %arg4[%add3A_577, %dma_wait3A_644] : memref<819200x32xf32, #tpu.memory_space<hbm>> -> memref<512x32xf32, #tpu.memory_space<hbm>>
    %dma_wait3A_646 = arith.constant 0 : i32
    %dma_wait3A_647 = tpu.memref_slice %arg4[%add3A_577, %dma_wait3A_646] : memref<819200x32xf32, #tpu.memory_space<hbm>> -> memref<512x32xf32, #tpu.memory_space<hbm>>
    %dma_wait3A_648 = arith.constant 0 : i32
    %dma_wait3A_649 = arith.constant 0 : i32
    %dma_wait3A_650 = tpu.memref_slice %arg6[%dma_wait3A_639, %dma_wait3A_648, %dma_wait3A_649] : memref<6x512x32xf32, #tpu.memory_space<vmem>> -> memref<1x512x32xf32, #tpu.memory_space<vmem>>
    %dma_wait3A_651 = tpu.memref_squeeze %dma_wait3A_650 : memref<1x512x32xf32, #tpu.memory_space<vmem>> -> memref<512x32xf32, #tpu.memory_space<vmem>>
    tpu.wait_dma2 semaphore(%arg18 : memref<!tpu.dma_semaphore, #tpu.memory_space<semaphore_mem>>) src(%dma_wait3A_651 : memref<512x32xf32, #tpu.memory_space<vmem>>) dst(%dma_wait3A_647 : memref<512x32xf32, #tpu.memory_space<hbm>>)
    %dma_start3A_652 = arith.constant 5 : i32
    %dma_start3A_653 = arith.constant 0 : i32
    %dma_start3A_654 = arith.constant 0 : i32
    %dma_start3A_655 = tpu.memref_slice %arg6[%dma_start3A_652, %dma_start3A_653, %dma_start3A_654] : memref<6x512x32xf32, #tpu.memory_space<vmem>> -> memref<1x512x32xf32, #tpu.memory_space<vmem>>
    %dma_start3A_656 = tpu.memref_squeeze %dma_start3A_655 : memref<1x512x32xf32, #tpu.memory_space<vmem>> -> memref<512x32xf32, #tpu.memory_space<vmem>>
    %dma_start3A_657 = arith.constant 8704 : i32
    %dma_start3A_658 = tpu.memref_slice %arg5[%dma_start3A_657] : memref<25600xi32, #tpu.memory_space<vmem>> -> memref<512xi32, #tpu.memory_space<vmem>>
    %dma_start3A_659 = arith.constant 0 : i32
    %dma_start3A_660 = arith.constant 0 : i32
    %dma_start3A_661 = tpu.memref_slice %arg2[%dma_start3A_659, %dma_start3A_660] : memref<1000000x32xf32, #tpu.memory_space<hbm>> -> memref<1000000x32xf32, #tpu.memory_space<hbm>>
    tpu.enqueue_indirect_dma source(%dma_start3A_661 : memref<1000000x32xf32, #tpu.memory_space<hbm>>) target(%dma_start3A_656 : memref<512x32xf32, #tpu.memory_space<vmem>>) offsets(%dma_start3A_658 : memref<512xi32, #tpu.memory_space<vmem>>) semaphore(%arg12 : memref<!tpu.dma_semaphore, #tpu.memory_space<semaphore_mem>>)
    %dma_wait3A_662 = arith.constant 1 : i32
    %dma_wait3A_663 = arith.constant 0 : i32
    %dma_wait3A_664 = arith.constant 0 : i32
    %dma_wait3A_665 = tpu.memref_slice %arg6[%dma_wait3A_662, %dma_wait3A_663, %dma_wait3A_664] : memref<6x512x32xf32, #tpu.memory_space<vmem>> -> memref<1x512x32xf32, #tpu.memory_space<vmem>>
    %dma_wait3A_666 = tpu.memref_squeeze %dma_wait3A_665 : memref<1x512x32xf32, #tpu.memory_space<vmem>> -> memref<512x32xf32, #tpu.memory_space<vmem>>
    %dma_wait3A_667 = arith.constant 6656 : i32
    %dma_wait3A_668 = tpu.memref_slice %arg5[%dma_wait3A_667] : memref<25600xi32, #tpu.memory_space<vmem>> -> memref<512xi32, #tpu.memory_space<vmem>>
    %dma_wait3A_669 = arith.constant 0 : i32
    %dma_wait3A_670 = arith.constant 0 : i32
    %dma_wait3A_671 = tpu.memref_slice %arg2[%dma_wait3A_669, %dma_wait3A_670] : memref<1000000x32xf32, #tpu.memory_space<hbm>> -> memref<1000000x32xf32, #tpu.memory_space<hbm>>
    tpu.wait_indirect_dma semaphore(%arg8 : memref<!tpu.dma_semaphore, #tpu.memory_space<semaphore_mem>>) src(%dma_wait3A_671 : memref<1000000x32xf32, #tpu.memory_space<hbm>>) dst(%dma_wait3A_666 : memref<512x32xf32, #tpu.memory_space<vmem>>)
    %add3A_672 = arith.constant 6656 : i32
    %add3A_673 = arith.addi %mul3A_2, %add3A_672 : i32
    %dma_start3A_674 = arith.constant 1 : i32
    %dma_start3A_675 = arith.constant 0 : i32
    %dma_start3A_676 = arith.constant 0 : i32
    %dma_start3A_677 = tpu.memref_slice %arg6[%dma_start3A_674, %dma_start3A_675, %dma_start3A_676] : memref<6x512x32xf32, #tpu.memory_space<vmem>> -> memref<1x512x32xf32, #tpu.memory_space<vmem>>
    %dma_start3A_678 = tpu.memref_squeeze %dma_start3A_677 : memref<1x512x32xf32, #tpu.memory_space<vmem>> -> memref<512x32xf32, #tpu.memory_space<vmem>>
    %dma_start3A_679 = arith.constant 0 : i32
    %dma_start3A_680 = tpu.memref_slice %arg4[%add3A_673, %dma_start3A_679] : memref<819200x32xf32, #tpu.memory_space<hbm>> -> memref<512x32xf32, #tpu.memory_space<hbm>>
    %dma_start3A_681 = arith.constant 0 : i32
    %dma_start3A_682 = tpu.memref_slice %arg4[%add3A_673, %dma_start3A_681] : memref<819200x32xf32, #tpu.memory_space<hbm>> -> memref<512x32xf32, #tpu.memory_space<hbm>>
    %dma_start3A_683 = arith.constant 0 : i32
    %dma_start3A_684 = arith.constant 0 : i32
    %dma_start3A_685 = tpu.memref_slice %arg6[%dma_start3A_674, %dma_start3A_683, %dma_start3A_684] : memref<6x512x32xf32, #tpu.memory_space<vmem>> -> memref<1x512x32xf32, #tpu.memory_space<vmem>>
    %dma_start3A_686 = tpu.memref_squeeze %dma_start3A_685 : memref<1x512x32xf32, #tpu.memory_space<vmem>> -> memref<512x32xf32, #tpu.memory_space<vmem>>
    tpu.enqueue_dma source(%dma_start3A_686 : memref<512x32xf32, #tpu.memory_space<vmem>>) target(%dma_start3A_682 : memref<512x32xf32, #tpu.memory_space<hbm>>) target_semaphore(%arg14 : memref<!tpu.dma_semaphore, #tpu.memory_space<semaphore_mem>>)
    %dma_wait3A_687 = arith.constant 0 : i32
    %dma_wait3A_688 = arith.constant 0 : i32
    %dma_wait3A_689 = arith.constant 0 : i32
    %dma_wait3A_690 = tpu.memref_slice %arg6[%dma_wait3A_687, %dma_wait3A_688, %dma_wait3A_689] : memref<6x512x32xf32, #tpu.memory_space<vmem>> -> memref<1x512x32xf32, #tpu.memory_space<vmem>>
    %dma_wait3A_691 = tpu.memref_squeeze %dma_wait3A_690 : memref<1x512x32xf32, #tpu.memory_space<vmem>> -> memref<512x32xf32, #tpu.memory_space<vmem>>
    %dma_wait3A_692 = arith.constant 0 : i32
    %dma_wait3A_693 = tpu.memref_slice %arg4[%add3A_625, %dma_wait3A_692] : memref<819200x32xf32, #tpu.memory_space<hbm>> -> memref<512x32xf32, #tpu.memory_space<hbm>>
    %dma_wait3A_694 = arith.constant 0 : i32
    %dma_wait3A_695 = tpu.memref_slice %arg4[%add3A_625, %dma_wait3A_694] : memref<819200x32xf32, #tpu.memory_space<hbm>> -> memref<512x32xf32, #tpu.memory_space<hbm>>
    %dma_wait3A_696 = arith.constant 0 : i32
    %dma_wait3A_697 = arith.constant 0 : i32
    %dma_wait3A_698 = tpu.memref_slice %arg6[%dma_wait3A_687, %dma_wait3A_696, %dma_wait3A_697] : memref<6x512x32xf32, #tpu.memory_space<vmem>> -> memref<1x512x32xf32, #tpu.memory_space<vmem>>
    %dma_wait3A_699 = tpu.memref_squeeze %dma_wait3A_698 : memref<1x512x32xf32, #tpu.memory_space<vmem>> -> memref<512x32xf32, #tpu.memory_space<vmem>>
    tpu.wait_dma2 semaphore(%arg13 : memref<!tpu.dma_semaphore, #tpu.memory_space<semaphore_mem>>) src(%dma_wait3A_699 : memref<512x32xf32, #tpu.memory_space<vmem>>) dst(%dma_wait3A_695 : memref<512x32xf32, #tpu.memory_space<hbm>>)
    %dma_start3A_700 = arith.constant 0 : i32
    %dma_start3A_701 = arith.constant 0 : i32
    %dma_start3A_702 = arith.constant 0 : i32
    %dma_start3A_703 = tpu.memref_slice %arg6[%dma_start3A_700, %dma_start3A_701, %dma_start3A_702] : memref<6x512x32xf32, #tpu.memory_space<vmem>> -> memref<1x512x32xf32, #tpu.memory_space<vmem>>
    %dma_start3A_704 = tpu.memref_squeeze %dma_start3A_703 : memref<1x512x32xf32, #tpu.memory_space<vmem>> -> memref<512x32xf32, #tpu.memory_space<vmem>>
    %dma_start3A_705 = arith.constant 9216 : i32
    %dma_start3A_706 = tpu.memref_slice %arg5[%dma_start3A_705] : memref<25600xi32, #tpu.memory_space<vmem>> -> memref<512xi32, #tpu.memory_space<vmem>>
    %dma_start3A_707 = arith.constant 0 : i32
    %dma_start3A_708 = arith.constant 0 : i32
    %dma_start3A_709 = tpu.memref_slice %arg2[%dma_start3A_707, %dma_start3A_708] : memref<1000000x32xf32, #tpu.memory_space<hbm>> -> memref<1000000x32xf32, #tpu.memory_space<hbm>>
    tpu.enqueue_indirect_dma source(%dma_start3A_709 : memref<1000000x32xf32, #tpu.memory_space<hbm>>) target(%dma_start3A_704 : memref<512x32xf32, #tpu.memory_space<vmem>>) offsets(%dma_start3A_706 : memref<512xi32, #tpu.memory_space<vmem>>) semaphore(%arg7 : memref<!tpu.dma_semaphore, #tpu.memory_space<semaphore_mem>>)
    %dma_wait3A_710 = arith.constant 2 : i32
    %dma_wait3A_711 = arith.constant 0 : i32
    %dma_wait3A_712 = arith.constant 0 : i32
    %dma_wait3A_713 = tpu.memref_slice %arg6[%dma_wait3A_710, %dma_wait3A_711, %dma_wait3A_712] : memref<6x512x32xf32, #tpu.memory_space<vmem>> -> memref<1x512x32xf32, #tpu.memory_space<vmem>>
    %dma_wait3A_714 = tpu.memref_squeeze %dma_wait3A_713 : memref<1x512x32xf32, #tpu.memory_space<vmem>> -> memref<512x32xf32, #tpu.memory_space<vmem>>
    %dma_wait3A_715 = arith.constant 7168 : i32
    %dma_wait3A_716 = tpu.memref_slice %arg5[%dma_wait3A_715] : memref<25600xi32, #tpu.memory_space<vmem>> -> memref<512xi32, #tpu.memory_space<vmem>>
    %dma_wait3A_717 = arith.constant 0 : i32
    %dma_wait3A_718 = arith.constant 0 : i32
    %dma_wait3A_719 = tpu.memref_slice %arg2[%dma_wait3A_717, %dma_wait3A_718] : memref<1000000x32xf32, #tpu.memory_space<hbm>> -> memref<1000000x32xf32, #tpu.memory_space<hbm>>
    tpu.wait_indirect_dma semaphore(%arg9 : memref<!tpu.dma_semaphore, #tpu.memory_space<semaphore_mem>>) src(%dma_wait3A_719 : memref<1000000x32xf32, #tpu.memory_space<hbm>>) dst(%dma_wait3A_714 : memref<512x32xf32, #tpu.memory_space<vmem>>)
    %add3A_720 = arith.constant 7168 : i32
    %add3A_721 = arith.addi %mul3A_2, %add3A_720 : i32
    %dma_start3A_722 = arith.constant 2 : i32
    %dma_start3A_723 = arith.constant 0 : i32
    %dma_start3A_724 = arith.constant 0 : i32
    %dma_start3A_725 = tpu.memref_slice %arg6[%dma_start3A_722, %dma_start3A_723, %dma_start3A_724] : memref<6x512x32xf32, #tpu.memory_space<vmem>> -> memref<1x512x32xf32, #tpu.memory_space<vmem>>
    %dma_start3A_726 = tpu.memref_squeeze %dma_start3A_725 : memref<1x512x32xf32, #tpu.memory_space<vmem>> -> memref<512x32xf32, #tpu.memory_space<vmem>>
    %dma_start3A_727 = arith.constant 0 : i32
    %dma_start3A_728 = tpu.memref_slice %arg4[%add3A_721, %dma_start3A_727] : memref<819200x32xf32, #tpu.memory_space<hbm>> -> memref<512x32xf32, #tpu.memory_space<hbm>>
    %dma_start3A_729 = arith.constant 0 : i32
    %dma_start3A_730 = tpu.memref_slice %arg4[%add3A_721, %dma_start3A_729] : memref<819200x32xf32, #tpu.memory_space<hbm>> -> memref<512x32xf32, #tpu.memory_space<hbm>>
    %dma_start3A_731 = arith.constant 0 : i32
    %dma_start3A_732 = arith.constant 0 : i32
    %dma_start3A_733 = tpu.memref_slice %arg6[%dma_start3A_722, %dma_start3A_731, %dma_start3A_732] : memref<6x512x32xf32, #tpu.memory_space<vmem>> -> memref<1x512x32xf32, #tpu.memory_space<vmem>>
    %dma_start3A_734 = tpu.memref_squeeze %dma_start3A_733 : memref<1x512x32xf32, #tpu.memory_space<vmem>> -> memref<512x32xf32, #tpu.memory_space<vmem>>
    tpu.enqueue_dma source(%dma_start3A_734 : memref<512x32xf32, #tpu.memory_space<vmem>>) target(%dma_start3A_730 : memref<512x32xf32, #tpu.memory_space<hbm>>) target_semaphore(%arg15 : memref<!tpu.dma_semaphore, #tpu.memory_space<semaphore_mem>>)
    %dma_wait3A_735 = arith.constant 1 : i32
    %dma_wait3A_736 = arith.constant 0 : i32
    %dma_wait3A_737 = arith.constant 0 : i32
    %dma_wait3A_738 = tpu.memref_slice %arg6[%dma_wait3A_735, %dma_wait3A_736, %dma_wait3A_737] : memref<6x512x32xf32, #tpu.memory_space<vmem>> -> memref<1x512x32xf32, #tpu.memory_space<vmem>>
    %dma_wait3A_739 = tpu.memref_squeeze %dma_wait3A_738 : memref<1x512x32xf32, #tpu.memory_space<vmem>> -> memref<512x32xf32, #tpu.memory_space<vmem>>
    %dma_wait3A_740 = arith.constant 0 : i32
    %dma_wait3A_741 = tpu.memref_slice %arg4[%add3A_673, %dma_wait3A_740] : memref<819200x32xf32, #tpu.memory_space<hbm>> -> memref<512x32xf32, #tpu.memory_space<hbm>>
    %dma_wait3A_742 = arith.constant 0 : i32
    %dma_wait3A_743 = tpu.memref_slice %arg4[%add3A_673, %dma_wait3A_742] : memref<819200x32xf32, #tpu.memory_space<hbm>> -> memref<512x32xf32, #tpu.memory_space<hbm>>
    %dma_wait3A_744 = arith.constant 0 : i32
    %dma_wait3A_745 = arith.constant 0 : i32
    %dma_wait3A_746 = tpu.memref_slice %arg6[%dma_wait3A_735, %dma_wait3A_744, %dma_wait3A_745] : memref<6x512x32xf32, #tpu.memory_space<vmem>> -> memref<1x512x32xf32, #tpu.memory_space<vmem>>
    %dma_wait3A_747 = tpu.memref_squeeze %dma_wait3A_746 : memref<1x512x32xf32, #tpu.memory_space<vmem>> -> memref<512x32xf32, #tpu.memory_space<vmem>>
    tpu.wait_dma2 semaphore(%arg14 : memref<!tpu.dma_semaphore, #tpu.memory_space<semaphore_mem>>) src(%dma_wait3A_747 : memref<512x32xf32, #tpu.memory_space<vmem>>) dst(%dma_wait3A_743 : memref<512x32xf32, #tpu.memory_space<hbm>>)
    %dma_start3A_748 = arith.constant 1 : i32
    %dma_start3A_749 = arith.constant 0 : i32
    %dma_start3A_750 = arith.constant 0 : i32
    %dma_start3A_751 = tpu.memref_slice %arg6[%dma_start3A_748, %dma_start3A_749, %dma_start3A_750] : memref<6x512x32xf32, #tpu.memory_space<vmem>> -> memref<1x512x32xf32, #tpu.memory_space<vmem>>
    %dma_start3A_752 = tpu.memref_squeeze %dma_start3A_751 : memref<1x512x32xf32, #tpu.memory_space<vmem>> -> memref<512x32xf32, #tpu.memory_space<vmem>>
    %dma_start3A_753 = arith.constant 9728 : i32
    %dma_start3A_754 = tpu.memref_slice %arg5[%dma_start3A_753] : memref<25600xi32, #tpu.memory_space<vmem>> -> memref<512xi32, #tpu.memory_space<vmem>>
    %dma_start3A_755 = arith.constant 0 : i32
    %dma_start3A_756 = arith.constant 0 : i32
    %dma_start3A_757 = tpu.memref_slice %arg2[%dma_start3A_755, %dma_start3A_756] : memref<1000000x32xf32, #tpu.memory_space<hbm>> -> memref<1000000x32xf32, #tpu.memory_space<hbm>>
    tpu.enqueue_indirect_dma source(%dma_start3A_757 : memref<1000000x32xf32, #tpu.memory_space<hbm>>) target(%dma_start3A_752 : memref<512x32xf32, #tpu.memory_space<vmem>>) offsets(%dma_start3A_754 : memref<512xi32, #tpu.memory_space<vmem>>) semaphore(%arg8 : memref<!tpu.dma_semaphore, #tpu.memory_space<semaphore_mem>>)
    %dma_wait3A_758 = arith.constant 3 : i32
    %dma_wait3A_759 = arith.constant 0 : i32
    %dma_wait3A_760 = arith.constant 0 : i32
    %dma_wait3A_761 = tpu.memref_slice %arg6[%dma_wait3A_758, %dma_wait3A_759, %dma_wait3A_760] : memref<6x512x32xf32, #tpu.memory_space<vmem>> -> memref<1x512x32xf32, #tpu.memory_space<vmem>>
    %dma_wait3A_762 = tpu.memref_squeeze %dma_wait3A_761 : memref<1x512x32xf32, #tpu.memory_space<vmem>> -> memref<512x32xf32, #tpu.memory_space<vmem>>
    %dma_wait3A_763 = arith.constant 7680 : i32
    %dma_wait3A_764 = tpu.memref_slice %arg5[%dma_wait3A_763] : memref<25600xi32, #tpu.memory_space<vmem>> -> memref<512xi32, #tpu.memory_space<vmem>>
    %dma_wait3A_765 = arith.constant 0 : i32
    %dma_wait3A_766 = arith.constant 0 : i32
    %dma_wait3A_767 = tpu.memref_slice %arg2[%dma_wait3A_765, %dma_wait3A_766] : memref<1000000x32xf32, #tpu.memory_space<hbm>> -> memref<1000000x32xf32, #tpu.memory_space<hbm>>
    tpu.wait_indirect_dma semaphore(%arg10 : memref<!tpu.dma_semaphore, #tpu.memory_space<semaphore_mem>>) src(%dma_wait3A_767 : memref<1000000x32xf32, #tpu.memory_space<hbm>>) dst(%dma_wait3A_762 : memref<512x32xf32, #tpu.memory_space<vmem>>)
    %add3A_768 = arith.constant 7680 : i32
    %add3A_769 = arith.addi %mul3A_2, %add3A_768 : i32
    %dma_start3A_770 = arith.constant 3 : i32
    %dma_start3A_771 = arith.constant 0 : i32
    %dma_start3A_772 = arith.constant 0 : i32
    %dma_start3A_773 = tpu.memref_slice %arg6[%dma_start3A_770, %dma_start3A_771, %dma_start3A_772] : memref<6x512x32xf32, #tpu.memory_space<vmem>> -> memref<1x512x32xf32, #tpu.memory_space<vmem>>
    %dma_start3A_774 = tpu.memref_squeeze %dma_start3A_773 : memref<1x512x32xf32, #tpu.memory_space<vmem>> -> memref<512x32xf32, #tpu.memory_space<vmem>>
    %dma_start3A_775 = arith.constant 0 : i32
    %dma_start3A_776 = tpu.memref_slice %arg4[%add3A_769, %dma_start3A_775] : memref<819200x32xf32, #tpu.memory_space<hbm>> -> memref<512x32xf32, #tpu.memory_space<hbm>>
    %dma_start3A_777 = arith.constant 0 : i32
    %dma_start3A_778 = tpu.memref_slice %arg4[%add3A_769, %dma_start3A_777] : memref<819200x32xf32, #tpu.memory_space<hbm>> -> memref<512x32xf32, #tpu.memory_space<hbm>>
    %dma_start3A_779 = arith.constant 0 : i32
    %dma_start3A_780 = arith.constant 0 : i32
    %dma_start3A_781 = tpu.memref_slice %arg6[%dma_start3A_770, %dma_start3A_779, %dma_start3A_780] : memref<6x512x32xf32, #tpu.memory_space<vmem>> -> memref<1x512x32xf32, #tpu.memory_space<vmem>>
    %dma_start3A_782 = tpu.memref_squeeze %dma_start3A_781 : memref<1x512x32xf32, #tpu.memory_space<vmem>> -> memref<512x32xf32, #tpu.memory_space<vmem>>
    tpu.enqueue_dma source(%dma_start3A_782 : memref<512x32xf32, #tpu.memory_space<vmem>>) target(%dma_start3A_778 : memref<512x32xf32, #tpu.memory_space<hbm>>) target_semaphore(%arg16 : memref<!tpu.dma_semaphore, #tpu.memory_space<semaphore_mem>>)
    %dma_wait3A_783 = arith.constant 2 : i32
    %dma_wait3A_784 = arith.constant 0 : i32
    %dma_wait3A_785 = arith.constant 0 : i32
    %dma_wait3A_786 = tpu.memref_slice %arg6[%dma_wait3A_783, %dma_wait3A_784, %dma_wait3A_785] : memref<6x512x32xf32, #tpu.memory_space<vmem>> -> memref<1x512x32xf32, #tpu.memory_space<vmem>>
    %dma_wait3A_787 = tpu.memref_squeeze %dma_wait3A_786 : memref<1x512x32xf32, #tpu.memory_space<vmem>> -> memref<512x32xf32, #tpu.memory_space<vmem>>
    %dma_wait3A_788 = arith.constant 0 : i32
    %dma_wait3A_789 = tpu.memref_slice %arg4[%add3A_721, %dma_wait3A_788] : memref<819200x32xf32, #tpu.memory_space<hbm>> -> memref<512x32xf32, #tpu.memory_space<hbm>>
    %dma_wait3A_790 = arith.constant 0 : i32
    %dma_wait3A_791 = tpu.memref_slice %arg4[%add3A_721, %dma_wait3A_790] : memref<819200x32xf32, #tpu.memory_space<hbm>> -> memref<512x32xf32, #tpu.memory_space<hbm>>
    %dma_wait3A_792 = arith.constant 0 : i32
    %dma_wait3A_793 = arith.constant 0 : i32
    %dma_wait3A_794 = tpu.memref_slice %arg6[%dma_wait3A_783, %dma_wait3A_792, %dma_wait3A_793] : memref<6x512x32xf32, #tpu.memory_space<vmem>> -> memref<1x512x32xf32, #tpu.memory_space<vmem>>
    %dma_wait3A_795 = tpu.memref_squeeze %dma_wait3A_794 : memref<1x512x32xf32, #tpu.memory_space<vmem>> -> memref<512x32xf32, #tpu.memory_space<vmem>>
    tpu.wait_dma2 semaphore(%arg15 : memref<!tpu.dma_semaphore, #tpu.memory_space<semaphore_mem>>) src(%dma_wait3A_795 : memref<512x32xf32, #tpu.memory_space<vmem>>) dst(%dma_wait3A_791 : memref<512x32xf32, #tpu.memory_space<hbm>>)
    %dma_start3A_796 = arith.constant 2 : i32
    %dma_start3A_797 = arith.constant 0 : i32
    %dma_start3A_798 = arith.constant 0 : i32
    %dma_start3A_799 = tpu.memref_slice %arg6[%dma_start3A_796, %dma_start3A_797, %dma_start3A_798] : memref<6x512x32xf32, #tpu.memory_space<vmem>> -> memref<1x512x32xf32, #tpu.memory_space<vmem>>
    %dma_start3A_800 = tpu.memref_squeeze %dma_start3A_799 : memref<1x512x32xf32, #tpu.memory_space<vmem>> -> memref<512x32xf32, #tpu.memory_space<vmem>>
    %dma_start3A_801 = arith.constant 10240 : i32
    %dma_start3A_802 = tpu.memref_slice %arg5[%dma_start3A_801] : memref<25600xi32, #tpu.memory_space<vmem>> -> memref<512xi32, #tpu.memory_space<vmem>>
    %dma_start3A_803 = arith.constant 0 : i32
    %dma_start3A_804 = arith.constant 0 : i32
    %dma_start3A_805 = tpu.memref_slice %arg2[%dma_start3A_803, %dma_start3A_804] : memref<1000000x32xf32, #tpu.memory_space<hbm>> -> memref<1000000x32xf32, #tpu.memory_space<hbm>>
    tpu.enqueue_indirect_dma source(%dma_start3A_805 : memref<1000000x32xf32, #tpu.memory_space<hbm>>) target(%dma_start3A_800 : memref<512x32xf32, #tpu.memory_space<vmem>>) offsets(%dma_start3A_802 : memref<512xi32, #tpu.memory_space<vmem>>) semaphore(%arg9 : memref<!tpu.dma_semaphore, #tpu.memory_space<semaphore_mem>>)
    %dma_wait3A_806 = arith.constant 4 : i32
    %dma_wait3A_807 = arith.constant 0 : i32
    %dma_wait3A_808 = arith.constant 0 : i32
    %dma_wait3A_809 = tpu.memref_slice %arg6[%dma_wait3A_806, %dma_wait3A_807, %dma_wait3A_808] : memref<6x512x32xf32, #tpu.memory_space<vmem>> -> memref<1x512x32xf32, #tpu.memory_space<vmem>>
    %dma_wait3A_810 = tpu.memref_squeeze %dma_wait3A_809 : memref<1x512x32xf32, #tpu.memory_space<vmem>> -> memref<512x32xf32, #tpu.memory_space<vmem>>
    %dma_wait3A_811 = arith.constant 8192 : i32
    %dma_wait3A_812 = tpu.memref_slice %arg5[%dma_wait3A_811] : memref<25600xi32, #tpu.memory_space<vmem>> -> memref<512xi32, #tpu.memory_space<vmem>>
    %dma_wait3A_813 = arith.constant 0 : i32
    %dma_wait3A_814 = arith.constant 0 : i32
    %dma_wait3A_815 = tpu.memref_slice %arg2[%dma_wait3A_813, %dma_wait3A_814] : memref<1000000x32xf32, #tpu.memory_space<hbm>> -> memref<1000000x32xf32, #tpu.memory_space<hbm>>
    tpu.wait_indirect_dma semaphore(%arg11 : memref<!tpu.dma_semaphore, #tpu.memory_space<semaphore_mem>>) src(%dma_wait3A_815 : memref<1000000x32xf32, #tpu.memory_space<hbm>>) dst(%dma_wait3A_810 : memref<512x32xf32, #tpu.memory_space<vmem>>)
    %add3A_816 = arith.constant 8192 : i32
    %add3A_817 = arith.addi %mul3A_2, %add3A_816 : i32
    %dma_start3A_818 = arith.constant 4 : i32
    %dma_start3A_819 = arith.constant 0 : i32
    %dma_start3A_820 = arith.constant 0 : i32
    %dma_start3A_821 = tpu.memref_slice %arg6[%dma_start3A_818, %dma_start3A_819, %dma_start3A_820] : memref<6x512x32xf32, #tpu.memory_space<vmem>> -> memref<1x512x32xf32, #tpu.memory_space<vmem>>
    %dma_start3A_822 = tpu.memref_squeeze %dma_start3A_821 : memref<1x512x32xf32, #tpu.memory_space<vmem>> -> memref<512x32xf32, #tpu.memory_space<vmem>>
    %dma_start3A_823 = arith.constant 0 : i32
    %dma_start3A_824 = tpu.memref_slice %arg4[%add3A_817, %dma_start3A_823] : memref<819200x32xf32, #tpu.memory_space<hbm>> -> memref<512x32xf32, #tpu.memory_space<hbm>>
    %dma_start3A_825 = arith.constant 0 : i32
    %dma_start3A_826 = tpu.memref_slice %arg4[%add3A_817, %dma_start3A_825] : memref<819200x32xf32, #tpu.memory_space<hbm>> -> memref<512x32xf32, #tpu.memory_space<hbm>>
    %dma_start3A_827 = arith.constant 0 : i32
    %dma_start3A_828 = arith.constant 0 : i32
    %dma_start3A_829 = tpu.memref_slice %arg6[%dma_start3A_818, %dma_start3A_827, %dma_start3A_828] : memref<6x512x32xf32, #tpu.memory_space<vmem>> -> memref<1x512x32xf32, #tpu.memory_space<vmem>>
    %dma_start3A_830 = tpu.memref_squeeze %dma_start3A_829 : memref<1x512x32xf32, #tpu.memory_space<vmem>> -> memref<512x32xf32, #tpu.memory_space<vmem>>
    tpu.enqueue_dma source(%dma_start3A_830 : memref<512x32xf32, #tpu.memory_space<vmem>>) target(%dma_start3A_826 : memref<512x32xf32, #tpu.memory_space<hbm>>) target_semaphore(%arg17 : memref<!tpu.dma_semaphore, #tpu.memory_space<semaphore_mem>>)
    %dma_wait3A_831 = arith.constant 3 : i32
    %dma_wait3A_832 = arith.constant 0 : i32
    %dma_wait3A_833 = arith.constant 0 : i32
    %dma_wait3A_834 = tpu.memref_slice %arg6[%dma_wait3A_831, %dma_wait3A_832, %dma_wait3A_833] : memref<6x512x32xf32, #tpu.memory_space<vmem>> -> memref<1x512x32xf32, #tpu.memory_space<vmem>>
    %dma_wait3A_835 = tpu.memref_squeeze %dma_wait3A_834 : memref<1x512x32xf32, #tpu.memory_space<vmem>> -> memref<512x32xf32, #tpu.memory_space<vmem>>
    %dma_wait3A_836 = arith.constant 0 : i32
    %dma_wait3A_837 = tpu.memref_slice %arg4[%add3A_769, %dma_wait3A_836] : memref<819200x32xf32, #tpu.memory_space<hbm>> -> memref<512x32xf32, #tpu.memory_space<hbm>>
    %dma_wait3A_838 = arith.constant 0 : i32
    %dma_wait3A_839 = tpu.memref_slice %arg4[%add3A_769, %dma_wait3A_838] : memref<819200x32xf32, #tpu.memory_space<hbm>> -> memref<512x32xf32, #tpu.memory_space<hbm>>
    %dma_wait3A_840 = arith.constant 0 : i32
    %dma_wait3A_841 = arith.constant 0 : i32
    %dma_wait3A_842 = tpu.memref_slice %arg6[%dma_wait3A_831, %dma_wait3A_840, %dma_wait3A_841] : memref<6x512x32xf32, #tpu.memory_space<vmem>> -> memref<1x512x32xf32, #tpu.memory_space<vmem>>
    %dma_wait3A_843 = tpu.memref_squeeze %dma_wait3A_842 : memref<1x512x32xf32, #tpu.memory_space<vmem>> -> memref<512x32xf32, #tpu.memory_space<vmem>>
    tpu.wait_dma2 semaphore(%arg16 : memref<!tpu.dma_semaphore, #tpu.memory_space<semaphore_mem>>) src(%dma_wait3A_843 : memref<512x32xf32, #tpu.memory_space<vmem>>) dst(%dma_wait3A_839 : memref<512x32xf32, #tpu.memory_space<hbm>>)
    %dma_start3A_844 = arith.constant 3 : i32
    %dma_start3A_845 = arith.constant 0 : i32
    %dma_start3A_846 = arith.constant 0 : i32
    %dma_start3A_847 = tpu.memref_slice %arg6[%dma_start3A_844, %dma_start3A_845, %dma_start3A_846] : memref<6x512x32xf32, #tpu.memory_space<vmem>> -> memref<1x512x32xf32, #tpu.memory_space<vmem>>
    %dma_start3A_848 = tpu.memref_squeeze %dma_start3A_847 : memref<1x512x32xf32, #tpu.memory_space<vmem>> -> memref<512x32xf32, #tpu.memory_space<vmem>>
    %dma_start3A_849 = arith.constant 10752 : i32
    %dma_start3A_850 = tpu.memref_slice %arg5[%dma_start3A_849] : memref<25600xi32, #tpu.memory_space<vmem>> -> memref<512xi32, #tpu.memory_space<vmem>>
    %dma_start3A_851 = arith.constant 0 : i32
    %dma_start3A_852 = arith.constant 0 : i32
    %dma_start3A_853 = tpu.memref_slice %arg2[%dma_start3A_851, %dma_start3A_852] : memref<1000000x32xf32, #tpu.memory_space<hbm>> -> memref<1000000x32xf32, #tpu.memory_space<hbm>>
    tpu.enqueue_indirect_dma source(%dma_start3A_853 : memref<1000000x32xf32, #tpu.memory_space<hbm>>) target(%dma_start3A_848 : memref<512x32xf32, #tpu.memory_space<vmem>>) offsets(%dma_start3A_850 : memref<512xi32, #tpu.memory_space<vmem>>) semaphore(%arg10 : memref<!tpu.dma_semaphore, #tpu.memory_space<semaphore_mem>>)
    %dma_wait3A_854 = arith.constant 5 : i32
    %dma_wait3A_855 = arith.constant 0 : i32
    %dma_wait3A_856 = arith.constant 0 : i32
    %dma_wait3A_857 = tpu.memref_slice %arg6[%dma_wait3A_854, %dma_wait3A_855, %dma_wait3A_856] : memref<6x512x32xf32, #tpu.memory_space<vmem>> -> memref<1x512x32xf32, #tpu.memory_space<vmem>>
    %dma_wait3A_858 = tpu.memref_squeeze %dma_wait3A_857 : memref<1x512x32xf32, #tpu.memory_space<vmem>> -> memref<512x32xf32, #tpu.memory_space<vmem>>
    %dma_wait3A_859 = arith.constant 8704 : i32
    %dma_wait3A_860 = tpu.memref_slice %arg5[%dma_wait3A_859] : memref<25600xi32, #tpu.memory_space<vmem>> -> memref<512xi32, #tpu.memory_space<vmem>>
    %dma_wait3A_861 = arith.constant 0 : i32
    %dma_wait3A_862 = arith.constant 0 : i32
    %dma_wait3A_863 = tpu.memref_slice %arg2[%dma_wait3A_861, %dma_wait3A_862] : memref<1000000x32xf32, #tpu.memory_space<hbm>> -> memref<1000000x32xf32, #tpu.memory_space<hbm>>
    tpu.wait_indirect_dma semaphore(%arg12 : memref<!tpu.dma_semaphore, #tpu.memory_space<semaphore_mem>>) src(%dma_wait3A_863 : memref<1000000x32xf32, #tpu.memory_space<hbm>>) dst(%dma_wait3A_858 : memref<512x32xf32, #tpu.memory_space<vmem>>)
    %add3A_864 = arith.constant 8704 : i32
    %add3A_865 = arith.addi %mul3A_2, %add3A_864 : i32
    %dma_start3A_866 = arith.constant 5 : i32
    %dma_start3A_867 = arith.constant 0 : i32
    %dma_start3A_868 = arith.constant 0 : i32
    %dma_start3A_869 = tpu.memref_slice %arg6[%dma_start3A_866, %dma_start3A_867, %dma_start3A_868] : memref<6x512x32xf32, #tpu.memory_space<vmem>> -> memref<1x512x32xf32, #tpu.memory_space<vmem>>
    %dma_start3A_870 = tpu.memref_squeeze %dma_start3A_869 : memref<1x512x32xf32, #tpu.memory_space<vmem>> -> memref<512x32xf32, #tpu.memory_space<vmem>>
    %dma_start3A_871 = arith.constant 0 : i32
    %dma_start3A_872 = tpu.memref_slice %arg4[%add3A_865, %dma_start3A_871] : memref<819200x32xf32, #tpu.memory_space<hbm>> -> memref<512x32xf32, #tpu.memory_space<hbm>>
    %dma_start3A_873 = arith.constant 0 : i32
    %dma_start3A_874 = tpu.memref_slice %arg4[%add3A_865, %dma_start3A_873] : memref<819200x32xf32, #tpu.memory_space<hbm>> -> memref<512x32xf32, #tpu.memory_space<hbm>>
    %dma_start3A_875 = arith.constant 0 : i32
    %dma_start3A_876 = arith.constant 0 : i32
    %dma_start3A_877 = tpu.memref_slice %arg6[%dma_start3A_866, %dma_start3A_875, %dma_start3A_876] : memref<6x512x32xf32, #tpu.memory_space<vmem>> -> memref<1x512x32xf32, #tpu.memory_space<vmem>>
    %dma_start3A_878 = tpu.memref_squeeze %dma_start3A_877 : memref<1x512x32xf32, #tpu.memory_space<vmem>> -> memref<512x32xf32, #tpu.memory_space<vmem>>
    tpu.enqueue_dma source(%dma_start3A_878 : memref<512x32xf32, #tpu.memory_space<vmem>>) target(%dma_start3A_874 : memref<512x32xf32, #tpu.memory_space<hbm>>) target_semaphore(%arg18 : memref<!tpu.dma_semaphore, #tpu.memory_space<semaphore_mem>>)
    %dma_wait3A_879 = arith.constant 4 : i32
    %dma_wait3A_880 = arith.constant 0 : i32
    %dma_wait3A_881 = arith.constant 0 : i32
    %dma_wait3A_882 = tpu.memref_slice %arg6[%dma_wait3A_879, %dma_wait3A_880, %dma_wait3A_881] : memref<6x512x32xf32, #tpu.memory_space<vmem>> -> memref<1x512x32xf32, #tpu.memory_space<vmem>>
    %dma_wait3A_883 = tpu.memref_squeeze %dma_wait3A_882 : memref<1x512x32xf32, #tpu.memory_space<vmem>> -> memref<512x32xf32, #tpu.memory_space<vmem>>
    %dma_wait3A_884 = arith.constant 0 : i32
    %dma_wait3A_885 = tpu.memref_slice %arg4[%add3A_817, %dma_wait3A_884] : memref<819200x32xf32, #tpu.memory_space<hbm>> -> memref<512x32xf32, #tpu.memory_space<hbm>>
    %dma_wait3A_886 = arith.constant 0 : i32
    %dma_wait3A_887 = tpu.memref_slice %arg4[%add3A_817, %dma_wait3A_886] : memref<819200x32xf32, #tpu.memory_space<hbm>> -> memref<512x32xf32, #tpu.memory_space<hbm>>
    %dma_wait3A_888 = arith.constant 0 : i32
    %dma_wait3A_889 = arith.constant 0 : i32
    %dma_wait3A_890 = tpu.memref_slice %arg6[%dma_wait3A_879, %dma_wait3A_888, %dma_wait3A_889] : memref<6x512x32xf32, #tpu.memory_space<vmem>> -> memref<1x512x32xf32, #tpu.memory_space<vmem>>
    %dma_wait3A_891 = tpu.memref_squeeze %dma_wait3A_890 : memref<1x512x32xf32, #tpu.memory_space<vmem>> -> memref<512x32xf32, #tpu.memory_space<vmem>>
    tpu.wait_dma2 semaphore(%arg17 : memref<!tpu.dma_semaphore, #tpu.memory_space<semaphore_mem>>) src(%dma_wait3A_891 : memref<512x32xf32, #tpu.memory_space<vmem>>) dst(%dma_wait3A_887 : memref<512x32xf32, #tpu.memory_space<hbm>>)
    %dma_start3A_892 = arith.constant 4 : i32
    %dma_start3A_893 = arith.constant 0 : i32
    %dma_start3A_894 = arith.constant 0 : i32
    %dma_start3A_895 = tpu.memref_slice %arg6[%dma_start3A_892, %dma_start3A_893, %dma_start3A_894] : memref<6x512x32xf32, #tpu.memory_space<vmem>> -> memref<1x512x32xf32, #tpu.memory_space<vmem>>
    %dma_start3A_896 = tpu.memref_squeeze %dma_start3A_895 : memref<1x512x32xf32, #tpu.memory_space<vmem>> -> memref<512x32xf32, #tpu.memory_space<vmem>>
    %dma_start3A_897 = arith.constant 11264 : i32
    %dma_start3A_898 = tpu.memref_slice %arg5[%dma_start3A_897] : memref<25600xi32, #tpu.memory_space<vmem>> -> memref<512xi32, #tpu.memory_space<vmem>>
    %dma_start3A_899 = arith.constant 0 : i32
    %dma_start3A_900 = arith.constant 0 : i32
    %dma_start3A_901 = tpu.memref_slice %arg2[%dma_start3A_899, %dma_start3A_900] : memref<1000000x32xf32, #tpu.memory_space<hbm>> -> memref<1000000x32xf32, #tpu.memory_space<hbm>>
    tpu.enqueue_indirect_dma source(%dma_start3A_901 : memref<1000000x32xf32, #tpu.memory_space<hbm>>) target(%dma_start3A_896 : memref<512x32xf32, #tpu.memory_space<vmem>>) offsets(%dma_start3A_898 : memref<512xi32, #tpu.memory_space<vmem>>) semaphore(%arg11 : memref<!tpu.dma_semaphore, #tpu.memory_space<semaphore_mem>>)
    %dma_wait3A_902 = arith.constant 0 : i32
    %dma_wait3A_903 = arith.constant 0 : i32
    %dma_wait3A_904 = arith.constant 0 : i32
    %dma_wait3A_905 = tpu.memref_slice %arg6[%dma_wait3A_902, %dma_wait3A_903, %dma_wait3A_904] : memref<6x512x32xf32, #tpu.memory_space<vmem>> -> memref<1x512x32xf32, #tpu.memory_space<vmem>>
    %dma_wait3A_906 = tpu.memref_squeeze %dma_wait3A_905 : memref<1x512x32xf32, #tpu.memory_space<vmem>> -> memref<512x32xf32, #tpu.memory_space<vmem>>
    %dma_wait3A_907 = arith.constant 9216 : i32
    %dma_wait3A_908 = tpu.memref_slice %arg5[%dma_wait3A_907] : memref<25600xi32, #tpu.memory_space<vmem>> -> memref<512xi32, #tpu.memory_space<vmem>>
    %dma_wait3A_909 = arith.constant 0 : i32
    %dma_wait3A_910 = arith.constant 0 : i32
    %dma_wait3A_911 = tpu.memref_slice %arg2[%dma_wait3A_909, %dma_wait3A_910] : memref<1000000x32xf32, #tpu.memory_space<hbm>> -> memref<1000000x32xf32, #tpu.memory_space<hbm>>
    tpu.wait_indirect_dma semaphore(%arg7 : memref<!tpu.dma_semaphore, #tpu.memory_space<semaphore_mem>>) src(%dma_wait3A_911 : memref<1000000x32xf32, #tpu.memory_space<hbm>>) dst(%dma_wait3A_906 : memref<512x32xf32, #tpu.memory_space<vmem>>)
    %add3A_912 = arith.constant 9216 : i32
    %add3A_913 = arith.addi %mul3A_2, %add3A_912 : i32
    %dma_start3A_914 = arith.constant 0 : i32
    %dma_start3A_915 = arith.constant 0 : i32
    %dma_start3A_916 = arith.constant 0 : i32
    %dma_start3A_917 = tpu.memref_slice %arg6[%dma_start3A_914, %dma_start3A_915, %dma_start3A_916] : memref<6x512x32xf32, #tpu.memory_space<vmem>> -> memref<1x512x32xf32, #tpu.memory_space<vmem>>
    %dma_start3A_918 = tpu.memref_squeeze %dma_start3A_917 : memref<1x512x32xf32, #tpu.memory_space<vmem>> -> memref<512x32xf32, #tpu.memory_space<vmem>>
    %dma_start3A_919 = arith.constant 0 : i32
    %dma_start3A_920 = tpu.memref_slice %arg4[%add3A_913, %dma_start3A_919] : memref<819200x32xf32, #tpu.memory_space<hbm>> -> memref<512x32xf32, #tpu.memory_space<hbm>>
    %dma_start3A_921 = arith.constant 0 : i32
    %dma_start3A_922 = tpu.memref_slice %arg4[%add3A_913, %dma_start3A_921] : memref<819200x32xf32, #tpu.memory_space<hbm>> -> memref<512x32xf32, #tpu.memory_space<hbm>>
    %dma_start3A_923 = arith.constant 0 : i32
    %dma_start3A_924 = arith.constant 0 : i32
    %dma_start3A_925 = tpu.memref_slice %arg6[%dma_start3A_914, %dma_start3A_923, %dma_start3A_924] : memref<6x512x32xf32, #tpu.memory_space<vmem>> -> memref<1x512x32xf32, #tpu.memory_space<vmem>>
    %dma_start3A_926 = tpu.memref_squeeze %dma_start3A_925 : memref<1x512x32xf32, #tpu.memory_space<vmem>> -> memref<512x32xf32, #tpu.memory_space<vmem>>
    tpu.enqueue_dma source(%dma_start3A_926 : memref<512x32xf32, #tpu.memory_space<vmem>>) target(%dma_start3A_922 : memref<512x32xf32, #tpu.memory_space<hbm>>) target_semaphore(%arg13 : memref<!tpu.dma_semaphore, #tpu.memory_space<semaphore_mem>>)
    %dma_wait3A_927 = arith.constant 5 : i32
    %dma_wait3A_928 = arith.constant 0 : i32
    %dma_wait3A_929 = arith.constant 0 : i32
    %dma_wait3A_930 = tpu.memref_slice %arg6[%dma_wait3A_927, %dma_wait3A_928, %dma_wait3A_929] : memref<6x512x32xf32, #tpu.memory_space<vmem>> -> memref<1x512x32xf32, #tpu.memory_space<vmem>>
    %dma_wait3A_931 = tpu.memref_squeeze %dma_wait3A_930 : memref<1x512x32xf32, #tpu.memory_space<vmem>> -> memref<512x32xf32, #tpu.memory_space<vmem>>
    %dma_wait3A_932 = arith.constant 0 : i32
    %dma_wait3A_933 = tpu.memref_slice %arg4[%add3A_865, %dma_wait3A_932] : memref<819200x32xf32, #tpu.memory_space<hbm>> -> memref<512x32xf32, #tpu.memory_space<hbm>>
    %dma_wait3A_934 = arith.constant 0 : i32
    %dma_wait3A_935 = tpu.memref_slice %arg4[%add3A_865, %dma_wait3A_934] : memref<819200x32xf32, #tpu.memory_space<hbm>> -> memref<512x32xf32, #tpu.memory_space<hbm>>
    %dma_wait3A_936 = arith.constant 0 : i32
    %dma_wait3A_937 = arith.constant 0 : i32
    %dma_wait3A_938 = tpu.memref_slice %arg6[%dma_wait3A_927, %dma_wait3A_936, %dma_wait3A_937] : memref<6x512x32xf32, #tpu.memory_space<vmem>> -> memref<1x512x32xf32, #tpu.memory_space<vmem>>
    %dma_wait3A_939 = tpu.memref_squeeze %dma_wait3A_938 : memref<1x512x32xf32, #tpu.memory_space<vmem>> -> memref<512x32xf32, #tpu.memory_space<vmem>>
    tpu.wait_dma2 semaphore(%arg18 : memref<!tpu.dma_semaphore, #tpu.memory_space<semaphore_mem>>) src(%dma_wait3A_939 : memref<512x32xf32, #tpu.memory_space<vmem>>) dst(%dma_wait3A_935 : memref<512x32xf32, #tpu.memory_space<hbm>>)
    %dma_start3A_940 = arith.constant 5 : i32
    %dma_start3A_941 = arith.constant 0 : i32
    %dma_start3A_942 = arith.constant 0 : i32
    %dma_start3A_943 = tpu.memref_slice %arg6[%dma_start3A_940, %dma_start3A_941, %dma_start3A_942] : memref<6x512x32xf32, #tpu.memory_space<vmem>> -> memref<1x512x32xf32, #tpu.memory_space<vmem>>
    %dma_start3A_944 = tpu.memref_squeeze %dma_start3A_943 : memref<1x512x32xf32, #tpu.memory_space<vmem>> -> memref<512x32xf32, #tpu.memory_space<vmem>>
    %dma_start3A_945 = arith.constant 11776 : i32
    %dma_start3A_946 = tpu.memref_slice %arg5[%dma_start3A_945] : memref<25600xi32, #tpu.memory_space<vmem>> -> memref<512xi32, #tpu.memory_space<vmem>>
    %dma_start3A_947 = arith.constant 0 : i32
    %dma_start3A_948 = arith.constant 0 : i32
    %dma_start3A_949 = tpu.memref_slice %arg2[%dma_start3A_947, %dma_start3A_948] : memref<1000000x32xf32, #tpu.memory_space<hbm>> -> memref<1000000x32xf32, #tpu.memory_space<hbm>>
    tpu.enqueue_indirect_dma source(%dma_start3A_949 : memref<1000000x32xf32, #tpu.memory_space<hbm>>) target(%dma_start3A_944 : memref<512x32xf32, #tpu.memory_space<vmem>>) offsets(%dma_start3A_946 : memref<512xi32, #tpu.memory_space<vmem>>) semaphore(%arg12 : memref<!tpu.dma_semaphore, #tpu.memory_space<semaphore_mem>>)
    %dma_wait3A_950 = arith.constant 1 : i32
    %dma_wait3A_951 = arith.constant 0 : i32
    %dma_wait3A_952 = arith.constant 0 : i32
    %dma_wait3A_953 = tpu.memref_slice %arg6[%dma_wait3A_950, %dma_wait3A_951, %dma_wait3A_952] : memref<6x512x32xf32, #tpu.memory_space<vmem>> -> memref<1x512x32xf32, #tpu.memory_space<vmem>>
    %dma_wait3A_954 = tpu.memref_squeeze %dma_wait3A_953 : memref<1x512x32xf32, #tpu.memory_space<vmem>> -> memref<512x32xf32, #tpu.memory_space<vmem>>
    %dma_wait3A_955 = arith.constant 9728 : i32
    %dma_wait3A_956 = tpu.memref_slice %arg5[%dma_wait3A_955] : memref<25600xi32, #tpu.memory_space<vmem>> -> memref<512xi32, #tpu.memory_space<vmem>>
    %dma_wait3A_957 = arith.constant 0 : i32
    %dma_wait3A_958 = arith.constant 0 : i32
    %dma_wait3A_959 = tpu.memref_slice %arg2[%dma_wait3A_957, %dma_wait3A_958] : memref<1000000x32xf32, #tpu.memory_space<hbm>> -> memref<1000000x32xf32, #tpu.memory_space<hbm>>
    tpu.wait_indirect_dma semaphore(%arg8 : memref<!tpu.dma_semaphore, #tpu.memory_space<semaphore_mem>>) src(%dma_wait3A_959 : memref<1000000x32xf32, #tpu.memory_space<hbm>>) dst(%dma_wait3A_954 : memref<512x32xf32, #tpu.memory_space<vmem>>)
    %add3A_960 = arith.constant 9728 : i32
    %add3A_961 = arith.addi %mul3A_2, %add3A_960 : i32
    %dma_start3A_962 = arith.constant 1 : i32
    %dma_start3A_963 = arith.constant 0 : i32
    %dma_start3A_964 = arith.constant 0 : i32
    %dma_start3A_965 = tpu.memref_slice %arg6[%dma_start3A_962, %dma_start3A_963, %dma_start3A_964] : memref<6x512x32xf32, #tpu.memory_space<vmem>> -> memref<1x512x32xf32, #tpu.memory_space<vmem>>
    %dma_start3A_966 = tpu.memref_squeeze %dma_start3A_965 : memref<1x512x32xf32, #tpu.memory_space<vmem>> -> memref<512x32xf32, #tpu.memory_space<vmem>>
    %dma_start3A_967 = arith.constant 0 : i32
    %dma_start3A_968 = tpu.memref_slice %arg4[%add3A_961, %dma_start3A_967] : memref<819200x32xf32, #tpu.memory_space<hbm>> -> memref<512x32xf32, #tpu.memory_space<hbm>>
    %dma_start3A_969 = arith.constant 0 : i32
    %dma_start3A_970 = tpu.memref_slice %arg4[%add3A_961, %dma_start3A_969] : memref<819200x32xf32, #tpu.memory_space<hbm>> -> memref<512x32xf32, #tpu.memory_space<hbm>>
    %dma_start3A_971 = arith.constant 0 : i32
    %dma_start3A_972 = arith.constant 0 : i32
    %dma_start3A_973 = tpu.memref_slice %arg6[%dma_start3A_962, %dma_start3A_971, %dma_start3A_972] : memref<6x512x32xf32, #tpu.memory_space<vmem>> -> memref<1x512x32xf32, #tpu.memory_space<vmem>>
    %dma_start3A_974 = tpu.memref_squeeze %dma_start3A_973 : memref<1x512x32xf32, #tpu.memory_space<vmem>> -> memref<512x32xf32, #tpu.memory_space<vmem>>
    tpu.enqueue_dma source(%dma_start3A_974 : memref<512x32xf32, #tpu.memory_space<vmem>>) target(%dma_start3A_970 : memref<512x32xf32, #tpu.memory_space<hbm>>) target_semaphore(%arg14 : memref<!tpu.dma_semaphore, #tpu.memory_space<semaphore_mem>>)
    %dma_wait3A_975 = arith.constant 0 : i32
    %dma_wait3A_976 = arith.constant 0 : i32
    %dma_wait3A_977 = arith.constant 0 : i32
    %dma_wait3A_978 = tpu.memref_slice %arg6[%dma_wait3A_975, %dma_wait3A_976, %dma_wait3A_977] : memref<6x512x32xf32, #tpu.memory_space<vmem>> -> memref<1x512x32xf32, #tpu.memory_space<vmem>>
    %dma_wait3A_979 = tpu.memref_squeeze %dma_wait3A_978 : memref<1x512x32xf32, #tpu.memory_space<vmem>> -> memref<512x32xf32, #tpu.memory_space<vmem>>
    %dma_wait3A_980 = arith.constant 0 : i32
    %dma_wait3A_981 = tpu.memref_slice %arg4[%add3A_913, %dma_wait3A_980] : memref<819200x32xf32, #tpu.memory_space<hbm>> -> memref<512x32xf32, #tpu.memory_space<hbm>>
    %dma_wait3A_982 = arith.constant 0 : i32
    %dma_wait3A_983 = tpu.memref_slice %arg4[%add3A_913, %dma_wait3A_982] : memref<819200x32xf32, #tpu.memory_space<hbm>> -> memref<512x32xf32, #tpu.memory_space<hbm>>
    %dma_wait3A_984 = arith.constant 0 : i32
    %dma_wait3A_985 = arith.constant 0 : i32
    %dma_wait3A_986 = tpu.memref_slice %arg6[%dma_wait3A_975, %dma_wait3A_984, %dma_wait3A_985] : memref<6x512x32xf32, #tpu.memory_space<vmem>> -> memref<1x512x32xf32, #tpu.memory_space<vmem>>
    %dma_wait3A_987 = tpu.memref_squeeze %dma_wait3A_986 : memref<1x512x32xf32, #tpu.memory_space<vmem>> -> memref<512x32xf32, #tpu.memory_space<vmem>>
    tpu.wait_dma2 semaphore(%arg13 : memref<!tpu.dma_semaphore, #tpu.memory_space<semaphore_mem>>) src(%dma_wait3A_987 : memref<512x32xf32, #tpu.memory_space<vmem>>) dst(%dma_wait3A_983 : memref<512x32xf32, #tpu.memory_space<hbm>>)
    %dma_start3A_988 = arith.constant 0 : i32
    %dma_start3A_989 = arith.constant 0 : i32
    %dma_start3A_990 = arith.constant 0 : i32
    %dma_start3A_991 = tpu.memref_slice %arg6[%dma_start3A_988, %dma_start3A_989, %dma_start3A_990] : memref<6x512x32xf32, #tpu.memory_space<vmem>> -> memref<1x512x32xf32, #tpu.memory_space<vmem>>
    %dma_start3A_992 = tpu.memref_squeeze %dma_start3A_991 : memref<1x512x32xf32, #tpu.memory_space<vmem>> -> memref<512x32xf32, #tpu.memory_space<vmem>>
    %dma_start3A_993 = arith.constant 12288 : i32
    %dma_start3A_994 = tpu.memref_slice %arg5[%dma_start3A_993] : memref<25600xi32, #tpu.memory_space<vmem>> -> memref<512xi32, #tpu.memory_space<vmem>>
    %dma_start3A_995 = arith.constant 0 : i32
    %dma_start3A_996 = arith.constant 0 : i32
    %dma_start3A_997 = tpu.memref_slice %arg2[%dma_start3A_995, %dma_start3A_996] : memref<1000000x32xf32, #tpu.memory_space<hbm>> -> memref<1000000x32xf32, #tpu.memory_space<hbm>>
    tpu.enqueue_indirect_dma source(%dma_start3A_997 : memref<1000000x32xf32, #tpu.memory_space<hbm>>) target(%dma_start3A_992 : memref<512x32xf32, #tpu.memory_space<vmem>>) offsets(%dma_start3A_994 : memref<512xi32, #tpu.memory_space<vmem>>) semaphore(%arg7 : memref<!tpu.dma_semaphore, #tpu.memory_space<semaphore_mem>>)
    %dma_wait3A_998 = arith.constant 2 : i32
    %dma_wait3A_999 = arith.constant 0 : i32
    %dma_wait3A_1000 = arith.constant 0 : i32
    %dma_wait3A_1001 = tpu.memref_slice %arg6[%dma_wait3A_998, %dma_wait3A_999, %dma_wait3A_1000] : memref<6x512x32xf32, #tpu.memory_space<vmem>> -> memref<1x512x32xf32, #tpu.memory_space<vmem>>
    %dma_wait3A_1002 = tpu.memref_squeeze %dma_wait3A_1001 : memref<1x512x32xf32, #tpu.memory_space<vmem>> -> memref<512x32xf32, #tpu.memory_space<vmem>>
    %dma_wait3A_1003 = arith.constant 10240 : i32
    %dma_wait3A_1004 = tpu.memref_slice %arg5[%dma_wait3A_1003] : memref<25600xi32, #tpu.memory_space<vmem>> -> memref<512xi32, #tpu.memory_space<vmem>>
    %dma_wait3A_1005 = arith.constant 0 : i32
    %dma_wait3A_1006 = arith.constant 0 : i32
    %dma_wait3A_1007 = tpu.memref_slice %arg2[%dma_wait3A_1005, %dma_wait3A_1006] : memref<1000000x32xf32, #tpu.memory_space<hbm>> -> memref<1000000x32xf32, #tpu.memory_space<hbm>>
    tpu.wait_indirect_dma semaphore(%arg9 : memref<!tpu.dma_semaphore, #tpu.memory_space<semaphore_mem>>) src(%dma_wait3A_1007 : memref<1000000x32xf32, #tpu.memory_space<hbm>>) dst(%dma_wait3A_1002 : memref<512x32xf32, #tpu.memory_space<vmem>>)
    %add3A_1008 = arith.constant 10240 : i32
    %add3A_1009 = arith.addi %mul3A_2, %add3A_1008 : i32
    %dma_start3A_1010 = arith.constant 2 : i32
    %dma_start3A_1011 = arith.constant 0 : i32
    %dma_start3A_1012 = arith.constant 0 : i32
    %dma_start3A_1013 = tpu.memref_slice %arg6[%dma_start3A_1010, %dma_start3A_1011, %dma_start3A_1012] : memref<6x512x32xf32, #tpu.memory_space<vmem>> -> memref<1x512x32xf32, #tpu.memory_space<vmem>>
    %dma_start3A_1014 = tpu.memref_squeeze %dma_start3A_1013 : memref<1x512x32xf32, #tpu.memory_space<vmem>> -> memref<512x32xf32, #tpu.memory_space<vmem>>
    %dma_start3A_1015 = arith.constant 0 : i32
    %dma_start3A_1016 = tpu.memref_slice %arg4[%add3A_1009, %dma_start3A_1015] : memref<819200x32xf32, #tpu.memory_space<hbm>> -> memref<512x32xf32, #tpu.memory_space<hbm>>
    %dma_start3A_1017 = arith.constant 0 : i32
    %dma_start3A_1018 = tpu.memref_slice %arg4[%add3A_1009, %dma_start3A_1017] : memref<819200x32xf32, #tpu.memory_space<hbm>> -> memref<512x32xf32, #tpu.memory_space<hbm>>
    %dma_start3A_1019 = arith.constant 0 : i32
    %dma_start3A_1020 = arith.constant 0 : i32
    %dma_start3A_1021 = tpu.memref_slice %arg6[%dma_start3A_1010, %dma_start3A_1019, %dma_start3A_1020] : memref<6x512x32xf32, #tpu.memory_space<vmem>> -> memref<1x512x32xf32, #tpu.memory_space<vmem>>
    %dma_start3A_1022 = tpu.memref_squeeze %dma_start3A_1021 : memref<1x512x32xf32, #tpu.memory_space<vmem>> -> memref<512x32xf32, #tpu.memory_space<vmem>>
    tpu.enqueue_dma source(%dma_start3A_1022 : memref<512x32xf32, #tpu.memory_space<vmem>>) target(%dma_start3A_1018 : memref<512x32xf32, #tpu.memory_space<hbm>>) target_semaphore(%arg15 : memref<!tpu.dma_semaphore, #tpu.memory_space<semaphore_mem>>)
    %dma_wait3A_1023 = arith.constant 1 : i32
    %dma_wait3A_1024 = arith.constant 0 : i32
    %dma_wait3A_1025 = arith.constant 0 : i32
    %dma_wait3A_1026 = tpu.memref_slice %arg6[%dma_wait3A_1023, %dma_wait3A_1024, %dma_wait3A_1025] : memref<6x512x32xf32, #tpu.memory_space<vmem>> -> memref<1x512x32xf32, #tpu.memory_space<vmem>>
    %dma_wait3A_1027 = tpu.memref_squeeze %dma_wait3A_1026 : memref<1x512x32xf32, #tpu.memory_space<vmem>> -> memref<512x32xf32, #tpu.memory_space<vmem>>
    %dma_wait3A_1028 = arith.constant 0 : i32
    %dma_wait3A_1029 = tpu.memref_slice %arg4[%add3A_961, %dma_wait3A_1028] : memref<819200x32xf32, #tpu.memory_space<hbm>> -> memref<512x32xf32, #tpu.memory_space<hbm>>
    %dma_wait3A_1030 = arith.constant 0 : i32
    %dma_wait3A_1031 = tpu.memref_slice %arg4[%add3A_961, %dma_wait3A_1030] : memref<819200x32xf32, #tpu.memory_space<hbm>> -> memref<512x32xf32, #tpu.memory_space<hbm>>
    %dma_wait3A_1032 = arith.constant 0 : i32
    %dma_wait3A_1033 = arith.constant 0 : i32
    %dma_wait3A_1034 = tpu.memref_slice %arg6[%dma_wait3A_1023, %dma_wait3A_1032, %dma_wait3A_1033] : memref<6x512x32xf32, #tpu.memory_space<vmem>> -> memref<1x512x32xf32, #tpu.memory_space<vmem>>
    %dma_wait3A_1035 = tpu.memref_squeeze %dma_wait3A_1034 : memref<1x512x32xf32, #tpu.memory_space<vmem>> -> memref<512x32xf32, #tpu.memory_space<vmem>>
    tpu.wait_dma2 semaphore(%arg14 : memref<!tpu.dma_semaphore, #tpu.memory_space<semaphore_mem>>) src(%dma_wait3A_1035 : memref<512x32xf32, #tpu.memory_space<vmem>>) dst(%dma_wait3A_1031 : memref<512x32xf32, #tpu.memory_space<hbm>>)
    %dma_start3A_1036 = arith.constant 1 : i32
    %dma_start3A_1037 = arith.constant 0 : i32
    %dma_start3A_1038 = arith.constant 0 : i32
    %dma_start3A_1039 = tpu.memref_slice %arg6[%dma_start3A_1036, %dma_start3A_1037, %dma_start3A_1038] : memref<6x512x32xf32, #tpu.memory_space<vmem>> -> memref<1x512x32xf32, #tpu.memory_space<vmem>>
    %dma_start3A_1040 = tpu.memref_squeeze %dma_start3A_1039 : memref<1x512x32xf32, #tpu.memory_space<vmem>> -> memref<512x32xf32, #tpu.memory_space<vmem>>
    %dma_start3A_1041 = arith.constant 12800 : i32
    %dma_start3A_1042 = tpu.memref_slice %arg5[%dma_start3A_1041] : memref<25600xi32, #tpu.memory_space<vmem>> -> memref<512xi32, #tpu.memory_space<vmem>>
    %dma_start3A_1043 = arith.constant 0 : i32
    %dma_start3A_1044 = arith.constant 0 : i32
    %dma_start3A_1045 = tpu.memref_slice %arg2[%dma_start3A_1043, %dma_start3A_1044] : memref<1000000x32xf32, #tpu.memory_space<hbm>> -> memref<1000000x32xf32, #tpu.memory_space<hbm>>
    tpu.enqueue_indirect_dma source(%dma_start3A_1045 : memref<1000000x32xf32, #tpu.memory_space<hbm>>) target(%dma_start3A_1040 : memref<512x32xf32, #tpu.memory_space<vmem>>) offsets(%dma_start3A_1042 : memref<512xi32, #tpu.memory_space<vmem>>) semaphore(%arg8 : memref<!tpu.dma_semaphore, #tpu.memory_space<semaphore_mem>>)
    %dma_wait3A_1046 = arith.constant 3 : i32
    %dma_wait3A_1047 = arith.constant 0 : i32
    %dma_wait3A_1048 = arith.constant 0 : i32
    %dma_wait3A_1049 = tpu.memref_slice %arg6[%dma_wait3A_1046, %dma_wait3A_1047, %dma_wait3A_1048] : memref<6x512x32xf32, #tpu.memory_space<vmem>> -> memref<1x512x32xf32, #tpu.memory_space<vmem>>
    %dma_wait3A_1050 = tpu.memref_squeeze %dma_wait3A_1049 : memref<1x512x32xf32, #tpu.memory_space<vmem>> -> memref<512x32xf32, #tpu.memory_space<vmem>>
    %dma_wait3A_1051 = arith.constant 10752 : i32
    %dma_wait3A_1052 = tpu.memref_slice %arg5[%dma_wait3A_1051] : memref<25600xi32, #tpu.memory_space<vmem>> -> memref<512xi32, #tpu.memory_space<vmem>>
    %dma_wait3A_1053 = arith.constant 0 : i32
    %dma_wait3A_1054 = arith.constant 0 : i32
    %dma_wait3A_1055 = tpu.memref_slice %arg2[%dma_wait3A_1053, %dma_wait3A_1054] : memref<1000000x32xf32, #tpu.memory_space<hbm>> -> memref<1000000x32xf32, #tpu.memory_space<hbm>>
    tpu.wait_indirect_dma semaphore(%arg10 : memref<!tpu.dma_semaphore, #tpu.memory_space<semaphore_mem>>) src(%dma_wait3A_1055 : memref<1000000x32xf32, #tpu.memory_space<hbm>>) dst(%dma_wait3A_1050 : memref<512x32xf32, #tpu.memory_space<vmem>>)
    %add3A_1056 = arith.constant 10752 : i32
    %add3A_1057 = arith.addi %mul3A_2, %add3A_1056 : i32
    %dma_start3A_1058 = arith.constant 3 : i32
    %dma_start3A_1059 = arith.constant 0 : i32
    %dma_start3A_1060 = arith.constant 0 : i32
    %dma_start3A_1061 = tpu.memref_slice %arg6[%dma_start3A_1058, %dma_start3A_1059, %dma_start3A_1060] : memref<6x512x32xf32, #tpu.memory_space<vmem>> -> memref<1x512x32xf32, #tpu.memory_space<vmem>>
    %dma_start3A_1062 = tpu.memref_squeeze %dma_start3A_1061 : memref<1x512x32xf32, #tpu.memory_space<vmem>> -> memref<512x32xf32, #tpu.memory_space<vmem>>
    %dma_start3A_1063 = arith.constant 0 : i32
    %dma_start3A_1064 = tpu.memref_slice %arg4[%add3A_1057, %dma_start3A_1063] : memref<819200x32xf32, #tpu.memory_space<hbm>> -> memref<512x32xf32, #tpu.memory_space<hbm>>
    %dma_start3A_1065 = arith.constant 0 : i32
    %dma_start3A_1066 = tpu.memref_slice %arg4[%add3A_1057, %dma_start3A_1065] : memref<819200x32xf32, #tpu.memory_space<hbm>> -> memref<512x32xf32, #tpu.memory_space<hbm>>
    %dma_start3A_1067 = arith.constant 0 : i32
    %dma_start3A_1068 = arith.constant 0 : i32
    %dma_start3A_1069 = tpu.memref_slice %arg6[%dma_start3A_1058, %dma_start3A_1067, %dma_start3A_1068] : memref<6x512x32xf32, #tpu.memory_space<vmem>> -> memref<1x512x32xf32, #tpu.memory_space<vmem>>
    %dma_start3A_1070 = tpu.memref_squeeze %dma_start3A_1069 : memref<1x512x32xf32, #tpu.memory_space<vmem>> -> memref<512x32xf32, #tpu.memory_space<vmem>>
    tpu.enqueue_dma source(%dma_start3A_1070 : memref<512x32xf32, #tpu.memory_space<vmem>>) target(%dma_start3A_1066 : memref<512x32xf32, #tpu.memory_space<hbm>>) target_semaphore(%arg16 : memref<!tpu.dma_semaphore, #tpu.memory_space<semaphore_mem>>)
    %dma_wait3A_1071 = arith.constant 2 : i32
    %dma_wait3A_1072 = arith.constant 0 : i32
    %dma_wait3A_1073 = arith.constant 0 : i32
    %dma_wait3A_1074 = tpu.memref_slice %arg6[%dma_wait3A_1071, %dma_wait3A_1072, %dma_wait3A_1073] : memref<6x512x32xf32, #tpu.memory_space<vmem>> -> memref<1x512x32xf32, #tpu.memory_space<vmem>>
    %dma_wait3A_1075 = tpu.memref_squeeze %dma_wait3A_1074 : memref<1x512x32xf32, #tpu.memory_space<vmem>> -> memref<512x32xf32, #tpu.memory_space<vmem>>
    %dma_wait3A_1076 = arith.constant 0 : i32
    %dma_wait3A_1077 = tpu.memref_slice %arg4[%add3A_1009, %dma_wait3A_1076] : memref<819200x32xf32, #tpu.memory_space<hbm>> -> memref<512x32xf32, #tpu.memory_space<hbm>>
    %dma_wait3A_1078 = arith.constant 0 : i32
    %dma_wait3A_1079 = tpu.memref_slice %arg4[%add3A_1009, %dma_wait3A_1078] : memref<819200x32xf32, #tpu.memory_space<hbm>> -> memref<512x32xf32, #tpu.memory_space<hbm>>
    %dma_wait3A_1080 = arith.constant 0 : i32
    %dma_wait3A_1081 = arith.constant 0 : i32
    %dma_wait3A_1082 = tpu.memref_slice %arg6[%dma_wait3A_1071, %dma_wait3A_1080, %dma_wait3A_1081] : memref<6x512x32xf32, #tpu.memory_space<vmem>> -> memref<1x512x32xf32, #tpu.memory_space<vmem>>
    %dma_wait3A_1083 = tpu.memref_squeeze %dma_wait3A_1082 : memref<1x512x32xf32, #tpu.memory_space<vmem>> -> memref<512x32xf32, #tpu.memory_space<vmem>>
    tpu.wait_dma2 semaphore(%arg15 : memref<!tpu.dma_semaphore, #tpu.memory_space<semaphore_mem>>) src(%dma_wait3A_1083 : memref<512x32xf32, #tpu.memory_space<vmem>>) dst(%dma_wait3A_1079 : memref<512x32xf32, #tpu.memory_space<hbm>>)
    %dma_start3A_1084 = arith.constant 2 : i32
    %dma_start3A_1085 = arith.constant 0 : i32
    %dma_start3A_1086 = arith.constant 0 : i32
    %dma_start3A_1087 = tpu.memref_slice %arg6[%dma_start3A_1084, %dma_start3A_1085, %dma_start3A_1086] : memref<6x512x32xf32, #tpu.memory_space<vmem>> -> memref<1x512x32xf32, #tpu.memory_space<vmem>>
    %dma_start3A_1088 = tpu.memref_squeeze %dma_start3A_1087 : memref<1x512x32xf32, #tpu.memory_space<vmem>> -> memref<512x32xf32, #tpu.memory_space<vmem>>
    %dma_start3A_1089 = arith.constant 13312 : i32
    %dma_start3A_1090 = tpu.memref_slice %arg5[%dma_start3A_1089] : memref<25600xi32, #tpu.memory_space<vmem>> -> memref<512xi32, #tpu.memory_space<vmem>>
    %dma_start3A_1091 = arith.constant 0 : i32
    %dma_start3A_1092 = arith.constant 0 : i32
    %dma_start3A_1093 = tpu.memref_slice %arg2[%dma_start3A_1091, %dma_start3A_1092] : memref<1000000x32xf32, #tpu.memory_space<hbm>> -> memref<1000000x32xf32, #tpu.memory_space<hbm>>
    tpu.enqueue_indirect_dma source(%dma_start3A_1093 : memref<1000000x32xf32, #tpu.memory_space<hbm>>) target(%dma_start3A_1088 : memref<512x32xf32, #tpu.memory_space<vmem>>) offsets(%dma_start3A_1090 : memref<512xi32, #tpu.memory_space<vmem>>) semaphore(%arg9 : memref<!tpu.dma_semaphore, #tpu.memory_space<semaphore_mem>>)
    %dma_wait3A_1094 = arith.constant 4 : i32
    %dma_wait3A_1095 = arith.constant 0 : i32
    %dma_wait3A_1096 = arith.constant 0 : i32
    %dma_wait3A_1097 = tpu.memref_slice %arg6[%dma_wait3A_1094, %dma_wait3A_1095, %dma_wait3A_1096] : memref<6x512x32xf32, #tpu.memory_space<vmem>> -> memref<1x512x32xf32, #tpu.memory_space<vmem>>
    %dma_wait3A_1098 = tpu.memref_squeeze %dma_wait3A_1097 : memref<1x512x32xf32, #tpu.memory_space<vmem>> -> memref<512x32xf32, #tpu.memory_space<vmem>>
    %dma_wait3A_1099 = arith.constant 11264 : i32
    %dma_wait3A_1100 = tpu.memref_slice %arg5[%dma_wait3A_1099] : memref<25600xi32, #tpu.memory_space<vmem>> -> memref<512xi32, #tpu.memory_space<vmem>>
    %dma_wait3A_1101 = arith.constant 0 : i32
    %dma_wait3A_1102 = arith.constant 0 : i32
    %dma_wait3A_1103 = tpu.memref_slice %arg2[%dma_wait3A_1101, %dma_wait3A_1102] : memref<1000000x32xf32, #tpu.memory_space<hbm>> -> memref<1000000x32xf32, #tpu.memory_space<hbm>>
    tpu.wait_indirect_dma semaphore(%arg11 : memref<!tpu.dma_semaphore, #tpu.memory_space<semaphore_mem>>) src(%dma_wait3A_1103 : memref<1000000x32xf32, #tpu.memory_space<hbm>>) dst(%dma_wait3A_1098 : memref<512x32xf32, #tpu.memory_space<vmem>>)
    %add3A_1104 = arith.constant 11264 : i32
    %add3A_1105 = arith.addi %mul3A_2, %add3A_1104 : i32
    %dma_start3A_1106 = arith.constant 4 : i32
    %dma_start3A_1107 = arith.constant 0 : i32
    %dma_start3A_1108 = arith.constant 0 : i32
    %dma_start3A_1109 = tpu.memref_slice %arg6[%dma_start3A_1106, %dma_start3A_1107, %dma_start3A_1108] : memref<6x512x32xf32, #tpu.memory_space<vmem>> -> memref<1x512x32xf32, #tpu.memory_space<vmem>>
    %dma_start3A_1110 = tpu.memref_squeeze %dma_start3A_1109 : memref<1x512x32xf32, #tpu.memory_space<vmem>> -> memref<512x32xf32, #tpu.memory_space<vmem>>
    %dma_start3A_1111 = arith.constant 0 : i32
    %dma_start3A_1112 = tpu.memref_slice %arg4[%add3A_1105, %dma_start3A_1111] : memref<819200x32xf32, #tpu.memory_space<hbm>> -> memref<512x32xf32, #tpu.memory_space<hbm>>
    %dma_start3A_1113 = arith.constant 0 : i32
    %dma_start3A_1114 = tpu.memref_slice %arg4[%add3A_1105, %dma_start3A_1113] : memref<819200x32xf32, #tpu.memory_space<hbm>> -> memref<512x32xf32, #tpu.memory_space<hbm>>
    %dma_start3A_1115 = arith.constant 0 : i32
    %dma_start3A_1116 = arith.constant 0 : i32
    %dma_start3A_1117 = tpu.memref_slice %arg6[%dma_start3A_1106, %dma_start3A_1115, %dma_start3A_1116] : memref<6x512x32xf32, #tpu.memory_space<vmem>> -> memref<1x512x32xf32, #tpu.memory_space<vmem>>
    %dma_start3A_1118 = tpu.memref_squeeze %dma_start3A_1117 : memref<1x512x32xf32, #tpu.memory_space<vmem>> -> memref<512x32xf32, #tpu.memory_space<vmem>>
    tpu.enqueue_dma source(%dma_start3A_1118 : memref<512x32xf32, #tpu.memory_space<vmem>>) target(%dma_start3A_1114 : memref<512x32xf32, #tpu.memory_space<hbm>>) target_semaphore(%arg17 : memref<!tpu.dma_semaphore, #tpu.memory_space<semaphore_mem>>)
    %dma_wait3A_1119 = arith.constant 3 : i32
    %dma_wait3A_1120 = arith.constant 0 : i32
    %dma_wait3A_1121 = arith.constant 0 : i32
    %dma_wait3A_1122 = tpu.memref_slice %arg6[%dma_wait3A_1119, %dma_wait3A_1120, %dma_wait3A_1121] : memref<6x512x32xf32, #tpu.memory_space<vmem>> -> memref<1x512x32xf32, #tpu.memory_space<vmem>>
    %dma_wait3A_1123 = tpu.memref_squeeze %dma_wait3A_1122 : memref<1x512x32xf32, #tpu.memory_space<vmem>> -> memref<512x32xf32, #tpu.memory_space<vmem>>
    %dma_wait3A_1124 = arith.constant 0 : i32
    %dma_wait3A_1125 = tpu.memref_slice %arg4[%add3A_1057, %dma_wait3A_1124] : memref<819200x32xf32, #tpu.memory_space<hbm>> -> memref<512x32xf32, #tpu.memory_space<hbm>>
    %dma_wait3A_1126 = arith.constant 0 : i32
    %dma_wait3A_1127 = tpu.memref_slice %arg4[%add3A_1057, %dma_wait3A_1126] : memref<819200x32xf32, #tpu.memory_space<hbm>> -> memref<512x32xf32, #tpu.memory_space<hbm>>
    %dma_wait3A_1128 = arith.constant 0 : i32
    %dma_wait3A_1129 = arith.constant 0 : i32
    %dma_wait3A_1130 = tpu.memref_slice %arg6[%dma_wait3A_1119, %dma_wait3A_1128, %dma_wait3A_1129] : memref<6x512x32xf32, #tpu.memory_space<vmem>> -> memref<1x512x32xf32, #tpu.memory_space<vmem>>
    %dma_wait3A_1131 = tpu.memref_squeeze %dma_wait3A_1130 : memref<1x512x32xf32, #tpu.memory_space<vmem>> -> memref<512x32xf32, #tpu.memory_space<vmem>>
    tpu.wait_dma2 semaphore(%arg16 : memref<!tpu.dma_semaphore, #tpu.memory_space<semaphore_mem>>) src(%dma_wait3A_1131 : memref<512x32xf32, #tpu.memory_space<vmem>>) dst(%dma_wait3A_1127 : memref<512x32xf32, #tpu.memory_space<hbm>>)
    %dma_start3A_1132 = arith.constant 3 : i32
    %dma_start3A_1133 = arith.constant 0 : i32
    %dma_start3A_1134 = arith.constant 0 : i32
    %dma_start3A_1135 = tpu.memref_slice %arg6[%dma_start3A_1132, %dma_start3A_1133, %dma_start3A_1134] : memref<6x512x32xf32, #tpu.memory_space<vmem>> -> memref<1x512x32xf32, #tpu.memory_space<vmem>>
    %dma_start3A_1136 = tpu.memref_squeeze %dma_start3A_1135 : memref<1x512x32xf32, #tpu.memory_space<vmem>> -> memref<512x32xf32, #tpu.memory_space<vmem>>
    %dma_start3A_1137 = arith.constant 13824 : i32
    %dma_start3A_1138 = tpu.memref_slice %arg5[%dma_start3A_1137] : memref<25600xi32, #tpu.memory_space<vmem>> -> memref<512xi32, #tpu.memory_space<vmem>>
    %dma_start3A_1139 = arith.constant 0 : i32
    %dma_start3A_1140 = arith.constant 0 : i32
    %dma_start3A_1141 = tpu.memref_slice %arg2[%dma_start3A_1139, %dma_start3A_1140] : memref<1000000x32xf32, #tpu.memory_space<hbm>> -> memref<1000000x32xf32, #tpu.memory_space<hbm>>
    tpu.enqueue_indirect_dma source(%dma_start3A_1141 : memref<1000000x32xf32, #tpu.memory_space<hbm>>) target(%dma_start3A_1136 : memref<512x32xf32, #tpu.memory_space<vmem>>) offsets(%dma_start3A_1138 : memref<512xi32, #tpu.memory_space<vmem>>) semaphore(%arg10 : memref<!tpu.dma_semaphore, #tpu.memory_space<semaphore_mem>>)
    %dma_wait3A_1142 = arith.constant 5 : i32
    %dma_wait3A_1143 = arith.constant 0 : i32
    %dma_wait3A_1144 = arith.constant 0 : i32
    %dma_wait3A_1145 = tpu.memref_slice %arg6[%dma_wait3A_1142, %dma_wait3A_1143, %dma_wait3A_1144] : memref<6x512x32xf32, #tpu.memory_space<vmem>> -> memref<1x512x32xf32, #tpu.memory_space<vmem>>
    %dma_wait3A_1146 = tpu.memref_squeeze %dma_wait3A_1145 : memref<1x512x32xf32, #tpu.memory_space<vmem>> -> memref<512x32xf32, #tpu.memory_space<vmem>>
    %dma_wait3A_1147 = arith.constant 11776 : i32
    %dma_wait3A_1148 = tpu.memref_slice %arg5[%dma_wait3A_1147] : memref<25600xi32, #tpu.memory_space<vmem>> -> memref<512xi32, #tpu.memory_space<vmem>>
    %dma_wait3A_1149 = arith.constant 0 : i32
    %dma_wait3A_1150 = arith.constant 0 : i32
    %dma_wait3A_1151 = tpu.memref_slice %arg2[%dma_wait3A_1149, %dma_wait3A_1150] : memref<1000000x32xf32, #tpu.memory_space<hbm>> -> memref<1000000x32xf32, #tpu.memory_space<hbm>>
    tpu.wait_indirect_dma semaphore(%arg12 : memref<!tpu.dma_semaphore, #tpu.memory_space<semaphore_mem>>) src(%dma_wait3A_1151 : memref<1000000x32xf32, #tpu.memory_space<hbm>>) dst(%dma_wait3A_1146 : memref<512x32xf32, #tpu.memory_space<vmem>>)
    %add3A_1152 = arith.constant 11776 : i32
    %add3A_1153 = arith.addi %mul3A_2, %add3A_1152 : i32
    %dma_start3A_1154 = arith.constant 5 : i32
    %dma_start3A_1155 = arith.constant 0 : i32
    %dma_start3A_1156 = arith.constant 0 : i32
    %dma_start3A_1157 = tpu.memref_slice %arg6[%dma_start3A_1154, %dma_start3A_1155, %dma_start3A_1156] : memref<6x512x32xf32, #tpu.memory_space<vmem>> -> memref<1x512x32xf32, #tpu.memory_space<vmem>>
    %dma_start3A_1158 = tpu.memref_squeeze %dma_start3A_1157 : memref<1x512x32xf32, #tpu.memory_space<vmem>> -> memref<512x32xf32, #tpu.memory_space<vmem>>
    %dma_start3A_1159 = arith.constant 0 : i32
    %dma_start3A_1160 = tpu.memref_slice %arg4[%add3A_1153, %dma_start3A_1159] : memref<819200x32xf32, #tpu.memory_space<hbm>> -> memref<512x32xf32, #tpu.memory_space<hbm>>
    %dma_start3A_1161 = arith.constant 0 : i32
    %dma_start3A_1162 = tpu.memref_slice %arg4[%add3A_1153, %dma_start3A_1161] : memref<819200x32xf32, #tpu.memory_space<hbm>> -> memref<512x32xf32, #tpu.memory_space<hbm>>
    %dma_start3A_1163 = arith.constant 0 : i32
    %dma_start3A_1164 = arith.constant 0 : i32
    %dma_start3A_1165 = tpu.memref_slice %arg6[%dma_start3A_1154, %dma_start3A_1163, %dma_start3A_1164] : memref<6x512x32xf32, #tpu.memory_space<vmem>> -> memref<1x512x32xf32, #tpu.memory_space<vmem>>
    %dma_start3A_1166 = tpu.memref_squeeze %dma_start3A_1165 : memref<1x512x32xf32, #tpu.memory_space<vmem>> -> memref<512x32xf32, #tpu.memory_space<vmem>>
    tpu.enqueue_dma source(%dma_start3A_1166 : memref<512x32xf32, #tpu.memory_space<vmem>>) target(%dma_start3A_1162 : memref<512x32xf32, #tpu.memory_space<hbm>>) target_semaphore(%arg18 : memref<!tpu.dma_semaphore, #tpu.memory_space<semaphore_mem>>)
    %dma_wait3A_1167 = arith.constant 4 : i32
    %dma_wait3A_1168 = arith.constant 0 : i32
    %dma_wait3A_1169 = arith.constant 0 : i32
    %dma_wait3A_1170 = tpu.memref_slice %arg6[%dma_wait3A_1167, %dma_wait3A_1168, %dma_wait3A_1169] : memref<6x512x32xf32, #tpu.memory_space<vmem>> -> memref<1x512x32xf32, #tpu.memory_space<vmem>>
    %dma_wait3A_1171 = tpu.memref_squeeze %dma_wait3A_1170 : memref<1x512x32xf32, #tpu.memory_space<vmem>> -> memref<512x32xf32, #tpu.memory_space<vmem>>
    %dma_wait3A_1172 = arith.constant 0 : i32
    %dma_wait3A_1173 = tpu.memref_slice %arg4[%add3A_1105, %dma_wait3A_1172] : memref<819200x32xf32, #tpu.memory_space<hbm>> -> memref<512x32xf32, #tpu.memory_space<hbm>>
    %dma_wait3A_1174 = arith.constant 0 : i32
    %dma_wait3A_1175 = tpu.memref_slice %arg4[%add3A_1105, %dma_wait3A_1174] : memref<819200x32xf32, #tpu.memory_space<hbm>> -> memref<512x32xf32, #tpu.memory_space<hbm>>
    %dma_wait3A_1176 = arith.constant 0 : i32
    %dma_wait3A_1177 = arith.constant 0 : i32
    %dma_wait3A_1178 = tpu.memref_slice %arg6[%dma_wait3A_1167, %dma_wait3A_1176, %dma_wait3A_1177] : memref<6x512x32xf32, #tpu.memory_space<vmem>> -> memref<1x512x32xf32, #tpu.memory_space<vmem>>
    %dma_wait3A_1179 = tpu.memref_squeeze %dma_wait3A_1178 : memref<1x512x32xf32, #tpu.memory_space<vmem>> -> memref<512x32xf32, #tpu.memory_space<vmem>>
    tpu.wait_dma2 semaphore(%arg17 : memref<!tpu.dma_semaphore, #tpu.memory_space<semaphore_mem>>) src(%dma_wait3A_1179 : memref<512x32xf32, #tpu.memory_space<vmem>>) dst(%dma_wait3A_1175 : memref<512x32xf32, #tpu.memory_space<hbm>>)
    %dma_start3A_1180 = arith.constant 4 : i32
    %dma_start3A_1181 = arith.constant 0 : i32
    %dma_start3A_1182 = arith.constant 0 : i32
    %dma_start3A_1183 = tpu.memref_slice %arg6[%dma_start3A_1180, %dma_start3A_1181, %dma_start3A_1182] : memref<6x512x32xf32, #tpu.memory_space<vmem>> -> memref<1x512x32xf32, #tpu.memory_space<vmem>>
    %dma_start3A_1184 = tpu.memref_squeeze %dma_start3A_1183 : memref<1x512x32xf32, #tpu.memory_space<vmem>> -> memref<512x32xf32, #tpu.memory_space<vmem>>
    %dma_start3A_1185 = arith.constant 14336 : i32
    %dma_start3A_1186 = tpu.memref_slice %arg5[%dma_start3A_1185] : memref<25600xi32, #tpu.memory_space<vmem>> -> memref<512xi32, #tpu.memory_space<vmem>>
    %dma_start3A_1187 = arith.constant 0 : i32
    %dma_start3A_1188 = arith.constant 0 : i32
    %dma_start3A_1189 = tpu.memref_slice %arg2[%dma_start3A_1187, %dma_start3A_1188] : memref<1000000x32xf32, #tpu.memory_space<hbm>> -> memref<1000000x32xf32, #tpu.memory_space<hbm>>
    tpu.enqueue_indirect_dma source(%dma_start3A_1189 : memref<1000000x32xf32, #tpu.memory_space<hbm>>) target(%dma_start3A_1184 : memref<512x32xf32, #tpu.memory_space<vmem>>) offsets(%dma_start3A_1186 : memref<512xi32, #tpu.memory_space<vmem>>) semaphore(%arg11 : memref<!tpu.dma_semaphore, #tpu.memory_space<semaphore_mem>>)
    %dma_wait3A_1190 = arith.constant 0 : i32
    %dma_wait3A_1191 = arith.constant 0 : i32
    %dma_wait3A_1192 = arith.constant 0 : i32
    %dma_wait3A_1193 = tpu.memref_slice %arg6[%dma_wait3A_1190, %dma_wait3A_1191, %dma_wait3A_1192] : memref<6x512x32xf32, #tpu.memory_space<vmem>> -> memref<1x512x32xf32, #tpu.memory_space<vmem>>
    %dma_wait3A_1194 = tpu.memref_squeeze %dma_wait3A_1193 : memref<1x512x32xf32, #tpu.memory_space<vmem>> -> memref<512x32xf32, #tpu.memory_space<vmem>>
    %dma_wait3A_1195 = arith.constant 12288 : i32
    %dma_wait3A_1196 = tpu.memref_slice %arg5[%dma_wait3A_1195] : memref<25600xi32, #tpu.memory_space<vmem>> -> memref<512xi32, #tpu.memory_space<vmem>>
    %dma_wait3A_1197 = arith.constant 0 : i32
    %dma_wait3A_1198 = arith.constant 0 : i32
    %dma_wait3A_1199 = tpu.memref_slice %arg2[%dma_wait3A_1197, %dma_wait3A_1198] : memref<1000000x32xf32, #tpu.memory_space<hbm>> -> memref<1000000x32xf32, #tpu.memory_space<hbm>>
    tpu.wait_indirect_dma semaphore(%arg7 : memref<!tpu.dma_semaphore, #tpu.memory_space<semaphore_mem>>) src(%dma_wait3A_1199 : memref<1000000x32xf32, #tpu.memory_space<hbm>>) dst(%dma_wait3A_1194 : memref<512x32xf32, #tpu.memory_space<vmem>>)
    %add3A_1200 = arith.constant 12288 : i32
    %add3A_1201 = arith.addi %mul3A_2, %add3A_1200 : i32
    %dma_start3A_1202 = arith.constant 0 : i32
    %dma_start3A_1203 = arith.constant 0 : i32
    %dma_start3A_1204 = arith.constant 0 : i32
    %dma_start3A_1205 = tpu.memref_slice %arg6[%dma_start3A_1202, %dma_start3A_1203, %dma_start3A_1204] : memref<6x512x32xf32, #tpu.memory_space<vmem>> -> memref<1x512x32xf32, #tpu.memory_space<vmem>>
    %dma_start3A_1206 = tpu.memref_squeeze %dma_start3A_1205 : memref<1x512x32xf32, #tpu.memory_space<vmem>> -> memref<512x32xf32, #tpu.memory_space<vmem>>
    %dma_start3A_1207 = arith.constant 0 : i32
    %dma_start3A_1208 = tpu.memref_slice %arg4[%add3A_1201, %dma_start3A_1207] : memref<819200x32xf32, #tpu.memory_space<hbm>> -> memref<512x32xf32, #tpu.memory_space<hbm>>
    %dma_start3A_1209 = arith.constant 0 : i32
    %dma_start3A_1210 = tpu.memref_slice %arg4[%add3A_1201, %dma_start3A_1209] : memref<819200x32xf32, #tpu.memory_space<hbm>> -> memref<512x32xf32, #tpu.memory_space<hbm>>
    %dma_start3A_1211 = arith.constant 0 : i32
    %dma_start3A_1212 = arith.constant 0 : i32
    %dma_start3A_1213 = tpu.memref_slice %arg6[%dma_start3A_1202, %dma_start3A_1211, %dma_start3A_1212] : memref<6x512x32xf32, #tpu.memory_space<vmem>> -> memref<1x512x32xf32, #tpu.memory_space<vmem>>
    %dma_start3A_1214 = tpu.memref_squeeze %dma_start3A_1213 : memref<1x512x32xf32, #tpu.memory_space<vmem>> -> memref<512x32xf32, #tpu.memory_space<vmem>>
    tpu.enqueue_dma source(%dma_start3A_1214 : memref<512x32xf32, #tpu.memory_space<vmem>>) target(%dma_start3A_1210 : memref<512x32xf32, #tpu.memory_space<hbm>>) target_semaphore(%arg13 : memref<!tpu.dma_semaphore, #tpu.memory_space<semaphore_mem>>)
    %dma_wait3A_1215 = arith.constant 5 : i32
    %dma_wait3A_1216 = arith.constant 0 : i32
    %dma_wait3A_1217 = arith.constant 0 : i32
    %dma_wait3A_1218 = tpu.memref_slice %arg6[%dma_wait3A_1215, %dma_wait3A_1216, %dma_wait3A_1217] : memref<6x512x32xf32, #tpu.memory_space<vmem>> -> memref<1x512x32xf32, #tpu.memory_space<vmem>>
    %dma_wait3A_1219 = tpu.memref_squeeze %dma_wait3A_1218 : memref<1x512x32xf32, #tpu.memory_space<vmem>> -> memref<512x32xf32, #tpu.memory_space<vmem>>
    %dma_wait3A_1220 = arith.constant 0 : i32
    %dma_wait3A_1221 = tpu.memref_slice %arg4[%add3A_1153, %dma_wait3A_1220] : memref<819200x32xf32, #tpu.memory_space<hbm>> -> memref<512x32xf32, #tpu.memory_space<hbm>>
    %dma_wait3A_1222 = arith.constant 0 : i32
    %dma_wait3A_1223 = tpu.memref_slice %arg4[%add3A_1153, %dma_wait3A_1222] : memref<819200x32xf32, #tpu.memory_space<hbm>> -> memref<512x32xf32, #tpu.memory_space<hbm>>
    %dma_wait3A_1224 = arith.constant 0 : i32
    %dma_wait3A_1225 = arith.constant 0 : i32
    %dma_wait3A_1226 = tpu.memref_slice %arg6[%dma_wait3A_1215, %dma_wait3A_1224, %dma_wait3A_1225] : memref<6x512x32xf32, #tpu.memory_space<vmem>> -> memref<1x512x32xf32, #tpu.memory_space<vmem>>
    %dma_wait3A_1227 = tpu.memref_squeeze %dma_wait3A_1226 : memref<1x512x32xf32, #tpu.memory_space<vmem>> -> memref<512x32xf32, #tpu.memory_space<vmem>>
    tpu.wait_dma2 semaphore(%arg18 : memref<!tpu.dma_semaphore, #tpu.memory_space<semaphore_mem>>) src(%dma_wait3A_1227 : memref<512x32xf32, #tpu.memory_space<vmem>>) dst(%dma_wait3A_1223 : memref<512x32xf32, #tpu.memory_space<hbm>>)
    %dma_start3A_1228 = arith.constant 5 : i32
    %dma_start3A_1229 = arith.constant 0 : i32
    %dma_start3A_1230 = arith.constant 0 : i32
    %dma_start3A_1231 = tpu.memref_slice %arg6[%dma_start3A_1228, %dma_start3A_1229, %dma_start3A_1230] : memref<6x512x32xf32, #tpu.memory_space<vmem>> -> memref<1x512x32xf32, #tpu.memory_space<vmem>>
    %dma_start3A_1232 = tpu.memref_squeeze %dma_start3A_1231 : memref<1x512x32xf32, #tpu.memory_space<vmem>> -> memref<512x32xf32, #tpu.memory_space<vmem>>
    %dma_start3A_1233 = arith.constant 14848 : i32
    %dma_start3A_1234 = tpu.memref_slice %arg5[%dma_start3A_1233] : memref<25600xi32, #tpu.memory_space<vmem>> -> memref<512xi32, #tpu.memory_space<vmem>>
    %dma_start3A_1235 = arith.constant 0 : i32
    %dma_start3A_1236 = arith.constant 0 : i32
    %dma_start3A_1237 = tpu.memref_slice %arg2[%dma_start3A_1235, %dma_start3A_1236] : memref<1000000x32xf32, #tpu.memory_space<hbm>> -> memref<1000000x32xf32, #tpu.memory_space<hbm>>
    tpu.enqueue_indirect_dma source(%dma_start3A_1237 : memref<1000000x32xf32, #tpu.memory_space<hbm>>) target(%dma_start3A_1232 : memref<512x32xf32, #tpu.memory_space<vmem>>) offsets(%dma_start3A_1234 : memref<512xi32, #tpu.memory_space<vmem>>) semaphore(%arg12 : memref<!tpu.dma_semaphore, #tpu.memory_space<semaphore_mem>>)
    %dma_wait3A_1238 = arith.constant 1 : i32
    %dma_wait3A_1239 = arith.constant 0 : i32
    %dma_wait3A_1240 = arith.constant 0 : i32
    %dma_wait3A_1241 = tpu.memref_slice %arg6[%dma_wait3A_1238, %dma_wait3A_1239, %dma_wait3A_1240] : memref<6x512x32xf32, #tpu.memory_space<vmem>> -> memref<1x512x32xf32, #tpu.memory_space<vmem>>
    %dma_wait3A_1242 = tpu.memref_squeeze %dma_wait3A_1241 : memref<1x512x32xf32, #tpu.memory_space<vmem>> -> memref<512x32xf32, #tpu.memory_space<vmem>>
    %dma_wait3A_1243 = arith.constant 12800 : i32
    %dma_wait3A_1244 = tpu.memref_slice %arg5[%dma_wait3A_1243] : memref<25600xi32, #tpu.memory_space<vmem>> -> memref<512xi32, #tpu.memory_space<vmem>>
    %dma_wait3A_1245 = arith.constant 0 : i32
    %dma_wait3A_1246 = arith.constant 0 : i32
    %dma_wait3A_1247 = tpu.memref_slice %arg2[%dma_wait3A_1245, %dma_wait3A_1246] : memref<1000000x32xf32, #tpu.memory_space<hbm>> -> memref<1000000x32xf32, #tpu.memory_space<hbm>>
    tpu.wait_indirect_dma semaphore(%arg8 : memref<!tpu.dma_semaphore, #tpu.memory_space<semaphore_mem>>) src(%dma_wait3A_1247 : memref<1000000x32xf32, #tpu.memory_space<hbm>>) dst(%dma_wait3A_1242 : memref<512x32xf32, #tpu.memory_space<vmem>>)
    %add3A_1248 = arith.constant 12800 : i32
    %add3A_1249 = arith.addi %mul3A_2, %add3A_1248 : i32
    %dma_start3A_1250 = arith.constant 1 : i32
    %dma_start3A_1251 = arith.constant 0 : i32
    %dma_start3A_1252 = arith.constant 0 : i32
    %dma_start3A_1253 = tpu.memref_slice %arg6[%dma_start3A_1250, %dma_start3A_1251, %dma_start3A_1252] : memref<6x512x32xf32, #tpu.memory_space<vmem>> -> memref<1x512x32xf32, #tpu.memory_space<vmem>>
    %dma_start3A_1254 = tpu.memref_squeeze %dma_start3A_1253 : memref<1x512x32xf32, #tpu.memory_space<vmem>> -> memref<512x32xf32, #tpu.memory_space<vmem>>
    %dma_start3A_1255 = arith.constant 0 : i32
    %dma_start3A_1256 = tpu.memref_slice %arg4[%add3A_1249, %dma_start3A_1255] : memref<819200x32xf32, #tpu.memory_space<hbm>> -> memref<512x32xf32, #tpu.memory_space<hbm>>
    %dma_start3A_1257 = arith.constant 0 : i32
    %dma_start3A_1258 = tpu.memref_slice %arg4[%add3A_1249, %dma_start3A_1257] : memref<819200x32xf32, #tpu.memory_space<hbm>> -> memref<512x32xf32, #tpu.memory_space<hbm>>
    %dma_start3A_1259 = arith.constant 0 : i32
    %dma_start3A_1260 = arith.constant 0 : i32
    %dma_start3A_1261 = tpu.memref_slice %arg6[%dma_start3A_1250, %dma_start3A_1259, %dma_start3A_1260] : memref<6x512x32xf32, #tpu.memory_space<vmem>> -> memref<1x512x32xf32, #tpu.memory_space<vmem>>
    %dma_start3A_1262 = tpu.memref_squeeze %dma_start3A_1261 : memref<1x512x32xf32, #tpu.memory_space<vmem>> -> memref<512x32xf32, #tpu.memory_space<vmem>>
    tpu.enqueue_dma source(%dma_start3A_1262 : memref<512x32xf32, #tpu.memory_space<vmem>>) target(%dma_start3A_1258 : memref<512x32xf32, #tpu.memory_space<hbm>>) target_semaphore(%arg14 : memref<!tpu.dma_semaphore, #tpu.memory_space<semaphore_mem>>)
    %dma_wait3A_1263 = arith.constant 0 : i32
    %dma_wait3A_1264 = arith.constant 0 : i32
    %dma_wait3A_1265 = arith.constant 0 : i32
    %dma_wait3A_1266 = tpu.memref_slice %arg6[%dma_wait3A_1263, %dma_wait3A_1264, %dma_wait3A_1265] : memref<6x512x32xf32, #tpu.memory_space<vmem>> -> memref<1x512x32xf32, #tpu.memory_space<vmem>>
    %dma_wait3A_1267 = tpu.memref_squeeze %dma_wait3A_1266 : memref<1x512x32xf32, #tpu.memory_space<vmem>> -> memref<512x32xf32, #tpu.memory_space<vmem>>
    %dma_wait3A_1268 = arith.constant 0 : i32
    %dma_wait3A_1269 = tpu.memref_slice %arg4[%add3A_1201, %dma_wait3A_1268] : memref<819200x32xf32, #tpu.memory_space<hbm>> -> memref<512x32xf32, #tpu.memory_space<hbm>>
    %dma_wait3A_1270 = arith.constant 0 : i32
    %dma_wait3A_1271 = tpu.memref_slice %arg4[%add3A_1201, %dma_wait3A_1270] : memref<819200x32xf32, #tpu.memory_space<hbm>> -> memref<512x32xf32, #tpu.memory_space<hbm>>
    %dma_wait3A_1272 = arith.constant 0 : i32
    %dma_wait3A_1273 = arith.constant 0 : i32
    %dma_wait3A_1274 = tpu.memref_slice %arg6[%dma_wait3A_1263, %dma_wait3A_1272, %dma_wait3A_1273] : memref<6x512x32xf32, #tpu.memory_space<vmem>> -> memref<1x512x32xf32, #tpu.memory_space<vmem>>
    %dma_wait3A_1275 = tpu.memref_squeeze %dma_wait3A_1274 : memref<1x512x32xf32, #tpu.memory_space<vmem>> -> memref<512x32xf32, #tpu.memory_space<vmem>>
    tpu.wait_dma2 semaphore(%arg13 : memref<!tpu.dma_semaphore, #tpu.memory_space<semaphore_mem>>) src(%dma_wait3A_1275 : memref<512x32xf32, #tpu.memory_space<vmem>>) dst(%dma_wait3A_1271 : memref<512x32xf32, #tpu.memory_space<hbm>>)
    %dma_start3A_1276 = arith.constant 0 : i32
    %dma_start3A_1277 = arith.constant 0 : i32
    %dma_start3A_1278 = arith.constant 0 : i32
    %dma_start3A_1279 = tpu.memref_slice %arg6[%dma_start3A_1276, %dma_start3A_1277, %dma_start3A_1278] : memref<6x512x32xf32, #tpu.memory_space<vmem>> -> memref<1x512x32xf32, #tpu.memory_space<vmem>>
    %dma_start3A_1280 = tpu.memref_squeeze %dma_start3A_1279 : memref<1x512x32xf32, #tpu.memory_space<vmem>> -> memref<512x32xf32, #tpu.memory_space<vmem>>
    %dma_start3A_1281 = arith.constant 15360 : i32
    %dma_start3A_1282 = tpu.memref_slice %arg5[%dma_start3A_1281] : memref<25600xi32, #tpu.memory_space<vmem>> -> memref<512xi32, #tpu.memory_space<vmem>>
    %dma_start3A_1283 = arith.constant 0 : i32
    %dma_start3A_1284 = arith.constant 0 : i32
    %dma_start3A_1285 = tpu.memref_slice %arg2[%dma_start3A_1283, %dma_start3A_1284] : memref<1000000x32xf32, #tpu.memory_space<hbm>> -> memref<1000000x32xf32, #tpu.memory_space<hbm>>
    tpu.enqueue_indirect_dma source(%dma_start3A_1285 : memref<1000000x32xf32, #tpu.memory_space<hbm>>) target(%dma_start3A_1280 : memref<512x32xf32, #tpu.memory_space<vmem>>) offsets(%dma_start3A_1282 : memref<512xi32, #tpu.memory_space<vmem>>) semaphore(%arg7 : memref<!tpu.dma_semaphore, #tpu.memory_space<semaphore_mem>>)
    %dma_wait3A_1286 = arith.constant 2 : i32
    %dma_wait3A_1287 = arith.constant 0 : i32
    %dma_wait3A_1288 = arith.constant 0 : i32
    %dma_wait3A_1289 = tpu.memref_slice %arg6[%dma_wait3A_1286, %dma_wait3A_1287, %dma_wait3A_1288] : memref<6x512x32xf32, #tpu.memory_space<vmem>> -> memref<1x512x32xf32, #tpu.memory_space<vmem>>
    %dma_wait3A_1290 = tpu.memref_squeeze %dma_wait3A_1289 : memref<1x512x32xf32, #tpu.memory_space<vmem>> -> memref<512x32xf32, #tpu.memory_space<vmem>>
    %dma_wait3A_1291 = arith.constant 13312 : i32
    %dma_wait3A_1292 = tpu.memref_slice %arg5[%dma_wait3A_1291] : memref<25600xi32, #tpu.memory_space<vmem>> -> memref<512xi32, #tpu.memory_space<vmem>>
    %dma_wait3A_1293 = arith.constant 0 : i32
    %dma_wait3A_1294 = arith.constant 0 : i32
    %dma_wait3A_1295 = tpu.memref_slice %arg2[%dma_wait3A_1293, %dma_wait3A_1294] : memref<1000000x32xf32, #tpu.memory_space<hbm>> -> memref<1000000x32xf32, #tpu.memory_space<hbm>>
    tpu.wait_indirect_dma semaphore(%arg9 : memref<!tpu.dma_semaphore, #tpu.memory_space<semaphore_mem>>) src(%dma_wait3A_1295 : memref<1000000x32xf32, #tpu.memory_space<hbm>>) dst(%dma_wait3A_1290 : memref<512x32xf32, #tpu.memory_space<vmem>>)
    %add3A_1296 = arith.constant 13312 : i32
    %add3A_1297 = arith.addi %mul3A_2, %add3A_1296 : i32
    %dma_start3A_1298 = arith.constant 2 : i32
    %dma_start3A_1299 = arith.constant 0 : i32
    %dma_start3A_1300 = arith.constant 0 : i32
    %dma_start3A_1301 = tpu.memref_slice %arg6[%dma_start3A_1298, %dma_start3A_1299, %dma_start3A_1300] : memref<6x512x32xf32, #tpu.memory_space<vmem>> -> memref<1x512x32xf32, #tpu.memory_space<vmem>>
    %dma_start3A_1302 = tpu.memref_squeeze %dma_start3A_1301 : memref<1x512x32xf32, #tpu.memory_space<vmem>> -> memref<512x32xf32, #tpu.memory_space<vmem>>
    %dma_start3A_1303 = arith.constant 0 : i32
    %dma_start3A_1304 = tpu.memref_slice %arg4[%add3A_1297, %dma_start3A_1303] : memref<819200x32xf32, #tpu.memory_space<hbm>> -> memref<512x32xf32, #tpu.memory_space<hbm>>
    %dma_start3A_1305 = arith.constant 0 : i32
    %dma_start3A_1306 = tpu.memref_slice %arg4[%add3A_1297, %dma_start3A_1305] : memref<819200x32xf32, #tpu.memory_space<hbm>> -> memref<512x32xf32, #tpu.memory_space<hbm>>
    %dma_start3A_1307 = arith.constant 0 : i32
    %dma_start3A_1308 = arith.constant 0 : i32
    %dma_start3A_1309 = tpu.memref_slice %arg6[%dma_start3A_1298, %dma_start3A_1307, %dma_start3A_1308] : memref<6x512x32xf32, #tpu.memory_space<vmem>> -> memref<1x512x32xf32, #tpu.memory_space<vmem>>
    %dma_start3A_1310 = tpu.memref_squeeze %dma_start3A_1309 : memref<1x512x32xf32, #tpu.memory_space<vmem>> -> memref<512x32xf32, #tpu.memory_space<vmem>>
    tpu.enqueue_dma source(%dma_start3A_1310 : memref<512x32xf32, #tpu.memory_space<vmem>>) target(%dma_start3A_1306 : memref<512x32xf32, #tpu.memory_space<hbm>>) target_semaphore(%arg15 : memref<!tpu.dma_semaphore, #tpu.memory_space<semaphore_mem>>)
    %dma_wait3A_1311 = arith.constant 1 : i32
    %dma_wait3A_1312 = arith.constant 0 : i32
    %dma_wait3A_1313 = arith.constant 0 : i32
    %dma_wait3A_1314 = tpu.memref_slice %arg6[%dma_wait3A_1311, %dma_wait3A_1312, %dma_wait3A_1313] : memref<6x512x32xf32, #tpu.memory_space<vmem>> -> memref<1x512x32xf32, #tpu.memory_space<vmem>>
    %dma_wait3A_1315 = tpu.memref_squeeze %dma_wait3A_1314 : memref<1x512x32xf32, #tpu.memory_space<vmem>> -> memref<512x32xf32, #tpu.memory_space<vmem>>
    %dma_wait3A_1316 = arith.constant 0 : i32
    %dma_wait3A_1317 = tpu.memref_slice %arg4[%add3A_1249, %dma_wait3A_1316] : memref<819200x32xf32, #tpu.memory_space<hbm>> -> memref<512x32xf32, #tpu.memory_space<hbm>>
    %dma_wait3A_1318 = arith.constant 0 : i32
    %dma_wait3A_1319 = tpu.memref_slice %arg4[%add3A_1249, %dma_wait3A_1318] : memref<819200x32xf32, #tpu.memory_space<hbm>> -> memref<512x32xf32, #tpu.memory_space<hbm>>
    %dma_wait3A_1320 = arith.constant 0 : i32
    %dma_wait3A_1321 = arith.constant 0 : i32
    %dma_wait3A_1322 = tpu.memref_slice %arg6[%dma_wait3A_1311, %dma_wait3A_1320, %dma_wait3A_1321] : memref<6x512x32xf32, #tpu.memory_space<vmem>> -> memref<1x512x32xf32, #tpu.memory_space<vmem>>
    %dma_wait3A_1323 = tpu.memref_squeeze %dma_wait3A_1322 : memref<1x512x32xf32, #tpu.memory_space<vmem>> -> memref<512x32xf32, #tpu.memory_space<vmem>>
    tpu.wait_dma2 semaphore(%arg14 : memref<!tpu.dma_semaphore, #tpu.memory_space<semaphore_mem>>) src(%dma_wait3A_1323 : memref<512x32xf32, #tpu.memory_space<vmem>>) dst(%dma_wait3A_1319 : memref<512x32xf32, #tpu.memory_space<hbm>>)
    %dma_start3A_1324 = arith.constant 1 : i32
    %dma_start3A_1325 = arith.constant 0 : i32
    %dma_start3A_1326 = arith.constant 0 : i32
    %dma_start3A_1327 = tpu.memref_slice %arg6[%dma_start3A_1324, %dma_start3A_1325, %dma_start3A_1326] : memref<6x512x32xf32, #tpu.memory_space<vmem>> -> memref<1x512x32xf32, #tpu.memory_space<vmem>>
    %dma_start3A_1328 = tpu.memref_squeeze %dma_start3A_1327 : memref<1x512x32xf32, #tpu.memory_space<vmem>> -> memref<512x32xf32, #tpu.memory_space<vmem>>
    %dma_start3A_1329 = arith.constant 15872 : i32
    %dma_start3A_1330 = tpu.memref_slice %arg5[%dma_start3A_1329] : memref<25600xi32, #tpu.memory_space<vmem>> -> memref<512xi32, #tpu.memory_space<vmem>>
    %dma_start3A_1331 = arith.constant 0 : i32
    %dma_start3A_1332 = arith.constant 0 : i32
    %dma_start3A_1333 = tpu.memref_slice %arg2[%dma_start3A_1331, %dma_start3A_1332] : memref<1000000x32xf32, #tpu.memory_space<hbm>> -> memref<1000000x32xf32, #tpu.memory_space<hbm>>
    tpu.enqueue_indirect_dma source(%dma_start3A_1333 : memref<1000000x32xf32, #tpu.memory_space<hbm>>) target(%dma_start3A_1328 : memref<512x32xf32, #tpu.memory_space<vmem>>) offsets(%dma_start3A_1330 : memref<512xi32, #tpu.memory_space<vmem>>) semaphore(%arg8 : memref<!tpu.dma_semaphore, #tpu.memory_space<semaphore_mem>>)
    %dma_wait3A_1334 = arith.constant 3 : i32
    %dma_wait3A_1335 = arith.constant 0 : i32
    %dma_wait3A_1336 = arith.constant 0 : i32
    %dma_wait3A_1337 = tpu.memref_slice %arg6[%dma_wait3A_1334, %dma_wait3A_1335, %dma_wait3A_1336] : memref<6x512x32xf32, #tpu.memory_space<vmem>> -> memref<1x512x32xf32, #tpu.memory_space<vmem>>
    %dma_wait3A_1338 = tpu.memref_squeeze %dma_wait3A_1337 : memref<1x512x32xf32, #tpu.memory_space<vmem>> -> memref<512x32xf32, #tpu.memory_space<vmem>>
    %dma_wait3A_1339 = arith.constant 13824 : i32
    %dma_wait3A_1340 = tpu.memref_slice %arg5[%dma_wait3A_1339] : memref<25600xi32, #tpu.memory_space<vmem>> -> memref<512xi32, #tpu.memory_space<vmem>>
    %dma_wait3A_1341 = arith.constant 0 : i32
    %dma_wait3A_1342 = arith.constant 0 : i32
    %dma_wait3A_1343 = tpu.memref_slice %arg2[%dma_wait3A_1341, %dma_wait3A_1342] : memref<1000000x32xf32, #tpu.memory_space<hbm>> -> memref<1000000x32xf32, #tpu.memory_space<hbm>>
    tpu.wait_indirect_dma semaphore(%arg10 : memref<!tpu.dma_semaphore, #tpu.memory_space<semaphore_mem>>) src(%dma_wait3A_1343 : memref<1000000x32xf32, #tpu.memory_space<hbm>>) dst(%dma_wait3A_1338 : memref<512x32xf32, #tpu.memory_space<vmem>>)
    %add3A_1344 = arith.constant 13824 : i32
    %add3A_1345 = arith.addi %mul3A_2, %add3A_1344 : i32
    %dma_start3A_1346 = arith.constant 3 : i32
    %dma_start3A_1347 = arith.constant 0 : i32
    %dma_start3A_1348 = arith.constant 0 : i32
    %dma_start3A_1349 = tpu.memref_slice %arg6[%dma_start3A_1346, %dma_start3A_1347, %dma_start3A_1348] : memref<6x512x32xf32, #tpu.memory_space<vmem>> -> memref<1x512x32xf32, #tpu.memory_space<vmem>>
    %dma_start3A_1350 = tpu.memref_squeeze %dma_start3A_1349 : memref<1x512x32xf32, #tpu.memory_space<vmem>> -> memref<512x32xf32, #tpu.memory_space<vmem>>
    %dma_start3A_1351 = arith.constant 0 : i32
    %dma_start3A_1352 = tpu.memref_slice %arg4[%add3A_1345, %dma_start3A_1351] : memref<819200x32xf32, #tpu.memory_space<hbm>> -> memref<512x32xf32, #tpu.memory_space<hbm>>
    %dma_start3A_1353 = arith.constant 0 : i32
    %dma_start3A_1354 = tpu.memref_slice %arg4[%add3A_1345, %dma_start3A_1353] : memref<819200x32xf32, #tpu.memory_space<hbm>> -> memref<512x32xf32, #tpu.memory_space<hbm>>
    %dma_start3A_1355 = arith.constant 0 : i32
    %dma_start3A_1356 = arith.constant 0 : i32
    %dma_start3A_1357 = tpu.memref_slice %arg6[%dma_start3A_1346, %dma_start3A_1355, %dma_start3A_1356] : memref<6x512x32xf32, #tpu.memory_space<vmem>> -> memref<1x512x32xf32, #tpu.memory_space<vmem>>
    %dma_start3A_1358 = tpu.memref_squeeze %dma_start3A_1357 : memref<1x512x32xf32, #tpu.memory_space<vmem>> -> memref<512x32xf32, #tpu.memory_space<vmem>>
    tpu.enqueue_dma source(%dma_start3A_1358 : memref<512x32xf32, #tpu.memory_space<vmem>>) target(%dma_start3A_1354 : memref<512x32xf32, #tpu.memory_space<hbm>>) target_semaphore(%arg16 : memref<!tpu.dma_semaphore, #tpu.memory_space<semaphore_mem>>)
    %dma_wait3A_1359 = arith.constant 2 : i32
    %dma_wait3A_1360 = arith.constant 0 : i32
    %dma_wait3A_1361 = arith.constant 0 : i32
    %dma_wait3A_1362 = tpu.memref_slice %arg6[%dma_wait3A_1359, %dma_wait3A_1360, %dma_wait3A_1361] : memref<6x512x32xf32, #tpu.memory_space<vmem>> -> memref<1x512x32xf32, #tpu.memory_space<vmem>>
    %dma_wait3A_1363 = tpu.memref_squeeze %dma_wait3A_1362 : memref<1x512x32xf32, #tpu.memory_space<vmem>> -> memref<512x32xf32, #tpu.memory_space<vmem>>
    %dma_wait3A_1364 = arith.constant 0 : i32
    %dma_wait3A_1365 = tpu.memref_slice %arg4[%add3A_1297, %dma_wait3A_1364] : memref<819200x32xf32, #tpu.memory_space<hbm>> -> memref<512x32xf32, #tpu.memory_space<hbm>>
    %dma_wait3A_1366 = arith.constant 0 : i32
    %dma_wait3A_1367 = tpu.memref_slice %arg4[%add3A_1297, %dma_wait3A_1366] : memref<819200x32xf32, #tpu.memory_space<hbm>> -> memref<512x32xf32, #tpu.memory_space<hbm>>
    %dma_wait3A_1368 = arith.constant 0 : i32
    %dma_wait3A_1369 = arith.constant 0 : i32
    %dma_wait3A_1370 = tpu.memref_slice %arg6[%dma_wait3A_1359, %dma_wait3A_1368, %dma_wait3A_1369] : memref<6x512x32xf32, #tpu.memory_space<vmem>> -> memref<1x512x32xf32, #tpu.memory_space<vmem>>
    %dma_wait3A_1371 = tpu.memref_squeeze %dma_wait3A_1370 : memref<1x512x32xf32, #tpu.memory_space<vmem>> -> memref<512x32xf32, #tpu.memory_space<vmem>>
    tpu.wait_dma2 semaphore(%arg15 : memref<!tpu.dma_semaphore, #tpu.memory_space<semaphore_mem>>) src(%dma_wait3A_1371 : memref<512x32xf32, #tpu.memory_space<vmem>>) dst(%dma_wait3A_1367 : memref<512x32xf32, #tpu.memory_space<hbm>>)
    %dma_start3A_1372 = arith.constant 2 : i32
    %dma_start3A_1373 = arith.constant 0 : i32
    %dma_start3A_1374 = arith.constant 0 : i32
    %dma_start3A_1375 = tpu.memref_slice %arg6[%dma_start3A_1372, %dma_start3A_1373, %dma_start3A_1374] : memref<6x512x32xf32, #tpu.memory_space<vmem>> -> memref<1x512x32xf32, #tpu.memory_space<vmem>>
    %dma_start3A_1376 = tpu.memref_squeeze %dma_start3A_1375 : memref<1x512x32xf32, #tpu.memory_space<vmem>> -> memref<512x32xf32, #tpu.memory_space<vmem>>
    %dma_start3A_1377 = arith.constant 16384 : i32
    %dma_start3A_1378 = tpu.memref_slice %arg5[%dma_start3A_1377] : memref<25600xi32, #tpu.memory_space<vmem>> -> memref<512xi32, #tpu.memory_space<vmem>>
    %dma_start3A_1379 = arith.constant 0 : i32
    %dma_start3A_1380 = arith.constant 0 : i32
    %dma_start3A_1381 = tpu.memref_slice %arg2[%dma_start3A_1379, %dma_start3A_1380] : memref<1000000x32xf32, #tpu.memory_space<hbm>> -> memref<1000000x32xf32, #tpu.memory_space<hbm>>
    tpu.enqueue_indirect_dma source(%dma_start3A_1381 : memref<1000000x32xf32, #tpu.memory_space<hbm>>) target(%dma_start3A_1376 : memref<512x32xf32, #tpu.memory_space<vmem>>) offsets(%dma_start3A_1378 : memref<512xi32, #tpu.memory_space<vmem>>) semaphore(%arg9 : memref<!tpu.dma_semaphore, #tpu.memory_space<semaphore_mem>>)
    %dma_wait3A_1382 = arith.constant 4 : i32
    %dma_wait3A_1383 = arith.constant 0 : i32
    %dma_wait3A_1384 = arith.constant 0 : i32
    %dma_wait3A_1385 = tpu.memref_slice %arg6[%dma_wait3A_1382, %dma_wait3A_1383, %dma_wait3A_1384] : memref<6x512x32xf32, #tpu.memory_space<vmem>> -> memref<1x512x32xf32, #tpu.memory_space<vmem>>
    %dma_wait3A_1386 = tpu.memref_squeeze %dma_wait3A_1385 : memref<1x512x32xf32, #tpu.memory_space<vmem>> -> memref<512x32xf32, #tpu.memory_space<vmem>>
    %dma_wait3A_1387 = arith.constant 14336 : i32
    %dma_wait3A_1388 = tpu.memref_slice %arg5[%dma_wait3A_1387] : memref<25600xi32, #tpu.memory_space<vmem>> -> memref<512xi32, #tpu.memory_space<vmem>>
    %dma_wait3A_1389 = arith.constant 0 : i32
    %dma_wait3A_1390 = arith.constant 0 : i32
    %dma_wait3A_1391 = tpu.memref_slice %arg2[%dma_wait3A_1389, %dma_wait3A_1390] : memref<1000000x32xf32, #tpu.memory_space<hbm>> -> memref<1000000x32xf32, #tpu.memory_space<hbm>>
    tpu.wait_indirect_dma semaphore(%arg11 : memref<!tpu.dma_semaphore, #tpu.memory_space<semaphore_mem>>) src(%dma_wait3A_1391 : memref<1000000x32xf32, #tpu.memory_space<hbm>>) dst(%dma_wait3A_1386 : memref<512x32xf32, #tpu.memory_space<vmem>>)
    %add3A_1392 = arith.constant 14336 : i32
    %add3A_1393 = arith.addi %mul3A_2, %add3A_1392 : i32
    %dma_start3A_1394 = arith.constant 4 : i32
    %dma_start3A_1395 = arith.constant 0 : i32
    %dma_start3A_1396 = arith.constant 0 : i32
    %dma_start3A_1397 = tpu.memref_slice %arg6[%dma_start3A_1394, %dma_start3A_1395, %dma_start3A_1396] : memref<6x512x32xf32, #tpu.memory_space<vmem>> -> memref<1x512x32xf32, #tpu.memory_space<vmem>>
    %dma_start3A_1398 = tpu.memref_squeeze %dma_start3A_1397 : memref<1x512x32xf32, #tpu.memory_space<vmem>> -> memref<512x32xf32, #tpu.memory_space<vmem>>
    %dma_start3A_1399 = arith.constant 0 : i32
    %dma_start3A_1400 = tpu.memref_slice %arg4[%add3A_1393, %dma_start3A_1399] : memref<819200x32xf32, #tpu.memory_space<hbm>> -> memref<512x32xf32, #tpu.memory_space<hbm>>
    %dma_start3A_1401 = arith.constant 0 : i32
    %dma_start3A_1402 = tpu.memref_slice %arg4[%add3A_1393, %dma_start3A_1401] : memref<819200x32xf32, #tpu.memory_space<hbm>> -> memref<512x32xf32, #tpu.memory_space<hbm>>
    %dma_start3A_1403 = arith.constant 0 : i32
    %dma_start3A_1404 = arith.constant 0 : i32
    %dma_start3A_1405 = tpu.memref_slice %arg6[%dma_start3A_1394, %dma_start3A_1403, %dma_start3A_1404] : memref<6x512x32xf32, #tpu.memory_space<vmem>> -> memref<1x512x32xf32, #tpu.memory_space<vmem>>
    %dma_start3A_1406 = tpu.memref_squeeze %dma_start3A_1405 : memref<1x512x32xf32, #tpu.memory_space<vmem>> -> memref<512x32xf32, #tpu.memory_space<vmem>>
    tpu.enqueue_dma source(%dma_start3A_1406 : memref<512x32xf32, #tpu.memory_space<vmem>>) target(%dma_start3A_1402 : memref<512x32xf32, #tpu.memory_space<hbm>>) target_semaphore(%arg17 : memref<!tpu.dma_semaphore, #tpu.memory_space<semaphore_mem>>)
    %dma_wait3A_1407 = arith.constant 3 : i32
    %dma_wait3A_1408 = arith.constant 0 : i32
    %dma_wait3A_1409 = arith.constant 0 : i32
    %dma_wait3A_1410 = tpu.memref_slice %arg6[%dma_wait3A_1407, %dma_wait3A_1408, %dma_wait3A_1409] : memref<6x512x32xf32, #tpu.memory_space<vmem>> -> memref<1x512x32xf32, #tpu.memory_space<vmem>>
    %dma_wait3A_1411 = tpu.memref_squeeze %dma_wait3A_1410 : memref<1x512x32xf32, #tpu.memory_space<vmem>> -> memref<512x32xf32, #tpu.memory_space<vmem>>
    %dma_wait3A_1412 = arith.constant 0 : i32
    %dma_wait3A_1413 = tpu.memref_slice %arg4[%add3A_1345, %dma_wait3A_1412] : memref<819200x32xf32, #tpu.memory_space<hbm>> -> memref<512x32xf32, #tpu.memory_space<hbm>>
    %dma_wait3A_1414 = arith.constant 0 : i32
    %dma_wait3A_1415 = tpu.memref_slice %arg4[%add3A_1345, %dma_wait3A_1414] : memref<819200x32xf32, #tpu.memory_space<hbm>> -> memref<512x32xf32, #tpu.memory_space<hbm>>
    %dma_wait3A_1416 = arith.constant 0 : i32
    %dma_wait3A_1417 = arith.constant 0 : i32
    %dma_wait3A_1418 = tpu.memref_slice %arg6[%dma_wait3A_1407, %dma_wait3A_1416, %dma_wait3A_1417] : memref<6x512x32xf32, #tpu.memory_space<vmem>> -> memref<1x512x32xf32, #tpu.memory_space<vmem>>
    %dma_wait3A_1419 = tpu.memref_squeeze %dma_wait3A_1418 : memref<1x512x32xf32, #tpu.memory_space<vmem>> -> memref<512x32xf32, #tpu.memory_space<vmem>>
    tpu.wait_dma2 semaphore(%arg16 : memref<!tpu.dma_semaphore, #tpu.memory_space<semaphore_mem>>) src(%dma_wait3A_1419 : memref<512x32xf32, #tpu.memory_space<vmem>>) dst(%dma_wait3A_1415 : memref<512x32xf32, #tpu.memory_space<hbm>>)
    %dma_start3A_1420 = arith.constant 3 : i32
    %dma_start3A_1421 = arith.constant 0 : i32
    %dma_start3A_1422 = arith.constant 0 : i32
    %dma_start3A_1423 = tpu.memref_slice %arg6[%dma_start3A_1420, %dma_start3A_1421, %dma_start3A_1422] : memref<6x512x32xf32, #tpu.memory_space<vmem>> -> memref<1x512x32xf32, #tpu.memory_space<vmem>>
    %dma_start3A_1424 = tpu.memref_squeeze %dma_start3A_1423 : memref<1x512x32xf32, #tpu.memory_space<vmem>> -> memref<512x32xf32, #tpu.memory_space<vmem>>
    %dma_start3A_1425 = arith.constant 16896 : i32
    %dma_start3A_1426 = tpu.memref_slice %arg5[%dma_start3A_1425] : memref<25600xi32, #tpu.memory_space<vmem>> -> memref<512xi32, #tpu.memory_space<vmem>>
    %dma_start3A_1427 = arith.constant 0 : i32
    %dma_start3A_1428 = arith.constant 0 : i32
    %dma_start3A_1429 = tpu.memref_slice %arg2[%dma_start3A_1427, %dma_start3A_1428] : memref<1000000x32xf32, #tpu.memory_space<hbm>> -> memref<1000000x32xf32, #tpu.memory_space<hbm>>
    tpu.enqueue_indirect_dma source(%dma_start3A_1429 : memref<1000000x32xf32, #tpu.memory_space<hbm>>) target(%dma_start3A_1424 : memref<512x32xf32, #tpu.memory_space<vmem>>) offsets(%dma_start3A_1426 : memref<512xi32, #tpu.memory_space<vmem>>) semaphore(%arg10 : memref<!tpu.dma_semaphore, #tpu.memory_space<semaphore_mem>>)
    %dma_wait3A_1430 = arith.constant 5 : i32
    %dma_wait3A_1431 = arith.constant 0 : i32
    %dma_wait3A_1432 = arith.constant 0 : i32
    %dma_wait3A_1433 = tpu.memref_slice %arg6[%dma_wait3A_1430, %dma_wait3A_1431, %dma_wait3A_1432] : memref<6x512x32xf32, #tpu.memory_space<vmem>> -> memref<1x512x32xf32, #tpu.memory_space<vmem>>
    %dma_wait3A_1434 = tpu.memref_squeeze %dma_wait3A_1433 : memref<1x512x32xf32, #tpu.memory_space<vmem>> -> memref<512x32xf32, #tpu.memory_space<vmem>>
    %dma_wait3A_1435 = arith.constant 14848 : i32
    %dma_wait3A_1436 = tpu.memref_slice %arg5[%dma_wait3A_1435] : memref<25600xi32, #tpu.memory_space<vmem>> -> memref<512xi32, #tpu.memory_space<vmem>>
    %dma_wait3A_1437 = arith.constant 0 : i32
    %dma_wait3A_1438 = arith.constant 0 : i32
    %dma_wait3A_1439 = tpu.memref_slice %arg2[%dma_wait3A_1437, %dma_wait3A_1438] : memref<1000000x32xf32, #tpu.memory_space<hbm>> -> memref<1000000x32xf32, #tpu.memory_space<hbm>>
    tpu.wait_indirect_dma semaphore(%arg12 : memref<!tpu.dma_semaphore, #tpu.memory_space<semaphore_mem>>) src(%dma_wait3A_1439 : memref<1000000x32xf32, #tpu.memory_space<hbm>>) dst(%dma_wait3A_1434 : memref<512x32xf32, #tpu.memory_space<vmem>>)
    %add3A_1440 = arith.constant 14848 : i32
    %add3A_1441 = arith.addi %mul3A_2, %add3A_1440 : i32
    %dma_start3A_1442 = arith.constant 5 : i32
    %dma_start3A_1443 = arith.constant 0 : i32
    %dma_start3A_1444 = arith.constant 0 : i32
    %dma_start3A_1445 = tpu.memref_slice %arg6[%dma_start3A_1442, %dma_start3A_1443, %dma_start3A_1444] : memref<6x512x32xf32, #tpu.memory_space<vmem>> -> memref<1x512x32xf32, #tpu.memory_space<vmem>>
    %dma_start3A_1446 = tpu.memref_squeeze %dma_start3A_1445 : memref<1x512x32xf32, #tpu.memory_space<vmem>> -> memref<512x32xf32, #tpu.memory_space<vmem>>
    %dma_start3A_1447 = arith.constant 0 : i32
    %dma_start3A_1448 = tpu.memref_slice %arg4[%add3A_1441, %dma_start3A_1447] : memref<819200x32xf32, #tpu.memory_space<hbm>> -> memref<512x32xf32, #tpu.memory_space<hbm>>
    %dma_start3A_1449 = arith.constant 0 : i32
    %dma_start3A_1450 = tpu.memref_slice %arg4[%add3A_1441, %dma_start3A_1449] : memref<819200x32xf32, #tpu.memory_space<hbm>> -> memref<512x32xf32, #tpu.memory_space<hbm>>
    %dma_start3A_1451 = arith.constant 0 : i32
    %dma_start3A_1452 = arith.constant 0 : i32
    %dma_start3A_1453 = tpu.memref_slice %arg6[%dma_start3A_1442, %dma_start3A_1451, %dma_start3A_1452] : memref<6x512x32xf32, #tpu.memory_space<vmem>> -> memref<1x512x32xf32, #tpu.memory_space<vmem>>
    %dma_start3A_1454 = tpu.memref_squeeze %dma_start3A_1453 : memref<1x512x32xf32, #tpu.memory_space<vmem>> -> memref<512x32xf32, #tpu.memory_space<vmem>>
    tpu.enqueue_dma source(%dma_start3A_1454 : memref<512x32xf32, #tpu.memory_space<vmem>>) target(%dma_start3A_1450 : memref<512x32xf32, #tpu.memory_space<hbm>>) target_semaphore(%arg18 : memref<!tpu.dma_semaphore, #tpu.memory_space<semaphore_mem>>)
    %dma_wait3A_1455 = arith.constant 4 : i32
    %dma_wait3A_1456 = arith.constant 0 : i32
    %dma_wait3A_1457 = arith.constant 0 : i32
    %dma_wait3A_1458 = tpu.memref_slice %arg6[%dma_wait3A_1455, %dma_wait3A_1456, %dma_wait3A_1457] : memref<6x512x32xf32, #tpu.memory_space<vmem>> -> memref<1x512x32xf32, #tpu.memory_space<vmem>>
    %dma_wait3A_1459 = tpu.memref_squeeze %dma_wait3A_1458 : memref<1x512x32xf32, #tpu.memory_space<vmem>> -> memref<512x32xf32, #tpu.memory_space<vmem>>
    %dma_wait3A_1460 = arith.constant 0 : i32
    %dma_wait3A_1461 = tpu.memref_slice %arg4[%add3A_1393, %dma_wait3A_1460] : memref<819200x32xf32, #tpu.memory_space<hbm>> -> memref<512x32xf32, #tpu.memory_space<hbm>>
    %dma_wait3A_1462 = arith.constant 0 : i32
    %dma_wait3A_1463 = tpu.memref_slice %arg4[%add3A_1393, %dma_wait3A_1462] : memref<819200x32xf32, #tpu.memory_space<hbm>> -> memref<512x32xf32, #tpu.memory_space<hbm>>
    %dma_wait3A_1464 = arith.constant 0 : i32
    %dma_wait3A_1465 = arith.constant 0 : i32
    %dma_wait3A_1466 = tpu.memref_slice %arg6[%dma_wait3A_1455, %dma_wait3A_1464, %dma_wait3A_1465] : memref<6x512x32xf32, #tpu.memory_space<vmem>> -> memref<1x512x32xf32, #tpu.memory_space<vmem>>
    %dma_wait3A_1467 = tpu.memref_squeeze %dma_wait3A_1466 : memref<1x512x32xf32, #tpu.memory_space<vmem>> -> memref<512x32xf32, #tpu.memory_space<vmem>>
    tpu.wait_dma2 semaphore(%arg17 : memref<!tpu.dma_semaphore, #tpu.memory_space<semaphore_mem>>) src(%dma_wait3A_1467 : memref<512x32xf32, #tpu.memory_space<vmem>>) dst(%dma_wait3A_1463 : memref<512x32xf32, #tpu.memory_space<hbm>>)
    %dma_start3A_1468 = arith.constant 4 : i32
    %dma_start3A_1469 = arith.constant 0 : i32
    %dma_start3A_1470 = arith.constant 0 : i32
    %dma_start3A_1471 = tpu.memref_slice %arg6[%dma_start3A_1468, %dma_start3A_1469, %dma_start3A_1470] : memref<6x512x32xf32, #tpu.memory_space<vmem>> -> memref<1x512x32xf32, #tpu.memory_space<vmem>>
    %dma_start3A_1472 = tpu.memref_squeeze %dma_start3A_1471 : memref<1x512x32xf32, #tpu.memory_space<vmem>> -> memref<512x32xf32, #tpu.memory_space<vmem>>
    %dma_start3A_1473 = arith.constant 17408 : i32
    %dma_start3A_1474 = tpu.memref_slice %arg5[%dma_start3A_1473] : memref<25600xi32, #tpu.memory_space<vmem>> -> memref<512xi32, #tpu.memory_space<vmem>>
    %dma_start3A_1475 = arith.constant 0 : i32
    %dma_start3A_1476 = arith.constant 0 : i32
    %dma_start3A_1477 = tpu.memref_slice %arg2[%dma_start3A_1475, %dma_start3A_1476] : memref<1000000x32xf32, #tpu.memory_space<hbm>> -> memref<1000000x32xf32, #tpu.memory_space<hbm>>
    tpu.enqueue_indirect_dma source(%dma_start3A_1477 : memref<1000000x32xf32, #tpu.memory_space<hbm>>) target(%dma_start3A_1472 : memref<512x32xf32, #tpu.memory_space<vmem>>) offsets(%dma_start3A_1474 : memref<512xi32, #tpu.memory_space<vmem>>) semaphore(%arg11 : memref<!tpu.dma_semaphore, #tpu.memory_space<semaphore_mem>>)
    %dma_wait3A_1478 = arith.constant 0 : i32
    %dma_wait3A_1479 = arith.constant 0 : i32
    %dma_wait3A_1480 = arith.constant 0 : i32
    %dma_wait3A_1481 = tpu.memref_slice %arg6[%dma_wait3A_1478, %dma_wait3A_1479, %dma_wait3A_1480] : memref<6x512x32xf32, #tpu.memory_space<vmem>> -> memref<1x512x32xf32, #tpu.memory_space<vmem>>
    %dma_wait3A_1482 = tpu.memref_squeeze %dma_wait3A_1481 : memref<1x512x32xf32, #tpu.memory_space<vmem>> -> memref<512x32xf32, #tpu.memory_space<vmem>>
    %dma_wait3A_1483 = arith.constant 15360 : i32
    %dma_wait3A_1484 = tpu.memref_slice %arg5[%dma_wait3A_1483] : memref<25600xi32, #tpu.memory_space<vmem>> -> memref<512xi32, #tpu.memory_space<vmem>>
    %dma_wait3A_1485 = arith.constant 0 : i32
    %dma_wait3A_1486 = arith.constant 0 : i32
    %dma_wait3A_1487 = tpu.memref_slice %arg2[%dma_wait3A_1485, %dma_wait3A_1486] : memref<1000000x32xf32, #tpu.memory_space<hbm>> -> memref<1000000x32xf32, #tpu.memory_space<hbm>>
    tpu.wait_indirect_dma semaphore(%arg7 : memref<!tpu.dma_semaphore, #tpu.memory_space<semaphore_mem>>) src(%dma_wait3A_1487 : memref<1000000x32xf32, #tpu.memory_space<hbm>>) dst(%dma_wait3A_1482 : memref<512x32xf32, #tpu.memory_space<vmem>>)
    %add3A_1488 = arith.constant 15360 : i32
    %add3A_1489 = arith.addi %mul3A_2, %add3A_1488 : i32
    %dma_start3A_1490 = arith.constant 0 : i32
    %dma_start3A_1491 = arith.constant 0 : i32
    %dma_start3A_1492 = arith.constant 0 : i32
    %dma_start3A_1493 = tpu.memref_slice %arg6[%dma_start3A_1490, %dma_start3A_1491, %dma_start3A_1492] : memref<6x512x32xf32, #tpu.memory_space<vmem>> -> memref<1x512x32xf32, #tpu.memory_space<vmem>>
    %dma_start3A_1494 = tpu.memref_squeeze %dma_start3A_1493 : memref<1x512x32xf32, #tpu.memory_space<vmem>> -> memref<512x32xf32, #tpu.memory_space<vmem>>
    %dma_start3A_1495 = arith.constant 0 : i32
    %dma_start3A_1496 = tpu.memref_slice %arg4[%add3A_1489, %dma_start3A_1495] : memref<819200x32xf32, #tpu.memory_space<hbm>> -> memref<512x32xf32, #tpu.memory_space<hbm>>
    %dma_start3A_1497 = arith.constant 0 : i32
    %dma_start3A_1498 = tpu.memref_slice %arg4[%add3A_1489, %dma_start3A_1497] : memref<819200x32xf32, #tpu.memory_space<hbm>> -> memref<512x32xf32, #tpu.memory_space<hbm>>
    %dma_start3A_1499 = arith.constant 0 : i32
    %dma_start3A_1500 = arith.constant 0 : i32
    %dma_start3A_1501 = tpu.memref_slice %arg6[%dma_start3A_1490, %dma_start3A_1499, %dma_start3A_1500] : memref<6x512x32xf32, #tpu.memory_space<vmem>> -> memref<1x512x32xf32, #tpu.memory_space<vmem>>
    %dma_start3A_1502 = tpu.memref_squeeze %dma_start3A_1501 : memref<1x512x32xf32, #tpu.memory_space<vmem>> -> memref<512x32xf32, #tpu.memory_space<vmem>>
    tpu.enqueue_dma source(%dma_start3A_1502 : memref<512x32xf32, #tpu.memory_space<vmem>>) target(%dma_start3A_1498 : memref<512x32xf32, #tpu.memory_space<hbm>>) target_semaphore(%arg13 : memref<!tpu.dma_semaphore, #tpu.memory_space<semaphore_mem>>)
    %dma_wait3A_1503 = arith.constant 5 : i32
    %dma_wait3A_1504 = arith.constant 0 : i32
    %dma_wait3A_1505 = arith.constant 0 : i32
    %dma_wait3A_1506 = tpu.memref_slice %arg6[%dma_wait3A_1503, %dma_wait3A_1504, %dma_wait3A_1505] : memref<6x512x32xf32, #tpu.memory_space<vmem>> -> memref<1x512x32xf32, #tpu.memory_space<vmem>>
    %dma_wait3A_1507 = tpu.memref_squeeze %dma_wait3A_1506 : memref<1x512x32xf32, #tpu.memory_space<vmem>> -> memref<512x32xf32, #tpu.memory_space<vmem>>
    %dma_wait3A_1508 = arith.constant 0 : i32
    %dma_wait3A_1509 = tpu.memref_slice %arg4[%add3A_1441, %dma_wait3A_1508] : memref<819200x32xf32, #tpu.memory_space<hbm>> -> memref<512x32xf32, #tpu.memory_space<hbm>>
    %dma_wait3A_1510 = arith.constant 0 : i32
    %dma_wait3A_1511 = tpu.memref_slice %arg4[%add3A_1441, %dma_wait3A_1510] : memref<819200x32xf32, #tpu.memory_space<hbm>> -> memref<512x32xf32, #tpu.memory_space<hbm>>
    %dma_wait3A_1512 = arith.constant 0 : i32
    %dma_wait3A_1513 = arith.constant 0 : i32
    %dma_wait3A_1514 = tpu.memref_slice %arg6[%dma_wait3A_1503, %dma_wait3A_1512, %dma_wait3A_1513] : memref<6x512x32xf32, #tpu.memory_space<vmem>> -> memref<1x512x32xf32, #tpu.memory_space<vmem>>
    %dma_wait3A_1515 = tpu.memref_squeeze %dma_wait3A_1514 : memref<1x512x32xf32, #tpu.memory_space<vmem>> -> memref<512x32xf32, #tpu.memory_space<vmem>>
    tpu.wait_dma2 semaphore(%arg18 : memref<!tpu.dma_semaphore, #tpu.memory_space<semaphore_mem>>) src(%dma_wait3A_1515 : memref<512x32xf32, #tpu.memory_space<vmem>>) dst(%dma_wait3A_1511 : memref<512x32xf32, #tpu.memory_space<hbm>>)
    %dma_start3A_1516 = arith.constant 5 : i32
    %dma_start3A_1517 = arith.constant 0 : i32
    %dma_start3A_1518 = arith.constant 0 : i32
    %dma_start3A_1519 = tpu.memref_slice %arg6[%dma_start3A_1516, %dma_start3A_1517, %dma_start3A_1518] : memref<6x512x32xf32, #tpu.memory_space<vmem>> -> memref<1x512x32xf32, #tpu.memory_space<vmem>>
    %dma_start3A_1520 = tpu.memref_squeeze %dma_start3A_1519 : memref<1x512x32xf32, #tpu.memory_space<vmem>> -> memref<512x32xf32, #tpu.memory_space<vmem>>
    %dma_start3A_1521 = arith.constant 17920 : i32
    %dma_start3A_1522 = tpu.memref_slice %arg5[%dma_start3A_1521] : memref<25600xi32, #tpu.memory_space<vmem>> -> memref<512xi32, #tpu.memory_space<vmem>>
    %dma_start3A_1523 = arith.constant 0 : i32
    %dma_start3A_1524 = arith.constant 0 : i32
    %dma_start3A_1525 = tpu.memref_slice %arg2[%dma_start3A_1523, %dma_start3A_1524] : memref<1000000x32xf32, #tpu.memory_space<hbm>> -> memref<1000000x32xf32, #tpu.memory_space<hbm>>
    tpu.enqueue_indirect_dma source(%dma_start3A_1525 : memref<1000000x32xf32, #tpu.memory_space<hbm>>) target(%dma_start3A_1520 : memref<512x32xf32, #tpu.memory_space<vmem>>) offsets(%dma_start3A_1522 : memref<512xi32, #tpu.memory_space<vmem>>) semaphore(%arg12 : memref<!tpu.dma_semaphore, #tpu.memory_space<semaphore_mem>>)
    %dma_wait3A_1526 = arith.constant 1 : i32
    %dma_wait3A_1527 = arith.constant 0 : i32
    %dma_wait3A_1528 = arith.constant 0 : i32
    %dma_wait3A_1529 = tpu.memref_slice %arg6[%dma_wait3A_1526, %dma_wait3A_1527, %dma_wait3A_1528] : memref<6x512x32xf32, #tpu.memory_space<vmem>> -> memref<1x512x32xf32, #tpu.memory_space<vmem>>
    %dma_wait3A_1530 = tpu.memref_squeeze %dma_wait3A_1529 : memref<1x512x32xf32, #tpu.memory_space<vmem>> -> memref<512x32xf32, #tpu.memory_space<vmem>>
    %dma_wait3A_1531 = arith.constant 15872 : i32
    %dma_wait3A_1532 = tpu.memref_slice %arg5[%dma_wait3A_1531] : memref<25600xi32, #tpu.memory_space<vmem>> -> memref<512xi32, #tpu.memory_space<vmem>>
    %dma_wait3A_1533 = arith.constant 0 : i32
    %dma_wait3A_1534 = arith.constant 0 : i32
    %dma_wait3A_1535 = tpu.memref_slice %arg2[%dma_wait3A_1533, %dma_wait3A_1534] : memref<1000000x32xf32, #tpu.memory_space<hbm>> -> memref<1000000x32xf32, #tpu.memory_space<hbm>>
    tpu.wait_indirect_dma semaphore(%arg8 : memref<!tpu.dma_semaphore, #tpu.memory_space<semaphore_mem>>) src(%dma_wait3A_1535 : memref<1000000x32xf32, #tpu.memory_space<hbm>>) dst(%dma_wait3A_1530 : memref<512x32xf32, #tpu.memory_space<vmem>>)
    %add3A_1536 = arith.constant 15872 : i32
    %add3A_1537 = arith.addi %mul3A_2, %add3A_1536 : i32
    %dma_start3A_1538 = arith.constant 1 : i32
    %dma_start3A_1539 = arith.constant 0 : i32
    %dma_start3A_1540 = arith.constant 0 : i32
    %dma_start3A_1541 = tpu.memref_slice %arg6[%dma_start3A_1538, %dma_start3A_1539, %dma_start3A_1540] : memref<6x512x32xf32, #tpu.memory_space<vmem>> -> memref<1x512x32xf32, #tpu.memory_space<vmem>>
    %dma_start3A_1542 = tpu.memref_squeeze %dma_start3A_1541 : memref<1x512x32xf32, #tpu.memory_space<vmem>> -> memref<512x32xf32, #tpu.memory_space<vmem>>
    %dma_start3A_1543 = arith.constant 0 : i32
    %dma_start3A_1544 = tpu.memref_slice %arg4[%add3A_1537, %dma_start3A_1543] : memref<819200x32xf32, #tpu.memory_space<hbm>> -> memref<512x32xf32, #tpu.memory_space<hbm>>
    %dma_start3A_1545 = arith.constant 0 : i32
    %dma_start3A_1546 = tpu.memref_slice %arg4[%add3A_1537, %dma_start3A_1545] : memref<819200x32xf32, #tpu.memory_space<hbm>> -> memref<512x32xf32, #tpu.memory_space<hbm>>
    %dma_start3A_1547 = arith.constant 0 : i32
    %dma_start3A_1548 = arith.constant 0 : i32
    %dma_start3A_1549 = tpu.memref_slice %arg6[%dma_start3A_1538, %dma_start3A_1547, %dma_start3A_1548] : memref<6x512x32xf32, #tpu.memory_space<vmem>> -> memref<1x512x32xf32, #tpu.memory_space<vmem>>
    %dma_start3A_1550 = tpu.memref_squeeze %dma_start3A_1549 : memref<1x512x32xf32, #tpu.memory_space<vmem>> -> memref<512x32xf32, #tpu.memory_space<vmem>>
    tpu.enqueue_dma source(%dma_start3A_1550 : memref<512x32xf32, #tpu.memory_space<vmem>>) target(%dma_start3A_1546 : memref<512x32xf32, #tpu.memory_space<hbm>>) target_semaphore(%arg14 : memref<!tpu.dma_semaphore, #tpu.memory_space<semaphore_mem>>)
    %dma_wait3A_1551 = arith.constant 0 : i32
    %dma_wait3A_1552 = arith.constant 0 : i32
    %dma_wait3A_1553 = arith.constant 0 : i32
    %dma_wait3A_1554 = tpu.memref_slice %arg6[%dma_wait3A_1551, %dma_wait3A_1552, %dma_wait3A_1553] : memref<6x512x32xf32, #tpu.memory_space<vmem>> -> memref<1x512x32xf32, #tpu.memory_space<vmem>>
    %dma_wait3A_1555 = tpu.memref_squeeze %dma_wait3A_1554 : memref<1x512x32xf32, #tpu.memory_space<vmem>> -> memref<512x32xf32, #tpu.memory_space<vmem>>
    %dma_wait3A_1556 = arith.constant 0 : i32
    %dma_wait3A_1557 = tpu.memref_slice %arg4[%add3A_1489, %dma_wait3A_1556] : memref<819200x32xf32, #tpu.memory_space<hbm>> -> memref<512x32xf32, #tpu.memory_space<hbm>>
    %dma_wait3A_1558 = arith.constant 0 : i32
    %dma_wait3A_1559 = tpu.memref_slice %arg4[%add3A_1489, %dma_wait3A_1558] : memref<819200x32xf32, #tpu.memory_space<hbm>> -> memref<512x32xf32, #tpu.memory_space<hbm>>
    %dma_wait3A_1560 = arith.constant 0 : i32
    %dma_wait3A_1561 = arith.constant 0 : i32
    %dma_wait3A_1562 = tpu.memref_slice %arg6[%dma_wait3A_1551, %dma_wait3A_1560, %dma_wait3A_1561] : memref<6x512x32xf32, #tpu.memory_space<vmem>> -> memref<1x512x32xf32, #tpu.memory_space<vmem>>
    %dma_wait3A_1563 = tpu.memref_squeeze %dma_wait3A_1562 : memref<1x512x32xf32, #tpu.memory_space<vmem>> -> memref<512x32xf32, #tpu.memory_space<vmem>>
    tpu.wait_dma2 semaphore(%arg13 : memref<!tpu.dma_semaphore, #tpu.memory_space<semaphore_mem>>) src(%dma_wait3A_1563 : memref<512x32xf32, #tpu.memory_space<vmem>>) dst(%dma_wait3A_1559 : memref<512x32xf32, #tpu.memory_space<hbm>>)
    %dma_start3A_1564 = arith.constant 0 : i32
    %dma_start3A_1565 = arith.constant 0 : i32
    %dma_start3A_1566 = arith.constant 0 : i32
    %dma_start3A_1567 = tpu.memref_slice %arg6[%dma_start3A_1564, %dma_start3A_1565, %dma_start3A_1566] : memref<6x512x32xf32, #tpu.memory_space<vmem>> -> memref<1x512x32xf32, #tpu.memory_space<vmem>>
    %dma_start3A_1568 = tpu.memref_squeeze %dma_start3A_1567 : memref<1x512x32xf32, #tpu.memory_space<vmem>> -> memref<512x32xf32, #tpu.memory_space<vmem>>
    %dma_start3A_1569 = arith.constant 18432 : i32
    %dma_start3A_1570 = tpu.memref_slice %arg5[%dma_start3A_1569] : memref<25600xi32, #tpu.memory_space<vmem>> -> memref<512xi32, #tpu.memory_space<vmem>>
    %dma_start3A_1571 = arith.constant 0 : i32
    %dma_start3A_1572 = arith.constant 0 : i32
    %dma_start3A_1573 = tpu.memref_slice %arg2[%dma_start3A_1571, %dma_start3A_1572] : memref<1000000x32xf32, #tpu.memory_space<hbm>> -> memref<1000000x32xf32, #tpu.memory_space<hbm>>
    tpu.enqueue_indirect_dma source(%dma_start3A_1573 : memref<1000000x32xf32, #tpu.memory_space<hbm>>) target(%dma_start3A_1568 : memref<512x32xf32, #tpu.memory_space<vmem>>) offsets(%dma_start3A_1570 : memref<512xi32, #tpu.memory_space<vmem>>) semaphore(%arg7 : memref<!tpu.dma_semaphore, #tpu.memory_space<semaphore_mem>>)
    %dma_wait3A_1574 = arith.constant 2 : i32
    %dma_wait3A_1575 = arith.constant 0 : i32
    %dma_wait3A_1576 = arith.constant 0 : i32
    %dma_wait3A_1577 = tpu.memref_slice %arg6[%dma_wait3A_1574, %dma_wait3A_1575, %dma_wait3A_1576] : memref<6x512x32xf32, #tpu.memory_space<vmem>> -> memref<1x512x32xf32, #tpu.memory_space<vmem>>
    %dma_wait3A_1578 = tpu.memref_squeeze %dma_wait3A_1577 : memref<1x512x32xf32, #tpu.memory_space<vmem>> -> memref<512x32xf32, #tpu.memory_space<vmem>>
    %dma_wait3A_1579 = arith.constant 16384 : i32
    %dma_wait3A_1580 = tpu.memref_slice %arg5[%dma_wait3A_1579] : memref<25600xi32, #tpu.memory_space<vmem>> -> memref<512xi32, #tpu.memory_space<vmem>>
    %dma_wait3A_1581 = arith.constant 0 : i32
    %dma_wait3A_1582 = arith.constant 0 : i32
    %dma_wait3A_1583 = tpu.memref_slice %arg2[%dma_wait3A_1581, %dma_wait3A_1582] : memref<1000000x32xf32, #tpu.memory_space<hbm>> -> memref<1000000x32xf32, #tpu.memory_space<hbm>>
    tpu.wait_indirect_dma semaphore(%arg9 : memref<!tpu.dma_semaphore, #tpu.memory_space<semaphore_mem>>) src(%dma_wait3A_1583 : memref<1000000x32xf32, #tpu.memory_space<hbm>>) dst(%dma_wait3A_1578 : memref<512x32xf32, #tpu.memory_space<vmem>>)
    %add3A_1584 = arith.constant 16384 : i32
    %add3A_1585 = arith.addi %mul3A_2, %add3A_1584 : i32
    %dma_start3A_1586 = arith.constant 2 : i32
    %dma_start3A_1587 = arith.constant 0 : i32
    %dma_start3A_1588 = arith.constant 0 : i32
    %dma_start3A_1589 = tpu.memref_slice %arg6[%dma_start3A_1586, %dma_start3A_1587, %dma_start3A_1588] : memref<6x512x32xf32, #tpu.memory_space<vmem>> -> memref<1x512x32xf32, #tpu.memory_space<vmem>>
    %dma_start3A_1590 = tpu.memref_squeeze %dma_start3A_1589 : memref<1x512x32xf32, #tpu.memory_space<vmem>> -> memref<512x32xf32, #tpu.memory_space<vmem>>
    %dma_start3A_1591 = arith.constant 0 : i32
    %dma_start3A_1592 = tpu.memref_slice %arg4[%add3A_1585, %dma_start3A_1591] : memref<819200x32xf32, #tpu.memory_space<hbm>> -> memref<512x32xf32, #tpu.memory_space<hbm>>
    %dma_start3A_1593 = arith.constant 0 : i32
    %dma_start3A_1594 = tpu.memref_slice %arg4[%add3A_1585, %dma_start3A_1593] : memref<819200x32xf32, #tpu.memory_space<hbm>> -> memref<512x32xf32, #tpu.memory_space<hbm>>
    %dma_start3A_1595 = arith.constant 0 : i32
    %dma_start3A_1596 = arith.constant 0 : i32
    %dma_start3A_1597 = tpu.memref_slice %arg6[%dma_start3A_1586, %dma_start3A_1595, %dma_start3A_1596] : memref<6x512x32xf32, #tpu.memory_space<vmem>> -> memref<1x512x32xf32, #tpu.memory_space<vmem>>
    %dma_start3A_1598 = tpu.memref_squeeze %dma_start3A_1597 : memref<1x512x32xf32, #tpu.memory_space<vmem>> -> memref<512x32xf32, #tpu.memory_space<vmem>>
    tpu.enqueue_dma source(%dma_start3A_1598 : memref<512x32xf32, #tpu.memory_space<vmem>>) target(%dma_start3A_1594 : memref<512x32xf32, #tpu.memory_space<hbm>>) target_semaphore(%arg15 : memref<!tpu.dma_semaphore, #tpu.memory_space<semaphore_mem>>)
    %dma_wait3A_1599 = arith.constant 1 : i32
    %dma_wait3A_1600 = arith.constant 0 : i32
    %dma_wait3A_1601 = arith.constant 0 : i32
    %dma_wait3A_1602 = tpu.memref_slice %arg6[%dma_wait3A_1599, %dma_wait3A_1600, %dma_wait3A_1601] : memref<6x512x32xf32, #tpu.memory_space<vmem>> -> memref<1x512x32xf32, #tpu.memory_space<vmem>>
    %dma_wait3A_1603 = tpu.memref_squeeze %dma_wait3A_1602 : memref<1x512x32xf32, #tpu.memory_space<vmem>> -> memref<512x32xf32, #tpu.memory_space<vmem>>
    %dma_wait3A_1604 = arith.constant 0 : i32
    %dma_wait3A_1605 = tpu.memref_slice %arg4[%add3A_1537, %dma_wait3A_1604] : memref<819200x32xf32, #tpu.memory_space<hbm>> -> memref<512x32xf32, #tpu.memory_space<hbm>>
    %dma_wait3A_1606 = arith.constant 0 : i32
    %dma_wait3A_1607 = tpu.memref_slice %arg4[%add3A_1537, %dma_wait3A_1606] : memref<819200x32xf32, #tpu.memory_space<hbm>> -> memref<512x32xf32, #tpu.memory_space<hbm>>
    %dma_wait3A_1608 = arith.constant 0 : i32
    %dma_wait3A_1609 = arith.constant 0 : i32
    %dma_wait3A_1610 = tpu.memref_slice %arg6[%dma_wait3A_1599, %dma_wait3A_1608, %dma_wait3A_1609] : memref<6x512x32xf32, #tpu.memory_space<vmem>> -> memref<1x512x32xf32, #tpu.memory_space<vmem>>
    %dma_wait3A_1611 = tpu.memref_squeeze %dma_wait3A_1610 : memref<1x512x32xf32, #tpu.memory_space<vmem>> -> memref<512x32xf32, #tpu.memory_space<vmem>>
    tpu.wait_dma2 semaphore(%arg14 : memref<!tpu.dma_semaphore, #tpu.memory_space<semaphore_mem>>) src(%dma_wait3A_1611 : memref<512x32xf32, #tpu.memory_space<vmem>>) dst(%dma_wait3A_1607 : memref<512x32xf32, #tpu.memory_space<hbm>>)
    %dma_start3A_1612 = arith.constant 1 : i32
    %dma_start3A_1613 = arith.constant 0 : i32
    %dma_start3A_1614 = arith.constant 0 : i32
    %dma_start3A_1615 = tpu.memref_slice %arg6[%dma_start3A_1612, %dma_start3A_1613, %dma_start3A_1614] : memref<6x512x32xf32, #tpu.memory_space<vmem>> -> memref<1x512x32xf32, #tpu.memory_space<vmem>>
    %dma_start3A_1616 = tpu.memref_squeeze %dma_start3A_1615 : memref<1x512x32xf32, #tpu.memory_space<vmem>> -> memref<512x32xf32, #tpu.memory_space<vmem>>
    %dma_start3A_1617 = arith.constant 18944 : i32
    %dma_start3A_1618 = tpu.memref_slice %arg5[%dma_start3A_1617] : memref<25600xi32, #tpu.memory_space<vmem>> -> memref<512xi32, #tpu.memory_space<vmem>>
    %dma_start3A_1619 = arith.constant 0 : i32
    %dma_start3A_1620 = arith.constant 0 : i32
    %dma_start3A_1621 = tpu.memref_slice %arg2[%dma_start3A_1619, %dma_start3A_1620] : memref<1000000x32xf32, #tpu.memory_space<hbm>> -> memref<1000000x32xf32, #tpu.memory_space<hbm>>
    tpu.enqueue_indirect_dma source(%dma_start3A_1621 : memref<1000000x32xf32, #tpu.memory_space<hbm>>) target(%dma_start3A_1616 : memref<512x32xf32, #tpu.memory_space<vmem>>) offsets(%dma_start3A_1618 : memref<512xi32, #tpu.memory_space<vmem>>) semaphore(%arg8 : memref<!tpu.dma_semaphore, #tpu.memory_space<semaphore_mem>>)
    %dma_wait3A_1622 = arith.constant 3 : i32
    %dma_wait3A_1623 = arith.constant 0 : i32
    %dma_wait3A_1624 = arith.constant 0 : i32
    %dma_wait3A_1625 = tpu.memref_slice %arg6[%dma_wait3A_1622, %dma_wait3A_1623, %dma_wait3A_1624] : memref<6x512x32xf32, #tpu.memory_space<vmem>> -> memref<1x512x32xf32, #tpu.memory_space<vmem>>
    %dma_wait3A_1626 = tpu.memref_squeeze %dma_wait3A_1625 : memref<1x512x32xf32, #tpu.memory_space<vmem>> -> memref<512x32xf32, #tpu.memory_space<vmem>>
    %dma_wait3A_1627 = arith.constant 16896 : i32
    %dma_wait3A_1628 = tpu.memref_slice %arg5[%dma_wait3A_1627] : memref<25600xi32, #tpu.memory_space<vmem>> -> memref<512xi32, #tpu.memory_space<vmem>>
    %dma_wait3A_1629 = arith.constant 0 : i32
    %dma_wait3A_1630 = arith.constant 0 : i32
    %dma_wait3A_1631 = tpu.memref_slice %arg2[%dma_wait3A_1629, %dma_wait3A_1630] : memref<1000000x32xf32, #tpu.memory_space<hbm>> -> memref<1000000x32xf32, #tpu.memory_space<hbm>>
    tpu.wait_indirect_dma semaphore(%arg10 : memref<!tpu.dma_semaphore, #tpu.memory_space<semaphore_mem>>) src(%dma_wait3A_1631 : memref<1000000x32xf32, #tpu.memory_space<hbm>>) dst(%dma_wait3A_1626 : memref<512x32xf32, #tpu.memory_space<vmem>>)
    %add3A_1632 = arith.constant 16896 : i32
    %add3A_1633 = arith.addi %mul3A_2, %add3A_1632 : i32
    %dma_start3A_1634 = arith.constant 3 : i32
    %dma_start3A_1635 = arith.constant 0 : i32
    %dma_start3A_1636 = arith.constant 0 : i32
    %dma_start3A_1637 = tpu.memref_slice %arg6[%dma_start3A_1634, %dma_start3A_1635, %dma_start3A_1636] : memref<6x512x32xf32, #tpu.memory_space<vmem>> -> memref<1x512x32xf32, #tpu.memory_space<vmem>>
    %dma_start3A_1638 = tpu.memref_squeeze %dma_start3A_1637 : memref<1x512x32xf32, #tpu.memory_space<vmem>> -> memref<512x32xf32, #tpu.memory_space<vmem>>
    %dma_start3A_1639 = arith.constant 0 : i32
    %dma_start3A_1640 = tpu.memref_slice %arg4[%add3A_1633, %dma_start3A_1639] : memref<819200x32xf32, #tpu.memory_space<hbm>> -> memref<512x32xf32, #tpu.memory_space<hbm>>
    %dma_start3A_1641 = arith.constant 0 : i32
    %dma_start3A_1642 = tpu.memref_slice %arg4[%add3A_1633, %dma_start3A_1641] : memref<819200x32xf32, #tpu.memory_space<hbm>> -> memref<512x32xf32, #tpu.memory_space<hbm>>
    %dma_start3A_1643 = arith.constant 0 : i32
    %dma_start3A_1644 = arith.constant 0 : i32
    %dma_start3A_1645 = tpu.memref_slice %arg6[%dma_start3A_1634, %dma_start3A_1643, %dma_start3A_1644] : memref<6x512x32xf32, #tpu.memory_space<vmem>> -> memref<1x512x32xf32, #tpu.memory_space<vmem>>
    %dma_start3A_1646 = tpu.memref_squeeze %dma_start3A_1645 : memref<1x512x32xf32, #tpu.memory_space<vmem>> -> memref<512x32xf32, #tpu.memory_space<vmem>>
    tpu.enqueue_dma source(%dma_start3A_1646 : memref<512x32xf32, #tpu.memory_space<vmem>>) target(%dma_start3A_1642 : memref<512x32xf32, #tpu.memory_space<hbm>>) target_semaphore(%arg16 : memref<!tpu.dma_semaphore, #tpu.memory_space<semaphore_mem>>)
    %dma_wait3A_1647 = arith.constant 2 : i32
    %dma_wait3A_1648 = arith.constant 0 : i32
    %dma_wait3A_1649 = arith.constant 0 : i32
    %dma_wait3A_1650 = tpu.memref_slice %arg6[%dma_wait3A_1647, %dma_wait3A_1648, %dma_wait3A_1649] : memref<6x512x32xf32, #tpu.memory_space<vmem>> -> memref<1x512x32xf32, #tpu.memory_space<vmem>>
    %dma_wait3A_1651 = tpu.memref_squeeze %dma_wait3A_1650 : memref<1x512x32xf32, #tpu.memory_space<vmem>> -> memref<512x32xf32, #tpu.memory_space<vmem>>
    %dma_wait3A_1652 = arith.constant 0 : i32
    %dma_wait3A_1653 = tpu.memref_slice %arg4[%add3A_1585, %dma_wait3A_1652] : memref<819200x32xf32, #tpu.memory_space<hbm>> -> memref<512x32xf32, #tpu.memory_space<hbm>>
    %dma_wait3A_1654 = arith.constant 0 : i32
    %dma_wait3A_1655 = tpu.memref_slice %arg4[%add3A_1585, %dma_wait3A_1654] : memref<819200x32xf32, #tpu.memory_space<hbm>> -> memref<512x32xf32, #tpu.memory_space<hbm>>
    %dma_wait3A_1656 = arith.constant 0 : i32
    %dma_wait3A_1657 = arith.constant 0 : i32
    %dma_wait3A_1658 = tpu.memref_slice %arg6[%dma_wait3A_1647, %dma_wait3A_1656, %dma_wait3A_1657] : memref<6x512x32xf32, #tpu.memory_space<vmem>> -> memref<1x512x32xf32, #tpu.memory_space<vmem>>
    %dma_wait3A_1659 = tpu.memref_squeeze %dma_wait3A_1658 : memref<1x512x32xf32, #tpu.memory_space<vmem>> -> memref<512x32xf32, #tpu.memory_space<vmem>>
    tpu.wait_dma2 semaphore(%arg15 : memref<!tpu.dma_semaphore, #tpu.memory_space<semaphore_mem>>) src(%dma_wait3A_1659 : memref<512x32xf32, #tpu.memory_space<vmem>>) dst(%dma_wait3A_1655 : memref<512x32xf32, #tpu.memory_space<hbm>>)
    %dma_start3A_1660 = arith.constant 2 : i32
    %dma_start3A_1661 = arith.constant 0 : i32
    %dma_start3A_1662 = arith.constant 0 : i32
    %dma_start3A_1663 = tpu.memref_slice %arg6[%dma_start3A_1660, %dma_start3A_1661, %dma_start3A_1662] : memref<6x512x32xf32, #tpu.memory_space<vmem>> -> memref<1x512x32xf32, #tpu.memory_space<vmem>>
    %dma_start3A_1664 = tpu.memref_squeeze %dma_start3A_1663 : memref<1x512x32xf32, #tpu.memory_space<vmem>> -> memref<512x32xf32, #tpu.memory_space<vmem>>
    %dma_start3A_1665 = arith.constant 19456 : i32
    %dma_start3A_1666 = tpu.memref_slice %arg5[%dma_start3A_1665] : memref<25600xi32, #tpu.memory_space<vmem>> -> memref<512xi32, #tpu.memory_space<vmem>>
    %dma_start3A_1667 = arith.constant 0 : i32
    %dma_start3A_1668 = arith.constant 0 : i32
    %dma_start3A_1669 = tpu.memref_slice %arg2[%dma_start3A_1667, %dma_start3A_1668] : memref<1000000x32xf32, #tpu.memory_space<hbm>> -> memref<1000000x32xf32, #tpu.memory_space<hbm>>
    tpu.enqueue_indirect_dma source(%dma_start3A_1669 : memref<1000000x32xf32, #tpu.memory_space<hbm>>) target(%dma_start3A_1664 : memref<512x32xf32, #tpu.memory_space<vmem>>) offsets(%dma_start3A_1666 : memref<512xi32, #tpu.memory_space<vmem>>) semaphore(%arg9 : memref<!tpu.dma_semaphore, #tpu.memory_space<semaphore_mem>>)
    %dma_wait3A_1670 = arith.constant 4 : i32
    %dma_wait3A_1671 = arith.constant 0 : i32
    %dma_wait3A_1672 = arith.constant 0 : i32
    %dma_wait3A_1673 = tpu.memref_slice %arg6[%dma_wait3A_1670, %dma_wait3A_1671, %dma_wait3A_1672] : memref<6x512x32xf32, #tpu.memory_space<vmem>> -> memref<1x512x32xf32, #tpu.memory_space<vmem>>
    %dma_wait3A_1674 = tpu.memref_squeeze %dma_wait3A_1673 : memref<1x512x32xf32, #tpu.memory_space<vmem>> -> memref<512x32xf32, #tpu.memory_space<vmem>>
    %dma_wait3A_1675 = arith.constant 17408 : i32
    %dma_wait3A_1676 = tpu.memref_slice %arg5[%dma_wait3A_1675] : memref<25600xi32, #tpu.memory_space<vmem>> -> memref<512xi32, #tpu.memory_space<vmem>>
    %dma_wait3A_1677 = arith.constant 0 : i32
    %dma_wait3A_1678 = arith.constant 0 : i32
    %dma_wait3A_1679 = tpu.memref_slice %arg2[%dma_wait3A_1677, %dma_wait3A_1678] : memref<1000000x32xf32, #tpu.memory_space<hbm>> -> memref<1000000x32xf32, #tpu.memory_space<hbm>>
    tpu.wait_indirect_dma semaphore(%arg11 : memref<!tpu.dma_semaphore, #tpu.memory_space<semaphore_mem>>) src(%dma_wait3A_1679 : memref<1000000x32xf32, #tpu.memory_space<hbm>>) dst(%dma_wait3A_1674 : memref<512x32xf32, #tpu.memory_space<vmem>>)
    %add3A_1680 = arith.constant 17408 : i32
    %add3A_1681 = arith.addi %mul3A_2, %add3A_1680 : i32
    %dma_start3A_1682 = arith.constant 4 : i32
    %dma_start3A_1683 = arith.constant 0 : i32
    %dma_start3A_1684 = arith.constant 0 : i32
    %dma_start3A_1685 = tpu.memref_slice %arg6[%dma_start3A_1682, %dma_start3A_1683, %dma_start3A_1684] : memref<6x512x32xf32, #tpu.memory_space<vmem>> -> memref<1x512x32xf32, #tpu.memory_space<vmem>>
    %dma_start3A_1686 = tpu.memref_squeeze %dma_start3A_1685 : memref<1x512x32xf32, #tpu.memory_space<vmem>> -> memref<512x32xf32, #tpu.memory_space<vmem>>
    %dma_start3A_1687 = arith.constant 0 : i32
    %dma_start3A_1688 = tpu.memref_slice %arg4[%add3A_1681, %dma_start3A_1687] : memref<819200x32xf32, #tpu.memory_space<hbm>> -> memref<512x32xf32, #tpu.memory_space<hbm>>
    %dma_start3A_1689 = arith.constant 0 : i32
    %dma_start3A_1690 = tpu.memref_slice %arg4[%add3A_1681, %dma_start3A_1689] : memref<819200x32xf32, #tpu.memory_space<hbm>> -> memref<512x32xf32, #tpu.memory_space<hbm>>
    %dma_start3A_1691 = arith.constant 0 : i32
    %dma_start3A_1692 = arith.constant 0 : i32
    %dma_start3A_1693 = tpu.memref_slice %arg6[%dma_start3A_1682, %dma_start3A_1691, %dma_start3A_1692] : memref<6x512x32xf32, #tpu.memory_space<vmem>> -> memref<1x512x32xf32, #tpu.memory_space<vmem>>
    %dma_start3A_1694 = tpu.memref_squeeze %dma_start3A_1693 : memref<1x512x32xf32, #tpu.memory_space<vmem>> -> memref<512x32xf32, #tpu.memory_space<vmem>>
    tpu.enqueue_dma source(%dma_start3A_1694 : memref<512x32xf32, #tpu.memory_space<vmem>>) target(%dma_start3A_1690 : memref<512x32xf32, #tpu.memory_space<hbm>>) target_semaphore(%arg17 : memref<!tpu.dma_semaphore, #tpu.memory_space<semaphore_mem>>)
    %dma_wait3A_1695 = arith.constant 3 : i32
    %dma_wait3A_1696 = arith.constant 0 : i32
    %dma_wait3A_1697 = arith.constant 0 : i32
    %dma_wait3A_1698 = tpu.memref_slice %arg6[%dma_wait3A_1695, %dma_wait3A_1696, %dma_wait3A_1697] : memref<6x512x32xf32, #tpu.memory_space<vmem>> -> memref<1x512x32xf32, #tpu.memory_space<vmem>>
    %dma_wait3A_1699 = tpu.memref_squeeze %dma_wait3A_1698 : memref<1x512x32xf32, #tpu.memory_space<vmem>> -> memref<512x32xf32, #tpu.memory_space<vmem>>
    %dma_wait3A_1700 = arith.constant 0 : i32
    %dma_wait3A_1701 = tpu.memref_slice %arg4[%add3A_1633, %dma_wait3A_1700] : memref<819200x32xf32, #tpu.memory_space<hbm>> -> memref<512x32xf32, #tpu.memory_space<hbm>>
    %dma_wait3A_1702 = arith.constant 0 : i32
    %dma_wait3A_1703 = tpu.memref_slice %arg4[%add3A_1633, %dma_wait3A_1702] : memref<819200x32xf32, #tpu.memory_space<hbm>> -> memref<512x32xf32, #tpu.memory_space<hbm>>
    %dma_wait3A_1704 = arith.constant 0 : i32
    %dma_wait3A_1705 = arith.constant 0 : i32
    %dma_wait3A_1706 = tpu.memref_slice %arg6[%dma_wait3A_1695, %dma_wait3A_1704, %dma_wait3A_1705] : memref<6x512x32xf32, #tpu.memory_space<vmem>> -> memref<1x512x32xf32, #tpu.memory_space<vmem>>
    %dma_wait3A_1707 = tpu.memref_squeeze %dma_wait3A_1706 : memref<1x512x32xf32, #tpu.memory_space<vmem>> -> memref<512x32xf32, #tpu.memory_space<vmem>>
    tpu.wait_dma2 semaphore(%arg16 : memref<!tpu.dma_semaphore, #tpu.memory_space<semaphore_mem>>) src(%dma_wait3A_1707 : memref<512x32xf32, #tpu.memory_space<vmem>>) dst(%dma_wait3A_1703 : memref<512x32xf32, #tpu.memory_space<hbm>>)
    %dma_start3A_1708 = arith.constant 3 : i32
    %dma_start3A_1709 = arith.constant 0 : i32
    %dma_start3A_1710 = arith.constant 0 : i32
    %dma_start3A_1711 = tpu.memref_slice %arg6[%dma_start3A_1708, %dma_start3A_1709, %dma_start3A_1710] : memref<6x512x32xf32, #tpu.memory_space<vmem>> -> memref<1x512x32xf32, #tpu.memory_space<vmem>>
    %dma_start3A_1712 = tpu.memref_squeeze %dma_start3A_1711 : memref<1x512x32xf32, #tpu.memory_space<vmem>> -> memref<512x32xf32, #tpu.memory_space<vmem>>
    %dma_start3A_1713 = arith.constant 19968 : i32
    %dma_start3A_1714 = tpu.memref_slice %arg5[%dma_start3A_1713] : memref<25600xi32, #tpu.memory_space<vmem>> -> memref<512xi32, #tpu.memory_space<vmem>>
    %dma_start3A_1715 = arith.constant 0 : i32
    %dma_start3A_1716 = arith.constant 0 : i32
    %dma_start3A_1717 = tpu.memref_slice %arg2[%dma_start3A_1715, %dma_start3A_1716] : memref<1000000x32xf32, #tpu.memory_space<hbm>> -> memref<1000000x32xf32, #tpu.memory_space<hbm>>
    tpu.enqueue_indirect_dma source(%dma_start3A_1717 : memref<1000000x32xf32, #tpu.memory_space<hbm>>) target(%dma_start3A_1712 : memref<512x32xf32, #tpu.memory_space<vmem>>) offsets(%dma_start3A_1714 : memref<512xi32, #tpu.memory_space<vmem>>) semaphore(%arg10 : memref<!tpu.dma_semaphore, #tpu.memory_space<semaphore_mem>>)
    %dma_wait3A_1718 = arith.constant 5 : i32
    %dma_wait3A_1719 = arith.constant 0 : i32
    %dma_wait3A_1720 = arith.constant 0 : i32
    %dma_wait3A_1721 = tpu.memref_slice %arg6[%dma_wait3A_1718, %dma_wait3A_1719, %dma_wait3A_1720] : memref<6x512x32xf32, #tpu.memory_space<vmem>> -> memref<1x512x32xf32, #tpu.memory_space<vmem>>
    %dma_wait3A_1722 = tpu.memref_squeeze %dma_wait3A_1721 : memref<1x512x32xf32, #tpu.memory_space<vmem>> -> memref<512x32xf32, #tpu.memory_space<vmem>>
    %dma_wait3A_1723 = arith.constant 17920 : i32
    %dma_wait3A_1724 = tpu.memref_slice %arg5[%dma_wait3A_1723] : memref<25600xi32, #tpu.memory_space<vmem>> -> memref<512xi32, #tpu.memory_space<vmem>>
    %dma_wait3A_1725 = arith.constant 0 : i32
    %dma_wait3A_1726 = arith.constant 0 : i32
    %dma_wait3A_1727 = tpu.memref_slice %arg2[%dma_wait3A_1725, %dma_wait3A_1726] : memref<1000000x32xf32, #tpu.memory_space<hbm>> -> memref<1000000x32xf32, #tpu.memory_space<hbm>>
    tpu.wait_indirect_dma semaphore(%arg12 : memref<!tpu.dma_semaphore, #tpu.memory_space<semaphore_mem>>) src(%dma_wait3A_1727 : memref<1000000x32xf32, #tpu.memory_space<hbm>>) dst(%dma_wait3A_1722 : memref<512x32xf32, #tpu.memory_space<vmem>>)
    %add3A_1728 = arith.constant 17920 : i32
    %add3A_1729 = arith.addi %mul3A_2, %add3A_1728 : i32
    %dma_start3A_1730 = arith.constant 5 : i32
    %dma_start3A_1731 = arith.constant 0 : i32
    %dma_start3A_1732 = arith.constant 0 : i32
    %dma_start3A_1733 = tpu.memref_slice %arg6[%dma_start3A_1730, %dma_start3A_1731, %dma_start3A_1732] : memref<6x512x32xf32, #tpu.memory_space<vmem>> -> memref<1x512x32xf32, #tpu.memory_space<vmem>>
    %dma_start3A_1734 = tpu.memref_squeeze %dma_start3A_1733 : memref<1x512x32xf32, #tpu.memory_space<vmem>> -> memref<512x32xf32, #tpu.memory_space<vmem>>
    %dma_start3A_1735 = arith.constant 0 : i32
    %dma_start3A_1736 = tpu.memref_slice %arg4[%add3A_1729, %dma_start3A_1735] : memref<819200x32xf32, #tpu.memory_space<hbm>> -> memref<512x32xf32, #tpu.memory_space<hbm>>
    %dma_start3A_1737 = arith.constant 0 : i32
    %dma_start3A_1738 = tpu.memref_slice %arg4[%add3A_1729, %dma_start3A_1737] : memref<819200x32xf32, #tpu.memory_space<hbm>> -> memref<512x32xf32, #tpu.memory_space<hbm>>
    %dma_start3A_1739 = arith.constant 0 : i32
    %dma_start3A_1740 = arith.constant 0 : i32
    %dma_start3A_1741 = tpu.memref_slice %arg6[%dma_start3A_1730, %dma_start3A_1739, %dma_start3A_1740] : memref<6x512x32xf32, #tpu.memory_space<vmem>> -> memref<1x512x32xf32, #tpu.memory_space<vmem>>
    %dma_start3A_1742 = tpu.memref_squeeze %dma_start3A_1741 : memref<1x512x32xf32, #tpu.memory_space<vmem>> -> memref<512x32xf32, #tpu.memory_space<vmem>>
    tpu.enqueue_dma source(%dma_start3A_1742 : memref<512x32xf32, #tpu.memory_space<vmem>>) target(%dma_start3A_1738 : memref<512x32xf32, #tpu.memory_space<hbm>>) target_semaphore(%arg18 : memref<!tpu.dma_semaphore, #tpu.memory_space<semaphore_mem>>)
    %dma_wait3A_1743 = arith.constant 4 : i32
    %dma_wait3A_1744 = arith.constant 0 : i32
    %dma_wait3A_1745 = arith.constant 0 : i32
    %dma_wait3A_1746 = tpu.memref_slice %arg6[%dma_wait3A_1743, %dma_wait3A_1744, %dma_wait3A_1745] : memref<6x512x32xf32, #tpu.memory_space<vmem>> -> memref<1x512x32xf32, #tpu.memory_space<vmem>>
    %dma_wait3A_1747 = tpu.memref_squeeze %dma_wait3A_1746 : memref<1x512x32xf32, #tpu.memory_space<vmem>> -> memref<512x32xf32, #tpu.memory_space<vmem>>
    %dma_wait3A_1748 = arith.constant 0 : i32
    %dma_wait3A_1749 = tpu.memref_slice %arg4[%add3A_1681, %dma_wait3A_1748] : memref<819200x32xf32, #tpu.memory_space<hbm>> -> memref<512x32xf32, #tpu.memory_space<hbm>>
    %dma_wait3A_1750 = arith.constant 0 : i32
    %dma_wait3A_1751 = tpu.memref_slice %arg4[%add3A_1681, %dma_wait3A_1750] : memref<819200x32xf32, #tpu.memory_space<hbm>> -> memref<512x32xf32, #tpu.memory_space<hbm>>
    %dma_wait3A_1752 = arith.constant 0 : i32
    %dma_wait3A_1753 = arith.constant 0 : i32
    %dma_wait3A_1754 = tpu.memref_slice %arg6[%dma_wait3A_1743, %dma_wait3A_1752, %dma_wait3A_1753] : memref<6x512x32xf32, #tpu.memory_space<vmem>> -> memref<1x512x32xf32, #tpu.memory_space<vmem>>
    %dma_wait3A_1755 = tpu.memref_squeeze %dma_wait3A_1754 : memref<1x512x32xf32, #tpu.memory_space<vmem>> -> memref<512x32xf32, #tpu.memory_space<vmem>>
    tpu.wait_dma2 semaphore(%arg17 : memref<!tpu.dma_semaphore, #tpu.memory_space<semaphore_mem>>) src(%dma_wait3A_1755 : memref<512x32xf32, #tpu.memory_space<vmem>>) dst(%dma_wait3A_1751 : memref<512x32xf32, #tpu.memory_space<hbm>>)
    %dma_start3A_1756 = arith.constant 4 : i32
    %dma_start3A_1757 = arith.constant 0 : i32
    %dma_start3A_1758 = arith.constant 0 : i32
    %dma_start3A_1759 = tpu.memref_slice %arg6[%dma_start3A_1756, %dma_start3A_1757, %dma_start3A_1758] : memref<6x512x32xf32, #tpu.memory_space<vmem>> -> memref<1x512x32xf32, #tpu.memory_space<vmem>>
    %dma_start3A_1760 = tpu.memref_squeeze %dma_start3A_1759 : memref<1x512x32xf32, #tpu.memory_space<vmem>> -> memref<512x32xf32, #tpu.memory_space<vmem>>
    %dma_start3A_1761 = arith.constant 20480 : i32
    %dma_start3A_1762 = tpu.memref_slice %arg5[%dma_start3A_1761] : memref<25600xi32, #tpu.memory_space<vmem>> -> memref<512xi32, #tpu.memory_space<vmem>>
    %dma_start3A_1763 = arith.constant 0 : i32
    %dma_start3A_1764 = arith.constant 0 : i32
    %dma_start3A_1765 = tpu.memref_slice %arg2[%dma_start3A_1763, %dma_start3A_1764] : memref<1000000x32xf32, #tpu.memory_space<hbm>> -> memref<1000000x32xf32, #tpu.memory_space<hbm>>
    tpu.enqueue_indirect_dma source(%dma_start3A_1765 : memref<1000000x32xf32, #tpu.memory_space<hbm>>) target(%dma_start3A_1760 : memref<512x32xf32, #tpu.memory_space<vmem>>) offsets(%dma_start3A_1762 : memref<512xi32, #tpu.memory_space<vmem>>) semaphore(%arg11 : memref<!tpu.dma_semaphore, #tpu.memory_space<semaphore_mem>>)
    %dma_wait3A_1766 = arith.constant 0 : i32
    %dma_wait3A_1767 = arith.constant 0 : i32
    %dma_wait3A_1768 = arith.constant 0 : i32
    %dma_wait3A_1769 = tpu.memref_slice %arg6[%dma_wait3A_1766, %dma_wait3A_1767, %dma_wait3A_1768] : memref<6x512x32xf32, #tpu.memory_space<vmem>> -> memref<1x512x32xf32, #tpu.memory_space<vmem>>
    %dma_wait3A_1770 = tpu.memref_squeeze %dma_wait3A_1769 : memref<1x512x32xf32, #tpu.memory_space<vmem>> -> memref<512x32xf32, #tpu.memory_space<vmem>>
    %dma_wait3A_1771 = arith.constant 18432 : i32
    %dma_wait3A_1772 = tpu.memref_slice %arg5[%dma_wait3A_1771] : memref<25600xi32, #tpu.memory_space<vmem>> -> memref<512xi32, #tpu.memory_space<vmem>>
    %dma_wait3A_1773 = arith.constant 0 : i32
    %dma_wait3A_1774 = arith.constant 0 : i32
    %dma_wait3A_1775 = tpu.memref_slice %arg2[%dma_wait3A_1773, %dma_wait3A_1774] : memref<1000000x32xf32, #tpu.memory_space<hbm>> -> memref<1000000x32xf32, #tpu.memory_space<hbm>>
    tpu.wait_indirect_dma semaphore(%arg7 : memref<!tpu.dma_semaphore, #tpu.memory_space<semaphore_mem>>) src(%dma_wait3A_1775 : memref<1000000x32xf32, #tpu.memory_space<hbm>>) dst(%dma_wait3A_1770 : memref<512x32xf32, #tpu.memory_space<vmem>>)
    %add3A_1776 = arith.constant 18432 : i32
    %add3A_1777 = arith.addi %mul3A_2, %add3A_1776 : i32
    %dma_start3A_1778 = arith.constant 0 : i32
    %dma_start3A_1779 = arith.constant 0 : i32
    %dma_start3A_1780 = arith.constant 0 : i32
    %dma_start3A_1781 = tpu.memref_slice %arg6[%dma_start3A_1778, %dma_start3A_1779, %dma_start3A_1780] : memref<6x512x32xf32, #tpu.memory_space<vmem>> -> memref<1x512x32xf32, #tpu.memory_space<vmem>>
    %dma_start3A_1782 = tpu.memref_squeeze %dma_start3A_1781 : memref<1x512x32xf32, #tpu.memory_space<vmem>> -> memref<512x32xf32, #tpu.memory_space<vmem>>
    %dma_start3A_1783 = arith.constant 0 : i32
    %dma_start3A_1784 = tpu.memref_slice %arg4[%add3A_1777, %dma_start3A_1783] : memref<819200x32xf32, #tpu.memory_space<hbm>> -> memref<512x32xf32, #tpu.memory_space<hbm>>
    %dma_start3A_1785 = arith.constant 0 : i32
    %dma_start3A_1786 = tpu.memref_slice %arg4[%add3A_1777, %dma_start3A_1785] : memref<819200x32xf32, #tpu.memory_space<hbm>> -> memref<512x32xf32, #tpu.memory_space<hbm>>
    %dma_start3A_1787 = arith.constant 0 : i32
    %dma_start3A_1788 = arith.constant 0 : i32
    %dma_start3A_1789 = tpu.memref_slice %arg6[%dma_start3A_1778, %dma_start3A_1787, %dma_start3A_1788] : memref<6x512x32xf32, #tpu.memory_space<vmem>> -> memref<1x512x32xf32, #tpu.memory_space<vmem>>
    %dma_start3A_1790 = tpu.memref_squeeze %dma_start3A_1789 : memref<1x512x32xf32, #tpu.memory_space<vmem>> -> memref<512x32xf32, #tpu.memory_space<vmem>>
    tpu.enqueue_dma source(%dma_start3A_1790 : memref<512x32xf32, #tpu.memory_space<vmem>>) target(%dma_start3A_1786 : memref<512x32xf32, #tpu.memory_space<hbm>>) target_semaphore(%arg13 : memref<!tpu.dma_semaphore, #tpu.memory_space<semaphore_mem>>)
    %dma_wait3A_1791 = arith.constant 5 : i32
    %dma_wait3A_1792 = arith.constant 0 : i32
    %dma_wait3A_1793 = arith.constant 0 : i32
    %dma_wait3A_1794 = tpu.memref_slice %arg6[%dma_wait3A_1791, %dma_wait3A_1792, %dma_wait3A_1793] : memref<6x512x32xf32, #tpu.memory_space<vmem>> -> memref<1x512x32xf32, #tpu.memory_space<vmem>>
    %dma_wait3A_1795 = tpu.memref_squeeze %dma_wait3A_1794 : memref<1x512x32xf32, #tpu.memory_space<vmem>> -> memref<512x32xf32, #tpu.memory_space<vmem>>
    %dma_wait3A_1796 = arith.constant 0 : i32
    %dma_wait3A_1797 = tpu.memref_slice %arg4[%add3A_1729, %dma_wait3A_1796] : memref<819200x32xf32, #tpu.memory_space<hbm>> -> memref<512x32xf32, #tpu.memory_space<hbm>>
    %dma_wait3A_1798 = arith.constant 0 : i32
    %dma_wait3A_1799 = tpu.memref_slice %arg4[%add3A_1729, %dma_wait3A_1798] : memref<819200x32xf32, #tpu.memory_space<hbm>> -> memref<512x32xf32, #tpu.memory_space<hbm>>
    %dma_wait3A_1800 = arith.constant 0 : i32
    %dma_wait3A_1801 = arith.constant 0 : i32
    %dma_wait3A_1802 = tpu.memref_slice %arg6[%dma_wait3A_1791, %dma_wait3A_1800, %dma_wait3A_1801] : memref<6x512x32xf32, #tpu.memory_space<vmem>> -> memref<1x512x32xf32, #tpu.memory_space<vmem>>
    %dma_wait3A_1803 = tpu.memref_squeeze %dma_wait3A_1802 : memref<1x512x32xf32, #tpu.memory_space<vmem>> -> memref<512x32xf32, #tpu.memory_space<vmem>>
    tpu.wait_dma2 semaphore(%arg18 : memref<!tpu.dma_semaphore, #tpu.memory_space<semaphore_mem>>) src(%dma_wait3A_1803 : memref<512x32xf32, #tpu.memory_space<vmem>>) dst(%dma_wait3A_1799 : memref<512x32xf32, #tpu.memory_space<hbm>>)
    %dma_start3A_1804 = arith.constant 5 : i32
    %dma_start3A_1805 = arith.constant 0 : i32
    %dma_start3A_1806 = arith.constant 0 : i32
    %dma_start3A_1807 = tpu.memref_slice %arg6[%dma_start3A_1804, %dma_start3A_1805, %dma_start3A_1806] : memref<6x512x32xf32, #tpu.memory_space<vmem>> -> memref<1x512x32xf32, #tpu.memory_space<vmem>>
    %dma_start3A_1808 = tpu.memref_squeeze %dma_start3A_1807 : memref<1x512x32xf32, #tpu.memory_space<vmem>> -> memref<512x32xf32, #tpu.memory_space<vmem>>
    %dma_start3A_1809 = arith.constant 20992 : i32
    %dma_start3A_1810 = tpu.memref_slice %arg5[%dma_start3A_1809] : memref<25600xi32, #tpu.memory_space<vmem>> -> memref<512xi32, #tpu.memory_space<vmem>>
    %dma_start3A_1811 = arith.constant 0 : i32
    %dma_start3A_1812 = arith.constant 0 : i32
    %dma_start3A_1813 = tpu.memref_slice %arg2[%dma_start3A_1811, %dma_start3A_1812] : memref<1000000x32xf32, #tpu.memory_space<hbm>> -> memref<1000000x32xf32, #tpu.memory_space<hbm>>
    tpu.enqueue_indirect_dma source(%dma_start3A_1813 : memref<1000000x32xf32, #tpu.memory_space<hbm>>) target(%dma_start3A_1808 : memref<512x32xf32, #tpu.memory_space<vmem>>) offsets(%dma_start3A_1810 : memref<512xi32, #tpu.memory_space<vmem>>) semaphore(%arg12 : memref<!tpu.dma_semaphore, #tpu.memory_space<semaphore_mem>>)
    %dma_wait3A_1814 = arith.constant 1 : i32
    %dma_wait3A_1815 = arith.constant 0 : i32
    %dma_wait3A_1816 = arith.constant 0 : i32
    %dma_wait3A_1817 = tpu.memref_slice %arg6[%dma_wait3A_1814, %dma_wait3A_1815, %dma_wait3A_1816] : memref<6x512x32xf32, #tpu.memory_space<vmem>> -> memref<1x512x32xf32, #tpu.memory_space<vmem>>
    %dma_wait3A_1818 = tpu.memref_squeeze %dma_wait3A_1817 : memref<1x512x32xf32, #tpu.memory_space<vmem>> -> memref<512x32xf32, #tpu.memory_space<vmem>>
    %dma_wait3A_1819 = arith.constant 18944 : i32
    %dma_wait3A_1820 = tpu.memref_slice %arg5[%dma_wait3A_1819] : memref<25600xi32, #tpu.memory_space<vmem>> -> memref<512xi32, #tpu.memory_space<vmem>>
    %dma_wait3A_1821 = arith.constant 0 : i32
    %dma_wait3A_1822 = arith.constant 0 : i32
    %dma_wait3A_1823 = tpu.memref_slice %arg2[%dma_wait3A_1821, %dma_wait3A_1822] : memref<1000000x32xf32, #tpu.memory_space<hbm>> -> memref<1000000x32xf32, #tpu.memory_space<hbm>>
    tpu.wait_indirect_dma semaphore(%arg8 : memref<!tpu.dma_semaphore, #tpu.memory_space<semaphore_mem>>) src(%dma_wait3A_1823 : memref<1000000x32xf32, #tpu.memory_space<hbm>>) dst(%dma_wait3A_1818 : memref<512x32xf32, #tpu.memory_space<vmem>>)
    %add3A_1824 = arith.constant 18944 : i32
    %add3A_1825 = arith.addi %mul3A_2, %add3A_1824 : i32
    %dma_start3A_1826 = arith.constant 1 : i32
    %dma_start3A_1827 = arith.constant 0 : i32
    %dma_start3A_1828 = arith.constant 0 : i32
    %dma_start3A_1829 = tpu.memref_slice %arg6[%dma_start3A_1826, %dma_start3A_1827, %dma_start3A_1828] : memref<6x512x32xf32, #tpu.memory_space<vmem>> -> memref<1x512x32xf32, #tpu.memory_space<vmem>>
    %dma_start3A_1830 = tpu.memref_squeeze %dma_start3A_1829 : memref<1x512x32xf32, #tpu.memory_space<vmem>> -> memref<512x32xf32, #tpu.memory_space<vmem>>
    %dma_start3A_1831 = arith.constant 0 : i32
    %dma_start3A_1832 = tpu.memref_slice %arg4[%add3A_1825, %dma_start3A_1831] : memref<819200x32xf32, #tpu.memory_space<hbm>> -> memref<512x32xf32, #tpu.memory_space<hbm>>
    %dma_start3A_1833 = arith.constant 0 : i32
    %dma_start3A_1834 = tpu.memref_slice %arg4[%add3A_1825, %dma_start3A_1833] : memref<819200x32xf32, #tpu.memory_space<hbm>> -> memref<512x32xf32, #tpu.memory_space<hbm>>
    %dma_start3A_1835 = arith.constant 0 : i32
    %dma_start3A_1836 = arith.constant 0 : i32
    %dma_start3A_1837 = tpu.memref_slice %arg6[%dma_start3A_1826, %dma_start3A_1835, %dma_start3A_1836] : memref<6x512x32xf32, #tpu.memory_space<vmem>> -> memref<1x512x32xf32, #tpu.memory_space<vmem>>
    %dma_start3A_1838 = tpu.memref_squeeze %dma_start3A_1837 : memref<1x512x32xf32, #tpu.memory_space<vmem>> -> memref<512x32xf32, #tpu.memory_space<vmem>>
    tpu.enqueue_dma source(%dma_start3A_1838 : memref<512x32xf32, #tpu.memory_space<vmem>>) target(%dma_start3A_1834 : memref<512x32xf32, #tpu.memory_space<hbm>>) target_semaphore(%arg14 : memref<!tpu.dma_semaphore, #tpu.memory_space<semaphore_mem>>)
    %dma_wait3A_1839 = arith.constant 0 : i32
    %dma_wait3A_1840 = arith.constant 0 : i32
    %dma_wait3A_1841 = arith.constant 0 : i32
    %dma_wait3A_1842 = tpu.memref_slice %arg6[%dma_wait3A_1839, %dma_wait3A_1840, %dma_wait3A_1841] : memref<6x512x32xf32, #tpu.memory_space<vmem>> -> memref<1x512x32xf32, #tpu.memory_space<vmem>>
    %dma_wait3A_1843 = tpu.memref_squeeze %dma_wait3A_1842 : memref<1x512x32xf32, #tpu.memory_space<vmem>> -> memref<512x32xf32, #tpu.memory_space<vmem>>
    %dma_wait3A_1844 = arith.constant 0 : i32
    %dma_wait3A_1845 = tpu.memref_slice %arg4[%add3A_1777, %dma_wait3A_1844] : memref<819200x32xf32, #tpu.memory_space<hbm>> -> memref<512x32xf32, #tpu.memory_space<hbm>>
    %dma_wait3A_1846 = arith.constant 0 : i32
    %dma_wait3A_1847 = tpu.memref_slice %arg4[%add3A_1777, %dma_wait3A_1846] : memref<819200x32xf32, #tpu.memory_space<hbm>> -> memref<512x32xf32, #tpu.memory_space<hbm>>
    %dma_wait3A_1848 = arith.constant 0 : i32
    %dma_wait3A_1849 = arith.constant 0 : i32
    %dma_wait3A_1850 = tpu.memref_slice %arg6[%dma_wait3A_1839, %dma_wait3A_1848, %dma_wait3A_1849] : memref<6x512x32xf32, #tpu.memory_space<vmem>> -> memref<1x512x32xf32, #tpu.memory_space<vmem>>
    %dma_wait3A_1851 = tpu.memref_squeeze %dma_wait3A_1850 : memref<1x512x32xf32, #tpu.memory_space<vmem>> -> memref<512x32xf32, #tpu.memory_space<vmem>>
    tpu.wait_dma2 semaphore(%arg13 : memref<!tpu.dma_semaphore, #tpu.memory_space<semaphore_mem>>) src(%dma_wait3A_1851 : memref<512x32xf32, #tpu.memory_space<vmem>>) dst(%dma_wait3A_1847 : memref<512x32xf32, #tpu.memory_space<hbm>>)
    %dma_start3A_1852 = arith.constant 0 : i32
    %dma_start3A_1853 = arith.constant 0 : i32
    %dma_start3A_1854 = arith.constant 0 : i32
    %dma_start3A_1855 = tpu.memref_slice %arg6[%dma_start3A_1852, %dma_start3A_1853, %dma_start3A_1854] : memref<6x512x32xf32, #tpu.memory_space<vmem>> -> memref<1x512x32xf32, #tpu.memory_space<vmem>>
    %dma_start3A_1856 = tpu.memref_squeeze %dma_start3A_1855 : memref<1x512x32xf32, #tpu.memory_space<vmem>> -> memref<512x32xf32, #tpu.memory_space<vmem>>
    %dma_start3A_1857 = arith.constant 21504 : i32
    %dma_start3A_1858 = tpu.memref_slice %arg5[%dma_start3A_1857] : memref<25600xi32, #tpu.memory_space<vmem>> -> memref<512xi32, #tpu.memory_space<vmem>>
    %dma_start3A_1859 = arith.constant 0 : i32
    %dma_start3A_1860 = arith.constant 0 : i32
    %dma_start3A_1861 = tpu.memref_slice %arg2[%dma_start3A_1859, %dma_start3A_1860] : memref<1000000x32xf32, #tpu.memory_space<hbm>> -> memref<1000000x32xf32, #tpu.memory_space<hbm>>
    tpu.enqueue_indirect_dma source(%dma_start3A_1861 : memref<1000000x32xf32, #tpu.memory_space<hbm>>) target(%dma_start3A_1856 : memref<512x32xf32, #tpu.memory_space<vmem>>) offsets(%dma_start3A_1858 : memref<512xi32, #tpu.memory_space<vmem>>) semaphore(%arg7 : memref<!tpu.dma_semaphore, #tpu.memory_space<semaphore_mem>>)
    %dma_wait3A_1862 = arith.constant 2 : i32
    %dma_wait3A_1863 = arith.constant 0 : i32
    %dma_wait3A_1864 = arith.constant 0 : i32
    %dma_wait3A_1865 = tpu.memref_slice %arg6[%dma_wait3A_1862, %dma_wait3A_1863, %dma_wait3A_1864] : memref<6x512x32xf32, #tpu.memory_space<vmem>> -> memref<1x512x32xf32, #tpu.memory_space<vmem>>
    %dma_wait3A_1866 = tpu.memref_squeeze %dma_wait3A_1865 : memref<1x512x32xf32, #tpu.memory_space<vmem>> -> memref<512x32xf32, #tpu.memory_space<vmem>>
    %dma_wait3A_1867 = arith.constant 19456 : i32
    %dma_wait3A_1868 = tpu.memref_slice %arg5[%dma_wait3A_1867] : memref<25600xi32, #tpu.memory_space<vmem>> -> memref<512xi32, #tpu.memory_space<vmem>>
    %dma_wait3A_1869 = arith.constant 0 : i32
    %dma_wait3A_1870 = arith.constant 0 : i32
    %dma_wait3A_1871 = tpu.memref_slice %arg2[%dma_wait3A_1869, %dma_wait3A_1870] : memref<1000000x32xf32, #tpu.memory_space<hbm>> -> memref<1000000x32xf32, #tpu.memory_space<hbm>>
    tpu.wait_indirect_dma semaphore(%arg9 : memref<!tpu.dma_semaphore, #tpu.memory_space<semaphore_mem>>) src(%dma_wait3A_1871 : memref<1000000x32xf32, #tpu.memory_space<hbm>>) dst(%dma_wait3A_1866 : memref<512x32xf32, #tpu.memory_space<vmem>>)
    %add3A_1872 = arith.constant 19456 : i32
    %add3A_1873 = arith.addi %mul3A_2, %add3A_1872 : i32
    %dma_start3A_1874 = arith.constant 2 : i32
    %dma_start3A_1875 = arith.constant 0 : i32
    %dma_start3A_1876 = arith.constant 0 : i32
    %dma_start3A_1877 = tpu.memref_slice %arg6[%dma_start3A_1874, %dma_start3A_1875, %dma_start3A_1876] : memref<6x512x32xf32, #tpu.memory_space<vmem>> -> memref<1x512x32xf32, #tpu.memory_space<vmem>>
    %dma_start3A_1878 = tpu.memref_squeeze %dma_start3A_1877 : memref<1x512x32xf32, #tpu.memory_space<vmem>> -> memref<512x32xf32, #tpu.memory_space<vmem>>
    %dma_start3A_1879 = arith.constant 0 : i32
    %dma_start3A_1880 = tpu.memref_slice %arg4[%add3A_1873, %dma_start3A_1879] : memref<819200x32xf32, #tpu.memory_space<hbm>> -> memref<512x32xf32, #tpu.memory_space<hbm>>
    %dma_start3A_1881 = arith.constant 0 : i32
    %dma_start3A_1882 = tpu.memref_slice %arg4[%add3A_1873, %dma_start3A_1881] : memref<819200x32xf32, #tpu.memory_space<hbm>> -> memref<512x32xf32, #tpu.memory_space<hbm>>
    %dma_start3A_1883 = arith.constant 0 : i32
    %dma_start3A_1884 = arith.constant 0 : i32
    %dma_start3A_1885 = tpu.memref_slice %arg6[%dma_start3A_1874, %dma_start3A_1883, %dma_start3A_1884] : memref<6x512x32xf32, #tpu.memory_space<vmem>> -> memref<1x512x32xf32, #tpu.memory_space<vmem>>
    %dma_start3A_1886 = tpu.memref_squeeze %dma_start3A_1885 : memref<1x512x32xf32, #tpu.memory_space<vmem>> -> memref<512x32xf32, #tpu.memory_space<vmem>>
    tpu.enqueue_dma source(%dma_start3A_1886 : memref<512x32xf32, #tpu.memory_space<vmem>>) target(%dma_start3A_1882 : memref<512x32xf32, #tpu.memory_space<hbm>>) target_semaphore(%arg15 : memref<!tpu.dma_semaphore, #tpu.memory_space<semaphore_mem>>)
    %dma_wait3A_1887 = arith.constant 1 : i32
    %dma_wait3A_1888 = arith.constant 0 : i32
    %dma_wait3A_1889 = arith.constant 0 : i32
    %dma_wait3A_1890 = tpu.memref_slice %arg6[%dma_wait3A_1887, %dma_wait3A_1888, %dma_wait3A_1889] : memref<6x512x32xf32, #tpu.memory_space<vmem>> -> memref<1x512x32xf32, #tpu.memory_space<vmem>>
    %dma_wait3A_1891 = tpu.memref_squeeze %dma_wait3A_1890 : memref<1x512x32xf32, #tpu.memory_space<vmem>> -> memref<512x32xf32, #tpu.memory_space<vmem>>
    %dma_wait3A_1892 = arith.constant 0 : i32
    %dma_wait3A_1893 = tpu.memref_slice %arg4[%add3A_1825, %dma_wait3A_1892] : memref<819200x32xf32, #tpu.memory_space<hbm>> -> memref<512x32xf32, #tpu.memory_space<hbm>>
    %dma_wait3A_1894 = arith.constant 0 : i32
    %dma_wait3A_1895 = tpu.memref_slice %arg4[%add3A_1825, %dma_wait3A_1894] : memref<819200x32xf32, #tpu.memory_space<hbm>> -> memref<512x32xf32, #tpu.memory_space<hbm>>
    %dma_wait3A_1896 = arith.constant 0 : i32
    %dma_wait3A_1897 = arith.constant 0 : i32
    %dma_wait3A_1898 = tpu.memref_slice %arg6[%dma_wait3A_1887, %dma_wait3A_1896, %dma_wait3A_1897] : memref<6x512x32xf32, #tpu.memory_space<vmem>> -> memref<1x512x32xf32, #tpu.memory_space<vmem>>
    %dma_wait3A_1899 = tpu.memref_squeeze %dma_wait3A_1898 : memref<1x512x32xf32, #tpu.memory_space<vmem>> -> memref<512x32xf32, #tpu.memory_space<vmem>>
    tpu.wait_dma2 semaphore(%arg14 : memref<!tpu.dma_semaphore, #tpu.memory_space<semaphore_mem>>) src(%dma_wait3A_1899 : memref<512x32xf32, #tpu.memory_space<vmem>>) dst(%dma_wait3A_1895 : memref<512x32xf32, #tpu.memory_space<hbm>>)
    %dma_start3A_1900 = arith.constant 1 : i32
    %dma_start3A_1901 = arith.constant 0 : i32
    %dma_start3A_1902 = arith.constant 0 : i32
    %dma_start3A_1903 = tpu.memref_slice %arg6[%dma_start3A_1900, %dma_start3A_1901, %dma_start3A_1902] : memref<6x512x32xf32, #tpu.memory_space<vmem>> -> memref<1x512x32xf32, #tpu.memory_space<vmem>>
    %dma_start3A_1904 = tpu.memref_squeeze %dma_start3A_1903 : memref<1x512x32xf32, #tpu.memory_space<vmem>> -> memref<512x32xf32, #tpu.memory_space<vmem>>
    %dma_start3A_1905 = arith.constant 22016 : i32
    %dma_start3A_1906 = tpu.memref_slice %arg5[%dma_start3A_1905] : memref<25600xi32, #tpu.memory_space<vmem>> -> memref<512xi32, #tpu.memory_space<vmem>>
    %dma_start3A_1907 = arith.constant 0 : i32
    %dma_start3A_1908 = arith.constant 0 : i32
    %dma_start3A_1909 = tpu.memref_slice %arg2[%dma_start3A_1907, %dma_start3A_1908] : memref<1000000x32xf32, #tpu.memory_space<hbm>> -> memref<1000000x32xf32, #tpu.memory_space<hbm>>
    tpu.enqueue_indirect_dma source(%dma_start3A_1909 : memref<1000000x32xf32, #tpu.memory_space<hbm>>) target(%dma_start3A_1904 : memref<512x32xf32, #tpu.memory_space<vmem>>) offsets(%dma_start3A_1906 : memref<512xi32, #tpu.memory_space<vmem>>) semaphore(%arg8 : memref<!tpu.dma_semaphore, #tpu.memory_space<semaphore_mem>>)
    %dma_wait3A_1910 = arith.constant 3 : i32
    %dma_wait3A_1911 = arith.constant 0 : i32
    %dma_wait3A_1912 = arith.constant 0 : i32
    %dma_wait3A_1913 = tpu.memref_slice %arg6[%dma_wait3A_1910, %dma_wait3A_1911, %dma_wait3A_1912] : memref<6x512x32xf32, #tpu.memory_space<vmem>> -> memref<1x512x32xf32, #tpu.memory_space<vmem>>
    %dma_wait3A_1914 = tpu.memref_squeeze %dma_wait3A_1913 : memref<1x512x32xf32, #tpu.memory_space<vmem>> -> memref<512x32xf32, #tpu.memory_space<vmem>>
    %dma_wait3A_1915 = arith.constant 19968 : i32
    %dma_wait3A_1916 = tpu.memref_slice %arg5[%dma_wait3A_1915] : memref<25600xi32, #tpu.memory_space<vmem>> -> memref<512xi32, #tpu.memory_space<vmem>>
    %dma_wait3A_1917 = arith.constant 0 : i32
    %dma_wait3A_1918 = arith.constant 0 : i32
    %dma_wait3A_1919 = tpu.memref_slice %arg2[%dma_wait3A_1917, %dma_wait3A_1918] : memref<1000000x32xf32, #tpu.memory_space<hbm>> -> memref<1000000x32xf32, #tpu.memory_space<hbm>>
    tpu.wait_indirect_dma semaphore(%arg10 : memref<!tpu.dma_semaphore, #tpu.memory_space<semaphore_mem>>) src(%dma_wait3A_1919 : memref<1000000x32xf32, #tpu.memory_space<hbm>>) dst(%dma_wait3A_1914 : memref<512x32xf32, #tpu.memory_space<vmem>>)
    %add3A_1920 = arith.constant 19968 : i32
    %add3A_1921 = arith.addi %mul3A_2, %add3A_1920 : i32
    %dma_start3A_1922 = arith.constant 3 : i32
    %dma_start3A_1923 = arith.constant 0 : i32
    %dma_start3A_1924 = arith.constant 0 : i32
    %dma_start3A_1925 = tpu.memref_slice %arg6[%dma_start3A_1922, %dma_start3A_1923, %dma_start3A_1924] : memref<6x512x32xf32, #tpu.memory_space<vmem>> -> memref<1x512x32xf32, #tpu.memory_space<vmem>>
    %dma_start3A_1926 = tpu.memref_squeeze %dma_start3A_1925 : memref<1x512x32xf32, #tpu.memory_space<vmem>> -> memref<512x32xf32, #tpu.memory_space<vmem>>
    %dma_start3A_1927 = arith.constant 0 : i32
    %dma_start3A_1928 = tpu.memref_slice %arg4[%add3A_1921, %dma_start3A_1927] : memref<819200x32xf32, #tpu.memory_space<hbm>> -> memref<512x32xf32, #tpu.memory_space<hbm>>
    %dma_start3A_1929 = arith.constant 0 : i32
    %dma_start3A_1930 = tpu.memref_slice %arg4[%add3A_1921, %dma_start3A_1929] : memref<819200x32xf32, #tpu.memory_space<hbm>> -> memref<512x32xf32, #tpu.memory_space<hbm>>
    %dma_start3A_1931 = arith.constant 0 : i32
    %dma_start3A_1932 = arith.constant 0 : i32
    %dma_start3A_1933 = tpu.memref_slice %arg6[%dma_start3A_1922, %dma_start3A_1931, %dma_start3A_1932] : memref<6x512x32xf32, #tpu.memory_space<vmem>> -> memref<1x512x32xf32, #tpu.memory_space<vmem>>
    %dma_start3A_1934 = tpu.memref_squeeze %dma_start3A_1933 : memref<1x512x32xf32, #tpu.memory_space<vmem>> -> memref<512x32xf32, #tpu.memory_space<vmem>>
    tpu.enqueue_dma source(%dma_start3A_1934 : memref<512x32xf32, #tpu.memory_space<vmem>>) target(%dma_start3A_1930 : memref<512x32xf32, #tpu.memory_space<hbm>>) target_semaphore(%arg16 : memref<!tpu.dma_semaphore, #tpu.memory_space<semaphore_mem>>)
    %dma_wait3A_1935 = arith.constant 2 : i32
    %dma_wait3A_1936 = arith.constant 0 : i32
    %dma_wait3A_1937 = arith.constant 0 : i32
    %dma_wait3A_1938 = tpu.memref_slice %arg6[%dma_wait3A_1935, %dma_wait3A_1936, %dma_wait3A_1937] : memref<6x512x32xf32, #tpu.memory_space<vmem>> -> memref<1x512x32xf32, #tpu.memory_space<vmem>>
    %dma_wait3A_1939 = tpu.memref_squeeze %dma_wait3A_1938 : memref<1x512x32xf32, #tpu.memory_space<vmem>> -> memref<512x32xf32, #tpu.memory_space<vmem>>
    %dma_wait3A_1940 = arith.constant 0 : i32
    %dma_wait3A_1941 = tpu.memref_slice %arg4[%add3A_1873, %dma_wait3A_1940] : memref<819200x32xf32, #tpu.memory_space<hbm>> -> memref<512x32xf32, #tpu.memory_space<hbm>>
    %dma_wait3A_1942 = arith.constant 0 : i32
    %dma_wait3A_1943 = tpu.memref_slice %arg4[%add3A_1873, %dma_wait3A_1942] : memref<819200x32xf32, #tpu.memory_space<hbm>> -> memref<512x32xf32, #tpu.memory_space<hbm>>
    %dma_wait3A_1944 = arith.constant 0 : i32
    %dma_wait3A_1945 = arith.constant 0 : i32
    %dma_wait3A_1946 = tpu.memref_slice %arg6[%dma_wait3A_1935, %dma_wait3A_1944, %dma_wait3A_1945] : memref<6x512x32xf32, #tpu.memory_space<vmem>> -> memref<1x512x32xf32, #tpu.memory_space<vmem>>
    %dma_wait3A_1947 = tpu.memref_squeeze %dma_wait3A_1946 : memref<1x512x32xf32, #tpu.memory_space<vmem>> -> memref<512x32xf32, #tpu.memory_space<vmem>>
    tpu.wait_dma2 semaphore(%arg15 : memref<!tpu.dma_semaphore, #tpu.memory_space<semaphore_mem>>) src(%dma_wait3A_1947 : memref<512x32xf32, #tpu.memory_space<vmem>>) dst(%dma_wait3A_1943 : memref<512x32xf32, #tpu.memory_space<hbm>>)
    %dma_start3A_1948 = arith.constant 2 : i32
    %dma_start3A_1949 = arith.constant 0 : i32
    %dma_start3A_1950 = arith.constant 0 : i32
    %dma_start3A_1951 = tpu.memref_slice %arg6[%dma_start3A_1948, %dma_start3A_1949, %dma_start3A_1950] : memref<6x512x32xf32, #tpu.memory_space<vmem>> -> memref<1x512x32xf32, #tpu.memory_space<vmem>>
    %dma_start3A_1952 = tpu.memref_squeeze %dma_start3A_1951 : memref<1x512x32xf32, #tpu.memory_space<vmem>> -> memref<512x32xf32, #tpu.memory_space<vmem>>
    %dma_start3A_1953 = arith.constant 22528 : i32
    %dma_start3A_1954 = tpu.memref_slice %arg5[%dma_start3A_1953] : memref<25600xi32, #tpu.memory_space<vmem>> -> memref<512xi32, #tpu.memory_space<vmem>>
    %dma_start3A_1955 = arith.constant 0 : i32
    %dma_start3A_1956 = arith.constant 0 : i32
    %dma_start3A_1957 = tpu.memref_slice %arg2[%dma_start3A_1955, %dma_start3A_1956] : memref<1000000x32xf32, #tpu.memory_space<hbm>> -> memref<1000000x32xf32, #tpu.memory_space<hbm>>
    tpu.enqueue_indirect_dma source(%dma_start3A_1957 : memref<1000000x32xf32, #tpu.memory_space<hbm>>) target(%dma_start3A_1952 : memref<512x32xf32, #tpu.memory_space<vmem>>) offsets(%dma_start3A_1954 : memref<512xi32, #tpu.memory_space<vmem>>) semaphore(%arg9 : memref<!tpu.dma_semaphore, #tpu.memory_space<semaphore_mem>>)
    %dma_wait3A_1958 = arith.constant 4 : i32
    %dma_wait3A_1959 = arith.constant 0 : i32
    %dma_wait3A_1960 = arith.constant 0 : i32
    %dma_wait3A_1961 = tpu.memref_slice %arg6[%dma_wait3A_1958, %dma_wait3A_1959, %dma_wait3A_1960] : memref<6x512x32xf32, #tpu.memory_space<vmem>> -> memref<1x512x32xf32, #tpu.memory_space<vmem>>
    %dma_wait3A_1962 = tpu.memref_squeeze %dma_wait3A_1961 : memref<1x512x32xf32, #tpu.memory_space<vmem>> -> memref<512x32xf32, #tpu.memory_space<vmem>>
    %dma_wait3A_1963 = arith.constant 20480 : i32
    %dma_wait3A_1964 = tpu.memref_slice %arg5[%dma_wait3A_1963] : memref<25600xi32, #tpu.memory_space<vmem>> -> memref<512xi32, #tpu.memory_space<vmem>>
    %dma_wait3A_1965 = arith.constant 0 : i32
    %dma_wait3A_1966 = arith.constant 0 : i32
    %dma_wait3A_1967 = tpu.memref_slice %arg2[%dma_wait3A_1965, %dma_wait3A_1966] : memref<1000000x32xf32, #tpu.memory_space<hbm>> -> memref<1000000x32xf32, #tpu.memory_space<hbm>>
    tpu.wait_indirect_dma semaphore(%arg11 : memref<!tpu.dma_semaphore, #tpu.memory_space<semaphore_mem>>) src(%dma_wait3A_1967 : memref<1000000x32xf32, #tpu.memory_space<hbm>>) dst(%dma_wait3A_1962 : memref<512x32xf32, #tpu.memory_space<vmem>>)
    %add3A_1968 = arith.constant 20480 : i32
    %add3A_1969 = arith.addi %mul3A_2, %add3A_1968 : i32
    %dma_start3A_1970 = arith.constant 4 : i32
    %dma_start3A_1971 = arith.constant 0 : i32
    %dma_start3A_1972 = arith.constant 0 : i32
    %dma_start3A_1973 = tpu.memref_slice %arg6[%dma_start3A_1970, %dma_start3A_1971, %dma_start3A_1972] : memref<6x512x32xf32, #tpu.memory_space<vmem>> -> memref<1x512x32xf32, #tpu.memory_space<vmem>>
    %dma_start3A_1974 = tpu.memref_squeeze %dma_start3A_1973 : memref<1x512x32xf32, #tpu.memory_space<vmem>> -> memref<512x32xf32, #tpu.memory_space<vmem>>
    %dma_start3A_1975 = arith.constant 0 : i32
    %dma_start3A_1976 = tpu.memref_slice %arg4[%add3A_1969, %dma_start3A_1975] : memref<819200x32xf32, #tpu.memory_space<hbm>> -> memref<512x32xf32, #tpu.memory_space<hbm>>
    %dma_start3A_1977 = arith.constant 0 : i32
    %dma_start3A_1978 = tpu.memref_slice %arg4[%add3A_1969, %dma_start3A_1977] : memref<819200x32xf32, #tpu.memory_space<hbm>> -> memref<512x32xf32, #tpu.memory_space<hbm>>
    %dma_start3A_1979 = arith.constant 0 : i32
    %dma_start3A_1980 = arith.constant 0 : i32
    %dma_start3A_1981 = tpu.memref_slice %arg6[%dma_start3A_1970, %dma_start3A_1979, %dma_start3A_1980] : memref<6x512x32xf32, #tpu.memory_space<vmem>> -> memref<1x512x32xf32, #tpu.memory_space<vmem>>
    %dma_start3A_1982 = tpu.memref_squeeze %dma_start3A_1981 : memref<1x512x32xf32, #tpu.memory_space<vmem>> -> memref<512x32xf32, #tpu.memory_space<vmem>>
    tpu.enqueue_dma source(%dma_start3A_1982 : memref<512x32xf32, #tpu.memory_space<vmem>>) target(%dma_start3A_1978 : memref<512x32xf32, #tpu.memory_space<hbm>>) target_semaphore(%arg17 : memref<!tpu.dma_semaphore, #tpu.memory_space<semaphore_mem>>)
    %dma_wait3A_1983 = arith.constant 3 : i32
    %dma_wait3A_1984 = arith.constant 0 : i32
    %dma_wait3A_1985 = arith.constant 0 : i32
    %dma_wait3A_1986 = tpu.memref_slice %arg6[%dma_wait3A_1983, %dma_wait3A_1984, %dma_wait3A_1985] : memref<6x512x32xf32, #tpu.memory_space<vmem>> -> memref<1x512x32xf32, #tpu.memory_space<vmem>>
    %dma_wait3A_1987 = tpu.memref_squeeze %dma_wait3A_1986 : memref<1x512x32xf32, #tpu.memory_space<vmem>> -> memref<512x32xf32, #tpu.memory_space<vmem>>
    %dma_wait3A_1988 = arith.constant 0 : i32
    %dma_wait3A_1989 = tpu.memref_slice %arg4[%add3A_1921, %dma_wait3A_1988] : memref<819200x32xf32, #tpu.memory_space<hbm>> -> memref<512x32xf32, #tpu.memory_space<hbm>>
    %dma_wait3A_1990 = arith.constant 0 : i32
    %dma_wait3A_1991 = tpu.memref_slice %arg4[%add3A_1921, %dma_wait3A_1990] : memref<819200x32xf32, #tpu.memory_space<hbm>> -> memref<512x32xf32, #tpu.memory_space<hbm>>
    %dma_wait3A_1992 = arith.constant 0 : i32
    %dma_wait3A_1993 = arith.constant 0 : i32
    %dma_wait3A_1994 = tpu.memref_slice %arg6[%dma_wait3A_1983, %dma_wait3A_1992, %dma_wait3A_1993] : memref<6x512x32xf32, #tpu.memory_space<vmem>> -> memref<1x512x32xf32, #tpu.memory_space<vmem>>
    %dma_wait3A_1995 = tpu.memref_squeeze %dma_wait3A_1994 : memref<1x512x32xf32, #tpu.memory_space<vmem>> -> memref<512x32xf32, #tpu.memory_space<vmem>>
    tpu.wait_dma2 semaphore(%arg16 : memref<!tpu.dma_semaphore, #tpu.memory_space<semaphore_mem>>) src(%dma_wait3A_1995 : memref<512x32xf32, #tpu.memory_space<vmem>>) dst(%dma_wait3A_1991 : memref<512x32xf32, #tpu.memory_space<hbm>>)
    %dma_start3A_1996 = arith.constant 3 : i32
    %dma_start3A_1997 = arith.constant 0 : i32
    %dma_start3A_1998 = arith.constant 0 : i32
    %dma_start3A_1999 = tpu.memref_slice %arg6[%dma_start3A_1996, %dma_start3A_1997, %dma_start3A_1998] : memref<6x512x32xf32, #tpu.memory_space<vmem>> -> memref<1x512x32xf32, #tpu.memory_space<vmem>>
    %dma_start3A_2000 = tpu.memref_squeeze %dma_start3A_1999 : memref<1x512x32xf32, #tpu.memory_space<vmem>> -> memref<512x32xf32, #tpu.memory_space<vmem>>
    %dma_start3A_2001 = arith.constant 23040 : i32
    %dma_start3A_2002 = tpu.memref_slice %arg5[%dma_start3A_2001] : memref<25600xi32, #tpu.memory_space<vmem>> -> memref<512xi32, #tpu.memory_space<vmem>>
    %dma_start3A_2003 = arith.constant 0 : i32
    %dma_start3A_2004 = arith.constant 0 : i32
    %dma_start3A_2005 = tpu.memref_slice %arg2[%dma_start3A_2003, %dma_start3A_2004] : memref<1000000x32xf32, #tpu.memory_space<hbm>> -> memref<1000000x32xf32, #tpu.memory_space<hbm>>
    tpu.enqueue_indirect_dma source(%dma_start3A_2005 : memref<1000000x32xf32, #tpu.memory_space<hbm>>) target(%dma_start3A_2000 : memref<512x32xf32, #tpu.memory_space<vmem>>) offsets(%dma_start3A_2002 : memref<512xi32, #tpu.memory_space<vmem>>) semaphore(%arg10 : memref<!tpu.dma_semaphore, #tpu.memory_space<semaphore_mem>>)
    %dma_wait3A_2006 = arith.constant 5 : i32
    %dma_wait3A_2007 = arith.constant 0 : i32
    %dma_wait3A_2008 = arith.constant 0 : i32
    %dma_wait3A_2009 = tpu.memref_slice %arg6[%dma_wait3A_2006, %dma_wait3A_2007, %dma_wait3A_2008] : memref<6x512x32xf32, #tpu.memory_space<vmem>> -> memref<1x512x32xf32, #tpu.memory_space<vmem>>
    %dma_wait3A_2010 = tpu.memref_squeeze %dma_wait3A_2009 : memref<1x512x32xf32, #tpu.memory_space<vmem>> -> memref<512x32xf32, #tpu.memory_space<vmem>>
    %dma_wait3A_2011 = arith.constant 20992 : i32
    %dma_wait3A_2012 = tpu.memref_slice %arg5[%dma_wait3A_2011] : memref<25600xi32, #tpu.memory_space<vmem>> -> memref<512xi32, #tpu.memory_space<vmem>>
    %dma_wait3A_2013 = arith.constant 0 : i32
    %dma_wait3A_2014 = arith.constant 0 : i32
    %dma_wait3A_2015 = tpu.memref_slice %arg2[%dma_wait3A_2013, %dma_wait3A_2014] : memref<1000000x32xf32, #tpu.memory_space<hbm>> -> memref<1000000x32xf32, #tpu.memory_space<hbm>>
    tpu.wait_indirect_dma semaphore(%arg12 : memref<!tpu.dma_semaphore, #tpu.memory_space<semaphore_mem>>) src(%dma_wait3A_2015 : memref<1000000x32xf32, #tpu.memory_space<hbm>>) dst(%dma_wait3A_2010 : memref<512x32xf32, #tpu.memory_space<vmem>>)
    %add3A_2016 = arith.constant 20992 : i32
    %add3A_2017 = arith.addi %mul3A_2, %add3A_2016 : i32
    %dma_start3A_2018 = arith.constant 5 : i32
    %dma_start3A_2019 = arith.constant 0 : i32
    %dma_start3A_2020 = arith.constant 0 : i32
    %dma_start3A_2021 = tpu.memref_slice %arg6[%dma_start3A_2018, %dma_start3A_2019, %dma_start3A_2020] : memref<6x512x32xf32, #tpu.memory_space<vmem>> -> memref<1x512x32xf32, #tpu.memory_space<vmem>>
    %dma_start3A_2022 = tpu.memref_squeeze %dma_start3A_2021 : memref<1x512x32xf32, #tpu.memory_space<vmem>> -> memref<512x32xf32, #tpu.memory_space<vmem>>
    %dma_start3A_2023 = arith.constant 0 : i32
    %dma_start3A_2024 = tpu.memref_slice %arg4[%add3A_2017, %dma_start3A_2023] : memref<819200x32xf32, #tpu.memory_space<hbm>> -> memref<512x32xf32, #tpu.memory_space<hbm>>
    %dma_start3A_2025 = arith.constant 0 : i32
    %dma_start3A_2026 = tpu.memref_slice %arg4[%add3A_2017, %dma_start3A_2025] : memref<819200x32xf32, #tpu.memory_space<hbm>> -> memref<512x32xf32, #tpu.memory_space<hbm>>
    %dma_start3A_2027 = arith.constant 0 : i32
    %dma_start3A_2028 = arith.constant 0 : i32
    %dma_start3A_2029 = tpu.memref_slice %arg6[%dma_start3A_2018, %dma_start3A_2027, %dma_start3A_2028] : memref<6x512x32xf32, #tpu.memory_space<vmem>> -> memref<1x512x32xf32, #tpu.memory_space<vmem>>
    %dma_start3A_2030 = tpu.memref_squeeze %dma_start3A_2029 : memref<1x512x32xf32, #tpu.memory_space<vmem>> -> memref<512x32xf32, #tpu.memory_space<vmem>>
    tpu.enqueue_dma source(%dma_start3A_2030 : memref<512x32xf32, #tpu.memory_space<vmem>>) target(%dma_start3A_2026 : memref<512x32xf32, #tpu.memory_space<hbm>>) target_semaphore(%arg18 : memref<!tpu.dma_semaphore, #tpu.memory_space<semaphore_mem>>)
    %dma_wait3A_2031 = arith.constant 4 : i32
    %dma_wait3A_2032 = arith.constant 0 : i32
    %dma_wait3A_2033 = arith.constant 0 : i32
    %dma_wait3A_2034 = tpu.memref_slice %arg6[%dma_wait3A_2031, %dma_wait3A_2032, %dma_wait3A_2033] : memref<6x512x32xf32, #tpu.memory_space<vmem>> -> memref<1x512x32xf32, #tpu.memory_space<vmem>>
    %dma_wait3A_2035 = tpu.memref_squeeze %dma_wait3A_2034 : memref<1x512x32xf32, #tpu.memory_space<vmem>> -> memref<512x32xf32, #tpu.memory_space<vmem>>
    %dma_wait3A_2036 = arith.constant 0 : i32
    %dma_wait3A_2037 = tpu.memref_slice %arg4[%add3A_1969, %dma_wait3A_2036] : memref<819200x32xf32, #tpu.memory_space<hbm>> -> memref<512x32xf32, #tpu.memory_space<hbm>>
    %dma_wait3A_2038 = arith.constant 0 : i32
    %dma_wait3A_2039 = tpu.memref_slice %arg4[%add3A_1969, %dma_wait3A_2038] : memref<819200x32xf32, #tpu.memory_space<hbm>> -> memref<512x32xf32, #tpu.memory_space<hbm>>
    %dma_wait3A_2040 = arith.constant 0 : i32
    %dma_wait3A_2041 = arith.constant 0 : i32
    %dma_wait3A_2042 = tpu.memref_slice %arg6[%dma_wait3A_2031, %dma_wait3A_2040, %dma_wait3A_2041] : memref<6x512x32xf32, #tpu.memory_space<vmem>> -> memref<1x512x32xf32, #tpu.memory_space<vmem>>
    %dma_wait3A_2043 = tpu.memref_squeeze %dma_wait3A_2042 : memref<1x512x32xf32, #tpu.memory_space<vmem>> -> memref<512x32xf32, #tpu.memory_space<vmem>>
    tpu.wait_dma2 semaphore(%arg17 : memref<!tpu.dma_semaphore, #tpu.memory_space<semaphore_mem>>) src(%dma_wait3A_2043 : memref<512x32xf32, #tpu.memory_space<vmem>>) dst(%dma_wait3A_2039 : memref<512x32xf32, #tpu.memory_space<hbm>>)
    %dma_start3A_2044 = arith.constant 4 : i32
    %dma_start3A_2045 = arith.constant 0 : i32
    %dma_start3A_2046 = arith.constant 0 : i32
    %dma_start3A_2047 = tpu.memref_slice %arg6[%dma_start3A_2044, %dma_start3A_2045, %dma_start3A_2046] : memref<6x512x32xf32, #tpu.memory_space<vmem>> -> memref<1x512x32xf32, #tpu.memory_space<vmem>>
    %dma_start3A_2048 = tpu.memref_squeeze %dma_start3A_2047 : memref<1x512x32xf32, #tpu.memory_space<vmem>> -> memref<512x32xf32, #tpu.memory_space<vmem>>
    %dma_start3A_2049 = arith.constant 23552 : i32
    %dma_start3A_2050 = tpu.memref_slice %arg5[%dma_start3A_2049] : memref<25600xi32, #tpu.memory_space<vmem>> -> memref<512xi32, #tpu.memory_space<vmem>>
    %dma_start3A_2051 = arith.constant 0 : i32
    %dma_start3A_2052 = arith.constant 0 : i32
    %dma_start3A_2053 = tpu.memref_slice %arg2[%dma_start3A_2051, %dma_start3A_2052] : memref<1000000x32xf32, #tpu.memory_space<hbm>> -> memref<1000000x32xf32, #tpu.memory_space<hbm>>
    tpu.enqueue_indirect_dma source(%dma_start3A_2053 : memref<1000000x32xf32, #tpu.memory_space<hbm>>) target(%dma_start3A_2048 : memref<512x32xf32, #tpu.memory_space<vmem>>) offsets(%dma_start3A_2050 : memref<512xi32, #tpu.memory_space<vmem>>) semaphore(%arg11 : memref<!tpu.dma_semaphore, #tpu.memory_space<semaphore_mem>>)
    %dma_wait3A_2054 = arith.constant 0 : i32
    %dma_wait3A_2055 = arith.constant 0 : i32
    %dma_wait3A_2056 = arith.constant 0 : i32
    %dma_wait3A_2057 = tpu.memref_slice %arg6[%dma_wait3A_2054, %dma_wait3A_2055, %dma_wait3A_2056] : memref<6x512x32xf32, #tpu.memory_space<vmem>> -> memref<1x512x32xf32, #tpu.memory_space<vmem>>
    %dma_wait3A_2058 = tpu.memref_squeeze %dma_wait3A_2057 : memref<1x512x32xf32, #tpu.memory_space<vmem>> -> memref<512x32xf32, #tpu.memory_space<vmem>>
    %dma_wait3A_2059 = arith.constant 21504 : i32
    %dma_wait3A_2060 = tpu.memref_slice %arg5[%dma_wait3A_2059] : memref<25600xi32, #tpu.memory_space<vmem>> -> memref<512xi32, #tpu.memory_space<vmem>>
    %dma_wait3A_2061 = arith.constant 0 : i32
    %dma_wait3A_2062 = arith.constant 0 : i32
    %dma_wait3A_2063 = tpu.memref_slice %arg2[%dma_wait3A_2061, %dma_wait3A_2062] : memref<1000000x32xf32, #tpu.memory_space<hbm>> -> memref<1000000x32xf32, #tpu.memory_space<hbm>>
    tpu.wait_indirect_dma semaphore(%arg7 : memref<!tpu.dma_semaphore, #tpu.memory_space<semaphore_mem>>) src(%dma_wait3A_2063 : memref<1000000x32xf32, #tpu.memory_space<hbm>>) dst(%dma_wait3A_2058 : memref<512x32xf32, #tpu.memory_space<vmem>>)
    %add3A_2064 = arith.constant 21504 : i32
    %add3A_2065 = arith.addi %mul3A_2, %add3A_2064 : i32
    %dma_start3A_2066 = arith.constant 0 : i32
    %dma_start3A_2067 = arith.constant 0 : i32
    %dma_start3A_2068 = arith.constant 0 : i32
    %dma_start3A_2069 = tpu.memref_slice %arg6[%dma_start3A_2066, %dma_start3A_2067, %dma_start3A_2068] : memref<6x512x32xf32, #tpu.memory_space<vmem>> -> memref<1x512x32xf32, #tpu.memory_space<vmem>>
    %dma_start3A_2070 = tpu.memref_squeeze %dma_start3A_2069 : memref<1x512x32xf32, #tpu.memory_space<vmem>> -> memref<512x32xf32, #tpu.memory_space<vmem>>
    %dma_start3A_2071 = arith.constant 0 : i32
    %dma_start3A_2072 = tpu.memref_slice %arg4[%add3A_2065, %dma_start3A_2071] : memref<819200x32xf32, #tpu.memory_space<hbm>> -> memref<512x32xf32, #tpu.memory_space<hbm>>
    %dma_start3A_2073 = arith.constant 0 : i32
    %dma_start3A_2074 = tpu.memref_slice %arg4[%add3A_2065, %dma_start3A_2073] : memref<819200x32xf32, #tpu.memory_space<hbm>> -> memref<512x32xf32, #tpu.memory_space<hbm>>
    %dma_start3A_2075 = arith.constant 0 : i32
    %dma_start3A_2076 = arith.constant 0 : i32
    %dma_start3A_2077 = tpu.memref_slice %arg6[%dma_start3A_2066, %dma_start3A_2075, %dma_start3A_2076] : memref<6x512x32xf32, #tpu.memory_space<vmem>> -> memref<1x512x32xf32, #tpu.memory_space<vmem>>
    %dma_start3A_2078 = tpu.memref_squeeze %dma_start3A_2077 : memref<1x512x32xf32, #tpu.memory_space<vmem>> -> memref<512x32xf32, #tpu.memory_space<vmem>>
    tpu.enqueue_dma source(%dma_start3A_2078 : memref<512x32xf32, #tpu.memory_space<vmem>>) target(%dma_start3A_2074 : memref<512x32xf32, #tpu.memory_space<hbm>>) target_semaphore(%arg13 : memref<!tpu.dma_semaphore, #tpu.memory_space<semaphore_mem>>)
    %dma_wait3A_2079 = arith.constant 5 : i32
    %dma_wait3A_2080 = arith.constant 0 : i32
    %dma_wait3A_2081 = arith.constant 0 : i32
    %dma_wait3A_2082 = tpu.memref_slice %arg6[%dma_wait3A_2079, %dma_wait3A_2080, %dma_wait3A_2081] : memref<6x512x32xf32, #tpu.memory_space<vmem>> -> memref<1x512x32xf32, #tpu.memory_space<vmem>>
    %dma_wait3A_2083 = tpu.memref_squeeze %dma_wait3A_2082 : memref<1x512x32xf32, #tpu.memory_space<vmem>> -> memref<512x32xf32, #tpu.memory_space<vmem>>
    %dma_wait3A_2084 = arith.constant 0 : i32
    %dma_wait3A_2085 = tpu.memref_slice %arg4[%add3A_2017, %dma_wait3A_2084] : memref<819200x32xf32, #tpu.memory_space<hbm>> -> memref<512x32xf32, #tpu.memory_space<hbm>>
    %dma_wait3A_2086 = arith.constant 0 : i32
    %dma_wait3A_2087 = tpu.memref_slice %arg4[%add3A_2017, %dma_wait3A_2086] : memref<819200x32xf32, #tpu.memory_space<hbm>> -> memref<512x32xf32, #tpu.memory_space<hbm>>
    %dma_wait3A_2088 = arith.constant 0 : i32
    %dma_wait3A_2089 = arith.constant 0 : i32
    %dma_wait3A_2090 = tpu.memref_slice %arg6[%dma_wait3A_2079, %dma_wait3A_2088, %dma_wait3A_2089] : memref<6x512x32xf32, #tpu.memory_space<vmem>> -> memref<1x512x32xf32, #tpu.memory_space<vmem>>
    %dma_wait3A_2091 = tpu.memref_squeeze %dma_wait3A_2090 : memref<1x512x32xf32, #tpu.memory_space<vmem>> -> memref<512x32xf32, #tpu.memory_space<vmem>>
    tpu.wait_dma2 semaphore(%arg18 : memref<!tpu.dma_semaphore, #tpu.memory_space<semaphore_mem>>) src(%dma_wait3A_2091 : memref<512x32xf32, #tpu.memory_space<vmem>>) dst(%dma_wait3A_2087 : memref<512x32xf32, #tpu.memory_space<hbm>>)
    %dma_start3A_2092 = arith.constant 5 : i32
    %dma_start3A_2093 = arith.constant 0 : i32
    %dma_start3A_2094 = arith.constant 0 : i32
    %dma_start3A_2095 = tpu.memref_slice %arg6[%dma_start3A_2092, %dma_start3A_2093, %dma_start3A_2094] : memref<6x512x32xf32, #tpu.memory_space<vmem>> -> memref<1x512x32xf32, #tpu.memory_space<vmem>>
    %dma_start3A_2096 = tpu.memref_squeeze %dma_start3A_2095 : memref<1x512x32xf32, #tpu.memory_space<vmem>> -> memref<512x32xf32, #tpu.memory_space<vmem>>
    %dma_start3A_2097 = arith.constant 24064 : i32
    %dma_start3A_2098 = tpu.memref_slice %arg5[%dma_start3A_2097] : memref<25600xi32, #tpu.memory_space<vmem>> -> memref<512xi32, #tpu.memory_space<vmem>>
    %dma_start3A_2099 = arith.constant 0 : i32
    %dma_start3A_2100 = arith.constant 0 : i32
    %dma_start3A_2101 = tpu.memref_slice %arg2[%dma_start3A_2099, %dma_start3A_2100] : memref<1000000x32xf32, #tpu.memory_space<hbm>> -> memref<1000000x32xf32, #tpu.memory_space<hbm>>
    tpu.enqueue_indirect_dma source(%dma_start3A_2101 : memref<1000000x32xf32, #tpu.memory_space<hbm>>) target(%dma_start3A_2096 : memref<512x32xf32, #tpu.memory_space<vmem>>) offsets(%dma_start3A_2098 : memref<512xi32, #tpu.memory_space<vmem>>) semaphore(%arg12 : memref<!tpu.dma_semaphore, #tpu.memory_space<semaphore_mem>>)
    %dma_wait3A_2102 = arith.constant 1 : i32
    %dma_wait3A_2103 = arith.constant 0 : i32
    %dma_wait3A_2104 = arith.constant 0 : i32
    %dma_wait3A_2105 = tpu.memref_slice %arg6[%dma_wait3A_2102, %dma_wait3A_2103, %dma_wait3A_2104] : memref<6x512x32xf32, #tpu.memory_space<vmem>> -> memref<1x512x32xf32, #tpu.memory_space<vmem>>
    %dma_wait3A_2106 = tpu.memref_squeeze %dma_wait3A_2105 : memref<1x512x32xf32, #tpu.memory_space<vmem>> -> memref<512x32xf32, #tpu.memory_space<vmem>>
    %dma_wait3A_2107 = arith.constant 22016 : i32
    %dma_wait3A_2108 = tpu.memref_slice %arg5[%dma_wait3A_2107] : memref<25600xi32, #tpu.memory_space<vmem>> -> memref<512xi32, #tpu.memory_space<vmem>>
    %dma_wait3A_2109 = arith.constant 0 : i32
    %dma_wait3A_2110 = arith.constant 0 : i32
    %dma_wait3A_2111 = tpu.memref_slice %arg2[%dma_wait3A_2109, %dma_wait3A_2110] : memref<1000000x32xf32, #tpu.memory_space<hbm>> -> memref<1000000x32xf32, #tpu.memory_space<hbm>>
    tpu.wait_indirect_dma semaphore(%arg8 : memref<!tpu.dma_semaphore, #tpu.memory_space<semaphore_mem>>) src(%dma_wait3A_2111 : memref<1000000x32xf32, #tpu.memory_space<hbm>>) dst(%dma_wait3A_2106 : memref<512x32xf32, #tpu.memory_space<vmem>>)
    %add3A_2112 = arith.constant 22016 : i32
    %add3A_2113 = arith.addi %mul3A_2, %add3A_2112 : i32
    %dma_start3A_2114 = arith.constant 1 : i32
    %dma_start3A_2115 = arith.constant 0 : i32
    %dma_start3A_2116 = arith.constant 0 : i32
    %dma_start3A_2117 = tpu.memref_slice %arg6[%dma_start3A_2114, %dma_start3A_2115, %dma_start3A_2116] : memref<6x512x32xf32, #tpu.memory_space<vmem>> -> memref<1x512x32xf32, #tpu.memory_space<vmem>>
    %dma_start3A_2118 = tpu.memref_squeeze %dma_start3A_2117 : memref<1x512x32xf32, #tpu.memory_space<vmem>> -> memref<512x32xf32, #tpu.memory_space<vmem>>
    %dma_start3A_2119 = arith.constant 0 : i32
    %dma_start3A_2120 = tpu.memref_slice %arg4[%add3A_2113, %dma_start3A_2119] : memref<819200x32xf32, #tpu.memory_space<hbm>> -> memref<512x32xf32, #tpu.memory_space<hbm>>
    %dma_start3A_2121 = arith.constant 0 : i32
    %dma_start3A_2122 = tpu.memref_slice %arg4[%add3A_2113, %dma_start3A_2121] : memref<819200x32xf32, #tpu.memory_space<hbm>> -> memref<512x32xf32, #tpu.memory_space<hbm>>
    %dma_start3A_2123 = arith.constant 0 : i32
    %dma_start3A_2124 = arith.constant 0 : i32
    %dma_start3A_2125 = tpu.memref_slice %arg6[%dma_start3A_2114, %dma_start3A_2123, %dma_start3A_2124] : memref<6x512x32xf32, #tpu.memory_space<vmem>> -> memref<1x512x32xf32, #tpu.memory_space<vmem>>
    %dma_start3A_2126 = tpu.memref_squeeze %dma_start3A_2125 : memref<1x512x32xf32, #tpu.memory_space<vmem>> -> memref<512x32xf32, #tpu.memory_space<vmem>>
    tpu.enqueue_dma source(%dma_start3A_2126 : memref<512x32xf32, #tpu.memory_space<vmem>>) target(%dma_start3A_2122 : memref<512x32xf32, #tpu.memory_space<hbm>>) target_semaphore(%arg14 : memref<!tpu.dma_semaphore, #tpu.memory_space<semaphore_mem>>)
    %dma_wait3A_2127 = arith.constant 0 : i32
    %dma_wait3A_2128 = arith.constant 0 : i32
    %dma_wait3A_2129 = arith.constant 0 : i32
    %dma_wait3A_2130 = tpu.memref_slice %arg6[%dma_wait3A_2127, %dma_wait3A_2128, %dma_wait3A_2129] : memref<6x512x32xf32, #tpu.memory_space<vmem>> -> memref<1x512x32xf32, #tpu.memory_space<vmem>>
    %dma_wait3A_2131 = tpu.memref_squeeze %dma_wait3A_2130 : memref<1x512x32xf32, #tpu.memory_space<vmem>> -> memref<512x32xf32, #tpu.memory_space<vmem>>
    %dma_wait3A_2132 = arith.constant 0 : i32
    %dma_wait3A_2133 = tpu.memref_slice %arg4[%add3A_2065, %dma_wait3A_2132] : memref<819200x32xf32, #tpu.memory_space<hbm>> -> memref<512x32xf32, #tpu.memory_space<hbm>>
    %dma_wait3A_2134 = arith.constant 0 : i32
    %dma_wait3A_2135 = tpu.memref_slice %arg4[%add3A_2065, %dma_wait3A_2134] : memref<819200x32xf32, #tpu.memory_space<hbm>> -> memref<512x32xf32, #tpu.memory_space<hbm>>
    %dma_wait3A_2136 = arith.constant 0 : i32
    %dma_wait3A_2137 = arith.constant 0 : i32
    %dma_wait3A_2138 = tpu.memref_slice %arg6[%dma_wait3A_2127, %dma_wait3A_2136, %dma_wait3A_2137] : memref<6x512x32xf32, #tpu.memory_space<vmem>> -> memref<1x512x32xf32, #tpu.memory_space<vmem>>
    %dma_wait3A_2139 = tpu.memref_squeeze %dma_wait3A_2138 : memref<1x512x32xf32, #tpu.memory_space<vmem>> -> memref<512x32xf32, #tpu.memory_space<vmem>>
    tpu.wait_dma2 semaphore(%arg13 : memref<!tpu.dma_semaphore, #tpu.memory_space<semaphore_mem>>) src(%dma_wait3A_2139 : memref<512x32xf32, #tpu.memory_space<vmem>>) dst(%dma_wait3A_2135 : memref<512x32xf32, #tpu.memory_space<hbm>>)
    %dma_start3A_2140 = arith.constant 0 : i32
    %dma_start3A_2141 = arith.constant 0 : i32
    %dma_start3A_2142 = arith.constant 0 : i32
    %dma_start3A_2143 = tpu.memref_slice %arg6[%dma_start3A_2140, %dma_start3A_2141, %dma_start3A_2142] : memref<6x512x32xf32, #tpu.memory_space<vmem>> -> memref<1x512x32xf32, #tpu.memory_space<vmem>>
    %dma_start3A_2144 = tpu.memref_squeeze %dma_start3A_2143 : memref<1x512x32xf32, #tpu.memory_space<vmem>> -> memref<512x32xf32, #tpu.memory_space<vmem>>
    %dma_start3A_2145 = arith.constant 24576 : i32
    %dma_start3A_2146 = tpu.memref_slice %arg5[%dma_start3A_2145] : memref<25600xi32, #tpu.memory_space<vmem>> -> memref<512xi32, #tpu.memory_space<vmem>>
    %dma_start3A_2147 = arith.constant 0 : i32
    %dma_start3A_2148 = arith.constant 0 : i32
    %dma_start3A_2149 = tpu.memref_slice %arg2[%dma_start3A_2147, %dma_start3A_2148] : memref<1000000x32xf32, #tpu.memory_space<hbm>> -> memref<1000000x32xf32, #tpu.memory_space<hbm>>
    tpu.enqueue_indirect_dma source(%dma_start3A_2149 : memref<1000000x32xf32, #tpu.memory_space<hbm>>) target(%dma_start3A_2144 : memref<512x32xf32, #tpu.memory_space<vmem>>) offsets(%dma_start3A_2146 : memref<512xi32, #tpu.memory_space<vmem>>) semaphore(%arg7 : memref<!tpu.dma_semaphore, #tpu.memory_space<semaphore_mem>>)
    %dma_wait3A_2150 = arith.constant 2 : i32
    %dma_wait3A_2151 = arith.constant 0 : i32
    %dma_wait3A_2152 = arith.constant 0 : i32
    %dma_wait3A_2153 = tpu.memref_slice %arg6[%dma_wait3A_2150, %dma_wait3A_2151, %dma_wait3A_2152] : memref<6x512x32xf32, #tpu.memory_space<vmem>> -> memref<1x512x32xf32, #tpu.memory_space<vmem>>
    %dma_wait3A_2154 = tpu.memref_squeeze %dma_wait3A_2153 : memref<1x512x32xf32, #tpu.memory_space<vmem>> -> memref<512x32xf32, #tpu.memory_space<vmem>>
    %dma_wait3A_2155 = arith.constant 22528 : i32
    %dma_wait3A_2156 = tpu.memref_slice %arg5[%dma_wait3A_2155] : memref<25600xi32, #tpu.memory_space<vmem>> -> memref<512xi32, #tpu.memory_space<vmem>>
    %dma_wait3A_2157 = arith.constant 0 : i32
    %dma_wait3A_2158 = arith.constant 0 : i32
    %dma_wait3A_2159 = tpu.memref_slice %arg2[%dma_wait3A_2157, %dma_wait3A_2158] : memref<1000000x32xf32, #tpu.memory_space<hbm>> -> memref<1000000x32xf32, #tpu.memory_space<hbm>>
    tpu.wait_indirect_dma semaphore(%arg9 : memref<!tpu.dma_semaphore, #tpu.memory_space<semaphore_mem>>) src(%dma_wait3A_2159 : memref<1000000x32xf32, #tpu.memory_space<hbm>>) dst(%dma_wait3A_2154 : memref<512x32xf32, #tpu.memory_space<vmem>>)
    %add3A_2160 = arith.constant 22528 : i32
    %add3A_2161 = arith.addi %mul3A_2, %add3A_2160 : i32
    %dma_start3A_2162 = arith.constant 2 : i32
    %dma_start3A_2163 = arith.constant 0 : i32
    %dma_start3A_2164 = arith.constant 0 : i32
    %dma_start3A_2165 = tpu.memref_slice %arg6[%dma_start3A_2162, %dma_start3A_2163, %dma_start3A_2164] : memref<6x512x32xf32, #tpu.memory_space<vmem>> -> memref<1x512x32xf32, #tpu.memory_space<vmem>>
    %dma_start3A_2166 = tpu.memref_squeeze %dma_start3A_2165 : memref<1x512x32xf32, #tpu.memory_space<vmem>> -> memref<512x32xf32, #tpu.memory_space<vmem>>
    %dma_start3A_2167 = arith.constant 0 : i32
    %dma_start3A_2168 = tpu.memref_slice %arg4[%add3A_2161, %dma_start3A_2167] : memref<819200x32xf32, #tpu.memory_space<hbm>> -> memref<512x32xf32, #tpu.memory_space<hbm>>
    %dma_start3A_2169 = arith.constant 0 : i32
    %dma_start3A_2170 = tpu.memref_slice %arg4[%add3A_2161, %dma_start3A_2169] : memref<819200x32xf32, #tpu.memory_space<hbm>> -> memref<512x32xf32, #tpu.memory_space<hbm>>
    %dma_start3A_2171 = arith.constant 0 : i32
    %dma_start3A_2172 = arith.constant 0 : i32
    %dma_start3A_2173 = tpu.memref_slice %arg6[%dma_start3A_2162, %dma_start3A_2171, %dma_start3A_2172] : memref<6x512x32xf32, #tpu.memory_space<vmem>> -> memref<1x512x32xf32, #tpu.memory_space<vmem>>
    %dma_start3A_2174 = tpu.memref_squeeze %dma_start3A_2173 : memref<1x512x32xf32, #tpu.memory_space<vmem>> -> memref<512x32xf32, #tpu.memory_space<vmem>>
    tpu.enqueue_dma source(%dma_start3A_2174 : memref<512x32xf32, #tpu.memory_space<vmem>>) target(%dma_start3A_2170 : memref<512x32xf32, #tpu.memory_space<hbm>>) target_semaphore(%arg15 : memref<!tpu.dma_semaphore, #tpu.memory_space<semaphore_mem>>)
    %dma_wait3A_2175 = arith.constant 1 : i32
    %dma_wait3A_2176 = arith.constant 0 : i32
    %dma_wait3A_2177 = arith.constant 0 : i32
    %dma_wait3A_2178 = tpu.memref_slice %arg6[%dma_wait3A_2175, %dma_wait3A_2176, %dma_wait3A_2177] : memref<6x512x32xf32, #tpu.memory_space<vmem>> -> memref<1x512x32xf32, #tpu.memory_space<vmem>>
    %dma_wait3A_2179 = tpu.memref_squeeze %dma_wait3A_2178 : memref<1x512x32xf32, #tpu.memory_space<vmem>> -> memref<512x32xf32, #tpu.memory_space<vmem>>
    %dma_wait3A_2180 = arith.constant 0 : i32
    %dma_wait3A_2181 = tpu.memref_slice %arg4[%add3A_2113, %dma_wait3A_2180] : memref<819200x32xf32, #tpu.memory_space<hbm>> -> memref<512x32xf32, #tpu.memory_space<hbm>>
    %dma_wait3A_2182 = arith.constant 0 : i32
    %dma_wait3A_2183 = tpu.memref_slice %arg4[%add3A_2113, %dma_wait3A_2182] : memref<819200x32xf32, #tpu.memory_space<hbm>> -> memref<512x32xf32, #tpu.memory_space<hbm>>
    %dma_wait3A_2184 = arith.constant 0 : i32
    %dma_wait3A_2185 = arith.constant 0 : i32
    %dma_wait3A_2186 = tpu.memref_slice %arg6[%dma_wait3A_2175, %dma_wait3A_2184, %dma_wait3A_2185] : memref<6x512x32xf32, #tpu.memory_space<vmem>> -> memref<1x512x32xf32, #tpu.memory_space<vmem>>
    %dma_wait3A_2187 = tpu.memref_squeeze %dma_wait3A_2186 : memref<1x512x32xf32, #tpu.memory_space<vmem>> -> memref<512x32xf32, #tpu.memory_space<vmem>>
    tpu.wait_dma2 semaphore(%arg14 : memref<!tpu.dma_semaphore, #tpu.memory_space<semaphore_mem>>) src(%dma_wait3A_2187 : memref<512x32xf32, #tpu.memory_space<vmem>>) dst(%dma_wait3A_2183 : memref<512x32xf32, #tpu.memory_space<hbm>>)
    %dma_start3A_2188 = arith.constant 1 : i32
    %dma_start3A_2189 = arith.constant 0 : i32
    %dma_start3A_2190 = arith.constant 0 : i32
    %dma_start3A_2191 = tpu.memref_slice %arg6[%dma_start3A_2188, %dma_start3A_2189, %dma_start3A_2190] : memref<6x512x32xf32, #tpu.memory_space<vmem>> -> memref<1x512x32xf32, #tpu.memory_space<vmem>>
    %dma_start3A_2192 = tpu.memref_squeeze %dma_start3A_2191 : memref<1x512x32xf32, #tpu.memory_space<vmem>> -> memref<512x32xf32, #tpu.memory_space<vmem>>
    %dma_start3A_2193 = arith.constant 25088 : i32
    %dma_start3A_2194 = tpu.memref_slice %arg5[%dma_start3A_2193] : memref<25600xi32, #tpu.memory_space<vmem>> -> memref<512xi32, #tpu.memory_space<vmem>>
    %dma_start3A_2195 = arith.constant 0 : i32
    %dma_start3A_2196 = arith.constant 0 : i32
    %dma_start3A_2197 = tpu.memref_slice %arg2[%dma_start3A_2195, %dma_start3A_2196] : memref<1000000x32xf32, #tpu.memory_space<hbm>> -> memref<1000000x32xf32, #tpu.memory_space<hbm>>
    tpu.enqueue_indirect_dma source(%dma_start3A_2197 : memref<1000000x32xf32, #tpu.memory_space<hbm>>) target(%dma_start3A_2192 : memref<512x32xf32, #tpu.memory_space<vmem>>) offsets(%dma_start3A_2194 : memref<512xi32, #tpu.memory_space<vmem>>) semaphore(%arg8 : memref<!tpu.dma_semaphore, #tpu.memory_space<semaphore_mem>>)
    %dma_wait3A_2198 = arith.constant 3 : i32
    %dma_wait3A_2199 = arith.constant 0 : i32
    %dma_wait3A_2200 = arith.constant 0 : i32
    %dma_wait3A_2201 = tpu.memref_slice %arg6[%dma_wait3A_2198, %dma_wait3A_2199, %dma_wait3A_2200] : memref<6x512x32xf32, #tpu.memory_space<vmem>> -> memref<1x512x32xf32, #tpu.memory_space<vmem>>
    %dma_wait3A_2202 = tpu.memref_squeeze %dma_wait3A_2201 : memref<1x512x32xf32, #tpu.memory_space<vmem>> -> memref<512x32xf32, #tpu.memory_space<vmem>>
    %dma_wait3A_2203 = arith.constant 23040 : i32
    %dma_wait3A_2204 = tpu.memref_slice %arg5[%dma_wait3A_2203] : memref<25600xi32, #tpu.memory_space<vmem>> -> memref<512xi32, #tpu.memory_space<vmem>>
    %dma_wait3A_2205 = arith.constant 0 : i32
    %dma_wait3A_2206 = arith.constant 0 : i32
    %dma_wait3A_2207 = tpu.memref_slice %arg2[%dma_wait3A_2205, %dma_wait3A_2206] : memref<1000000x32xf32, #tpu.memory_space<hbm>> -> memref<1000000x32xf32, #tpu.memory_space<hbm>>
    tpu.wait_indirect_dma semaphore(%arg10 : memref<!tpu.dma_semaphore, #tpu.memory_space<semaphore_mem>>) src(%dma_wait3A_2207 : memref<1000000x32xf32, #tpu.memory_space<hbm>>) dst(%dma_wait3A_2202 : memref<512x32xf32, #tpu.memory_space<vmem>>)
    %add3A_2208 = arith.constant 23040 : i32
    %add3A_2209 = arith.addi %mul3A_2, %add3A_2208 : i32
    %dma_start3A_2210 = arith.constant 3 : i32
    %dma_start3A_2211 = arith.constant 0 : i32
    %dma_start3A_2212 = arith.constant 0 : i32
    %dma_start3A_2213 = tpu.memref_slice %arg6[%dma_start3A_2210, %dma_start3A_2211, %dma_start3A_2212] : memref<6x512x32xf32, #tpu.memory_space<vmem>> -> memref<1x512x32xf32, #tpu.memory_space<vmem>>
    %dma_start3A_2214 = tpu.memref_squeeze %dma_start3A_2213 : memref<1x512x32xf32, #tpu.memory_space<vmem>> -> memref<512x32xf32, #tpu.memory_space<vmem>>
    %dma_start3A_2215 = arith.constant 0 : i32
    %dma_start3A_2216 = tpu.memref_slice %arg4[%add3A_2209, %dma_start3A_2215] : memref<819200x32xf32, #tpu.memory_space<hbm>> -> memref<512x32xf32, #tpu.memory_space<hbm>>
    %dma_start3A_2217 = arith.constant 0 : i32
    %dma_start3A_2218 = tpu.memref_slice %arg4[%add3A_2209, %dma_start3A_2217] : memref<819200x32xf32, #tpu.memory_space<hbm>> -> memref<512x32xf32, #tpu.memory_space<hbm>>
    %dma_start3A_2219 = arith.constant 0 : i32
    %dma_start3A_2220 = arith.constant 0 : i32
    %dma_start3A_2221 = tpu.memref_slice %arg6[%dma_start3A_2210, %dma_start3A_2219, %dma_start3A_2220] : memref<6x512x32xf32, #tpu.memory_space<vmem>> -> memref<1x512x32xf32, #tpu.memory_space<vmem>>
    %dma_start3A_2222 = tpu.memref_squeeze %dma_start3A_2221 : memref<1x512x32xf32, #tpu.memory_space<vmem>> -> memref<512x32xf32, #tpu.memory_space<vmem>>
    tpu.enqueue_dma source(%dma_start3A_2222 : memref<512x32xf32, #tpu.memory_space<vmem>>) target(%dma_start3A_2218 : memref<512x32xf32, #tpu.memory_space<hbm>>) target_semaphore(%arg16 : memref<!tpu.dma_semaphore, #tpu.memory_space<semaphore_mem>>)
    %dma_wait3A_2223 = arith.constant 4 : i32
    %dma_wait3A_2224 = arith.constant 0 : i32
    %dma_wait3A_2225 = arith.constant 0 : i32
    %dma_wait3A_2226 = tpu.memref_slice %arg6[%dma_wait3A_2223, %dma_wait3A_2224, %dma_wait3A_2225] : memref<6x512x32xf32, #tpu.memory_space<vmem>> -> memref<1x512x32xf32, #tpu.memory_space<vmem>>
    %dma_wait3A_2227 = tpu.memref_squeeze %dma_wait3A_2226 : memref<1x512x32xf32, #tpu.memory_space<vmem>> -> memref<512x32xf32, #tpu.memory_space<vmem>>
    %dma_wait3A_2228 = arith.constant 23552 : i32
    %dma_wait3A_2229 = tpu.memref_slice %arg5[%dma_wait3A_2228] : memref<25600xi32, #tpu.memory_space<vmem>> -> memref<512xi32, #tpu.memory_space<vmem>>
    %dma_wait3A_2230 = arith.constant 0 : i32
    %dma_wait3A_2231 = arith.constant 0 : i32
    %dma_wait3A_2232 = tpu.memref_slice %arg2[%dma_wait3A_2230, %dma_wait3A_2231] : memref<1000000x32xf32, #tpu.memory_space<hbm>> -> memref<1000000x32xf32, #tpu.memory_space<hbm>>
    tpu.wait_indirect_dma semaphore(%arg11 : memref<!tpu.dma_semaphore, #tpu.memory_space<semaphore_mem>>) src(%dma_wait3A_2232 : memref<1000000x32xf32, #tpu.memory_space<hbm>>) dst(%dma_wait3A_2227 : memref<512x32xf32, #tpu.memory_space<vmem>>)
    %add3A_2233 = arith.constant 23552 : i32
    %add3A_2234 = arith.addi %mul3A_2, %add3A_2233 : i32
    %dma_start3A_2235 = arith.constant 4 : i32
    %dma_start3A_2236 = arith.constant 0 : i32
    %dma_start3A_2237 = arith.constant 0 : i32
    %dma_start3A_2238 = tpu.memref_slice %arg6[%dma_start3A_2235, %dma_start3A_2236, %dma_start3A_2237] : memref<6x512x32xf32, #tpu.memory_space<vmem>> -> memref<1x512x32xf32, #tpu.memory_space<vmem>>
    %dma_start3A_2239 = tpu.memref_squeeze %dma_start3A_2238 : memref<1x512x32xf32, #tpu.memory_space<vmem>> -> memref<512x32xf32, #tpu.memory_space<vmem>>
    %dma_start3A_2240 = arith.constant 0 : i32
    %dma_start3A_2241 = tpu.memref_slice %arg4[%add3A_2234, %dma_start3A_2240] : memref<819200x32xf32, #tpu.memory_space<hbm>> -> memref<512x32xf32, #tpu.memory_space<hbm>>
    %dma_start3A_2242 = arith.constant 0 : i32
    %dma_start3A_2243 = tpu.memref_slice %arg4[%add3A_2234, %dma_start3A_2242] : memref<819200x32xf32, #tpu.memory_space<hbm>> -> memref<512x32xf32, #tpu.memory_space<hbm>>
    %dma_start3A_2244 = arith.constant 0 : i32
    %dma_start3A_2245 = arith.constant 0 : i32
    %dma_start3A_2246 = tpu.memref_slice %arg6[%dma_start3A_2235, %dma_start3A_2244, %dma_start3A_2245] : memref<6x512x32xf32, #tpu.memory_space<vmem>> -> memref<1x512x32xf32, #tpu.memory_space<vmem>>
    %dma_start3A_2247 = tpu.memref_squeeze %dma_start3A_2246 : memref<1x512x32xf32, #tpu.memory_space<vmem>> -> memref<512x32xf32, #tpu.memory_space<vmem>>
    tpu.enqueue_dma source(%dma_start3A_2247 : memref<512x32xf32, #tpu.memory_space<vmem>>) target(%dma_start3A_2243 : memref<512x32xf32, #tpu.memory_space<hbm>>) target_semaphore(%arg17 : memref<!tpu.dma_semaphore, #tpu.memory_space<semaphore_mem>>)
    %dma_wait3A_2248 = arith.constant 5 : i32
    %dma_wait3A_2249 = arith.constant 0 : i32
    %dma_wait3A_2250 = arith.constant 0 : i32
    %dma_wait3A_2251 = tpu.memref_slice %arg6[%dma_wait3A_2248, %dma_wait3A_2249, %dma_wait3A_2250] : memref<6x512x32xf32, #tpu.memory_space<vmem>> -> memref<1x512x32xf32, #tpu.memory_space<vmem>>
    %dma_wait3A_2252 = tpu.memref_squeeze %dma_wait3A_2251 : memref<1x512x32xf32, #tpu.memory_space<vmem>> -> memref<512x32xf32, #tpu.memory_space<vmem>>
    %dma_wait3A_2253 = arith.constant 24064 : i32
    %dma_wait3A_2254 = tpu.memref_slice %arg5[%dma_wait3A_2253] : memref<25600xi32, #tpu.memory_space<vmem>> -> memref<512xi32, #tpu.memory_space<vmem>>
    %dma_wait3A_2255 = arith.constant 0 : i32
    %dma_wait3A_2256 = arith.constant 0 : i32
    %dma_wait3A_2257 = tpu.memref_slice %arg2[%dma_wait3A_2255, %dma_wait3A_2256] : memref<1000000x32xf32, #tpu.memory_space<hbm>> -> memref<1000000x32xf32, #tpu.memory_space<hbm>>
    tpu.wait_indirect_dma semaphore(%arg12 : memref<!tpu.dma_semaphore, #tpu.memory_space<semaphore_mem>>) src(%dma_wait3A_2257 : memref<1000000x32xf32, #tpu.memory_space<hbm>>) dst(%dma_wait3A_2252 : memref<512x32xf32, #tpu.memory_space<vmem>>)
    %add3A_2258 = arith.constant 24064 : i32
    %add3A_2259 = arith.addi %mul3A_2, %add3A_2258 : i32
    %dma_start3A_2260 = arith.constant 5 : i32
    %dma_start3A_2261 = arith.constant 0 : i32
    %dma_start3A_2262 = arith.constant 0 : i32
    %dma_start3A_2263 = tpu.memref_slice %arg6[%dma_start3A_2260, %dma_start3A_2261, %dma_start3A_2262] : memref<6x512x32xf32, #tpu.memory_space<vmem>> -> memref<1x512x32xf32, #tpu.memory_space<vmem>>
    %dma_start3A_2264 = tpu.memref_squeeze %dma_start3A_2263 : memref<1x512x32xf32, #tpu.memory_space<vmem>> -> memref<512x32xf32, #tpu.memory_space<vmem>>
    %dma_start3A_2265 = arith.constant 0 : i32
    %dma_start3A_2266 = tpu.memref_slice %arg4[%add3A_2259, %dma_start3A_2265] : memref<819200x32xf32, #tpu.memory_space<hbm>> -> memref<512x32xf32, #tpu.memory_space<hbm>>
    %dma_start3A_2267 = arith.constant 0 : i32
    %dma_start3A_2268 = tpu.memref_slice %arg4[%add3A_2259, %dma_start3A_2267] : memref<819200x32xf32, #tpu.memory_space<hbm>> -> memref<512x32xf32, #tpu.memory_space<hbm>>
    %dma_start3A_2269 = arith.constant 0 : i32
    %dma_start3A_2270 = arith.constant 0 : i32
    %dma_start3A_2271 = tpu.memref_slice %arg6[%dma_start3A_2260, %dma_start3A_2269, %dma_start3A_2270] : memref<6x512x32xf32, #tpu.memory_space<vmem>> -> memref<1x512x32xf32, #tpu.memory_space<vmem>>
    %dma_start3A_2272 = tpu.memref_squeeze %dma_start3A_2271 : memref<1x512x32xf32, #tpu.memory_space<vmem>> -> memref<512x32xf32, #tpu.memory_space<vmem>>
    tpu.enqueue_dma source(%dma_start3A_2272 : memref<512x32xf32, #tpu.memory_space<vmem>>) target(%dma_start3A_2268 : memref<512x32xf32, #tpu.memory_space<hbm>>) target_semaphore(%arg18 : memref<!tpu.dma_semaphore, #tpu.memory_space<semaphore_mem>>)
    %dma_wait3A_2273 = arith.constant 0 : i32
    %dma_wait3A_2274 = arith.constant 0 : i32
    %dma_wait3A_2275 = arith.constant 0 : i32
    %dma_wait3A_2276 = tpu.memref_slice %arg6[%dma_wait3A_2273, %dma_wait3A_2274, %dma_wait3A_2275] : memref<6x512x32xf32, #tpu.memory_space<vmem>> -> memref<1x512x32xf32, #tpu.memory_space<vmem>>
    %dma_wait3A_2277 = tpu.memref_squeeze %dma_wait3A_2276 : memref<1x512x32xf32, #tpu.memory_space<vmem>> -> memref<512x32xf32, #tpu.memory_space<vmem>>
    %dma_wait3A_2278 = arith.constant 24576 : i32
    %dma_wait3A_2279 = tpu.memref_slice %arg5[%dma_wait3A_2278] : memref<25600xi32, #tpu.memory_space<vmem>> -> memref<512xi32, #tpu.memory_space<vmem>>
    %dma_wait3A_2280 = arith.constant 0 : i32
    %dma_wait3A_2281 = arith.constant 0 : i32
    %dma_wait3A_2282 = tpu.memref_slice %arg2[%dma_wait3A_2280, %dma_wait3A_2281] : memref<1000000x32xf32, #tpu.memory_space<hbm>> -> memref<1000000x32xf32, #tpu.memory_space<hbm>>
    tpu.wait_indirect_dma semaphore(%arg7 : memref<!tpu.dma_semaphore, #tpu.memory_space<semaphore_mem>>) src(%dma_wait3A_2282 : memref<1000000x32xf32, #tpu.memory_space<hbm>>) dst(%dma_wait3A_2277 : memref<512x32xf32, #tpu.memory_space<vmem>>)
    %add3A_2283 = arith.constant 24576 : i32
    %add3A_2284 = arith.addi %mul3A_2, %add3A_2283 : i32
    %dma_start3A_2285 = arith.constant 0 : i32
    %dma_start3A_2286 = arith.constant 0 : i32
    %dma_start3A_2287 = arith.constant 0 : i32
    %dma_start3A_2288 = tpu.memref_slice %arg6[%dma_start3A_2285, %dma_start3A_2286, %dma_start3A_2287] : memref<6x512x32xf32, #tpu.memory_space<vmem>> -> memref<1x512x32xf32, #tpu.memory_space<vmem>>
    %dma_start3A_2289 = tpu.memref_squeeze %dma_start3A_2288 : memref<1x512x32xf32, #tpu.memory_space<vmem>> -> memref<512x32xf32, #tpu.memory_space<vmem>>
    %dma_start3A_2290 = arith.constant 0 : i32
    %dma_start3A_2291 = tpu.memref_slice %arg4[%add3A_2284, %dma_start3A_2290] : memref<819200x32xf32, #tpu.memory_space<hbm>> -> memref<512x32xf32, #tpu.memory_space<hbm>>
    %dma_start3A_2292 = arith.constant 0 : i32
    %dma_start3A_2293 = tpu.memref_slice %arg4[%add3A_2284, %dma_start3A_2292] : memref<819200x32xf32, #tpu.memory_space<hbm>> -> memref<512x32xf32, #tpu.memory_space<hbm>>
    %dma_start3A_2294 = arith.constant 0 : i32
    %dma_start3A_2295 = arith.constant 0 : i32
    %dma_start3A_2296 = tpu.memref_slice %arg6[%dma_start3A_2285, %dma_start3A_2294, %dma_start3A_2295] : memref<6x512x32xf32, #tpu.memory_space<vmem>> -> memref<1x512x32xf32, #tpu.memory_space<vmem>>
    %dma_start3A_2297 = tpu.memref_squeeze %dma_start3A_2296 : memref<1x512x32xf32, #tpu.memory_space<vmem>> -> memref<512x32xf32, #tpu.memory_space<vmem>>
    tpu.enqueue_dma source(%dma_start3A_2297 : memref<512x32xf32, #tpu.memory_space<vmem>>) target(%dma_start3A_2293 : memref<512x32xf32, #tpu.memory_space<hbm>>) target_semaphore(%arg13 : memref<!tpu.dma_semaphore, #tpu.memory_space<semaphore_mem>>)
    %dma_wait3A_2298 = arith.constant 1 : i32
    %dma_wait3A_2299 = arith.constant 0 : i32
    %dma_wait3A_2300 = arith.constant 0 : i32
    %dma_wait3A_2301 = tpu.memref_slice %arg6[%dma_wait3A_2298, %dma_wait3A_2299, %dma_wait3A_2300] : memref<6x512x32xf32, #tpu.memory_space<vmem>> -> memref<1x512x32xf32, #tpu.memory_space<vmem>>
    %dma_wait3A_2302 = tpu.memref_squeeze %dma_wait3A_2301 : memref<1x512x32xf32, #tpu.memory_space<vmem>> -> memref<512x32xf32, #tpu.memory_space<vmem>>
    %dma_wait3A_2303 = arith.constant 25088 : i32
    %dma_wait3A_2304 = tpu.memref_slice %arg5[%dma_wait3A_2303] : memref<25600xi32, #tpu.memory_space<vmem>> -> memref<512xi32, #tpu.memory_space<vmem>>
    %dma_wait3A_2305 = arith.constant 0 : i32
    %dma_wait3A_2306 = arith.constant 0 : i32
    %dma_wait3A_2307 = tpu.memref_slice %arg2[%dma_wait3A_2305, %dma_wait3A_2306] : memref<1000000x32xf32, #tpu.memory_space<hbm>> -> memref<1000000x32xf32, #tpu.memory_space<hbm>>
    tpu.wait_indirect_dma semaphore(%arg8 : memref<!tpu.dma_semaphore, #tpu.memory_space<semaphore_mem>>) src(%dma_wait3A_2307 : memref<1000000x32xf32, #tpu.memory_space<hbm>>) dst(%dma_wait3A_2302 : memref<512x32xf32, #tpu.memory_space<vmem>>)
    %add3A_2308 = arith.constant 25088 : i32
    %add3A_2309 = arith.addi %mul3A_2, %add3A_2308 : i32
    %dma_start3A_2310 = arith.constant 1 : i32
    %dma_start3A_2311 = arith.constant 0 : i32
    %dma_start3A_2312 = arith.constant 0 : i32
    %dma_start3A_2313 = tpu.memref_slice %arg6[%dma_start3A_2310, %dma_start3A_2311, %dma_start3A_2312] : memref<6x512x32xf32, #tpu.memory_space<vmem>> -> memref<1x512x32xf32, #tpu.memory_space<vmem>>
    %dma_start3A_2314 = tpu.memref_squeeze %dma_start3A_2313 : memref<1x512x32xf32, #tpu.memory_space<vmem>> -> memref<512x32xf32, #tpu.memory_space<vmem>>
    %dma_start3A_2315 = arith.constant 0 : i32
    %dma_start3A_2316 = tpu.memref_slice %arg4[%add3A_2309, %dma_start3A_2315] : memref<819200x32xf32, #tpu.memory_space<hbm>> -> memref<512x32xf32, #tpu.memory_space<hbm>>
    %dma_start3A_2317 = arith.constant 0 : i32
    %dma_start3A_2318 = tpu.memref_slice %arg4[%add3A_2309, %dma_start3A_2317] : memref<819200x32xf32, #tpu.memory_space<hbm>> -> memref<512x32xf32, #tpu.memory_space<hbm>>
    %dma_start3A_2319 = arith.constant 0 : i32
    %dma_start3A_2320 = arith.constant 0 : i32
    %dma_start3A_2321 = tpu.memref_slice %arg6[%dma_start3A_2310, %dma_start3A_2319, %dma_start3A_2320] : memref<6x512x32xf32, #tpu.memory_space<vmem>> -> memref<1x512x32xf32, #tpu.memory_space<vmem>>
    %dma_start3A_2322 = tpu.memref_squeeze %dma_start3A_2321 : memref<1x512x32xf32, #tpu.memory_space<vmem>> -> memref<512x32xf32, #tpu.memory_space<vmem>>
    tpu.enqueue_dma source(%dma_start3A_2322 : memref<512x32xf32, #tpu.memory_space<vmem>>) target(%dma_start3A_2318 : memref<512x32xf32, #tpu.memory_space<hbm>>) target_semaphore(%arg14 : memref<!tpu.dma_semaphore, #tpu.memory_space<semaphore_mem>>)
    %dma_wait3A_2323 = arith.constant 2 : i32
    %dma_wait3A_2324 = arith.constant 0 : i32
    %dma_wait3A_2325 = arith.constant 0 : i32
    %dma_wait3A_2326 = tpu.memref_slice %arg6[%dma_wait3A_2323, %dma_wait3A_2324, %dma_wait3A_2325] : memref<6x512x32xf32, #tpu.memory_space<vmem>> -> memref<1x512x32xf32, #tpu.memory_space<vmem>>
    %dma_wait3A_2327 = tpu.memref_squeeze %dma_wait3A_2326 : memref<1x512x32xf32, #tpu.memory_space<vmem>> -> memref<512x32xf32, #tpu.memory_space<vmem>>
    %dma_wait3A_2328 = arith.constant 0 : i32
    %dma_wait3A_2329 = tpu.memref_slice %arg4[%add3A_2161, %dma_wait3A_2328] : memref<819200x32xf32, #tpu.memory_space<hbm>> -> memref<512x32xf32, #tpu.memory_space<hbm>>
    %dma_wait3A_2330 = arith.constant 0 : i32
    %dma_wait3A_2331 = tpu.memref_slice %arg4[%add3A_2161, %dma_wait3A_2330] : memref<819200x32xf32, #tpu.memory_space<hbm>> -> memref<512x32xf32, #tpu.memory_space<hbm>>
    %dma_wait3A_2332 = arith.constant 0 : i32
    %dma_wait3A_2333 = arith.constant 0 : i32
    %dma_wait3A_2334 = tpu.memref_slice %arg6[%dma_wait3A_2323, %dma_wait3A_2332, %dma_wait3A_2333] : memref<6x512x32xf32, #tpu.memory_space<vmem>> -> memref<1x512x32xf32, #tpu.memory_space<vmem>>
    %dma_wait3A_2335 = tpu.memref_squeeze %dma_wait3A_2334 : memref<1x512x32xf32, #tpu.memory_space<vmem>> -> memref<512x32xf32, #tpu.memory_space<vmem>>
    tpu.wait_dma2 semaphore(%arg15 : memref<!tpu.dma_semaphore, #tpu.memory_space<semaphore_mem>>) src(%dma_wait3A_2335 : memref<512x32xf32, #tpu.memory_space<vmem>>) dst(%dma_wait3A_2331 : memref<512x32xf32, #tpu.memory_space<hbm>>)
    %dma_wait3A_2336 = arith.constant 3 : i32
    %dma_wait3A_2337 = arith.constant 0 : i32
    %dma_wait3A_2338 = arith.constant 0 : i32
    %dma_wait3A_2339 = tpu.memref_slice %arg6[%dma_wait3A_2336, %dma_wait3A_2337, %dma_wait3A_2338] : memref<6x512x32xf32, #tpu.memory_space<vmem>> -> memref<1x512x32xf32, #tpu.memory_space<vmem>>
    %dma_wait3A_2340 = tpu.memref_squeeze %dma_wait3A_2339 : memref<1x512x32xf32, #tpu.memory_space<vmem>> -> memref<512x32xf32, #tpu.memory_space<vmem>>
    %dma_wait3A_2341 = arith.constant 0 : i32
    %dma_wait3A_2342 = tpu.memref_slice %arg4[%add3A_2209, %dma_wait3A_2341] : memref<819200x32xf32, #tpu.memory_space<hbm>> -> memref<512x32xf32, #tpu.memory_space<hbm>>
    %dma_wait3A_2343 = arith.constant 0 : i32
    %dma_wait3A_2344 = tpu.memref_slice %arg4[%add3A_2209, %dma_wait3A_2343] : memref<819200x32xf32, #tpu.memory_space<hbm>> -> memref<512x32xf32, #tpu.memory_space<hbm>>
    %dma_wait3A_2345 = arith.constant 0 : i32
    %dma_wait3A_2346 = arith.constant 0 : i32
    %dma_wait3A_2347 = tpu.memref_slice %arg6[%dma_wait3A_2336, %dma_wait3A_2345, %dma_wait3A_2346] : memref<6x512x32xf32, #tpu.memory_space<vmem>> -> memref<1x512x32xf32, #tpu.memory_space<vmem>>
    %dma_wait3A_2348 = tpu.memref_squeeze %dma_wait3A_2347 : memref<1x512x32xf32, #tpu.memory_space<vmem>> -> memref<512x32xf32, #tpu.memory_space<vmem>>
    tpu.wait_dma2 semaphore(%arg16 : memref<!tpu.dma_semaphore, #tpu.memory_space<semaphore_mem>>) src(%dma_wait3A_2348 : memref<512x32xf32, #tpu.memory_space<vmem>>) dst(%dma_wait3A_2344 : memref<512x32xf32, #tpu.memory_space<hbm>>)
    %dma_wait3A_2349 = arith.constant 4 : i32
    %dma_wait3A_2350 = arith.constant 0 : i32
    %dma_wait3A_2351 = arith.constant 0 : i32
    %dma_wait3A_2352 = tpu.memref_slice %arg6[%dma_wait3A_2349, %dma_wait3A_2350, %dma_wait3A_2351] : memref<6x512x32xf32, #tpu.memory_space<vmem>> -> memref<1x512x32xf32, #tpu.memory_space<vmem>>
    %dma_wait3A_2353 = tpu.memref_squeeze %dma_wait3A_2352 : memref<1x512x32xf32, #tpu.memory_space<vmem>> -> memref<512x32xf32, #tpu.memory_space<vmem>>
    %dma_wait3A_2354 = arith.constant 0 : i32
    %dma_wait3A_2355 = tpu.memref_slice %arg4[%add3A_2234, %dma_wait3A_2354] : memref<819200x32xf32, #tpu.memory_space<hbm>> -> memref<512x32xf32, #tpu.memory_space<hbm>>
    %dma_wait3A_2356 = arith.constant 0 : i32
    %dma_wait3A_2357 = tpu.memref_slice %arg4[%add3A_2234, %dma_wait3A_2356] : memref<819200x32xf32, #tpu.memory_space<hbm>> -> memref<512x32xf32, #tpu.memory_space<hbm>>
    %dma_wait3A_2358 = arith.constant 0 : i32
    %dma_wait3A_2359 = arith.constant 0 : i32
    %dma_wait3A_2360 = tpu.memref_slice %arg6[%dma_wait3A_2349, %dma_wait3A_2358, %dma_wait3A_2359] : memref<6x512x32xf32, #tpu.memory_space<vmem>> -> memref<1x512x32xf32, #tpu.memory_space<vmem>>
    %dma_wait3A_2361 = tpu.memref_squeeze %dma_wait3A_2360 : memref<1x512x32xf32, #tpu.memory_space<vmem>> -> memref<512x32xf32, #tpu.memory_space<vmem>>
    tpu.wait_dma2 semaphore(%arg17 : memref<!tpu.dma_semaphore, #tpu.memory_space<semaphore_mem>>) src(%dma_wait3A_2361 : memref<512x32xf32, #tpu.memory_space<vmem>>) dst(%dma_wait3A_2357 : memref<512x32xf32, #tpu.memory_space<hbm>>)
    %dma_wait3A_2362 = arith.constant 5 : i32
    %dma_wait3A_2363 = arith.constant 0 : i32
    %dma_wait3A_2364 = arith.constant 0 : i32
    %dma_wait3A_2365 = tpu.memref_slice %arg6[%dma_wait3A_2362, %dma_wait3A_2363, %dma_wait3A_2364] : memref<6x512x32xf32, #tpu.memory_space<vmem>> -> memref<1x512x32xf32, #tpu.memory_space<vmem>>
    %dma_wait3A_2366 = tpu.memref_squeeze %dma_wait3A_2365 : memref<1x512x32xf32, #tpu.memory_space<vmem>> -> memref<512x32xf32, #tpu.memory_space<vmem>>
    %dma_wait3A_2367 = arith.constant 0 : i32
    %dma_wait3A_2368 = tpu.memref_slice %arg4[%add3A_2259, %dma_wait3A_2367] : memref<819200x32xf32, #tpu.memory_space<hbm>> -> memref<512x32xf32, #tpu.memory_space<hbm>>
    %dma_wait3A_2369 = arith.constant 0 : i32
    %dma_wait3A_2370 = tpu.memref_slice %arg4[%add3A_2259, %dma_wait3A_2369] : memref<819200x32xf32, #tpu.memory_space<hbm>> -> memref<512x32xf32, #tpu.memory_space<hbm>>
    %dma_wait3A_2371 = arith.constant 0 : i32
    %dma_wait3A_2372 = arith.constant 0 : i32
    %dma_wait3A_2373 = tpu.memref_slice %arg6[%dma_wait3A_2362, %dma_wait3A_2371, %dma_wait3A_2372] : memref<6x512x32xf32, #tpu.memory_space<vmem>> -> memref<1x512x32xf32, #tpu.memory_space<vmem>>
    %dma_wait3A_2374 = tpu.memref_squeeze %dma_wait3A_2373 : memref<1x512x32xf32, #tpu.memory_space<vmem>> -> memref<512x32xf32, #tpu.memory_space<vmem>>
    tpu.wait_dma2 semaphore(%arg18 : memref<!tpu.dma_semaphore, #tpu.memory_space<semaphore_mem>>) src(%dma_wait3A_2374 : memref<512x32xf32, #tpu.memory_space<vmem>>) dst(%dma_wait3A_2370 : memref<512x32xf32, #tpu.memory_space<hbm>>)
    %dma_wait3A_2375 = arith.constant 0 : i32
    %dma_wait3A_2376 = arith.constant 0 : i32
    %dma_wait3A_2377 = arith.constant 0 : i32
    %dma_wait3A_2378 = tpu.memref_slice %arg6[%dma_wait3A_2375, %dma_wait3A_2376, %dma_wait3A_2377] : memref<6x512x32xf32, #tpu.memory_space<vmem>> -> memref<1x512x32xf32, #tpu.memory_space<vmem>>
    %dma_wait3A_2379 = tpu.memref_squeeze %dma_wait3A_2378 : memref<1x512x32xf32, #tpu.memory_space<vmem>> -> memref<512x32xf32, #tpu.memory_space<vmem>>
    %dma_wait3A_2380 = arith.constant 0 : i32
    %dma_wait3A_2381 = tpu.memref_slice %arg4[%add3A_2284, %dma_wait3A_2380] : memref<819200x32xf32, #tpu.memory_space<hbm>> -> memref<512x32xf32, #tpu.memory_space<hbm>>
    %dma_wait3A_2382 = arith.constant 0 : i32
    %dma_wait3A_2383 = tpu.memref_slice %arg4[%add3A_2284, %dma_wait3A_2382] : memref<819200x32xf32, #tpu.memory_space<hbm>> -> memref<512x32xf32, #tpu.memory_space<hbm>>
    %dma_wait3A_2384 = arith.constant 0 : i32
    %dma_wait3A_2385 = arith.constant 0 : i32
    %dma_wait3A_2386 = tpu.memref_slice %arg6[%dma_wait3A_2375, %dma_wait3A_2384, %dma_wait3A_2385] : memref<6x512x32xf32, #tpu.memory_space<vmem>> -> memref<1x512x32xf32, #tpu.memory_space<vmem>>
    %dma_wait3A_2387 = tpu.memref_squeeze %dma_wait3A_2386 : memref<1x512x32xf32, #tpu.memory_space<vmem>> -> memref<512x32xf32, #tpu.memory_space<vmem>>
    tpu.wait_dma2 semaphore(%arg13 : memref<!tpu.dma_semaphore, #tpu.memory_space<semaphore_mem>>) src(%dma_wait3A_2387 : memref<512x32xf32, #tpu.memory_space<vmem>>) dst(%dma_wait3A_2383 : memref<512x32xf32, #tpu.memory_space<hbm>>)
    %dma_wait3A_2388 = arith.constant 1 : i32
    %dma_wait3A_2389 = arith.constant 0 : i32
    %dma_wait3A_2390 = arith.constant 0 : i32
    %dma_wait3A_2391 = tpu.memref_slice %arg6[%dma_wait3A_2388, %dma_wait3A_2389, %dma_wait3A_2390] : memref<6x512x32xf32, #tpu.memory_space<vmem>> -> memref<1x512x32xf32, #tpu.memory_space<vmem>>
    %dma_wait3A_2392 = tpu.memref_squeeze %dma_wait3A_2391 : memref<1x512x32xf32, #tpu.memory_space<vmem>> -> memref<512x32xf32, #tpu.memory_space<vmem>>
    %dma_wait3A_2393 = arith.constant 0 : i32
    %dma_wait3A_2394 = tpu.memref_slice %arg4[%add3A_2309, %dma_wait3A_2393] : memref<819200x32xf32, #tpu.memory_space<hbm>> -> memref<512x32xf32, #tpu.memory_space<hbm>>
    %dma_wait3A_2395 = arith.constant 0 : i32
    %dma_wait3A_2396 = tpu.memref_slice %arg4[%add3A_2309, %dma_wait3A_2395] : memref<819200x32xf32, #tpu.memory_space<hbm>> -> memref<512x32xf32, #tpu.memory_space<hbm>>
    %dma_wait3A_2397 = arith.constant 0 : i32
    %dma_wait3A_2398 = arith.constant 0 : i32
    %dma_wait3A_2399 = tpu.memref_slice %arg6[%dma_wait3A_2388, %dma_wait3A_2397, %dma_wait3A_2398] : memref<6x512x32xf32, #tpu.memory_space<vmem>> -> memref<1x512x32xf32, #tpu.memory_space<vmem>>
    %dma_wait3A_2400 = tpu.memref_squeeze %dma_wait3A_2399 : memref<1x512x32xf32, #tpu.memory_space<vmem>> -> memref<512x32xf32, #tpu.memory_space<vmem>>
    tpu.wait_dma2 semaphore(%arg14 : memref<!tpu.dma_semaphore, #tpu.memory_space<semaphore_mem>>) src(%dma_wait3A_2400 : memref<512x32xf32, #tpu.memory_space<vmem>>) dst(%dma_wait3A_2396 : memref<512x32xf32, #tpu.memory_space<hbm>>)
    return
  }
}

</mosaic_0001>

<sc_bundles>
// kernel: kernel.3.cloned.1.call-start
scs
__scs_entry_jumppad:
0x0: {  	(pc) =	sbr.rel $0x88, $3  }
0x1: {  	(tag) =	ssettag $0x0;
	lr =	simm.s32 $0x1  }
0x2: {  	[smem:$0x3F9F] =	sst lr;
	_ =	strace $0xD0000000  }
0x3: {  	_ = 	snop  }
0x4: {  	_ = 	snop  }
0x5: {  	_ = 	snop  }
0x6: {  	_ = 	snop  }
0x7: {  	_ = 	snop  }
__scs_overlays_trampoline_lowered:
0x8: {  	[smem:$0x3FAE] =	sst s0  }
0x9: {  	[smem:$0x3FAF] =	sst s1  }
0xa: {  	[smem:$0x3FB0] =	sst s2  }
0xb: {  	[smem:$0x3FB1] =	sst s3  }
0xc: {  	[smem:$0x3FB2] =	sst s4  }
0xd: {  	[smem:$0x3FB3] =	sst s5  }
0xe: {  	[smem:$0x3FB4] =	sst s6  }
0xf: {  	[smem:$0x3FB5] =	sst s7  }
0x10: {  	[smem:$0x3FB6] =	sst s8  }
0x11: {  	[smem:$0x3FB7] =	sst s9;
	s0 =	simm.s32 @!p0 $0x0  }
0x12: {  	s1 =	sld [smem:$0x3F9D];
	s0 =	simm.s32 @p0 $0x1  }
0x13: {  	[smem:$0x3FB8] =	sst s0;
	s0 =	simm.s32 @!p1 $0x0  }
0x14: {  	s2 =	sld [smem:$0x3F9C];
	s0 =	simm.s32 @p1 $0x1  }
0x15: {  	[smem:$0x3FB9] =	sst s0;
	s0 =	simm.s32 @!p2 $0x0  }
0x16: {  	s3 =	sld [smem:$0x3FDB];
	s0 =	simm.s32 @p2 $0x1  }
0x17: {  	s4 =	simm.s32 $0x1BF5;
	[smem:$0x3FBB] =	sst s0  }
0x18: {  	s0 =	sld [smem:$0x3F9E];
	_ =	swait.ge [sflag:s4], $0x0  }
0x19: {  	s7 =	sld [smem:$0x3F9F]  }
0x1a: {  	s8 =	sadd.s32 $0xFFFFE003, lr  }
0x1b: {  	s9 =	sadd.s32 $0xFFFFFEF7, lr;
	s5 =	simm.s32 $0xFFFFFFFF;
	p2 =	slt.u32 s8, $0xFFFFF086  }
0x1c: {  	p1 =	slt.u32 s9, $0xF7A;
	s5 =	simm.s32 @!p2 $0x0  }
0x1d: {  	s5 =	simm.s32 @p1 $0x1;
	p0 =	seq.s32 s7, s2  }
0x1e: {  	s7 =	smul.u32 @!p0 $0xF7A, s2;
	p2 =	seq.s32 @!p0 s5, $0x0  }
0x1f: {  	s9 =	smul.u32 $0xF7A, s1;
	s8 =	simm.s32 @!p0 $0x1BF5;
	p2 =	por !p2, p0  }
0x20: {  	[sflag:s8] =	ssyncset.s32 @!p0 $0xFFFFF086;
	s6 =	sadd.s32 @!p0 s3, s7;
	s7 =	simm.s32 @!p0 $0x108  }
0x21: {  	s3 =	sadd.s32 s3, s9;
	s6 =	sadd.s32 @!p0 $0x88, s6;
	s7 =	simm.s32 @p2 $0x1082  }
0x22: {  	[simem:s7], [sflag:s8] =	dma.local @!p0 [hbm:s6], $0xF7A  }
0x23: {  	s9 =	sor.u32 $0xD0000000, s2;
	s6 =	simm.s32 $0x108;
	_ =	swait.ge @!p0 [sflag:s8], $0x0  }
0x24: {  	s3 =	sadd.s32 $0x88, s3;
	s6 =	simm.s32 @!p1 $0x1082;
	[sflag:s4] =	ssyncset.s32 $0xFFFFF086  }
0x25: {  	[simem:s6], [sflag:s4] =	dma.local [hbm:s3], $0xF7A  }
0x26: {  	[smem:$0x3F9F] =	sst s1;
	(tag) =	ssettag s2;
	_ =	strace s9  }
0x27: {  	s1 =	sld [smem:$0x3FAF]  }
0x28: {  	s2 =	sld [smem:$0x3FB0]  }
0x29: {  	s4 =	sld [smem:$0x3FB2]  }
0x2a: {  	p0 =	seq.s32 s5, $0x0;
	s5 =	sld [smem:$0x3FB3]  }
0x2b: {  	s6 =	sld [smem:$0x3FB4]  }
0x2c: {  	s7 =	sld [smem:$0x3FB5]  }
0x2d: {  	s3 =	simm.s32 $0x108;
	s8 =	sld [smem:$0x3FB6]  }
0x2e: {  	s3 =	simm.s32 @!p0 $0x1082;
	s9 =	sld [smem:$0x3FB7]  }
0x2f: {  	lr =	sadd.s32 s0, s3;
	s0 =	sld [smem:$0x3FAE]  }
0x30: {  	s3 =	sld [smem:$0x3FB1]  }
0x31: {  	[smem:$0x3FBA] =	sst s10  }
0x32: {  	s10 =	sld [smem:$0x3FB8];
	_ =	sdelay $0x3  }
0x33: {  	p0 =	seq.s32 s10, $0x1;
	s10 =	sld [smem:$0x3FBA];
	_ =	sdelay $0x3  }
0x34: {  	[smem:$0x3FBA] =	sst s10  }
0x35: {  	s10 =	sld [smem:$0x3FB9];
	_ =	sdelay $0x3  }
0x36: {  	p1 =	seq.s32 s10, $0x1;
	s10 =	sld [smem:$0x3FBA];
	_ =	sdelay $0x3  }
0x37: {  	[smem:$0x3FBA] =	sst s10  }
0x38: {  	s10 =	sld [smem:$0x3FBB]  }
0x39: {  	_ = 	snop;
	(pc) =	sbr.ind lr, $3  }
0x3a: {  	_ = 	snop  }
0x3b: {  	_ = 	snop  }
0x3c: {  	p2 =	seq.s32 s10, $0x1;
	s10 =	sld [smem:$0x3FBA]  }
0x3d: {  	_ =	shalt  }
0x3e: {  	_ =	shalt  }
0x3f: {  	_ =	shalt  }
0x40: {  	_ =	shalt  }
0x41: {  	_ =	shalt  }
0x42: {  	_ =	shalt  }
0x43: {  	_ =	shalt  }
0x44: {  	_ =	shalt  }
0x45: {  	_ =	shalt  }
0x46: {  	_ =	shalt  }
0x47: {  	_ =	shalt  }
0x48: {  	_ =	shalt  }
0x49: {  	_ =	shalt  }
0x4a: {  	_ =	shalt  }
0x4b: {  	_ =	shalt  }
0x4c: {  	_ =	shalt  }
0x4d: {  	_ =	shalt  }
0x4e: {  	_ =	shalt  }
0x4f: {  	_ =	shalt  }
0x50: {  	_ =	shalt  }
0x51: {  	_ =	shalt  }
0x52: {  	_ =	shalt  }
0x53: {  	_ =	shalt  }
0x54: {  	_ =	shalt  }
0x55: {  	_ =	shalt  }
0x56: {  	_ =	shalt  }
0x57: {  	_ =	shalt  }
0x58: {  	_ =	shalt  }
0x59: {  	_ =	shalt  }
0x5a: {  	_ =	shalt  }
0x5b: {  	_ =	shalt  }
0x5c: {  	_ =	shalt  }
0x5d: {  	_ =	shalt  }
0x5e: {  	_ =	shalt  }
0x5f: {  	_ =	shalt  }
0x60: {  	_ =	shalt  }
0x61: {  	_ =	shalt  }
0x62: {  	_ =	shalt  }
0x63: {  	_ =	shalt  }
0x64: {  	_ =	shalt  }
0x65: {  	_ =	shalt  }
0x66: {  	_ =	shalt  }
0x67: {  	_ =	shalt  }
0x68: {  	_ =	shalt  }
0x69: {  	_ =	shalt  }
0x6a: {  	_ =	shalt  }
0x6b: {  	_ =	shalt  }
0x6c: {  	_ =	shalt  }
0x6d: {  	_ =	shalt  }
0x6e: {  	_ =	shalt  }
0x6f: {  	_ =	shalt  }
0x70: {  	_ =	shalt  }
0x71: {  	_ =	shalt  }
0x72: {  	_ =	shalt  }
0x73: {  	_ =	shalt  }
0x74: {  	_ =	shalt  }
0x75: {  	_ =	shalt  }
0x76: {  	_ =	shalt  }
0x77: {  	_ =	shalt  }
0x78: {  	_ =	shalt  }
0x79: {  	_ =	shalt  }
0x7a: {  	_ =	shalt  }
0x7b: {  	_ =	shalt  }
0x7c: {  	_ =	shalt  }
0x7d: {  	_ =	shalt  }
0x7e: {  	_ =	shalt  }
0x7f: {  	_ =	shalt  }
0x80: {  	_ =	shalt  }
0x81: {  	_ =	shalt  }
0x82: {  	_ =	shalt  }
0x83: {  	_ =	shalt  }
0x84: {  	_ =	shalt  }
0x85: {  	_ =	shalt  }
0x86: {  	_ =	shalt  }
0x87: {  	_ =	shalt  }
.Lfunc_end0:
.L_simem_size_0:
called_computation.1_lowered:
.L_overlay_start_0:
0x88: {  	s2 =	sld [smem:$0x3FD9]  }
0x89: {  	s3 =	sld [smem:$0x3FFE];
	_ =	sdelay $0x1  }
0x8a: {  	s1 =	srdreg.scid  }
0x8b: {  	s0 =	sand.u32 $0x1, s1  }
0x8c: {  	s17 =	sshll.u32 s0, $0xA;
	s2 =	sadd.s32 s3, s2  }
0x8d: {  	s2 =	sadd.s32 s2, s17  }
0x8e: {  	[smem:$0x3FC6] =	sst s2  }
0x8f: {  	_ = 	snop  }
0x90: {  	s2 =	sld [smem:$0x3FD0];
	(tm) =	ssettm $0x1  }
0x91: {  	s18 =	sld [smem:$0x3FFB];
	_ =	sdelay $0x3  }
0x92: {  	_ =	strace s18  }
0x93: {  	s3 =	sld [smem:$0x3FFC];
	_ =	sdelay $0x3  }
0x94: {  	_ =	strace s3  }
0x95: {  	s3 =	sld [smem:$0x3FFD];
	_ =	sdelay $0x3  }
0x96: {  	_ =	strace s3  }
0x97: {  	_ =	strace $0x8FFFFFFF  }
0x98: {  	s19 =	sld [smem:$0x3FDB];
	_ =	sdelay $0x1  }
0x99: {  	s4 =	simm.s32 $_scs_section_size  }
0x9a: {  	s5 =	simm.s32 $_size__tile_overlayer_lowered;
	s6 =	simm.s32 $_tile_overlayer_lowered  }
0x9b: {  	s22 =	simm.s32 $0x1BFF;
	s21 =	sshll.u32 s6, $0x1;
	s3 =	sadd.s32 s4, s19  }
0x9c: {  	s7 =	simm.s32 $0x0;
	s20 =	sshll.u32 s5, $0x1;
	s5 =	sadd.s32 s21, s3  }
0x9d: {  	[timem:s7], [sflag:s22] =	dma.local [hbm:s5], s20  }
0x9e: {  	_ =	swait.ge [sflag:s22], s20  }
0x9f: {  	s4 =	ssub.s32 $0x0, s20;
	[sflag:s22] =	ssyncset.done $0x0  }
0xa0: {  	[sflag:s22] =	ssyncadd.s32 s4;
	_ =	sdelay $0x1  }
0xa1: {  	s23 =	simm.s32 $0x1B8B  }
0xa2: {  	_ =	swait.ge [sflag:s23], $0x1  }
0xa3: {  	[sflag:s23] =	ssyncset.done $0x0  }
0xa4: {  	s25 =	simm.s32 $0x1B8E;
	s24 =	sld [smem:$0x3FFE];
	[sflag:s23] =	ssyncadd.s32 $0xFFFFFFFF  }
0xa5: {  	s26 =	simm.s32 $execute0_lowered;
	[smem:$0x3FD2] =	sst s25  }
0xa6: {  	s5 =	sshll.u32 s26, $0x1;
	_ =	strace $0x80000046;
	[dreg:$0x1] =	wrdreg $0xFFFFFFFF  }
0xa7: {  	s28 =	simm.s32 $_size_execute0_lowered;
	s3 =	sadd.s32 s3, s5;
	[dreg:$0x0] =	wrdreg $0x0  }
0xa8: {  	s5 =	sshll.u32 s28, $0x1;
	[dreg:$0x2] =	wrdreg s3  }
0xa9: {  	[dreg:$0x3] =	wrdreg s5  }
0xaa: {  	[dreg:$0x4] =	wrdreg $0xC0  }
0xab: {  	_ =	task [dreg:s7], $0x5FFFF  }
0xac: {  	[dreg:$0x1] =	wrdreg $0xFFFFFFFF  }
0xad: {  	[dreg:$0x0] =	wrdreg $0x60  }
0xae: {  	[dreg:$0x2] =	wrdreg s24  }
0xaf: {  	[dreg:$0x3] =	wrdreg s2  }
0xb0: {  	[dreg:$0x4] =	wrdreg $0x9  }
0xb1: {  	_ =	task.clear_ibuf [dreg:s7], $0x5FFFF;
	_ =	strace $0x90000046  }
0xb2: {  	s29 =	simm.s32 $0x9;
	_ =	strace $0x80000048  }
0xb3: {  	_ =	swait.ge [sflag:s29], $0x1  }
0xb4: {  	[sflag:s29] =	ssyncadd.s32 $0xFFFFFFFF  }
0xb5: {  	_ =	strace $0x90000048  }
0xb6: {  	_ =	sfence  }
0xb7: {  	s30 =	sld [smem:$0x0];
	_ =	sdelay $0x2  }
0xb8: {  	s31 =	sshll.u32 s1, $0xD;
	s1 =	sshrl.u32 s1, $0x2  }
0xb9: {  	s3 =	sand.u32 $0x4000, s31;
	s1 =	sadd.s32 s1, s30  }
0xba: {  	s0 =	sor.u32 s3, s0;
	s1 =	sshll.u32 s1, $0x11  }
0xbb: {  	s0 =	sor.u32 s1, s0  }
0xbc: {  	s0 =	sadd.s32 $0x8F2B, s0  }
0xbd: {  	[sflag:s0] =	ssyncadd.remote.s32 $0x1  }
0xbe: {  	_ =	sfence.sel $0xFFFF  }
0xbf: {  	[dreg:$0x0] =	wrdreg $0xFFFFFFFF;
	(pc) =	sbr.abs _section_cstart, $3  }
0xc0: {  	[dreg:$0x1] =	wrdreg $0xFFFFFFFF  }
0xc1: {  	_ =	task.clear_ibuf [dreg:s7], $0x2FFFF;
	_ =	strace $0x9FFFFFFF  }
0xc2: {  	(tm) =	ssettm $0x7FFFFFFF  }
0xc3: {  	_ =	shalt  }
tec
execute0_lowered:
.L_overlay_start_1:
0x0: {  	(tag) =	ssettag $0x1  }
0x1: {  	s0 =	srdreg.scid;
	s23 =	stileid.u32  }
0x2: {  	s1 =	sand.u32 $0x1, s0;
	s7 =	sshll.u32 s23, $0x1  }
0x3: {  	s0 =	sor.u32 s1, s7  }
0x4: {  	s5 =	smul.u32 $0xC80, s0  }
0x5: {  	s3 =	rddreg [dreg:$0x0];
	s2 =	simm.s32 $0x0;
	s6 =	smul.u32 $0x19000, s0  }
0x6: {  	[smem:$0x7FF] =	sst s2;
	s0 =	smul.u32 $0xC8000, s0  }
0x7: {  	s4 =	rddreg [dreg:$0x1];
	_ =	strace $0x80000047;
	s5 =	sadd.s32 s5, s3  }
0x8: {  	s30 =	sadd.s32 s4, s6;
	s0 =	sshrl.u32 s0, $0x3;
	s5 =	sadd.s32 $0xA00, s5  }
0x9: {  	s8 =	sadd.s32 $0x800, s30;
	s4 =	sadd.s32 s4, s0;
	[dreg:$0x3] =	wrdreg s5  }
0xa: {  	[dreg:$0x4] =	wrdreg s8;
	s0 =	sadd.s32 $0x1000, s4  }
0xb: {  	s9 =	sadd.s32 $0x1800, s4;
	[dreg:$0x5] =	wrdreg s0  }
0xc: {  	s10 =	sadd.s32 $0x2000, s4;
	[dreg:$0x6] =	wrdreg s9  }
0xd: {  	s11 =	sadd.s32 $0x2800, s4;
	[dreg:$0x7] =	wrdreg s10  }
0xe: {  	s12 =	sadd.s32 $0x3000, s4;
	[dreg:$0x8] =	wrdreg s11  }
0xf: {  	s13 =	sadd.s32 $0x3800, s4;
	[dreg:$0x9] =	wrdreg s12  }
0x10: {  	s14 =	sadd.s32 $0x4000, s4;
	[dreg:$0xa] =	wrdreg s13  }
0x11: {  	s15 =	sadd.s32 $0x4800, s4;
	[dreg:$0xb] =	wrdreg s14  }
0x12: {  	s16 =	sadd.s32 $0x5000, s4;
	[dreg:$0xc] =	wrdreg s15  }
0x13: {  	s17 =	sadd.s32 $0x5800, s4;
	[dreg:$0xd] =	wrdreg s16  }
0x14: {  	s18 =	sadd.s32 $0x6000, s4;
	[dreg:$0xe] =	wrdreg s17  }
0x15: {  	s19 =	sadd.s32 $0x6800, s4;
	[dreg:$0xf] =	wrdreg s18  }
0x16: {  	s20 =	sadd.s32 $0x7000, s4;
	[dreg:$0x10] =	wrdreg s19  }
0x17: {  	s21 =	sadd.s32 $0x7800, s4;
	[dreg:$0x11] =	wrdreg s20  }
0x18: {  	s22 =	sadd.s32 $0x8000, s4;
	[dreg:$0x12] =	wrdreg s21  }
0x19: {  	s24 =	sadd.s32 $0x8800, s4;
	[dreg:$0x13] =	wrdreg s22  }
0x1a: {  	s25 =	sadd.s32 $0x9000, s4;
	[dreg:$0x14] =	wrdreg s24  }
0x1b: {  	s26 =	sadd.s32 $0x9800, s4;
	[dreg:$0x15] =	wrdreg s25  }
0x1c: {  	s5 =	sadd.s32 $0xA000, s4;
	[dreg:$0x16] =	wrdreg s26  }
0x1d: {  	s6 =	sadd.s32 $0xA800, s4;
	[dreg:$0x17] =	wrdreg s5  }
0x1e: {  	s7 =	sadd.s32 $0xB000, s4;
	[dreg:$0x18] =	wrdreg s6  }
0x1f: {  	s8 =	sadd.s32 $0xB800, s4;
	[dreg:$0x19] =	wrdreg s7  }
0x20: {  	[dreg:$0x1a] =	wrdreg s8  }
0x21: {  	s9 =	sadd.s32 $0xC000, s4;
	s0 =	rddreg [dreg:$0x3]  }
0x22: {  	s10 =	sadd.s32 $0xC800, s4;
	[dreg:$0x1b] =	wrdreg s9  }
0x23: {  	s11 =	sadd.s32 $0xD000, s4;
	[dreg:$0x1c] =	wrdreg s10  }
0x24: {  	s12 =	sadd.s32 $0xD800, s4;
	[dreg:$0x1d] =	wrdreg s11  }
0x25: {  	s13 =	sadd.s32 $0xE000, s4;
	[dreg:$0x1e] =	wrdreg s12  }
0x26: {  	s14 =	sadd.s32 $0xE800, s4;
	[dreg:$0x1f] =	wrdreg s13  }
0x27: {  	s15 =	sadd.s32 $0xF000, s4;
	[smem:$0x7BF] =	sst s14  }
0x28: {  	s16 =	sadd.s32 $0xF800, s4;
	[smem:$0x7C0] =	sst s15  }
0x29: {  	s17 =	sadd.s32 $0x10000, s4;
	[smem:$0x7C1] =	sst s16  }
0x2a: {  	s18 =	sadd.s32 $0x10800, s4;
	[smem:$0x7C2] =	sst s17  }
0x2b: {  	s19 =	sadd.s32 $0x11000, s4;
	[smem:$0x7C3] =	sst s18  }
0x2c: {  	s20 =	sadd.s32 $0x11800, s4;
	[smem:$0x7C4] =	sst s19  }
0x2d: {  	s21 =	sadd.s32 $0x12000, s4;
	[smem:$0x7C5] =	sst s20  }
0x2e: {  	s22 =	sadd.s32 $0x12800, s4;
	[smem:$0x7C6] =	sst s21  }
0x2f: {  	s24 =	sadd.s32 $0x13000, s4;
	[smem:$0x7C7] =	sst s22  }
0x30: {  	s25 =	sadd.s32 $0x13800, s4;
	[smem:$0x7C8] =	sst s24  }
0x31: {  	s26 =	sadd.s32 $0x14000, s4;
	[smem:$0x7C9] =	sst s25  }
0x32: {  	s5 =	sadd.s32 $0x14800, s4;
	[smem:$0x7CA] =	sst s26  }
0x33: {  	s6 =	sadd.s32 $0x15000, s4;
	[smem:$0x7CB] =	sst s5  }
0x34: {  	s7 =	sadd.s32 $0x15800, s4;
	[smem:$0x7CC] =	sst s6  }
0x35: {  	s8 =	sadd.s32 $0x16000, s4;
	[smem:$0x7CD] =	sst s7  }
0x36: {  	[smem:$0x7CE] =	sst s8;
	s9 =	sadd.s32 $0x16800, s4  }
0x37: {  	s10 =	sadd.s32 $0x17000, s4;
	[smem:$0x7CF] =	sst s9  }
0x38: {  	s11 =	sadd.s32 $0x17800, s4;
	[smem:$0x7D0] =	sst s10  }
0x39: {  	s12 =	sadd.s32 $0x18000, s4;
	[smem:$0x7D1] =	sst s11  }
0x3a: {  	s13 =	sadd.s32 $0x18800, s4;
	[smem:$0x7D2] =	sst s12  }
0x3b: {  	s14 =	simm.s32 $0x400;
	[smem:$0x7D3] =	sst s13  }
0x3c: {  	s15 =	simm.s32 $0x600;
	[smem:$0x7D4] =	sst s14  }
0x3d: {  	s16 =	simm.s32 $0x800;
	[smem:$0x7D5] =	sst s15  }
0x3e: {  	s17 =	simm.s32 $0xA00;
	[smem:$0x7D6] =	sst s16  }
0x3f: {  	s18 =	simm.s32 $0xC00;
	[smem:$0x7D7] =	sst s17  }
0x40: {  	s19 =	simm.s32 $0xE00;
	[smem:$0x7D8] =	sst s18  }
0x41: {  	s20 =	simm.s32 $0x1000;
	[smem:$0x7D9] =	sst s19  }
0x42: {  	s21 =	simm.s32 $0x1200;
	[smem:$0x7DA] =	sst s20  }
0x43: {  	s22 =	simm.s32 $0x1400;
	[smem:$0x7DB] =	sst s21  }
0x44: {  	s24 =	simm.s32 $0x1600;
	[smem:$0x7DC] =	sst s22  }
0x45: {  	s25 =	simm.s32 $0x1800;
	[smem:$0x7DD] =	sst s24  }
0x46: {  	s26 =	simm.s32 $0x1A00;
	[smem:$0x7DE] =	sst s25  }
0x47: {  	s4 =	simm.s32 $0x1C00;
	[smem:$0x7DF] =	sst s26  }
0x48: {  	s5 =	simm.s32 $0x1E00;
	[smem:$0x7E0] =	sst s4  }
0x49: {  	s6 =	simm.s32 $0x2000;
	[smem:$0x7E1] =	sst s5  }
0x4a: {  	s7 =	simm.s32 $0x2200;
	[smem:$0x7E2] =	sst s6  }
0x4b: {  	s31 =	simm.s32 $0xD;
	s8 =	simm.s32 $0x2400;
	[smem:$0x7E3] =	sst s7  }
0x4c: {  	p0 =	por $0x0, $0x0;
	[smem:$0x7E4] =	sst s8;
	s9 =	simm.s32 $0x2600  }
0x4d: {  	s29 =	simm.s32 $0x5A00;
	s10 =	simm.s32 $0x2800;
	[smem:$0x7E5] =	sst s9  }
0x4e: {  	s28 =	simm.s32 $0x5C00;
	s11 =	simm.s32 $0x2A00;
	[smem:$0x7E6] =	sst s10  }
0x4f: {  	s1 =	ssub.s32 $0x2, s1;
	s13 =	simm.s32 $0x2C00;
	[smem:$0x7E7] =	sst s11  }
0x50: {  	s4 =	sadd.s32 $0xF42E00, s3;
	s14 =	simm.s32 $0x2E00;
	[smem:$0x7E8] =	sst s13  }
0x51: {  	s12 =	sshrl.u32 s1, $0x1;
	s15 =	simm.s32 $0x3000;
	[smem:$0x7E9] =	sst s14  }
0x52: {  	s16 =	simm.s32 $0x3200;
	s8 =	simm.s32 $0x200;
	[smem:$0x7EA] =	sst s15  }
0x53: {  	s17 =	simm.s32 $0x3400;
	s5 =	simm.s32 $0x6400;
	[smem:$0x7EB] =	sst s16  }
0x54: {  	s18 =	simm.s32 $0x3600;
	s3 =	simm.s32 $0xA400;
	[smem:$0x7EC] =	sst s17  }
0x55: {  	s19 =	simm.s32 $0x3800;
	s20 =	simm.s32 $0x3A00;
	[smem:$0x7ED] =	sst s18  }
0x56: {  	s21 =	simm.s32 $0x3C00;
	s22 =	simm.s32 $0x3E00;
	[smem:$0x7EE] =	sst s19  }
0x57: {  	s24 =	simm.s32 $0x4000;
	s25 =	simm.s32 $0x4200;
	[smem:$0x7EF] =	sst s20  }
0x58: {  	s26 =	simm.s32 $0x4400;
	s6 =	simm.s32 $0x7;
	[smem:$0x7F0] =	sst s21  }
0x59: {  	s7 =	simm.s32 $0x4600;
	s1 =	ssub.s32 s1, s12;
	[smem:$0x7F1] =	sst s22  }
0x5a: {  	s15 =	simm.s32 $0xE400;
	s13 =	simm.s32 $0x12400;
	[smem:$0x7F2] =	sst s24  }
0x5b: {  	s12 =	simm.s32 $0x16400;
	s11 =	simm.s32 $0x1A400;
	[smem:$0x7F3] =	sst s25  }
0x5c: {  	s10 =	simm.s32 $0x1;
	s9 =	simm.s32 $0x2;
	[smem:$0x7F4] =	sst s26  }
0x5d: {  	s22 =	simm.s32 $0x3;
	[smem:$0x7F5] =	sst s7;
	s14 =	simm.s32 $0x4800  }
0x5e: {  	s7 =	simm.s32 $0x8;
	s16 =	simm.s32 $0x4A00;
	s19 =	simm.s32 $0x4  }
0x5f: {  	s17 =	simm.s32 $0x4C00;
	s18 =	simm.s32 $0x4E00;
	[smem:$0x7F6] =	sst s14  }
0x60: {  	s20 =	simm.s32 $0x5;
	s21 =	simm.s32 $0x5000;
	[smem:$0x7F7] =	sst s16  }
0x61: {  	s24 =	simm.s32 $0x5200;
	s1 =	smax.u32 s1, $0x1;
	[smem:$0x7F8] =	sst s17  }
0x62: {  	s25 =	simm.s32 $0x5400;
	[smem:$0x7F9] =	sst s18;
	p1 =	sne.s32 s1, $0x1  }
.Ltmp0:
0x63: {  	s26 =	simm.s32 $0x5600;
	[smem:$0x7FA] =	sst s21;
	(pc) =	sbr.rel @!p1 .LBB2_1-.Ltmp0, $4  }
0x64: {  	s14 =	simm.s32 $0x9;
	s16 =	simm.s32 $0xA;
	[smem:$0x7FB] =	sst s24  }
0x65: {  	s21 =	simm.s32 $0x6;
	s17 =	simm.s32 $0xB;
	[smem:$0x7FC] =	sst s25  }
0x66: {  	[smem:$0x7FD] =	sst s26;
	s18 =	simm.s32 $0xC;
	s26 =	simm.s32 $0x5E00  }
0x67: {  	s25 =	simm.s32 $0x6000;
	s24 =	simm.s32 $0x6200;
	s1 =	sadd.s32 $0xFFFFFFFF, s1  }
0x68: {  	[tilespmem:s2], [sflag:$0xD] =	stream.linear.gather [hbm4b:s0+s2], $0x6400, $0x38;
	[tilespmem:$0x1E400] =	vst v63  }
0x69: {  	_ =	swait.ge [sflag:s31], $0x6400  }
0x6a: {  	[sflag:s31] =	ssyncset.done $0x0  }
0x6b: {  	[sflag:s31] =	ssyncadd.s32 $0xFFFF9C00  }
0x6c: {  	[tilespmem:s5], [sflag:$0x1] =	stream.indirect.gather [hbm4b:s4+s8], $0x20, s2, s8, $0xb8;
	[tilespmem:$0x1E400] =	vst v63  }
0x6d: {  	s0 =	sld [smem:$0x7D4]  }
0x6e: {  	[tilespmem:s3], [sflag:$0x2] =	stream.indirect.gather [hbm4b:s4+s8], $0x20, s8, s8, $0xb8;
	[tilespmem:$0x1E400] =	vst v63  }
0x6f: {  	s23 =	smov.u32 s1;
	s1 =	sld [smem:$0x7D5]  }
0x70: {  	[tilespmem:s15], [sflag:$0x3] =	stream.indirect.gather [hbm4b:s4+s8], $0x20, s0, s8, $0xb8;
	[tilespmem:$0x1E400] =	vst v63  }
0x71: {  	s0 =	sld [smem:$0x7D6]  }
0x72: {  	[tilespmem:s13], [sflag:$0x4] =	stream.indirect.gather [hbm4b:s4+s8], $0x20, s1, s8, $0xb8;
	[tilespmem:$0x1E400] =	vst v63  }
0x73: {  	s1 =	sld [smem:$0x7D7]  }
0x74: {  	[tilespmem:s12], [sflag:$0x5] =	stream.indirect.gather [hbm4b:s4+s8], $0x20, s0, s8, $0xb8;
	[tilespmem:$0x1E400] =	vst v63  }
0x75: {  	_ = 	snop  }
0x76: {  	[tilespmem:s11], [sflag:$0x6] =	stream.indirect.gather [hbm4b:s4+s8], $0x20, s1, s8, $0xb8;
	[tilespmem:$0x1E400] =	vst v63  }
0x77: {  	_ =	swait.ge [sflag:s10], $0x4000  }
0x78: {  	[sflag:s10] =	ssyncset.done $0x0  }
0x79: {  	[sflag:s10] =	ssyncadd.s32 $0xFFFFC000  }
0x7a: {  	[hbm4b:s30+s2] =	stream.linear.scatter [tilespmem:s5], [sflag:$0x7], $0x4000, $0x38;
	[tilespmem:$0x1E400] =	vst v63  }
0x7b: {  	_ =	swait.ge [sflag:s9], $0x4000  }
0x7c: {  	[sflag:s9] =	ssyncset.done $0x0  }
0x7d: {  	s1 =	rddreg [dreg:$0x4];
	[sflag:s9] =	ssyncadd.s32 $0xFFFFC000  }
0x7e: {  	[hbm4b:s1+s2] =	stream.linear.scatter [tilespmem:s3], [sflag:$0x8], $0x4000, $0x38;
	[tilespmem:$0x1E400] =	vst v63  }
0x7f: {  	_ =	swait.ge [sflag:s6], $0x4000  }
0x80: {  	s1 =	sld [smem:$0x7D8]  }
0x81: {  	[sflag:s6] =	ssyncset.done $0x0  }
0x82: {  	[sflag:s6] =	ssyncadd.s32 $0xFFFFC000  }
0x83: {  	[tilespmem:s5], [sflag:$0x1] =	stream.indirect.gather [hbm4b:s4+s8], $0x20, s1, s8, $0xb8;
	[tilespmem:$0x1E400] =	vst v63  }
0x84: {  	_ =	swait.ge [sflag:s22], $0x4000  }
0x85: {  	[sflag:s22] =	ssyncset.done $0x0  }
0x86: {  	s1 =	rddreg [dreg:$0x5];
	[sflag:s22] =	ssyncadd.s32 $0xFFFFC000  }
0x87: {  	[hbm4b:s1+s2] =	stream.linear.scatter [tilespmem:s15], [sflag:$0x9], $0x4000, $0x38;
	[tilespmem:$0x1E400] =	vst v63  }
0x88: {  	_ =	swait.ge [sflag:s7], $0x4000  }
0x89: {  	s1 =	sld [smem:$0x7D9]  }
0x8a: {  	[sflag:s7] =	ssyncset.done $0x0  }
0x8b: {  	[sflag:s7] =	ssyncadd.s32 $0xFFFFC000  }
0x8c: {  	[tilespmem:s3], [sflag:$0x2] =	stream.indirect.gather [hbm4b:s4+s8], $0x20, s1, s8, $0xb8;
	[tilespmem:$0x1E400] =	vst v63  }
0x8d: {  	_ =	swait.ge [sflag:s19], $0x4000  }
0x8e: {  	[sflag:s19] =	ssyncset.done $0x0  }
0x8f: {  	s1 =	rddreg [dreg:$0x6];
	[sflag:s19] =	ssyncadd.s32 $0xFFFFC000  }
0x90: {  	[hbm4b:s1+s2] =	stream.linear.scatter [tilespmem:s13], [sflag:$0xA], $0x4000, $0x38;
	[tilespmem:$0x1E400] =	vst v63  }
0x91: {  	_ =	swait.ge [sflag:s14], $0x4000  }
0x92: {  	s1 =	sld [smem:$0x7DA]  }
0x93: {  	[sflag:s14] =	ssyncset.done $0x0  }
0x94: {  	[sflag:s14] =	ssyncadd.s32 $0xFFFFC000  }
0x95: {  	[tilespmem:s15], [sflag:$0x3] =	stream.indirect.gather [hbm4b:s4+s8], $0x20, s1, s8, $0xb8;
	[tilespmem:$0x1E400] =	vst v63  }
0x96: {  	_ =	swait.ge [sflag:s20], $0x4000  }
0x97: {  	[sflag:s20] =	ssyncset.done $0x0  }
0x98: {  	s1 =	rddreg [dreg:$0x7];
	[sflag:s20] =	ssyncadd.s32 $0xFFFFC000  }
0x99: {  	[hbm4b:s1+s2] =	stream.linear.scatter [tilespmem:s12], [sflag:$0xB], $0x4000, $0x38;
	[tilespmem:$0x1E400] =	vst v63  }
0x9a: {  	_ =	swait.ge [sflag:s16], $0x4000  }
0x9b: {  	s1 =	sld [smem:$0x7DB]  }
0x9c: {  	[sflag:s16] =	ssyncset.done $0x0  }
0x9d: {  	[sflag:s16] =	ssyncadd.s32 $0xFFFFC000  }
0x9e: {  	[tilespmem:s13], [sflag:$0x4] =	stream.indirect.gather [hbm4b:s4+s8], $0x20, s1, s8, $0xb8;
	[tilespmem:$0x1E400] =	vst v63  }
0x9f: {  	_ =	swait.ge [sflag:s21], $0x4000  }
0xa0: {  	[sflag:s21] =	ssyncset.done $0x0  }
0xa1: {  	s1 =	rddreg [dreg:$0x8];
	[sflag:s21] =	ssyncadd.s32 $0xFFFFC000  }
0xa2: {  	[hbm4b:s1+s2] =	stream.linear.scatter [tilespmem:s11], [sflag:$0xC], $0x4000, $0x38;
	[tilespmem:$0x1E400] =	vst v63  }
0xa3: {  	_ =	swait.ge [sflag:s17], $0x4000  }
0xa4: {  	s1 =	sld [smem:$0x7DC]  }
0xa5: {  	[sflag:s17] =	ssyncset.done $0x0  }
0xa6: {  	[sflag:s17] =	ssyncadd.s32 $0xFFFFC000  }
0xa7: {  	[tilespmem:s12], [sflag:$0x5] =	stream.indirect.gather [hbm4b:s4+s8], $0x20, s1, s8, $0xb8;
	[tilespmem:$0x1E400] =	vst v63  }
0xa8: {  	_ =	swait.ge [sflag:s10], $0x4000  }
0xa9: {  	[sflag:s10] =	ssyncset.done $0x0  }
0xaa: {  	s1 =	rddreg [dreg:$0x9];
	[sflag:s10] =	ssyncadd.s32 $0xFFFFC000  }
0xab: {  	[hbm4b:s1+s2] =	stream.linear.scatter [tilespmem:s5], [sflag:$0x7], $0x4000, $0x38;
	[tilespmem:$0x1E400] =	vst v63  }
0xac: {  	_ =	swait.ge [sflag:s18], $0x4000  }
0xad: {  	s1 =	sld [smem:$0x7DD]  }
0xae: {  	[sflag:s18] =	ssyncset.done $0x0  }
0xaf: {  	[sflag:s18] =	ssyncadd.s32 $0xFFFFC000  }
0xb0: {  	[tilespmem:s11], [sflag:$0x6] =	stream.indirect.gather [hbm4b:s4+s8], $0x20, s1, s8, $0xb8;
	[tilespmem:$0x1E400] =	vst v63  }
0xb1: {  	_ =	swait.ge [sflag:s9], $0x4000  }
0xb2: {  	[sflag:s9] =	ssyncset.done $0x0  }
0xb3: {  	s1 =	rddreg [dreg:$0xa];
	[sflag:s9] =	ssyncadd.s32 $0xFFFFC000  }
0xb4: {  	[hbm4b:s1+s2] =	stream.linear.scatter [tilespmem:s3], [sflag:$0x8], $0x4000, $0x38;
	[tilespmem:$0x1E400] =	vst v63  }
0xb5: {  	_ =	swait.ge [sflag:s6], $0x4000  }
0xb6: {  	s1 =	sld [smem:$0x7DE]  }
0xb7: {  	[sflag:s6] =	ssyncset.done $0x0  }
0xb8: {  	[sflag:s6] =	ssyncadd.s32 $0xFFFFC000  }
0xb9: {  	[tilespmem:s5], [sflag:$0x1] =	stream.indirect.gather [hbm4b:s4+s8], $0x20, s1, s8, $0xb8;
	[tilespmem:$0x1E400] =	vst v63  }
0xba: {  	_ =	swait.ge [sflag:s22], $0x4000  }
0xbb: {  	[sflag:s22] =	ssyncset.done $0x0  }
0xbc: {  	s1 =	rddreg [dreg:$0xb];
	[sflag:s22] =	ssyncadd.s32 $0xFFFFC000  }
0xbd: {  	[hbm4b:s1+s2] =	stream.linear.scatter [tilespmem:s15], [sflag:$0x9], $0x4000, $0x38;
	[tilespmem:$0x1E400] =	vst v63  }
0xbe: {  	_ =	swait.ge [sflag:s7], $0x4000  }
0xbf: {  	s1 =	sld [smem:$0x7DF]  }
0xc0: {  	[sflag:s7] =	ssyncset.done $0x0  }
0xc1: {  	[sflag:s7] =	ssyncadd.s32 $0xFFFFC000  }
0xc2: {  	[tilespmem:s3], [sflag:$0x2] =	stream.indirect.gather [hbm4b:s4+s8], $0x20, s1, s8, $0xb8;
	[tilespmem:$0x1E400] =	vst v63  }
0xc3: {  	_ =	swait.ge [sflag:s19], $0x4000  }
0xc4: {  	[sflag:s19] =	ssyncset.done $0x0  }
0xc5: {  	s1 =	rddreg [dreg:$0xc];
	[sflag:s19] =	ssyncadd.s32 $0xFFFFC000  }
0xc6: {  	[hbm4b:s1+s2] =	stream.linear.scatter [tilespmem:s13], [sflag:$0xA], $0x4000, $0x38;
	[tilespmem:$0x1E400] =	vst v63  }
0xc7: {  	_ =	swait.ge [sflag:s14], $0x4000  }
0xc8: {  	s1 =	sld [smem:$0x7E0]  }
0xc9: {  	[sflag:s14] =	ssyncset.done $0x0  }
0xca: {  	[sflag:s14] =	ssyncadd.s32 $0xFFFFC000  }
0xcb: {  	[tilespmem:s15], [sflag:$0x3] =	stream.indirect.gather [hbm4b:s4+s8], $0x20, s1, s8, $0xb8;
	[tilespmem:$0x1E400] =	vst v63  }
0xcc: {  	_ =	swait.ge [sflag:s20], $0x4000  }
0xcd: {  	[sflag:s20] =	ssyncset.done $0x0  }
0xce: {  	s1 =	rddreg [dreg:$0xd];
	[sflag:s20] =	ssyncadd.s32 $0xFFFFC000  }
0xcf: {  	[hbm4b:s1+s2] =	stream.linear.scatter [tilespmem:s12], [sflag:$0xB], $0x4000, $0x38;
	[tilespmem:$0x1E400] =	vst v63  }
0xd0: {  	_ =	swait.ge [sflag:s16], $0x4000  }
0xd1: {  	s1 =	sld [smem:$0x7E1]  }
0xd2: {  	[sflag:s16] =	ssyncset.done $0x0  }
0xd3: {  	[sflag:s16] =	ssyncadd.s32 $0xFFFFC000  }
0xd4: {  	[tilespmem:s13], [sflag:$0x4] =	stream.indirect.gather [hbm4b:s4+s8], $0x20, s1, s8, $0xb8;
	[tilespmem:$0x1E400] =	vst v63  }
0xd5: {  	_ =	swait.ge [sflag:s21], $0x4000  }
0xd6: {  	[sflag:s21] =	ssyncset.done $0x0  }
0xd7: {  	s1 =	rddreg [dreg:$0xe];
	[sflag:s21] =	ssyncadd.s32 $0xFFFFC000  }
0xd8: {  	[hbm4b:s1+s2] =	stream.linear.scatter [tilespmem:s11], [sflag:$0xC], $0x4000, $0x38;
	[tilespmem:$0x1E400] =	vst v63  }
0xd9: {  	_ =	swait.ge [sflag:s17], $0x4000  }
0xda: {  	s1 =	sld [smem:$0x7E2]  }
0xdb: {  	[sflag:s17] =	ssyncset.done $0x0  }
0xdc: {  	[sflag:s17] =	ssyncadd.s32 $0xFFFFC000  }
0xdd: {  	[tilespmem:s12], [sflag:$0x5] =	stream.indirect.gather [hbm4b:s4+s8], $0x20, s1, s8, $0xb8;
	[tilespmem:$0x1E400] =	vst v63  }
0xde: {  	_ =	swait.ge [sflag:s10], $0x4000  }
0xdf: {  	[sflag:s10] =	ssyncset.done $0x0  }
0xe0: {  	s1 =	rddreg [dreg:$0xf];
	[sflag:s10] =	ssyncadd.s32 $0xFFFFC000  }
0xe1: {  	[hbm4b:s1+s2] =	stream.linear.scatter [tilespmem:s5], [sflag:$0x7], $0x4000, $0x38;
	[tilespmem:$0x1E400] =	vst v63  }
0xe2: {  	_ =	swait.ge [sflag:s18], $0x4000  }
0xe3: {  	s1 =	sld [smem:$0x7E3]  }
0xe4: {  	[sflag:s18] =	ssyncset.done $0x0  }
0xe5: {  	[sflag:s18] =	ssyncadd.s32 $0xFFFFC000  }
0xe6: {  	[tilespmem:s11], [sflag:$0x6] =	stream.indirect.gather [hbm4b:s4+s8], $0x20, s1, s8, $0xb8;
	[tilespmem:$0x1E400] =	vst v63  }
0xe7: {  	_ =	swait.ge [sflag:s9], $0x4000  }
0xe8: {  	[sflag:s9] =	ssyncset.done $0x0  }
0xe9: {  	s1 =	rddreg [dreg:$0x10];
	[sflag:s9] =	ssyncadd.s32 $0xFFFFC000  }
0xea: {  	[hbm4b:s1+s2] =	stream.linear.scatter [tilespmem:s3], [sflag:$0x8], $0x4000, $0x38;
	[tilespmem:$0x1E400] =	vst v63  }
0xeb: {  	_ =	swait.ge [sflag:s6], $0x4000  }
0xec: {  	s1 =	sld [smem:$0x7E4]  }
0xed: {  	[sflag:s6] =	ssyncset.done $0x0  }
0xee: {  	[sflag:s6] =	ssyncadd.s32 $0xFFFFC000  }
0xef: {  	[tilespmem:s5], [sflag:$0x1] =	stream.indirect.gather [hbm4b:s4+s8], $0x20, s1, s8, $0xb8;
	[tilespmem:$0x1E400] =	vst v63  }
0xf0: {  	_ =	swait.ge [sflag:s22], $0x4000  }
0xf1: {  	[sflag:s22] =	ssyncset.done $0x0  }
0xf2: {  	s1 =	rddreg [dreg:$0x11];
	[sflag:s22] =	ssyncadd.s32 $0xFFFFC000  }
0xf3: {  	[hbm4b:s1+s2] =	stream.linear.scatter [tilespmem:s15], [sflag:$0x9], $0x4000, $0x38;
	[tilespmem:$0x1E400] =	vst v63  }
0xf4: {  	_ =	swait.ge [sflag:s7], $0x4000  }
0xf5: {  	s1 =	sld [smem:$0x7E5]  }
0xf6: {  	[sflag:s7] =	ssyncset.done $0x0  }
0xf7: {  	[sflag:s7] =	ssyncadd.s32 $0xFFFFC000  }
0xf8: {  	[tilespmem:s3], [sflag:$0x2] =	stream.indirect.gather [hbm4b:s4+s8], $0x20, s1, s8, $0xb8;
	[tilespmem:$0x1E400] =	vst v63  }
0xf9: {  	_ =	swait.ge [sflag:s19], $0x4000  }
0xfa: {  	[sflag:s19] =	ssyncset.done $0x0  }
0xfb: {  	s1 =	rddreg [dreg:$0x12];
	[sflag:s19] =	ssyncadd.s32 $0xFFFFC000  }
0xfc: {  	[hbm4b:s1+s2] =	stream.linear.scatter [tilespmem:s13], [sflag:$0xA], $0x4000, $0x38;
	[tilespmem:$0x1E400] =	vst v63  }
0xfd: {  	_ =	swait.ge [sflag:s14], $0x4000  }
0xfe: {  	s1 =	sld [smem:$0x7E6]  }
0xff: {  	[sflag:s14] =	ssyncset.done $0x0  }
0x100: {  	[sflag:s14] =	ssyncadd.s32 $0xFFFFC000  }
0x101: {  	[tilespmem:s15], [sflag:$0x3] =	stream.indirect.gather [hbm4b:s4+s8], $0x20, s1, s8, $0xb8;
	[tilespmem:$0x1E400] =	vst v63  }
0x102: {  	_ =	swait.ge [sflag:s20], $0x4000  }
0x103: {  	[sflag:s20] =	ssyncset.done $0x0  }
0x104: {  	s1 =	rddreg [dreg:$0x13];
	[sflag:s20] =	ssyncadd.s32 $0xFFFFC000  }
0x105: {  	[hbm4b:s1+s2] =	stream.linear.scatter [tilespmem:s12], [sflag:$0xB], $0x4000, $0x38;
	[tilespmem:$0x1E400] =	vst v63  }
0x106: {  	_ =	swait.ge [sflag:s16], $0x4000  }
0x107: {  	s1 =	sld [smem:$0x7E7]  }
0x108: {  	[sflag:s16] =	ssyncset.done $0x0  }
0x109: {  	[sflag:s16] =	ssyncadd.s32 $0xFFFFC000  }
0x10a: {  	[tilespmem:s13], [sflag:$0x4] =	stream.indirect.gather [hbm4b:s4+s8], $0x20, s1, s8, $0xb8;
	[tilespmem:$0x1E400] =	vst v63  }
0x10b: {  	_ =	swait.ge [sflag:s21], $0x4000  }
0x10c: {  	[sflag:s21] =	ssyncset.done $0x0  }
0x10d: {  	s1 =	rddreg [dreg:$0x14];
	[sflag:s21] =	ssyncadd.s32 $0xFFFFC000  }
0x10e: {  	[hbm4b:s1+s2] =	stream.linear.scatter [tilespmem:s11], [sflag:$0xC], $0x4000, $0x38;
	[tilespmem:$0x1E400] =	vst v63  }
0x10f: {  	_ =	swait.ge [sflag:s17], $0x4000  }
0x110: {  	s1 =	sld [smem:$0x7E8]  }
0x111: {  	[sflag:s17] =	ssyncset.done $0x0  }
0x112: {  	[sflag:s17] =	ssyncadd.s32 $0xFFFFC000  }
0x113: {  	[tilespmem:s12], [sflag:$0x5] =	stream.indirect.gather [hbm4b:s4+s8], $0x20, s1, s8, $0xb8;
	[tilespmem:$0x1E400] =	vst v63  }
0x114: {  	_ =	swait.ge [sflag:s10], $0x4000  }
0x115: {  	[sflag:s10] =	ssyncset.done $0x0  }
0x116: {  	s1 =	rddreg [dreg:$0x15];
	[sflag:s10] =	ssyncadd.s32 $0xFFFFC000  }
0x117: {  	[hbm4b:s1+s2] =	stream.linear.scatter [tilespmem:s5], [sflag:$0x7], $0x4000, $0x38;
	[tilespmem:$0x1E400] =	vst v63  }
0x118: {  	_ =	swait.ge [sflag:s18], $0x4000  }
0x119: {  	s1 =	sld [smem:$0x7E9]  }
0x11a: {  	[sflag:s18] =	ssyncset.done $0x0  }
0x11b: {  	[sflag:s18] =	ssyncadd.s32 $0xFFFFC000  }
0x11c: {  	[tilespmem:s11], [sflag:$0x6] =	stream.indirect.gather [hbm4b:s4+s8], $0x20, s1, s8, $0xb8;
	[tilespmem:$0x1E400] =	vst v63  }
0x11d: {  	_ =	swait.ge [sflag:s9], $0x4000  }
0x11e: {  	[sflag:s9] =	ssyncset.done $0x0  }
0x11f: {  	s1 =	rddreg [dreg:$0x16];
	[sflag:s9] =	ssyncadd.s32 $0xFFFFC000  }
0x120: {  	[hbm4b:s1+s2] =	stream.linear.scatter [tilespmem:s3], [sflag:$0x8], $0x4000, $0x38;
	[tilespmem:$0x1E400] =	vst v63  }
0x121: {  	_ =	swait.ge [sflag:s6], $0x4000  }
0x122: {  	s1 =	sld [smem:$0x7EA]  }
0x123: {  	[sflag:s6] =	ssyncset.done $0x0  }
0x124: {  	[sflag:s6] =	ssyncadd.s32 $0xFFFFC000  }
0x125: {  	[tilespmem:s5], [sflag:$0x1] =	stream.indirect.gather [hbm4b:s4+s8], $0x20, s1, s8, $0xb8;
	[tilespmem:$0x1E400] =	vst v63  }
0x126: {  	_ =	swait.ge [sflag:s22], $0x4000  }
0x127: {  	[sflag:s22] =	ssyncset.done $0x0  }
0x128: {  	s1 =	rddreg [dreg:$0x17];
	[sflag:s22] =	ssyncadd.s32 $0xFFFFC000  }
0x129: {  	[hbm4b:s1+s2] =	stream.linear.scatter [tilespmem:s15], [sflag:$0x9], $0x4000, $0x38;
	[tilespmem:$0x1E400] =	vst v63  }
0x12a: {  	_ =	swait.ge [sflag:s7], $0x4000  }
0x12b: {  	s1 =	sld [smem:$0x7EB]  }
0x12c: {  	[sflag:s7] =	ssyncset.done $0x0  }
0x12d: {  	[sflag:s7] =	ssyncadd.s32 $0xFFFFC000  }
0x12e: {  	[tilespmem:s3], [sflag:$0x2] =	stream.indirect.gather [hbm4b:s4+s8], $0x20, s1, s8, $0xb8;
	[tilespmem:$0x1E400] =	vst v63  }
0x12f: {  	_ =	swait.ge [sflag:s19], $0x4000  }
0x130: {  	[sflag:s19] =	ssyncset.done $0x0  }
0x131: {  	s1 =	rddreg [dreg:$0x18];
	[sflag:s19] =	ssyncadd.s32 $0xFFFFC000  }
0x132: {  	[hbm4b:s1+s2] =	stream.linear.scatter [tilespmem:s13], [sflag:$0xA], $0x4000, $0x38;
	[tilespmem:$0x1E400] =	vst v63  }
0x133: {  	_ =	swait.ge [sflag:s14], $0x4000  }
0x134: {  	s1 =	sld [smem:$0x7EC]  }
0x135: {  	[sflag:s14] =	ssyncset.done $0x0  }
0x136: {  	[sflag:s14] =	ssyncadd.s32 $0xFFFFC000  }
0x137: {  	[tilespmem:s15], [sflag:$0x3] =	stream.indirect.gather [hbm4b:s4+s8], $0x20, s1, s8, $0xb8;
	[tilespmem:$0x1E400] =	vst v63  }
0x138: {  	_ =	swait.ge [sflag:s20], $0x4000  }
0x139: {  	[sflag:s20] =	ssyncset.done $0x0  }
0x13a: {  	s1 =	rddreg [dreg:$0x19];
	[sflag:s20] =	ssyncadd.s32 $0xFFFFC000  }
0x13b: {  	[hbm4b:s1+s2] =	stream.linear.scatter [tilespmem:s12], [sflag:$0xB], $0x4000, $0x38;
	[tilespmem:$0x1E400] =	vst v63  }
0x13c: {  	_ =	swait.ge [sflag:s16], $0x4000  }
0x13d: {  	s1 =	sld [smem:$0x7ED]  }
0x13e: {  	[sflag:s16] =	ssyncset.done $0x0  }
0x13f: {  	[sflag:s16] =	ssyncadd.s32 $0xFFFFC000  }
0x140: {  	[tilespmem:s13], [sflag:$0x4] =	stream.indirect.gather [hbm4b:s4+s8], $0x20, s1, s8, $0xb8;
	[tilespmem:$0x1E400] =	vst v63  }
0x141: {  	_ =	swait.ge [sflag:s21], $0x4000  }
0x142: {  	[sflag:s21] =	ssyncset.done $0x0  }
0x143: {  	s1 =	rddreg [dreg:$0x1a];
	[sflag:s21] =	ssyncadd.s32 $0xFFFFC000  }
0x144: {  	[hbm4b:s1+s2] =	stream.linear.scatter [tilespmem:s11], [sflag:$0xC], $0x4000, $0x38;
	[tilespmem:$0x1E400] =	vst v63  }
0x145: {  	_ =	swait.ge [sflag:s17], $0x4000  }
0x146: {  	s1 =	sld [smem:$0x7EE]  }
0x147: {  	[sflag:s17] =	ssyncset.done $0x0  }
0x148: {  	[sflag:s17] =	ssyncadd.s32 $0xFFFFC000  }
0x149: {  	[tilespmem:s12], [sflag:$0x5] =	stream.indirect.gather [hbm4b:s4+s8], $0x20, s1, s8, $0xb8;
	[tilespmem:$0x1E400] =	vst v63  }
0x14a: {  	_ =	swait.ge [sflag:s10], $0x4000  }
0x14b: {  	[sflag:s10] =	ssyncset.done $0x0  }
0x14c: {  	s1 =	rddreg [dreg:$0x1b];
	[sflag:s10] =	ssyncadd.s32 $0xFFFFC000  }
0x14d: {  	[hbm4b:s1+s2] =	stream.linear.scatter [tilespmem:s5], [sflag:$0x7], $0x4000, $0x38;
	[tilespmem:$0x1E400] =	vst v63  }
0x14e: {  	_ =	swait.ge [sflag:s18], $0x4000  }
0x14f: {  	s1 =	sld [smem:$0x7EF]  }
0x150: {  	[sflag:s18] =	ssyncset.done $0x0  }
0x151: {  	[sflag:s18] =	ssyncadd.s32 $0xFFFFC000  }
0x152: {  	[tilespmem:s11], [sflag:$0x6] =	stream.indirect.gather [hbm4b:s4+s8], $0x20, s1, s8, $0xb8;
	[tilespmem:$0x1E400] =	vst v63  }
0x153: {  	_ =	swait.ge [sflag:s9], $0x4000  }
0x154: {  	[sflag:s9] =	ssyncset.done $0x0  }
0x155: {  	s1 =	rddreg [dreg:$0x1c];
	[sflag:s9] =	ssyncadd.s32 $0xFFFFC000  }
0x156: {  	[hbm4b:s1+s2] =	stream.linear.scatter [tilespmem:s3], [sflag:$0x8], $0x4000, $0x38;
	[tilespmem:$0x1E400] =	vst v63  }
0x157: {  	_ =	swait.ge [sflag:s6], $0x4000  }
0x158: {  	s1 =	sld [smem:$0x7F0]  }
0x159: {  	[sflag:s6] =	ssyncset.done $0x0  }
0x15a: {  	[sflag:s6] =	ssyncadd.s32 $0xFFFFC000  }
0x15b: {  	[tilespmem:s5], [sflag:$0x1] =	stream.indirect.gather [hbm4b:s4+s8], $0x20, s1, s8, $0xb8;
	[tilespmem:$0x1E400] =	vst v63  }
0x15c: {  	_ =	swait.ge [sflag:s22], $0x4000  }
0x15d: {  	[sflag:s22] =	ssyncset.done $0x0  }
0x15e: {  	s1 =	rddreg [dreg:$0x1d];
	[sflag:s22] =	ssyncadd.s32 $0xFFFFC000  }
0x15f: {  	[hbm4b:s1+s2] =	stream.linear.scatter [tilespmem:s15], [sflag:$0x9], $0x4000, $0x38;
	[tilespmem:$0x1E400] =	vst v63  }
0x160: {  	_ =	swait.ge [sflag:s7], $0x4000  }
0x161: {  	s1 =	sld [smem:$0x7F1]  }
0x162: {  	[sflag:s7] =	ssyncset.done $0x0  }
0x163: {  	[sflag:s7] =	ssyncadd.s32 $0xFFFFC000  }
0x164: {  	[tilespmem:s3], [sflag:$0x2] =	stream.indirect.gather [hbm4b:s4+s8], $0x20, s1, s8, $0xb8;
	[tilespmem:$0x1E400] =	vst v63  }
0x165: {  	_ =	swait.ge [sflag:s19], $0x4000  }
0x166: {  	[sflag:s19] =	ssyncset.done $0x0  }
0x167: {  	s1 =	rddreg [dreg:$0x1e];
	[sflag:s19] =	ssyncadd.s32 $0xFFFFC000  }
0x168: {  	[hbm4b:s1+s2] =	stream.linear.scatter [tilespmem:s13], [sflag:$0xA], $0x4000, $0x38;
	[tilespmem:$0x1E400] =	vst v63  }
0x169: {  	_ =	swait.ge [sflag:s14], $0x4000  }
0x16a: {  	s1 =	sld [smem:$0x7F2]  }
0x16b: {  	[sflag:s14] =	ssyncset.done $0x0  }
0x16c: {  	[sflag:s14] =	ssyncadd.s32 $0xFFFFC000  }
0x16d: {  	[tilespmem:s15], [sflag:$0x3] =	stream.indirect.gather [hbm4b:s4+s8], $0x20, s1, s8, $0xb8;
	[tilespmem:$0x1E400] =	vst v63  }
0x16e: {  	_ =	swait.ge [sflag:s20], $0x4000  }
0x16f: {  	[sflag:s20] =	ssyncset.done $0x0  }
0x170: {  	s1 =	rddreg [dreg:$0x1f];
	[sflag:s20] =	ssyncadd.s32 $0xFFFFC000  }
0x171: {  	[hbm4b:s1+s2] =	stream.linear.scatter [tilespmem:s12], [sflag:$0xB], $0x4000, $0x38;
	[tilespmem:$0x1E400] =	vst v63  }
0x172: {  	_ =	swait.ge [sflag:s16], $0x4000  }
0x173: {  	s1 =	sld [smem:$0x7F3]  }
0x174: {  	[sflag:s16] =	ssyncset.done $0x0  }
0x175: {  	[sflag:s16] =	ssyncadd.s32 $0xFFFFC000  }
0x176: {  	[tilespmem:s13], [sflag:$0x4] =	stream.indirect.gather [hbm4b:s4+s8], $0x20, s1, s8, $0xb8;
	[tilespmem:$0x1E400] =	vst v63  }
0x177: {  	_ =	swait.ge [sflag:s21], $0x4000  }
0x178: {  	s1 =	sld [smem:$0x7BF]  }
0x179: {  	[sflag:s21] =	ssyncset.done $0x0  }
0x17a: {  	[sflag:s21] =	ssyncadd.s32 $0xFFFFC000  }
0x17b: {  	[hbm4b:s1+s2] =	stream.linear.scatter [tilespmem:s11], [sflag:$0xC], $0x4000, $0x38;
	[tilespmem:$0x1E400] =	vst v63  }
0x17c: {  	_ =	swait.ge [sflag:s17], $0x4000  }
0x17d: {  	s1 =	sld [smem:$0x7F4]  }
0x17e: {  	[sflag:s17] =	ssyncset.done $0x0  }
0x17f: {  	[sflag:s17] =	ssyncadd.s32 $0xFFFFC000  }
0x180: {  	[tilespmem:s12], [sflag:$0x5] =	stream.indirect.gather [hbm4b:s4+s8], $0x20, s1, s8, $0xb8;
	[tilespmem:$0x1E400] =	vst v63  }
0x181: {  	_ =	swait.ge [sflag:s10], $0x4000  }
0x182: {  	s1 =	sld [smem:$0x7C0]  }
0x183: {  	[sflag:s10] =	ssyncset.done $0x0  }
0x184: {  	[sflag:s10] =	ssyncadd.s32 $0xFFFFC000  }
0x185: {  	[hbm4b:s1+s2] =	stream.linear.scatter [tilespmem:s5], [sflag:$0x7], $0x4000, $0x38;
	[tilespmem:$0x1E400] =	vst v63  }
0x186: {  	_ =	swait.ge [sflag:s18], $0x4000  }
0x187: {  	s1 =	sld [smem:$0x7F5]  }
0x188: {  	[sflag:s18] =	ssyncset.done $0x0  }
0x189: {  	[sflag:s18] =	ssyncadd.s32 $0xFFFFC000  }
0x18a: {  	[tilespmem:s11], [sflag:$0x6] =	stream.indirect.gather [hbm4b:s4+s8], $0x20, s1, s8, $0xb8;
	[tilespmem:$0x1E400] =	vst v63  }
0x18b: {  	_ =	swait.ge [sflag:s9], $0x4000  }
0x18c: {  	s1 =	sld [smem:$0x7C1]  }
0x18d: {  	[sflag:s9] =	ssyncset.done $0x0  }
0x18e: {  	[sflag:s9] =	ssyncadd.s32 $0xFFFFC000  }
0x18f: {  	[hbm4b:s1+s2] =	stream.linear.scatter [tilespmem:s3], [sflag:$0x8], $0x4000, $0x38;
	[tilespmem:$0x1E400] =	vst v63  }
0x190: {  	_ =	swait.ge [sflag:s6], $0x4000  }
0x191: {  	s1 =	sld [smem:$0x7F6]  }
0x192: {  	[sflag:s6] =	ssyncset.done $0x0  }
0x193: {  	[sflag:s6] =	ssyncadd.s32 $0xFFFFC000  }
0x194: {  	[tilespmem:s5], [sflag:$0x1] =	stream.indirect.gather [hbm4b:s4+s8], $0x20, s1, s8, $0xb8;
	[tilespmem:$0x1E400] =	vst v63  }
0x195: {  	_ =	swait.ge [sflag:s22], $0x4000  }
0x196: {  	s1 =	sld [smem:$0x7C2]  }
0x197: {  	[sflag:s22] =	ssyncset.done $0x0  }
0x198: {  	[sflag:s22] =	ssyncadd.s32 $0xFFFFC000  }
0x199: {  	[hbm4b:s1+s2] =	stream.linear.scatter [tilespmem:s15], [sflag:$0x9], $0x4000, $0x38;
	[tilespmem:$0x1E400] =	vst v63  }
0x19a: {  	_ =	swait.ge [sflag:s7], $0x4000  }
0x19b: {  	s1 =	sld [smem:$0x7F7]  }
0x19c: {  	[sflag:s7] =	ssyncset.done $0x0  }
0x19d: {  	[sflag:s7] =	ssyncadd.s32 $0xFFFFC000  }
0x19e: {  	[tilespmem:s3], [sflag:$0x2] =	stream.indirect.gather [hbm4b:s4+s8], $0x20, s1, s8, $0xb8;
	[tilespmem:$0x1E400] =	vst v63  }
0x19f: {  	_ =	swait.ge [sflag:s19], $0x4000  }
0x1a0: {  	s1 =	sld [smem:$0x7C3]  }
0x1a1: {  	[sflag:s19] =	ssyncset.done $0x0  }
0x1a2: {  	[sflag:s19] =	ssyncadd.s32 $0xFFFFC000  }
0x1a3: {  	[hbm4b:s1+s2] =	stream.linear.scatter [tilespmem:s13], [sflag:$0xA], $0x4000, $0x38;
	[tilespmem:$0x1E400] =	vst v63  }
0x1a4: {  	_ =	swait.ge [sflag:s14], $0x4000  }
0x1a5: {  	s1 =	sld [smem:$0x7F8]  }
0x1a6: {  	[sflag:s14] =	ssyncset.done $0x0  }
0x1a7: {  	[sflag:s14] =	ssyncadd.s32 $0xFFFFC000  }
0x1a8: {  	[tilespmem:s15], [sflag:$0x3] =	stream.indirect.gather [hbm4b:s4+s8], $0x20, s1, s8, $0xb8;
	[tilespmem:$0x1E400] =	vst v63  }
0x1a9: {  	_ =	swait.ge [sflag:s20], $0x4000  }
0x1aa: {  	s1 =	sld [smem:$0x7C4]  }
0x1ab: {  	[sflag:s20] =	ssyncset.done $0x0  }
0x1ac: {  	[sflag:s20] =	ssyncadd.s32 $0xFFFFC000  }
0x1ad: {  	[hbm4b:s1+s2] =	stream.linear.scatter [tilespmem:s12], [sflag:$0xB], $0x4000, $0x38;
	[tilespmem:$0x1E400] =	vst v63  }
0x1ae: {  	_ =	swait.ge [sflag:s16], $0x4000  }
0x1af: {  	s1 =	sld [smem:$0x7F9]  }
0x1b0: {  	[sflag:s16] =	ssyncset.done $0x0  }
0x1b1: {  	[sflag:s16] =	ssyncadd.s32 $0xFFFFC000  }
0x1b2: {  	[tilespmem:s13], [sflag:$0x4] =	stream.indirect.gather [hbm4b:s4+s8], $0x20, s1, s8, $0xb8;
	[tilespmem:$0x1E400] =	vst v63  }
0x1b3: {  	_ =	swait.ge [sflag:s21], $0x4000  }
0x1b4: {  	s1 =	sld [smem:$0x7C5]  }
0x1b5: {  	[sflag:s21] =	ssyncset.done $0x0  }
0x1b6: {  	[sflag:s21] =	ssyncadd.s32 $0xFFFFC000  }
0x1b7: {  	[hbm4b:s1+s2] =	stream.linear.scatter [tilespmem:s11], [sflag:$0xC], $0x4000, $0x38;
	[tilespmem:$0x1E400] =	vst v63  }
0x1b8: {  	_ =	swait.ge [sflag:s17], $0x4000  }
0x1b9: {  	s1 =	sld [smem:$0x7FA]  }
0x1ba: {  	[sflag:s17] =	ssyncset.done $0x0  }
0x1bb: {  	[sflag:s17] =	ssyncadd.s32 $0xFFFFC000  }
0x1bc: {  	[tilespmem:s12], [sflag:$0x5] =	stream.indirect.gather [hbm4b:s4+s8], $0x20, s1, s8, $0xb8;
	[tilespmem:$0x1E400] =	vst v63  }
0x1bd: {  	_ =	swait.ge [sflag:s10], $0x4000  }
0x1be: {  	s1 =	sld [smem:$0x7C6]  }
0x1bf: {  	[sflag:s10] =	ssyncset.done $0x0  }
0x1c0: {  	[sflag:s10] =	ssyncadd.s32 $0xFFFFC000  }
0x1c1: {  	[hbm4b:s1+s2] =	stream.linear.scatter [tilespmem:s5], [sflag:$0x7], $0x4000, $0x38;
	[tilespmem:$0x1E400] =	vst v63  }
0x1c2: {  	_ =	swait.ge [sflag:s18], $0x4000  }
0x1c3: {  	s1 =	sld [smem:$0x7FB]  }
0x1c4: {  	[sflag:s18] =	ssyncset.done $0x0  }
0x1c5: {  	[sflag:s18] =	ssyncadd.s32 $0xFFFFC000  }
0x1c6: {  	[tilespmem:s11], [sflag:$0x6] =	stream.indirect.gather [hbm4b:s4+s8], $0x20, s1, s8, $0xb8;
	[tilespmem:$0x1E400] =	vst v63  }
0x1c7: {  	_ =	swait.ge [sflag:s9], $0x4000  }
0x1c8: {  	s1 =	sld [smem:$0x7C7]  }
0x1c9: {  	[sflag:s9] =	ssyncset.done $0x0  }
0x1ca: {  	[sflag:s9] =	ssyncadd.s32 $0xFFFFC000  }
0x1cb: {  	[hbm4b:s1+s2] =	stream.linear.scatter [tilespmem:s3], [sflag:$0x8], $0x4000, $0x38;
	[tilespmem:$0x1E400] =	vst v63  }
0x1cc: {  	_ =	swait.ge [sflag:s6], $0x4000  }
0x1cd: {  	s1 =	sld [smem:$0x7FC]  }
0x1ce: {  	[sflag:s6] =	ssyncset.done $0x0  }
0x1cf: {  	[sflag:s6] =	ssyncadd.s32 $0xFFFFC000  }
0x1d0: {  	[tilespmem:s5], [sflag:$0x1] =	stream.indirect.gather [hbm4b:s4+s8], $0x20, s1, s8, $0xb8;
	[tilespmem:$0x1E400] =	vst v63  }
0x1d1: {  	_ =	swait.ge [sflag:s22], $0x4000  }
0x1d2: {  	s1 =	sld [smem:$0x7C8]  }
0x1d3: {  	[sflag:s22] =	ssyncset.done $0x0  }
0x1d4: {  	[sflag:s22] =	ssyncadd.s32 $0xFFFFC000  }
0x1d5: {  	[hbm4b:s1+s2] =	stream.linear.scatter [tilespmem:s15], [sflag:$0x9], $0x4000, $0x38;
	[tilespmem:$0x1E400] =	vst v63  }
0x1d6: {  	_ =	swait.ge [sflag:s7], $0x4000  }
0x1d7: {  	s1 =	sld [smem:$0x7FD]  }
0x1d8: {  	[sflag:s7] =	ssyncset.done $0x0  }
0x1d9: {  	[sflag:s7] =	ssyncadd.s32 $0xFFFFC000  }
0x1da: {  	[tilespmem:s3], [sflag:$0x2] =	stream.indirect.gather [hbm4b:s4+s8], $0x20, s1, s8, $0xb8;
	[tilespmem:$0x1E400] =	vst v63  }
0x1db: {  	_ =	swait.ge [sflag:s19], $0x4000  }
0x1dc: {  	s1 =	sld [smem:$0x7C9]  }
0x1dd: {  	[sflag:s19] =	ssyncset.done $0x0  }
0x1de: {  	[sflag:s19] =	ssyncadd.s32 $0xFFFFC000  }
0x1df: {  	[hbm4b:s1+s2] =	stream.linear.scatter [tilespmem:s13], [sflag:$0xA], $0x4000, $0x38;
	[tilespmem:$0x1E400] =	vst v63  }
0x1e0: {  	_ =	swait.ge [sflag:s14], $0x4000  }
0x1e1: {  	[sflag:s14] =	ssyncset.done $0x0  }
0x1e2: {  	s1 =	simm.s32 $0x5800;
	[sflag:s14] =	ssyncadd.s32 $0xFFFFC000  }
0x1e3: {  	[tilespmem:s15], [sflag:$0x3] =	stream.indirect.gather [hbm4b:s4+s8], $0x20, s1, s8, $0xb8;
	[tilespmem:$0x1E400] =	vst v63  }
0x1e4: {  	_ =	swait.ge [sflag:s20], $0x4000  }
0x1e5: {  	s1 =	sld [smem:$0x7CA]  }
0x1e6: {  	[sflag:s20] =	ssyncset.done $0x0  }
0x1e7: {  	[sflag:s20] =	ssyncadd.s32 $0xFFFFC000  }
0x1e8: {  	[hbm4b:s1+s2] =	stream.linear.scatter [tilespmem:s12], [sflag:$0xB], $0x4000, $0x38;
	[tilespmem:$0x1E400] =	vst v63  }
0x1e9: {  	_ =	swait.ge [sflag:s16], $0x4000  }
0x1ea: {  	[sflag:s16] =	ssyncset.done $0x0  }
0x1eb: {  	[sflag:s16] =	ssyncadd.s32 $0xFFFFC000  }
0x1ec: {  	[tilespmem:s13], [sflag:$0x4] =	stream.indirect.gather [hbm4b:s4+s8], $0x20, s29, s8, $0xb8;
	[tilespmem:$0x1E400] =	vst v63  }
0x1ed: {  	_ =	swait.ge [sflag:s21], $0x4000  }
0x1ee: {  	s1 =	sld [smem:$0x7CB]  }
0x1ef: {  	[sflag:s21] =	ssyncset.done $0x0  }
0x1f0: {  	[sflag:s21] =	ssyncadd.s32 $0xFFFFC000  }
0x1f1: {  	[hbm4b:s1+s2] =	stream.linear.scatter [tilespmem:s11], [sflag:$0xC], $0x4000, $0x38;
	[tilespmem:$0x1E400] =	vst v63  }
0x1f2: {  	_ =	swait.ge [sflag:s17], $0x4000  }
0x1f3: {  	[sflag:s17] =	ssyncset.done $0x0  }
0x1f4: {  	[sflag:s17] =	ssyncadd.s32 $0xFFFFC000  }
0x1f5: {  	[tilespmem:s12], [sflag:$0x5] =	stream.indirect.gather [hbm4b:s4+s8], $0x20, s28, s8, $0xb8;
	[tilespmem:$0x1E400] =	vst v63  }
0x1f6: {  	_ =	swait.ge [sflag:s10], $0x4000  }
0x1f7: {  	s1 =	sld [smem:$0x7CC]  }
0x1f8: {  	[sflag:s10] =	ssyncset.done $0x0  }
0x1f9: {  	[sflag:s10] =	ssyncadd.s32 $0xFFFFC000  }
0x1fa: {  	[hbm4b:s1+s2] =	stream.linear.scatter [tilespmem:s5], [sflag:$0x7], $0x4000, $0x38;
	[tilespmem:$0x1E400] =	vst v63  }
0x1fb: {  	_ =	swait.ge [sflag:s18], $0x4000  }
0x1fc: {  	[sflag:s18] =	ssyncset.done $0x0  }
0x1fd: {  	[sflag:s18] =	ssyncadd.s32 $0xFFFFC000  }
0x1fe: {  	[tilespmem:s11], [sflag:$0x6] =	stream.indirect.gather [hbm4b:s4+s8], $0x20, s26, s8, $0xb8;
	[tilespmem:$0x1E400] =	vst v63  }
0x1ff: {  	_ =	swait.ge [sflag:s9], $0x4000  }
0x200: {  	s1 =	sld [smem:$0x7CD]  }
0x201: {  	[sflag:s9] =	ssyncset.done $0x0  }
0x202: {  	[sflag:s9] =	ssyncadd.s32 $0xFFFFC000  }
0x203: {  	[hbm4b:s1+s2] =	stream.linear.scatter [tilespmem:s3], [sflag:$0x8], $0x4000, $0x38;
	[tilespmem:$0x1E400] =	vst v63  }
0x204: {  	_ =	swait.ge [sflag:s6], $0x4000  }
0x205: {  	[sflag:s6] =	ssyncset.done $0x0  }
0x206: {  	[sflag:s6] =	ssyncadd.s32 $0xFFFFC000  }
0x207: {  	[tilespmem:s5], [sflag:$0x1] =	stream.indirect.gather [hbm4b:s4+s8], $0x20, s25, s8, $0xb8;
	[tilespmem:$0x1E400] =	vst v63  }
0x208: {  	_ =	swait.ge [sflag:s22], $0x4000  }
0x209: {  	s1 =	sld [smem:$0x7CE]  }
0x20a: {  	[sflag:s22] =	ssyncset.done $0x0  }
0x20b: {  	[sflag:s22] =	ssyncadd.s32 $0xFFFFC000  }
0x20c: {  	[hbm4b:s1+s2] =	stream.linear.scatter [tilespmem:s15], [sflag:$0x9], $0x4000, $0x38;
	[tilespmem:$0x1E400] =	vst v63  }
0x20d: {  	_ =	swait.ge [sflag:s7], $0x4000  }
0x20e: {  	[sflag:s7] =	ssyncset.done $0x0  }
0x20f: {  	[sflag:s7] =	ssyncadd.s32 $0xFFFFC000  }
0x210: {  	[tilespmem:s3], [sflag:$0x2] =	stream.indirect.gather [hbm4b:s4+s8], $0x20, s24, s8, $0xb8;
	[tilespmem:$0x1E400] =	vst v63  }
0x211: {  	_ =	swait.ge [sflag:s19], $0x4000  }
0x212: {  	s1 =	sld [smem:$0x7CF]  }
0x213: {  	[sflag:s19] =	ssyncset.done $0x0  }
0x214: {  	[sflag:s19] =	ssyncadd.s32 $0xFFFFC000  }
0x215: {  	[hbm4b:s1+s2] =	stream.linear.scatter [tilespmem:s13], [sflag:$0xA], $0x4000, $0x38;
	[tilespmem:$0x1E400] =	vst v63  }
0x216: {  	_ =	swait.ge [sflag:s20], $0x4000  }
0x217: {  	s1 =	sld [smem:$0x7D0]  }
0x218: {  	[sflag:s20] =	ssyncset.done $0x0  }
0x219: {  	[sflag:s20] =	ssyncadd.s32 $0xFFFFC000  }
0x21a: {  	[hbm4b:s1+s2] =	stream.linear.scatter [tilespmem:s12], [sflag:$0xB], $0x4000, $0x38;
	[tilespmem:$0x1E400] =	vst v63  }
0x21b: {  	_ =	swait.ge [sflag:s21], $0x4000  }
0x21c: {  	s1 =	sld [smem:$0x7D1]  }
0x21d: {  	[sflag:s21] =	ssyncset.done $0x0  }
0x21e: {  	[sflag:s21] =	ssyncadd.s32 $0xFFFFC000  }
0x21f: {  	[hbm4b:s1+s2] =	stream.linear.scatter [tilespmem:s11], [sflag:$0xC], $0x4000, $0x38;
	[tilespmem:$0x1E400] =	vst v63  }
0x220: {  	_ =	swait.ge [sflag:s10], $0x4000  }
0x221: {  	s1 =	sld [smem:$0x7D2]  }
0x222: {  	[sflag:s10] =	ssyncset.done $0x0  }
0x223: {  	[sflag:s10] =	ssyncadd.s32 $0xFFFFC000  }
0x224: {  	[hbm4b:s1+s2] =	stream.linear.scatter [tilespmem:s5], [sflag:$0x7], $0x4000, $0x38;
	[tilespmem:$0x1E400] =	vst v63  }
0x225: {  	_ =	swait.ge [sflag:s9], $0x4000  }
0x226: {  	s1 =	sld [smem:$0x7D3]  }
0x227: {  	[sflag:s9] =	ssyncset.done $0x0  }
0x228: {  	[sflag:s9] =	ssyncadd.s32 $0xFFFFC000  }
0x229: {  	[hbm4b:s1+s2] =	stream.linear.scatter [tilespmem:s3], [sflag:$0x8], $0x4000, $0x38;
	[tilespmem:$0x1E400] =	vst v63  }
0x22a: {  	_ =	swait.ge [sflag:s14], $0x4000  }
0x22b: {  	[sflag:s14] =	ssyncset.done $0x0  }
0x22c: {  	[sflag:s14] =	ssyncadd.s32 $0xFFFFC000  }
0x22d: {  	_ =	swait.ge [sflag:s16], $0x4000  }
0x22e: {  	[sflag:s16] =	ssyncset.done $0x0  }
0x22f: {  	[sflag:s16] =	ssyncadd.s32 $0xFFFFC000  }
0x230: {  	_ =	swait.ge [sflag:s17], $0x4000  }
0x231: {  	[sflag:s17] =	ssyncset.done $0x0  }
0x232: {  	[sflag:s17] =	ssyncadd.s32 $0xFFFFC000  }
0x233: {  	_ =	swait.ge [sflag:s18], $0x4000  }
0x234: {  	[sflag:s18] =	ssyncset.done $0x0  }
0x235: {  	p1 =	sne.s32 s23, $0x1;
	[sflag:s18] =	ssyncadd.s32 $0xFFFFC000  }
.Ltmp1:
0x236: {  	_ =	swait.ge [sflag:s6], $0x4000;
	(pc) =	sbr.rel @!p1 .LBB2_3-.Ltmp1, $4  }
0x237: {  	[sflag:s6] =	ssyncset.done $0x0  }
0x238: {  	[sflag:s6] =	ssyncadd.s32 $0xFFFFC000  }
0x239: {  	p0 =	por $0x1, $0x1;
	_ =	swait.ge [sflag:s7], $0x4000  }
0x23a: {  	s1 =	sadd.s32 $0xFFFFFFFF, s23;
	s0 =	rddreg [dreg:$0x3];
	[sflag:s7] =	ssyncset.done $0x0  }
.LBB2_4:
0x23b: {  	[sflag:s7] =	ssyncadd.s32 $0xFFFFC000  }
0x23c: {  	[tilespmem:s2], [sflag:$0xD] =	stream.linear.gather [hbm4b:s0+s2], $0x6400, $0x38;
	[tilespmem:$0x1E400] =	vst v63  }
0x23d: {  	_ =	swait.ge [sflag:s31], $0x6400  }
0x23e: {  	[sflag:s31] =	ssyncset.done $0x0  }
0x23f: {  	[sflag:s31] =	ssyncadd.s32 $0xFFFF9C00  }
0x240: {  	[tilespmem:s5], [sflag:$0x1] =	stream.indirect.gather [hbm4b:s4+s8], $0x20, s2, s8, $0xb8;
	[tilespmem:$0x1E400] =	vst v63  }
0x241: {  	s0 =	sld [smem:$0x7D4]  }
0x242: {  	[tilespmem:s3], [sflag:$0x2] =	stream.indirect.gather [hbm4b:s4+s8], $0x20, s8, s8, $0xb8;
	[tilespmem:$0x1E400] =	vst v63  }
0x243: {  	s23 =	sld [smem:$0x7D5]  }
0x244: {  	[tilespmem:s15], [sflag:$0x3] =	stream.indirect.gather [hbm4b:s4+s8], $0x20, s0, s8, $0xb8;
	[tilespmem:$0x1E400] =	vst v63  }
0x245: {  	s0 =	sld [smem:$0x7D6]  }
0x246: {  	[tilespmem:s13], [sflag:$0x4] =	stream.indirect.gather [hbm4b:s4+s8], $0x20, s23, s8, $0xb8;
	[tilespmem:$0x1E400] =	vst v63  }
0x247: {  	s23 =	sld [smem:$0x7D7]  }
0x248: {  	[tilespmem:s12], [sflag:$0x5] =	stream.indirect.gather [hbm4b:s4+s8], $0x20, s0, s8, $0xb8;
	[tilespmem:$0x1E400] =	vst v63  }
0x249: {  	_ = 	snop  }
0x24a: {  	[tilespmem:s11], [sflag:$0x6] =	stream.indirect.gather [hbm4b:s4+s8], $0x20, s23, s8, $0xb8;
	[tilespmem:$0x1E400] =	vst v63  }
0x24b: {  	_ =	swait.ge [sflag:s10], $0x4000  }
0x24c: {  	[sflag:s10] =	ssyncset.done $0x0  }
0x24d: {  	[sflag:s10] =	ssyncadd.s32 $0xFFFFC000  }
0x24e: {  	[hbm4b:s30+s2] =	stream.linear.scatter [tilespmem:s5], [sflag:$0x7], $0x4000, $0x38;
	[tilespmem:$0x1E400] =	vst v63  }
0x24f: {  	_ =	swait.ge [sflag:s9], $0x4000  }
0x250: {  	[sflag:s9] =	ssyncset.done $0x0  }
0x251: {  	s23 =	rddreg [dreg:$0x4];
	[sflag:s9] =	ssyncadd.s32 $0xFFFFC000  }
0x252: {  	[hbm4b:s23+s2] =	stream.linear.scatter [tilespmem:s3], [sflag:$0x8], $0x4000, $0x38;
	[tilespmem:$0x1E400] =	vst v63  }
0x253: {  	_ =	swait.ge [sflag:s6], $0x4000  }
0x254: {  	s23 =	sld [smem:$0x7D8]  }
0x255: {  	[sflag:s6] =	ssyncset.done $0x0  }
0x256: {  	[sflag:s6] =	ssyncadd.s32 $0xFFFFC000  }
0x257: {  	[tilespmem:s5], [sflag:$0x1] =	stream.indirect.gather [hbm4b:s4+s8], $0x20, s23, s8, $0xb8;
	[tilespmem:$0x1E400] =	vst v63  }
0x258: {  	_ =	swait.ge [sflag:s22], $0x4000  }
0x259: {  	[sflag:s22] =	ssyncset.done $0x0  }
0x25a: {  	s23 =	rddreg [dreg:$0x5];
	[sflag:s22] =	ssyncadd.s32 $0xFFFFC000  }
0x25b: {  	[hbm4b:s23+s2] =	stream.linear.scatter [tilespmem:s15], [sflag:$0x9], $0x4000, $0x38;
	[tilespmem:$0x1E400] =	vst v63  }
0x25c: {  	_ =	swait.ge [sflag:s7], $0x4000  }
0x25d: {  	s23 =	sld [smem:$0x7D9]  }
0x25e: {  	[sflag:s7] =	ssyncset.done $0x0  }
0x25f: {  	[sflag:s7] =	ssyncadd.s32 $0xFFFFC000  }
0x260: {  	[tilespmem:s3], [sflag:$0x2] =	stream.indirect.gather [hbm4b:s4+s8], $0x20, s23, s8, $0xb8;
	[tilespmem:$0x1E400] =	vst v63  }
0x261: {  	_ =	swait.ge [sflag:s19], $0x4000  }
0x262: {  	[sflag:s19] =	ssyncset.done $0x0  }
0x263: {  	s23 =	rddreg [dreg:$0x6];
	[sflag:s19] =	ssyncadd.s32 $0xFFFFC000  }
0x264: {  	[hbm4b:s23+s2] =	stream.linear.scatter [tilespmem:s13], [sflag:$0xA], $0x4000, $0x38;
	[tilespmem:$0x1E400] =	vst v63  }
0x265: {  	_ =	swait.ge [sflag:s14], $0x4000  }
0x266: {  	s23 =	sld [smem:$0x7DA]  }
0x267: {  	[sflag:s14] =	ssyncset.done $0x0  }
0x268: {  	[sflag:s14] =	ssyncadd.s32 $0xFFFFC000  }
0x269: {  	[tilespmem:s15], [sflag:$0x3] =	stream.indirect.gather [hbm4b:s4+s8], $0x20, s23, s8, $0xb8;
	[tilespmem:$0x1E400] =	vst v63  }
0x26a: {  	_ =	swait.ge [sflag:s20], $0x4000  }
0x26b: {  	[sflag:s20] =	ssyncset.done $0x0  }
0x26c: {  	s23 =	rddreg [dreg:$0x7];
	[sflag:s20] =	ssyncadd.s32 $0xFFFFC000  }
0x26d: {  	[hbm4b:s23+s2] =	stream.linear.scatter [tilespmem:s12], [sflag:$0xB], $0x4000, $0x38;
	[tilespmem:$0x1E400] =	vst v63  }
0x26e: {  	_ =	swait.ge [sflag:s16], $0x4000  }
0x26f: {  	s23 =	sld [smem:$0x7DB]  }
0x270: {  	[sflag:s16] =	ssyncset.done $0x0  }
0x271: {  	[sflag:s16] =	ssyncadd.s32 $0xFFFFC000  }
0x272: {  	[tilespmem:s13], [sflag:$0x4] =	stream.indirect.gather [hbm4b:s4+s8], $0x20, s23, s8, $0xb8;
	[tilespmem:$0x1E400] =	vst v63  }
0x273: {  	_ =	swait.ge [sflag:s21], $0x4000  }
0x274: {  	[sflag:s21] =	ssyncset.done $0x0  }
0x275: {  	s23 =	rddreg [dreg:$0x8];
	[sflag:s21] =	ssyncadd.s32 $0xFFFFC000  }
0x276: {  	[hbm4b:s23+s2] =	stream.linear.scatter [tilespmem:s11], [sflag:$0xC], $0x4000, $0x38;
	[tilespmem:$0x1E400] =	vst v63  }
0x277: {  	_ =	swait.ge [sflag:s17], $0x4000  }
0x278: {  	s23 =	sld [smem:$0x7DC]  }
0x279: {  	[sflag:s17] =	ssyncset.done $0x0  }
0x27a: {  	[sflag:s17] =	ssyncadd.s32 $0xFFFFC000  }
0x27b: {  	[tilespmem:s12], [sflag:$0x5] =	stream.indirect.gather [hbm4b:s4+s8], $0x20, s23, s8, $0xb8;
	[tilespmem:$0x1E400] =	vst v63  }
0x27c: {  	_ =	swait.ge [sflag:s10], $0x4000  }
0x27d: {  	[sflag:s10] =	ssyncset.done $0x0  }
0x27e: {  	s23 =	rddreg [dreg:$0x9];
	[sflag:s10] =	ssyncadd.s32 $0xFFFFC000  }
0x27f: {  	[hbm4b:s23+s2] =	stream.linear.scatter [tilespmem:s5], [sflag:$0x7], $0x4000, $0x38;
	[tilespmem:$0x1E400] =	vst v63  }
0x280: {  	_ =	swait.ge [sflag:s18], $0x4000  }
0x281: {  	s23 =	sld [smem:$0x7DD]  }
0x282: {  	[sflag:s18] =	ssyncset.done $0x0  }
0x283: {  	[sflag:s18] =	ssyncadd.s32 $0xFFFFC000  }
0x284: {  	[tilespmem:s11], [sflag:$0x6] =	stream.indirect.gather [hbm4b:s4+s8], $0x20, s23, s8, $0xb8;
	[tilespmem:$0x1E400] =	vst v63  }
0x285: {  	_ =	swait.ge [sflag:s9], $0x4000  }
0x286: {  	[sflag:s9] =	ssyncset.done $0x0  }
0x287: {  	s23 =	rddreg [dreg:$0xa];
	[sflag:s9] =	ssyncadd.s32 $0xFFFFC000  }
0x288: {  	[hbm4b:s23+s2] =	stream.linear.scatter [tilespmem:s3], [sflag:$0x8], $0x4000, $0x38;
	[tilespmem:$0x1E400] =	vst v63  }
0x289: {  	_ =	swait.ge [sflag:s6], $0x4000  }
0x28a: {  	s23 =	sld [smem:$0x7DE]  }
0x28b: {  	[sflag:s6] =	ssyncset.done $0x0  }
0x28c: {  	[sflag:s6] =	ssyncadd.s32 $0xFFFFC000  }
0x28d: {  	[tilespmem:s5], [sflag:$0x1] =	stream.indirect.gather [hbm4b:s4+s8], $0x20, s23, s8, $0xb8;
	[tilespmem:$0x1E400] =	vst v63  }
0x28e: {  	_ =	swait.ge [sflag:s22], $0x4000  }
0x28f: {  	[sflag:s22] =	ssyncset.done $0x0  }
0x290: {  	s23 =	rddreg [dreg:$0xb];
	[sflag:s22] =	ssyncadd.s32 $0xFFFFC000  }
0x291: {  	[hbm4b:s23+s2] =	stream.linear.scatter [tilespmem:s15], [sflag:$0x9], $0x4000, $0x38;
	[tilespmem:$0x1E400] =	vst v63  }
0x292: {  	_ =	swait.ge [sflag:s7], $0x4000  }
0x293: {  	s23 =	sld [smem:$0x7DF]  }
0x294: {  	[sflag:s7] =	ssyncset.done $0x0  }
0x295: {  	[sflag:s7] =	ssyncadd.s32 $0xFFFFC000  }
0x296: {  	[tilespmem:s3], [sflag:$0x2] =	stream.indirect.gather [hbm4b:s4+s8], $0x20, s23, s8, $0xb8;
	[tilespmem:$0x1E400] =	vst v63  }
0x297: {  	_ =	swait.ge [sflag:s19], $0x4000  }
0x298: {  	[sflag:s19] =	ssyncset.done $0x0  }
0x299: {  	s23 =	rddreg [dreg:$0xc];
	[sflag:s19] =	ssyncadd.s32 $0xFFFFC000  }
0x29a: {  	[hbm4b:s23+s2] =	stream.linear.scatter [tilespmem:s13], [sflag:$0xA], $0x4000, $0x38;
	[tilespmem:$0x1E400] =	vst v63  }
0x29b: {  	_ =	swait.ge [sflag:s14], $0x4000  }
0x29c: {  	s23 =	sld [smem:$0x7E0]  }
0x29d: {  	[sflag:s14] =	ssyncset.done $0x0  }
0x29e: {  	[sflag:s14] =	ssyncadd.s32 $0xFFFFC000  }
0x29f: {  	[tilespmem:s15], [sflag:$0x3] =	stream.indirect.gather [hbm4b:s4+s8], $0x20, s23, s8, $0xb8;
	[tilespmem:$0x1E400] =	vst v63  }
0x2a0: {  	_ =	swait.ge [sflag:s20], $0x4000  }
0x2a1: {  	[sflag:s20] =	ssyncset.done $0x0  }
0x2a2: {  	s23 =	rddreg [dreg:$0xd];
	[sflag:s20] =	ssyncadd.s32 $0xFFFFC000  }
0x2a3: {  	[hbm4b:s23+s2] =	stream.linear.scatter [tilespmem:s12], [sflag:$0xB], $0x4000, $0x38;
	[tilespmem:$0x1E400] =	vst v63  }
0x2a4: {  	_ =	swait.ge [sflag:s16], $0x4000  }
0x2a5: {  	s23 =	sld [smem:$0x7E1]  }
0x2a6: {  	[sflag:s16] =	ssyncset.done $0x0  }
0x2a7: {  	[sflag:s16] =	ssyncadd.s32 $0xFFFFC000  }
0x2a8: {  	[tilespmem:s13], [sflag:$0x4] =	stream.indirect.gather [hbm4b:s4+s8], $0x20, s23, s8, $0xb8;
	[tilespmem:$0x1E400] =	vst v63  }
0x2a9: {  	_ =	swait.ge [sflag:s21], $0x4000  }
0x2aa: {  	[sflag:s21] =	ssyncset.done $0x0  }
0x2ab: {  	s23 =	rddreg [dreg:$0xe];
	[sflag:s21] =	ssyncadd.s32 $0xFFFFC000  }
0x2ac: {  	[hbm4b:s23+s2] =	stream.linear.scatter [tilespmem:s11], [sflag:$0xC], $0x4000, $0x38;
	[tilespmem:$0x1E400] =	vst v63  }
0x2ad: {  	_ =	swait.ge [sflag:s17], $0x4000  }
0x2ae: {  	s23 =	sld [smem:$0x7E2]  }
0x2af: {  	[sflag:s17] =	ssyncset.done $0x0  }
0x2b0: {  	[sflag:s17] =	ssyncadd.s32 $0xFFFFC000  }
0x2b1: {  	[tilespmem:s12], [sflag:$0x5] =	stream.indirect.gather [hbm4b:s4+s8], $0x20, s23, s8, $0xb8;
	[tilespmem:$0x1E400] =	vst v63  }
0x2b2: {  	_ =	swait.ge [sflag:s10], $0x4000  }
0x2b3: {  	[sflag:s10] =	ssyncset.done $0x0  }
0x2b4: {  	s23 =	rddreg [dreg:$0xf];
	[sflag:s10] =	ssyncadd.s32 $0xFFFFC000  }
0x2b5: {  	[hbm4b:s23+s2] =	stream.linear.scatter [tilespmem:s5], [sflag:$0x7], $0x4000, $0x38;
	[tilespmem:$0x1E400] =	vst v63  }
0x2b6: {  	_ =	swait.ge [sflag:s18], $0x4000  }
0x2b7: {  	s23 =	sld [smem:$0x7E3]  }
0x2b8: {  	[sflag:s18] =	ssyncset.done $0x0  }
0x2b9: {  	[sflag:s18] =	ssyncadd.s32 $0xFFFFC000  }
0x2ba: {  	[tilespmem:s11], [sflag:$0x6] =	stream.indirect.gather [hbm4b:s4+s8], $0x20, s23, s8, $0xb8;
	[tilespmem:$0x1E400] =	vst v63  }
0x2bb: {  	_ =	swait.ge [sflag:s9], $0x4000  }
0x2bc: {  	[sflag:s9] =	ssyncset.done $0x0  }
0x2bd: {  	s23 =	rddreg [dreg:$0x10];
	[sflag:s9] =	ssyncadd.s32 $0xFFFFC000  }
0x2be: {  	[hbm4b:s23+s2] =	stream.linear.scatter [tilespmem:s3], [sflag:$0x8], $0x4000, $0x38;
	[tilespmem:$0x1E400] =	vst v63  }
0x2bf: {  	_ =	swait.ge [sflag:s6], $0x4000  }
0x2c0: {  	s23 =	sld [smem:$0x7E4]  }
0x2c1: {  	[sflag:s6] =	ssyncset.done $0x0  }
0x2c2: {  	[sflag:s6] =	ssyncadd.s32 $0xFFFFC000  }
0x2c3: {  	[tilespmem:s5], [sflag:$0x1] =	stream.indirect.gather [hbm4b:s4+s8], $0x20, s23, s8, $0xb8;
	[tilespmem:$0x1E400] =	vst v63  }
0x2c4: {  	_ =	swait.ge [sflag:s22], $0x4000  }
0x2c5: {  	[sflag:s22] =	ssyncset.done $0x0  }
0x2c6: {  	s23 =	rddreg [dreg:$0x11];
	[sflag:s22] =	ssyncadd.s32 $0xFFFFC000  }
0x2c7: {  	[hbm4b:s23+s2] =	stream.linear.scatter [tilespmem:s15], [sflag:$0x9], $0x4000, $0x38;
	[tilespmem:$0x1E400] =	vst v63  }
0x2c8: {  	_ =	swait.ge [sflag:s7], $0x4000  }
0x2c9: {  	s23 =	sld [smem:$0x7E5]  }
0x2ca: {  	[sflag:s7] =	ssyncset.done $0x0  }
0x2cb: {  	[sflag:s7] =	ssyncadd.s32 $0xFFFFC000  }
0x2cc: {  	[tilespmem:s3], [sflag:$0x2] =	stream.indirect.gather [hbm4b:s4+s8], $0x20, s23, s8, $0xb8;
	[tilespmem:$0x1E400] =	vst v63  }
0x2cd: {  	_ =	swait.ge [sflag:s19], $0x4000  }
0x2ce: {  	[sflag:s19] =	ssyncset.done $0x0  }
0x2cf: {  	s23 =	rddreg [dreg:$0x12];
	[sflag:s19] =	ssyncadd.s32 $0xFFFFC000  }
0x2d0: {  	[hbm4b:s23+s2] =	stream.linear.scatter [tilespmem:s13], [sflag:$0xA], $0x4000, $0x38;
	[tilespmem:$0x1E400] =	vst v63  }
0x2d1: {  	_ =	swait.ge [sflag:s14], $0x4000  }
0x2d2: {  	s23 =	sld [smem:$0x7E6]  }
0x2d3: {  	[sflag:s14] =	ssyncset.done $0x0  }
0x2d4: {  	[sflag:s14] =	ssyncadd.s32 $0xFFFFC000  }
0x2d5: {  	[tilespmem:s15], [sflag:$0x3] =	stream.indirect.gather [hbm4b:s4+s8], $0x20, s23, s8, $0xb8;
	[tilespmem:$0x1E400] =	vst v63  }
0x2d6: {  	_ =	swait.ge [sflag:s20], $0x4000  }
0x2d7: {  	[sflag:s20] =	ssyncset.done $0x0  }
0x2d8: {  	s23 =	rddreg [dreg:$0x13];
	[sflag:s20] =	ssyncadd.s32 $0xFFFFC000  }
0x2d9: {  	[hbm4b:s23+s2] =	stream.linear.scatter [tilespmem:s12], [sflag:$0xB], $0x4000, $0x38;
	[tilespmem:$0x1E400] =	vst v63  }
0x2da: {  	_ =	swait.ge [sflag:s16], $0x4000  }
0x2db: {  	s23 =	sld [smem:$0x7E7]  }
0x2dc: {  	[sflag:s16] =	ssyncset.done $0x0  }
0x2dd: {  	[sflag:s16] =	ssyncadd.s32 $0xFFFFC000  }
0x2de: {  	[tilespmem:s13], [sflag:$0x4] =	stream.indirect.gather [hbm4b:s4+s8], $0x20, s23, s8, $0xb8;
	[tilespmem:$0x1E400] =	vst v63  }
0x2df: {  	_ =	swait.ge [sflag:s21], $0x4000  }
0x2e0: {  	[sflag:s21] =	ssyncset.done $0x0  }
0x2e1: {  	s23 =	rddreg [dreg:$0x14];
	[sflag:s21] =	ssyncadd.s32 $0xFFFFC000  }
0x2e2: {  	[hbm4b:s23+s2] =	stream.linear.scatter [tilespmem:s11], [sflag:$0xC], $0x4000, $0x38;
	[tilespmem:$0x1E400] =	vst v63  }
0x2e3: {  	_ =	swait.ge [sflag:s17], $0x4000  }
0x2e4: {  	s23 =	sld [smem:$0x7E8]  }
0x2e5: {  	[sflag:s17] =	ssyncset.done $0x0  }
0x2e6: {  	[sflag:s17] =	ssyncadd.s32 $0xFFFFC000  }
0x2e7: {  	[tilespmem:s12], [sflag:$0x5] =	stream.indirect.gather [hbm4b:s4+s8], $0x20, s23, s8, $0xb8;
	[tilespmem:$0x1E400] =	vst v63  }
0x2e8: {  	_ =	swait.ge [sflag:s10], $0x4000  }
0x2e9: {  	[sflag:s10] =	ssyncset.done $0x0  }
0x2ea: {  	s23 =	rddreg [dreg:$0x15];
	[sflag:s10] =	ssyncadd.s32 $0xFFFFC000  }
0x2eb: {  	[hbm4b:s23+s2] =	stream.linear.scatter [tilespmem:s5], [sflag:$0x7], $0x4000, $0x38;
	[tilespmem:$0x1E400] =	vst v63  }
0x2ec: {  	_ =	swait.ge [sflag:s18], $0x4000  }
0x2ed: {  	s23 =	sld [smem:$0x7E9]  }
0x2ee: {  	[sflag:s18] =	ssyncset.done $0x0  }
0x2ef: {  	[sflag:s18] =	ssyncadd.s32 $0xFFFFC000  }
0x2f0: {  	[tilespmem:s11], [sflag:$0x6] =	stream.indirect.gather [hbm4b:s4+s8], $0x20, s23, s8, $0xb8;
	[tilespmem:$0x1E400] =	vst v63  }
0x2f1: {  	_ =	swait.ge [sflag:s9], $0x4000  }
0x2f2: {  	[sflag:s9] =	ssyncset.done $0x0  }
0x2f3: {  	s23 =	rddreg [dreg:$0x16];
	[sflag:s9] =	ssyncadd.s32 $0xFFFFC000  }
0x2f4: {  	[hbm4b:s23+s2] =	stream.linear.scatter [tilespmem:s3], [sflag:$0x8], $0x4000, $0x38;
	[tilespmem:$0x1E400] =	vst v63  }
0x2f5: {  	_ =	swait.ge [sflag:s6], $0x4000  }
0x2f6: {  	s23 =	sld [smem:$0x7EA]  }
0x2f7: {  	[sflag:s6] =	ssyncset.done $0x0  }
0x2f8: {  	[sflag:s6] =	ssyncadd.s32 $0xFFFFC000  }
0x2f9: {  	[tilespmem:s5], [sflag:$0x1] =	stream.indirect.gather [hbm4b:s4+s8], $0x20, s23, s8, $0xb8;
	[tilespmem:$0x1E400] =	vst v63  }
0x2fa: {  	_ =	swait.ge [sflag:s22], $0x4000  }
0x2fb: {  	[sflag:s22] =	ssyncset.done $0x0  }
0x2fc: {  	s23 =	rddreg [dreg:$0x17];
	[sflag:s22] =	ssyncadd.s32 $0xFFFFC000  }
0x2fd: {  	[hbm4b:s23+s2] =	stream.linear.scatter [tilespmem:s15], [sflag:$0x9], $0x4000, $0x38;
	[tilespmem:$0x1E400] =	vst v63  }
0x2fe: {  	_ =	swait.ge [sflag:s7], $0x4000  }
0x2ff: {  	s23 =	sld [smem:$0x7EB]  }
0x300: {  	[sflag:s7] =	ssyncset.done $0x0  }
0x301: {  	[sflag:s7] =	ssyncadd.s32 $0xFFFFC000  }
0x302: {  	[tilespmem:s3], [sflag:$0x2] =	stream.indirect.gather [hbm4b:s4+s8], $0x20, s23, s8, $0xb8;
	[tilespmem:$0x1E400] =	vst v63  }
0x303: {  	_ =	swait.ge [sflag:s19], $0x4000  }
0x304: {  	[sflag:s19] =	ssyncset.done $0x0  }
0x305: {  	s23 =	rddreg [dreg:$0x18];
	[sflag:s19] =	ssyncadd.s32 $0xFFFFC000  }
0x306: {  	[hbm4b:s23+s2] =	stream.linear.scatter [tilespmem:s13], [sflag:$0xA], $0x4000, $0x38;
	[tilespmem:$0x1E400] =	vst v63  }
0x307: {  	_ =	swait.ge [sflag:s14], $0x4000  }
0x308: {  	s23 =	sld [smem:$0x7EC]  }
0x309: {  	[sflag:s14] =	ssyncset.done $0x0  }
0x30a: {  	[sflag:s14] =	ssyncadd.s32 $0xFFFFC000  }
0x30b: {  	[tilespmem:s15], [sflag:$0x3] =	stream.indirect.gather [hbm4b:s4+s8], $0x20, s23, s8, $0xb8;
	[tilespmem:$0x1E400] =	vst v63  }
0x30c: {  	_ =	swait.ge [sflag:s20], $0x4000  }
0x30d: {  	[sflag:s20] =	ssyncset.done $0x0  }
0x30e: {  	s23 =	rddreg [dreg:$0x19];
	[sflag:s20] =	ssyncadd.s32 $0xFFFFC000  }
0x30f: {  	[hbm4b:s23+s2] =	stream.linear.scatter [tilespmem:s12], [sflag:$0xB], $0x4000, $0x38;
	[tilespmem:$0x1E400] =	vst v63  }
0x310: {  	_ =	swait.ge [sflag:s16], $0x4000  }
0x311: {  	s23 =	sld [smem:$0x7ED]  }
0x312: {  	[sflag:s16] =	ssyncset.done $0x0  }
0x313: {  	[sflag:s16] =	ssyncadd.s32 $0xFFFFC000  }
0x314: {  	[tilespmem:s13], [sflag:$0x4] =	stream.indirect.gather [hbm4b:s4+s8], $0x20, s23, s8, $0xb8;
	[tilespmem:$0x1E400] =	vst v63  }
0x315: {  	_ =	swait.ge [sflag:s21], $0x4000  }
0x316: {  	[sflag:s21] =	ssyncset.done $0x0  }
0x317: {  	s23 =	rddreg [dreg:$0x1a];
	[sflag:s21] =	ssyncadd.s32 $0xFFFFC000  }
0x318: {  	[hbm4b:s23+s2] =	stream.linear.scatter [tilespmem:s11], [sflag:$0xC], $0x4000, $0x38;
	[tilespmem:$0x1E400] =	vst v63  }
0x319: {  	_ =	swait.ge [sflag:s17], $0x4000  }
0x31a: {  	s23 =	sld [smem:$0x7EE]  }
0x31b: {  	[sflag:s17] =	ssyncset.done $0x0  }
0x31c: {  	[sflag:s17] =	ssyncadd.s32 $0xFFFFC000  }
0x31d: {  	[tilespmem:s12], [sflag:$0x5] =	stream.indirect.gather [hbm4b:s4+s8], $0x20, s23, s8, $0xb8;
	[tilespmem:$0x1E400] =	vst v63  }
0x31e: {  	_ =	swait.ge [sflag:s10], $0x4000  }
0x31f: {  	[sflag:s10] =	ssyncset.done $0x0  }
0x320: {  	s23 =	rddreg [dreg:$0x1b];
	[sflag:s10] =	ssyncadd.s32 $0xFFFFC000  }
0x321: {  	[hbm4b:s23+s2] =	stream.linear.scatter [tilespmem:s5], [sflag:$0x7], $0x4000, $0x38;
	[tilespmem:$0x1E400] =	vst v63  }
0x322: {  	_ =	swait.ge [sflag:s18], $0x4000  }
0x323: {  	s23 =	sld [smem:$0x7EF]  }
0x324: {  	[sflag:s18] =	ssyncset.done $0x0  }
0x325: {  	[sflag:s18] =	ssyncadd.s32 $0xFFFFC000  }
0x326: {  	[tilespmem:s11], [sflag:$0x6] =	stream.indirect.gather [hbm4b:s4+s8], $0x20, s23, s8, $0xb8;
	[tilespmem:$0x1E400] =	vst v63  }
0x327: {  	_ =	swait.ge [sflag:s9], $0x4000  }
0x328: {  	[sflag:s9] =	ssyncset.done $0x0  }
0x329: {  	s23 =	rddreg [dreg:$0x1c];
	[sflag:s9] =	ssyncadd.s32 $0xFFFFC000  }
0x32a: {  	[hbm4b:s23+s2] =	stream.linear.scatter [tilespmem:s3], [sflag:$0x8], $0x4000, $0x38;
	[tilespmem:$0x1E400] =	vst v63  }
0x32b: {  	_ =	swait.ge [sflag:s6], $0x4000  }
0x32c: {  	s23 =	sld [smem:$0x7F0]  }
0x32d: {  	[sflag:s6] =	ssyncset.done $0x0  }
0x32e: {  	[sflag:s6] =	ssyncadd.s32 $0xFFFFC000  }
0x32f: {  	[tilespmem:s5], [sflag:$0x1] =	stream.indirect.gather [hbm4b:s4+s8], $0x20, s23, s8, $0xb8;
	[tilespmem:$0x1E400] =	vst v63  }
0x330: {  	_ =	swait.ge [sflag:s22], $0x4000  }
0x331: {  	[sflag:s22] =	ssyncset.done $0x0  }
0x332: {  	s23 =	rddreg [dreg:$0x1d];
	[sflag:s22] =	ssyncadd.s32 $0xFFFFC000  }
0x333: {  	[hbm4b:s23+s2] =	stream.linear.scatter [tilespmem:s15], [sflag:$0x9], $0x4000, $0x38;
	[tilespmem:$0x1E400] =	vst v63  }
0x334: {  	_ =	swait.ge [sflag:s7], $0x4000  }
0x335: {  	s23 =	sld [smem:$0x7F1]  }
0x336: {  	[sflag:s7] =	ssyncset.done $0x0  }
0x337: {  	[sflag:s7] =	ssyncadd.s32 $0xFFFFC000  }
0x338: {  	[tilespmem:s3], [sflag:$0x2] =	stream.indirect.gather [hbm4b:s4+s8], $0x20, s23, s8, $0xb8;
	[tilespmem:$0x1E400] =	vst v63  }
0x339: {  	_ =	swait.ge [sflag:s19], $0x4000  }
0x33a: {  	[sflag:s19] =	ssyncset.done $0x0  }
0x33b: {  	s23 =	rddreg [dreg:$0x1e];
	[sflag:s19] =	ssyncadd.s32 $0xFFFFC000  }
0x33c: {  	[hbm4b:s23+s2] =	stream.linear.scatter [tilespmem:s13], [sflag:$0xA], $0x4000, $0x38;
	[tilespmem:$0x1E400] =	vst v63  }
0x33d: {  	_ =	swait.ge [sflag:s14], $0x4000  }
0x33e: {  	s23 =	sld [smem:$0x7F2]  }
0x33f: {  	[sflag:s14] =	ssyncset.done $0x0  }
0x340: {  	[sflag:s14] =	ssyncadd.s32 $0xFFFFC000  }
0x341: {  	[tilespmem:s15], [sflag:$0x3] =	stream.indirect.gather [hbm4b:s4+s8], $0x20, s23, s8, $0xb8;
	[tilespmem:$0x1E400] =	vst v63  }
0x342: {  	_ =	swait.ge [sflag:s20], $0x4000  }
0x343: {  	[sflag:s20] =	ssyncset.done $0x0  }
0x344: {  	s23 =	rddreg [dreg:$0x1f];
	[sflag:s20] =	ssyncadd.s32 $0xFFFFC000  }
0x345: {  	[hbm4b:s23+s2] =	stream.linear.scatter [tilespmem:s12], [sflag:$0xB], $0x4000, $0x38;
	[tilespmem:$0x1E400] =	vst v63  }
0x346: {  	_ =	swait.ge [sflag:s16], $0x4000  }
0x347: {  	s23 =	sld [smem:$0x7F3]  }
0x348: {  	[sflag:s16] =	ssyncset.done $0x0  }
0x349: {  	[sflag:s16] =	ssyncadd.s32 $0xFFFFC000  }
0x34a: {  	[tilespmem:s13], [sflag:$0x4] =	stream.indirect.gather [hbm4b:s4+s8], $0x20, s23, s8, $0xb8;
	[tilespmem:$0x1E400] =	vst v63  }
0x34b: {  	_ =	swait.ge [sflag:s21], $0x4000  }
0x34c: {  	s23 =	sld [smem:$0x7BF]  }
0x34d: {  	[sflag:s21] =	ssyncset.done $0x0  }
0x34e: {  	[sflag:s21] =	ssyncadd.s32 $0xFFFFC000  }
0x34f: {  	[hbm4b:s23+s2] =	stream.linear.scatter [tilespmem:s11], [sflag:$0xC], $0x4000, $0x38;
	[tilespmem:$0x1E400] =	vst v63  }
0x350: {  	_ =	swait.ge [sflag:s17], $0x4000  }
0x351: {  	s23 =	sld [smem:$0x7F4]  }
0x352: {  	[sflag:s17] =	ssyncset.done $0x0  }
0x353: {  	[sflag:s17] =	ssyncadd.s32 $0xFFFFC000  }
0x354: {  	[tilespmem:s12], [sflag:$0x5] =	stream.indirect.gather [hbm4b:s4+s8], $0x20, s23, s8, $0xb8;
	[tilespmem:$0x1E400] =	vst v63  }
0x355: {  	_ =	swait.ge [sflag:s10], $0x4000  }
0x356: {  	s23 =	sld [smem:$0x7C0]  }
0x357: {  	[sflag:s10] =	ssyncset.done $0x0  }
0x358: {  	[sflag:s10] =	ssyncadd.s32 $0xFFFFC000  }
0x359: {  	[hbm4b:s23+s2] =	stream.linear.scatter [tilespmem:s5], [sflag:$0x7], $0x4000, $0x38;
	[tilespmem:$0x1E400] =	vst v63  }
0x35a: {  	_ =	swait.ge [sflag:s18], $0x4000  }
0x35b: {  	s23 =	sld [smem:$0x7F5]  }
0x35c: {  	[sflag:s18] =	ssyncset.done $0x0  }
0x35d: {  	[sflag:s18] =	ssyncadd.s32 $0xFFFFC000  }
0x35e: {  	[tilespmem:s11], [sflag:$0x6] =	stream.indirect.gather [hbm4b:s4+s8], $0x20, s23, s8, $0xb8;
	[tilespmem:$0x1E400] =	vst v63  }
0x35f: {  	_ =	swait.ge [sflag:s9], $0x4000  }
0x360: {  	s23 =	sld [smem:$0x7C1]  }
0x361: {  	[sflag:s9] =	ssyncset.done $0x0  }
0x362: {  	[sflag:s9] =	ssyncadd.s32 $0xFFFFC000  }
0x363: {  	[hbm4b:s23+s2] =	stream.linear.scatter [tilespmem:s3], [sflag:$0x8], $0x4000, $0x38;
	[tilespmem:$0x1E400] =	vst v63  }
0x364: {  	_ =	swait.ge [sflag:s6], $0x4000  }
0x365: {  	s23 =	sld [smem:$0x7F6]  }
0x366: {  	[sflag:s6] =	ssyncset.done $0x0  }
0x367: {  	[sflag:s6] =	ssyncadd.s32 $0xFFFFC000  }
0x368: {  	[tilespmem:s5], [sflag:$0x1] =	stream.indirect.gather [hbm4b:s4+s8], $0x20, s23, s8, $0xb8;
	[tilespmem:$0x1E400] =	vst v63  }
0x369: {  	_ =	swait.ge [sflag:s22], $0x4000  }
0x36a: {  	s23 =	sld [smem:$0x7C2]  }
0x36b: {  	[sflag:s22] =	ssyncset.done $0x0  }
0x36c: {  	[sflag:s22] =	ssyncadd.s32 $0xFFFFC000  }
0x36d: {  	[hbm4b:s23+s2] =	stream.linear.scatter [tilespmem:s15], [sflag:$0x9], $0x4000, $0x38;
	[tilespmem:$0x1E400] =	vst v63  }
0x36e: {  	_ =	swait.ge [sflag:s7], $0x4000  }
0x36f: {  	s23 =	sld [smem:$0x7F7]  }
0x370: {  	[sflag:s7] =	ssyncset.done $0x0  }
0x371: {  	[sflag:s7] =	ssyncadd.s32 $0xFFFFC000  }
0x372: {  	[tilespmem:s3], [sflag:$0x2] =	stream.indirect.gather [hbm4b:s4+s8], $0x20, s23, s8, $0xb8;
	[tilespmem:$0x1E400] =	vst v63  }
0x373: {  	_ =	swait.ge [sflag:s19], $0x4000  }
0x374: {  	s23 =	sld [smem:$0x7C3]  }
0x375: {  	[sflag:s19] =	ssyncset.done $0x0  }
0x376: {  	[sflag:s19] =	ssyncadd.s32 $0xFFFFC000  }
0x377: {  	[hbm4b:s23+s2] =	stream.linear.scatter [tilespmem:s13], [sflag:$0xA], $0x4000, $0x38;
	[tilespmem:$0x1E400] =	vst v63  }
0x378: {  	_ =	swait.ge [sflag:s14], $0x4000  }
0x379: {  	s23 =	sld [smem:$0x7F8]  }
0x37a: {  	[sflag:s14] =	ssyncset.done $0x0  }
0x37b: {  	[sflag:s14] =	ssyncadd.s32 $0xFFFFC000  }
0x37c: {  	[tilespmem:s15], [sflag:$0x3] =	stream.indirect.gather [hbm4b:s4+s8], $0x20, s23, s8, $0xb8;
	[tilespmem:$0x1E400] =	vst v63  }
0x37d: {  	_ =	swait.ge [sflag:s20], $0x4000  }
0x37e: {  	s23 =	sld [smem:$0x7C4]  }
0x37f: {  	[sflag:s20] =	ssyncset.done $0x0  }
0x380: {  	[sflag:s20] =	ssyncadd.s32 $0xFFFFC000  }
0x381: {  	[hbm4b:s23+s2] =	stream.linear.scatter [tilespmem:s12], [sflag:$0xB], $0x4000, $0x38;
	[tilespmem:$0x1E400] =	vst v63  }
0x382: {  	_ =	swait.ge [sflag:s16], $0x4000  }
0x383: {  	s23 =	sld [smem:$0x7F9]  }
0x384: {  	[sflag:s16] =	ssyncset.done $0x0  }
0x385: {  	[sflag:s16] =	ssyncadd.s32 $0xFFFFC000  }
0x386: {  	[tilespmem:s13], [sflag:$0x4] =	stream.indirect.gather [hbm4b:s4+s8], $0x20, s23, s8, $0xb8;
	[tilespmem:$0x1E400] =	vst v63  }
0x387: {  	_ =	swait.ge [sflag:s21], $0x4000  }
0x388: {  	s23 =	sld [smem:$0x7C5]  }
0x389: {  	[sflag:s21] =	ssyncset.done $0x0  }
0x38a: {  	[sflag:s21] =	ssyncadd.s32 $0xFFFFC000  }
0x38b: {  	[hbm4b:s23+s2] =	stream.linear.scatter [tilespmem:s11], [sflag:$0xC], $0x4000, $0x38;
	[tilespmem:$0x1E400] =	vst v63  }
0x38c: {  	_ =	swait.ge [sflag:s17], $0x4000  }
0x38d: {  	s23 =	sld [smem:$0x7FA]  }
0x38e: {  	[sflag:s17] =	ssyncset.done $0x0  }
0x38f: {  	[sflag:s17] =	ssyncadd.s32 $0xFFFFC000  }
0x390: {  	[tilespmem:s12], [sflag:$0x5] =	stream.indirect.gather [hbm4b:s4+s8], $0x20, s23, s8, $0xb8;
	[tilespmem:$0x1E400] =	vst v63  }
0x391: {  	_ =	swait.ge [sflag:s10], $0x4000  }
0x392: {  	s23 =	sld [smem:$0x7C6]  }
0x393: {  	[sflag:s10] =	ssyncset.done $0x0  }
0x394: {  	[sflag:s10] =	ssyncadd.s32 $0xFFFFC000  }
0x395: {  	[hbm4b:s23+s2] =	stream.linear.scatter [tilespmem:s5], [sflag:$0x7], $0x4000, $0x38;
	[tilespmem:$0x1E400] =	vst v63  }
0x396: {  	_ =	swait.ge [sflag:s18], $0x4000  }
0x397: {  	s23 =	sld [smem:$0x7FB]  }
0x398: {  	[sflag:s18] =	ssyncset.done $0x0  }
0x399: {  	[sflag:s18] =	ssyncadd.s32 $0xFFFFC000  }
0x39a: {  	[tilespmem:s11], [sflag:$0x6] =	stream.indirect.gather [hbm4b:s4+s8], $0x20, s23, s8, $0xb8;
	[tilespmem:$0x1E400] =	vst v63  }
0x39b: {  	_ =	swait.ge [sflag:s9], $0x4000  }
0x39c: {  	s23 =	sld [smem:$0x7C7]  }
0x39d: {  	[sflag:s9] =	ssyncset.done $0x0  }
0x39e: {  	[sflag:s9] =	ssyncadd.s32 $0xFFFFC000  }
0x39f: {  	[hbm4b:s23+s2] =	stream.linear.scatter [tilespmem:s3], [sflag:$0x8], $0x4000, $0x38;
	[tilespmem:$0x1E400] =	vst v63  }
0x3a0: {  	_ =	swait.ge [sflag:s6], $0x4000  }
0x3a1: {  	s23 =	sld [smem:$0x7FC]  }
0x3a2: {  	[sflag:s6] =	ssyncset.done $0x0  }
0x3a3: {  	[sflag:s6] =	ssyncadd.s32 $0xFFFFC000  }
0x3a4: {  	[tilespmem:s5], [sflag:$0x1] =	stream.indirect.gather [hbm4b:s4+s8], $0x20, s23, s8, $0xb8;
	[tilespmem:$0x1E400] =	vst v63  }
0x3a5: {  	_ =	swait.ge [sflag:s22], $0x4000  }
0x3a6: {  	s23 =	sld [smem:$0x7C8]  }
0x3a7: {  	[sflag:s22] =	ssyncset.done $0x0  }
0x3a8: {  	[sflag:s22] =	ssyncadd.s32 $0xFFFFC000  }
0x3a9: {  	[hbm4b:s23+s2] =	stream.linear.scatter [tilespmem:s15], [sflag:$0x9], $0x4000, $0x38;
	[tilespmem:$0x1E400] =	vst v63  }
0x3aa: {  	_ =	swait.ge [sflag:s7], $0x4000  }
0x3ab: {  	s23 =	sld [smem:$0x7FD]  }
0x3ac: {  	[sflag:s7] =	ssyncset.done $0x0  }
0x3ad: {  	[sflag:s7] =	ssyncadd.s32 $0xFFFFC000  }
0x3ae: {  	[tilespmem:s3], [sflag:$0x2] =	stream.indirect.gather [hbm4b:s4+s8], $0x20, s23, s8, $0xb8;
	[tilespmem:$0x1E400] =	vst v63  }
0x3af: {  	_ =	swait.ge [sflag:s19], $0x4000  }
0x3b0: {  	s23 =	sld [smem:$0x7C9]  }
0x3b1: {  	[sflag:s19] =	ssyncset.done $0x0  }
0x3b2: {  	[sflag:s19] =	ssyncadd.s32 $0xFFFFC000  }
0x3b3: {  	[hbm4b:s23+s2] =	stream.linear.scatter [tilespmem:s13], [sflag:$0xA], $0x4000, $0x38;
	[tilespmem:$0x1E400] =	vst v63  }
0x3b4: {  	_ =	swait.ge [sflag:s14], $0x4000  }
0x3b5: {  	[sflag:s14] =	ssyncset.done $0x0  }
0x3b6: {  	s23 =	simm.s32 $0x5800;
	[sflag:s14] =	ssyncadd.s32 $0xFFFFC000  }
0x3b7: {  	[tilespmem:s15], [sflag:$0x3] =	stream.indirect.gather [hbm4b:s4+s8], $0x20, s23, s8, $0xb8;
	[tilespmem:$0x1E400] =	vst v63  }
0x3b8: {  	_ =	swait.ge [sflag:s20], $0x4000  }
0x3b9: {  	s23 =	sld [smem:$0x7CA]  }
0x3ba: {  	[sflag:s20] =	ssyncset.done $0x0  }
0x3bb: {  	[sflag:s20] =	ssyncadd.s32 $0xFFFFC000  }
0x3bc: {  	[hbm4b:s23+s2] =	stream.linear.scatter [tilespmem:s12], [sflag:$0xB], $0x4000, $0x38;
	[tilespmem:$0x1E400] =	vst v63  }
0x3bd: {  	_ =	swait.ge [sflag:s16], $0x4000  }
0x3be: {  	[sflag:s16] =	ssyncset.done $0x0  }
0x3bf: {  	[sflag:s16] =	ssyncadd.s32 $0xFFFFC000  }
0x3c0: {  	[tilespmem:s13], [sflag:$0x4] =	stream.indirect.gather [hbm4b:s4+s8], $0x20, s29, s8, $0xb8;
	[tilespmem:$0x1E400] =	vst v63  }
0x3c1: {  	_ =	swait.ge [sflag:s21], $0x4000  }
0x3c2: {  	s23 =	sld [smem:$0x7CB]  }
0x3c3: {  	[sflag:s21] =	ssyncset.done $0x0  }
0x3c4: {  	[sflag:s21] =	ssyncadd.s32 $0xFFFFC000  }
0x3c5: {  	[hbm4b:s23+s2] =	stream.linear.scatter [tilespmem:s11], [sflag:$0xC], $0x4000, $0x38;
	[tilespmem:$0x1E400] =	vst v63  }
0x3c6: {  	_ =	swait.ge [sflag:s17], $0x4000  }
0x3c7: {  	[sflag:s17] =	ssyncset.done $0x0  }
0x3c8: {  	[sflag:s17] =	ssyncadd.s32 $0xFFFFC000  }
0x3c9: {  	[tilespmem:s12], [sflag:$0x5] =	stream.indirect.gather [hbm4b:s4+s8], $0x20, s28, s8, $0xb8;
	[tilespmem:$0x1E400] =	vst v63  }
0x3ca: {  	_ =	swait.ge [sflag:s10], $0x4000  }
0x3cb: {  	s23 =	sld [smem:$0x7CC]  }
0x3cc: {  	[sflag:s10] =	ssyncset.done $0x0  }
0x3cd: {  	[sflag:s10] =	ssyncadd.s32 $0xFFFFC000  }
0x3ce: {  	[hbm4b:s23+s2] =	stream.linear.scatter [tilespmem:s5], [sflag:$0x7], $0x4000, $0x38;
	[tilespmem:$0x1E400] =	vst v63  }
0x3cf: {  	_ =	swait.ge [sflag:s18], $0x4000  }
0x3d0: {  	[sflag:s18] =	ssyncset.done $0x0  }
0x3d1: {  	[sflag:s18] =	ssyncadd.s32 $0xFFFFC000  }
0x3d2: {  	[tilespmem:s11], [sflag:$0x6] =	stream.indirect.gather [hbm4b:s4+s8], $0x20, s26, s8, $0xb8;
	[tilespmem:$0x1E400] =	vst v63  }
0x3d3: {  	_ =	swait.ge [sflag:s9], $0x4000  }
0x3d4: {  	s23 =	sld [smem:$0x7CD]  }
0x3d5: {  	[sflag:s9] =	ssyncset.done $0x0  }
0x3d6: {  	[sflag:s9] =	ssyncadd.s32 $0xFFFFC000  }
0x3d7: {  	[hbm4b:s23+s2] =	stream.linear.scatter [tilespmem:s3], [sflag:$0x8], $0x4000, $0x38;
	[tilespmem:$0x1E400] =	vst v63  }
0x3d8: {  	_ =	swait.ge [sflag:s6], $0x4000  }
0x3d9: {  	[sflag:s6] =	ssyncset.done $0x0  }
0x3da: {  	[sflag:s6] =	ssyncadd.s32 $0xFFFFC000  }
0x3db: {  	[tilespmem:s5], [sflag:$0x1] =	stream.indirect.gather [hbm4b:s4+s8], $0x20, s25, s8, $0xb8;
	[tilespmem:$0x1E400] =	vst v63  }
0x3dc: {  	_ =	swait.ge [sflag:s22], $0x4000  }
0x3dd: {  	s23 =	sld [smem:$0x7CE]  }
0x3de: {  	[sflag:s22] =	ssyncset.done $0x0  }
0x3df: {  	[sflag:s22] =	ssyncadd.s32 $0xFFFFC000  }
0x3e0: {  	[hbm4b:s23+s2] =	stream.linear.scatter [tilespmem:s15], [sflag:$0x9], $0x4000, $0x38;
	[tilespmem:$0x1E400] =	vst v63  }
0x3e1: {  	_ =	swait.ge [sflag:s7], $0x4000  }
0x3e2: {  	[sflag:s7] =	ssyncset.done $0x0  }
0x3e3: {  	[sflag:s7] =	ssyncadd.s32 $0xFFFFC000  }
0x3e4: {  	[tilespmem:s3], [sflag:$0x2] =	stream.indirect.gather [hbm4b:s4+s8], $0x20, s24, s8, $0xb8;
	[tilespmem:$0x1E400] =	vst v63  }
0x3e5: {  	_ =	swait.ge [sflag:s19], $0x4000  }
0x3e6: {  	s23 =	sld [smem:$0x7CF]  }
0x3e7: {  	[sflag:s19] =	ssyncset.done $0x0  }
0x3e8: {  	[sflag:s19] =	ssyncadd.s32 $0xFFFFC000  }
0x3e9: {  	[hbm4b:s23+s2] =	stream.linear.scatter [tilespmem:s13], [sflag:$0xA], $0x4000, $0x38;
	[tilespmem:$0x1E400] =	vst v63  }
0x3ea: {  	_ =	swait.ge [sflag:s20], $0x4000  }
0x3eb: {  	s23 =	sld [smem:$0x7D0]  }
0x3ec: {  	[sflag:s20] =	ssyncset.done $0x0  }
0x3ed: {  	[sflag:s20] =	ssyncadd.s32 $0xFFFFC000  }
0x3ee: {  	[hbm4b:s23+s2] =	stream.linear.scatter [tilespmem:s12], [sflag:$0xB], $0x4000, $0x38;
	[tilespmem:$0x1E400] =	vst v63  }
0x3ef: {  	_ =	swait.ge [sflag:s21], $0x4000  }
0x3f0: {  	s23 =	sld [smem:$0x7D1]  }
0x3f1: {  	[sflag:s21] =	ssyncset.done $0x0  }
0x3f2: {  	[sflag:s21] =	ssyncadd.s32 $0xFFFFC000  }
0x3f3: {  	[hbm4b:s23+s2] =	stream.linear.scatter [tilespmem:s11], [sflag:$0xC], $0x4000, $0x38;
	[tilespmem:$0x1E400] =	vst v63  }
0x3f4: {  	_ =	swait.ge [sflag:s10], $0x4000  }
0x3f5: {  	s23 =	sld [smem:$0x7D2]  }
0x3f6: {  	[sflag:s10] =	ssyncset.done $0x0  }
0x3f7: {  	[sflag:s10] =	ssyncadd.s32 $0xFFFFC000  }
0x3f8: {  	[hbm4b:s23+s2] =	stream.linear.scatter [tilespmem:s5], [sflag:$0x7], $0x4000, $0x38;
	[tilespmem:$0x1E400] =	vst v63  }
0x3f9: {  	_ =	swait.ge [sflag:s9], $0x4000  }
0x3fa: {  	s23 =	sld [smem:$0x7D3]  }
0x3fb: {  	[sflag:s9] =	ssyncset.done $0x0  }
0x3fc: {  	[sflag:s9] =	ssyncadd.s32 $0xFFFFC000  }
0x3fd: {  	[hbm4b:s23+s2] =	stream.linear.scatter [tilespmem:s3], [sflag:$0x8], $0x4000, $0x38;
	[tilespmem:$0x1E400] =	vst v63  }
0x3fe: {  	_ =	swait.ge [sflag:s14], $0x4000  }
0x3ff: {  	[sflag:s14] =	ssyncset.done $0x0  }
0x400: {  	[sflag:s14] =	ssyncadd.s32 $0xFFFFC000  }
0x401: {  	_ =	swait.ge [sflag:s16], $0x4000  }
0x402: {  	[sflag:s16] =	ssyncset.done $0x0  }
0x403: {  	[sflag:s16] =	ssyncadd.s32 $0xFFFFC000  }
0x404: {  	_ =	swait.ge [sflag:s17], $0x4000  }
0x405: {  	[sflag:s17] =	ssyncset.done $0x0  }
0x406: {  	[sflag:s17] =	ssyncadd.s32 $0xFFFFC000  }
0x407: {  	_ =	swait.ge [sflag:s18], $0x4000  }
0x408: {  	[sflag:s18] =	ssyncset.done $0x0  }
0x409: {  	p1 =	sne.s32 s1, $0x1;
	[sflag:s18] =	ssyncadd.s32 $0xFFFFC000  }
.Ltmp2:
0x40a: {  	_ =	swait.ge [sflag:s6], $0x4000;
	(pc) =	sbr.rel @p1 .LBB2_4-.Ltmp2, $4  }
0x40b: {  	[sflag:s6] =	ssyncset.done $0x0  }
0x40c: {  	[sflag:s6] =	ssyncadd.s32 $0xFFFFC000  }
0x40d: {  	_ =	swait.ge [sflag:s7], $0x4000  }
0x40e: {  	s1 =	sadd.s32 $0xFFFFFFFF, s1;
	s0 =	rddreg [dreg:$0x3];
	[sflag:s7] =	ssyncset.done $0x0  }
0x40f: {  	s24 =	simm.s32 $0x5800;
	s29 =	simm.s32 $0x5A00;
	s28 =	simm.s32 $0x5C00  }
0x410: {  	s26 =	simm.s32 $0x5E00;
	s25 =	simm.s32 $0x6000;
	s23 =	stileid.u32  }
.LBB2_6:
0x411: {  	[sflag:s7] =	ssyncadd.s32 @p0 $0xFFFFC000  }
0x412: {  	[tilespmem:s2], [sflag:$0xD] =	stream.linear.gather [hbm4b:s0+s2], $0x6400, $0x38;
	[tilespmem:$0x1E400] =	vst v63  }
0x413: {  	_ =	swait.ge [sflag:s31], $0x6400  }
0x414: {  	[sflag:s31] =	ssyncset.done $0x0  }
0x415: {  	[sflag:s31] =	ssyncadd.s32 $0xFFFF9C00  }
0x416: {  	[tilespmem:s5], [sflag:$0x1] =	stream.indirect.gather [hbm4b:s4+s8], $0x20, s2, s8, $0xb8;
	[tilespmem:$0x1E400] =	vst v63  }
0x417: {  	s31 =	sld [smem:$0x7D4]  }
0x418: {  	[tilespmem:s3], [sflag:$0x2] =	stream.indirect.gather [hbm4b:s4+s8], $0x20, s8, s8, $0xb8;
	[tilespmem:$0x1E400] =	vst v63  }
0x419: {  	s1 =	sld [smem:$0x7D5]  }
0x41a: {  	[tilespmem:s15], [sflag:$0x3] =	stream.indirect.gather [hbm4b:s4+s8], $0x20, s31, s8, $0xb8;
	[tilespmem:$0x1E400] =	vst v63  }
0x41b: {  	s0 =	sld [smem:$0x7D6]  }
0x41c: {  	[tilespmem:s13], [sflag:$0x4] =	stream.indirect.gather [hbm4b:s4+s8], $0x20, s1, s8, $0xb8;
	[tilespmem:$0x1E400] =	vst v63  }
0x41d: {  	s31 =	sld [smem:$0x7D7]  }
0x41e: {  	[tilespmem:s12], [sflag:$0x5] =	stream.indirect.gather [hbm4b:s4+s8], $0x20, s0, s8, $0xb8;
	[tilespmem:$0x1E400] =	vst v63  }
0x41f: {  	_ = 	snop  }
0x420: {  	[tilespmem:s11], [sflag:$0x6] =	stream.indirect.gather [hbm4b:s4+s8], $0x20, s31, s8, $0xb8;
	[tilespmem:$0x1E400] =	vst v63  }
0x421: {  	_ =	swait.ge [sflag:s10], $0x4000  }
0x422: {  	[sflag:s10] =	ssyncset.done $0x0  }
0x423: {  	[sflag:s10] =	ssyncadd.s32 $0xFFFFC000  }
0x424: {  	[hbm4b:s30+s2] =	stream.linear.scatter [tilespmem:s5], [sflag:$0x7], $0x4000, $0x38;
	[tilespmem:$0x1E400] =	vst v63  }
0x425: {  	_ =	swait.ge [sflag:s9], $0x4000  }
0x426: {  	[sflag:s9] =	ssyncset.done $0x0  }
0x427: {  	s31 =	rddreg [dreg:$0x4];
	[sflag:s9] =	ssyncadd.s32 $0xFFFFC000  }
0x428: {  	[hbm4b:s31+s2] =	stream.linear.scatter [tilespmem:s3], [sflag:$0x8], $0x4000, $0x38;
	[tilespmem:$0x1E400] =	vst v63  }
0x429: {  	_ =	swait.ge [sflag:s6], $0x4000  }
0x42a: {  	s1 =	sld [smem:$0x7D8]  }
0x42b: {  	[sflag:s6] =	ssyncset.done $0x0  }
0x42c: {  	[sflag:s6] =	ssyncadd.s32 $0xFFFFC000  }
0x42d: {  	[tilespmem:s5], [sflag:$0x1] =	stream.indirect.gather [hbm4b:s4+s8], $0x20, s1, s8, $0xb8;
	[tilespmem:$0x1E400] =	vst v63  }
0x42e: {  	_ =	swait.ge [sflag:s22], $0x4000  }
0x42f: {  	[sflag:s22] =	ssyncset.done $0x0  }
0x430: {  	s30 =	rddreg [dreg:$0x5];
	[sflag:s22] =	ssyncadd.s32 $0xFFFFC000  }
0x431: {  	[hbm4b:s30+s2] =	stream.linear.scatter [tilespmem:s15], [sflag:$0x9], $0x4000, $0x38;
	[tilespmem:$0x1E400] =	vst v63  }
0x432: {  	_ =	swait.ge [sflag:s7], $0x4000  }
0x433: {  	s31 =	sld [smem:$0x7D9]  }
0x434: {  	[sflag:s7] =	ssyncset.done $0x0  }
0x435: {  	[sflag:s7] =	ssyncadd.s32 $0xFFFFC000  }
0x436: {  	[tilespmem:s3], [sflag:$0x2] =	stream.indirect.gather [hbm4b:s4+s8], $0x20, s31, s8, $0xb8;
	[tilespmem:$0x1E400] =	vst v63  }
0x437: {  	_ =	swait.ge [sflag:s19], $0x4000  }
0x438: {  	[sflag:s19] =	ssyncset.done $0x0  }
0x439: {  	s1 =	rddreg [dreg:$0x6];
	[sflag:s19] =	ssyncadd.s32 $0xFFFFC000  }
0x43a: {  	[hbm4b:s1+s2] =	stream.linear.scatter [tilespmem:s13], [sflag:$0xA], $0x4000, $0x38;
	[tilespmem:$0x1E400] =	vst v63  }
0x43b: {  	_ =	swait.ge [sflag:s14], $0x4000  }
0x43c: {  	s30 =	sld [smem:$0x7DA]  }
0x43d: {  	[sflag:s14] =	ssyncset.done $0x0  }
0x43e: {  	[sflag:s14] =	ssyncadd.s32 $0xFFFFC000  }
0x43f: {  	[tilespmem:s15], [sflag:$0x3] =	stream.indirect.gather [hbm4b:s4+s8], $0x20, s30, s8, $0xb8;
	[tilespmem:$0x1E400] =	vst v63  }
0x440: {  	_ =	swait.ge [sflag:s20], $0x4000  }
0x441: {  	[sflag:s20] =	ssyncset.done $0x0  }
0x442: {  	s31 =	rddreg [dreg:$0x7];
	[sflag:s20] =	ssyncadd.s32 $0xFFFFC000  }
0x443: {  	[hbm4b:s31+s2] =	stream.linear.scatter [tilespmem:s12], [sflag:$0xB], $0x4000, $0x38;
	[tilespmem:$0x1E400] =	vst v63  }
0x444: {  	_ =	swait.ge [sflag:s16], $0x4000  }
0x445: {  	s1 =	sld [smem:$0x7DB]  }
0x446: {  	[sflag:s16] =	ssyncset.done $0x0  }
0x447: {  	[sflag:s16] =	ssyncadd.s32 $0xFFFFC000  }
0x448: {  	[tilespmem:s13], [sflag:$0x4] =	stream.indirect.gather [hbm4b:s4+s8], $0x20, s1, s8, $0xb8;
	[tilespmem:$0x1E400] =	vst v63  }
0x449: {  	_ =	swait.ge [sflag:s21], $0x4000  }
0x44a: {  	[sflag:s21] =	ssyncset.done $0x0  }
0x44b: {  	s30 =	rddreg [dreg:$0x8];
	[sflag:s21] =	ssyncadd.s32 $0xFFFFC000  }
0x44c: {  	[hbm4b:s30+s2] =	stream.linear.scatter [tilespmem:s11], [sflag:$0xC], $0x4000, $0x38;
	[tilespmem:$0x1E400] =	vst v63  }
0x44d: {  	_ =	swait.ge [sflag:s17], $0x4000  }
0x44e: {  	s31 =	sld [smem:$0x7DC]  }
0x44f: {  	[sflag:s17] =	ssyncset.done $0x0  }
0x450: {  	[sflag:s17] =	ssyncadd.s32 $0xFFFFC000  }
0x451: {  	[tilespmem:s12], [sflag:$0x5] =	stream.indirect.gather [hbm4b:s4+s8], $0x20, s31, s8, $0xb8;
	[tilespmem:$0x1E400] =	vst v63  }
0x452: {  	_ =	swait.ge [sflag:s10], $0x4000  }
0x453: {  	[sflag:s10] =	ssyncset.done $0x0  }
0x454: {  	s1 =	rddreg [dreg:$0x9];
	[sflag:s10] =	ssyncadd.s32 $0xFFFFC000  }
0x455: {  	[hbm4b:s1+s2] =	stream.linear.scatter [tilespmem:s5], [sflag:$0x7], $0x4000, $0x38;
	[tilespmem:$0x1E400] =	vst v63  }
0x456: {  	_ =	swait.ge [sflag:s18], $0x4000  }
0x457: {  	s30 =	sld [smem:$0x7DD]  }
0x458: {  	[sflag:s18] =	ssyncset.done $0x0  }
0x459: {  	[sflag:s18] =	ssyncadd.s32 $0xFFFFC000  }
0x45a: {  	[tilespmem:s11], [sflag:$0x6] =	stream.indirect.gather [hbm4b:s4+s8], $0x20, s30, s8, $0xb8;
	[tilespmem:$0x1E400] =	vst v63  }
0x45b: {  	_ =	swait.ge [sflag:s9], $0x4000  }
0x45c: {  	[sflag:s9] =	ssyncset.done $0x0  }
0x45d: {  	s31 =	rddreg [dreg:$0xa];
	[sflag:s9] =	ssyncadd.s32 $0xFFFFC000  }
0x45e: {  	[hbm4b:s31+s2] =	stream.linear.scatter [tilespmem:s3], [sflag:$0x8], $0x4000, $0x38;
	[tilespmem:$0x1E400] =	vst v63  }
0x45f: {  	_ =	swait.ge [sflag:s6], $0x4000  }
0x460: {  	s1 =	sld [smem:$0x7DE]  }
0x461: {  	[sflag:s6] =	ssyncset.done $0x0  }
0x462: {  	[sflag:s6] =	ssyncadd.s32 $0xFFFFC000  }
0x463: {  	[tilespmem:s5], [sflag:$0x1] =	stream.indirect.gather [hbm4b:s4+s8], $0x20, s1, s8, $0xb8;
	[tilespmem:$0x1E400] =	vst v63  }
0x464: {  	_ =	swait.ge [sflag:s22], $0x4000  }
0x465: {  	[sflag:s22] =	ssyncset.done $0x0  }
0x466: {  	s30 =	rddreg [dreg:$0xb];
	[sflag:s22] =	ssyncadd.s32 $0xFFFFC000  }
0x467: {  	[hbm4b:s30+s2] =	stream.linear.scatter [tilespmem:s15], [sflag:$0x9], $0x4000, $0x38;
	[tilespmem:$0x1E400] =	vst v63  }
0x468: {  	_ =	swait.ge [sflag:s7], $0x4000  }
0x469: {  	s31 =	sld [smem:$0x7DF]  }
0x46a: {  	[sflag:s7] =	ssyncset.done $0x0  }
0x46b: {  	[sflag:s7] =	ssyncadd.s32 $0xFFFFC000  }
0x46c: {  	[tilespmem:s3], [sflag:$0x2] =	stream.indirect.gather [hbm4b:s4+s8], $0x20, s31, s8, $0xb8;
	[tilespmem:$0x1E400] =	vst v63  }
0x46d: {  	_ =	swait.ge [sflag:s19], $0x4000  }
0x46e: {  	[sflag:s19] =	ssyncset.done $0x0  }
0x46f: {  	s1 =	rddreg [dreg:$0xc];
	[sflag:s19] =	ssyncadd.s32 $0xFFFFC000  }
0x470: {  	[hbm4b:s1+s2] =	stream.linear.scatter [tilespmem:s13], [sflag:$0xA], $0x4000, $0x38;
	[tilespmem:$0x1E400] =	vst v63  }
0x471: {  	_ =	swait.ge [sflag:s14], $0x4000  }
0x472: {  	s30 =	sld [smem:$0x7E0]  }
0x473: {  	[sflag:s14] =	ssyncset.done $0x0  }
0x474: {  	[sflag:s14] =	ssyncadd.s32 $0xFFFFC000  }
0x475: {  	[tilespmem:s15], [sflag:$0x3] =	stream.indirect.gather [hbm4b:s4+s8], $0x20, s30, s8, $0xb8;
	[tilespmem:$0x1E400] =	vst v63  }
0x476: {  	_ =	swait.ge [sflag:s20], $0x4000  }
0x477: {  	[sflag:s20] =	ssyncset.done $0x0  }
0x478: {  	s31 =	rddreg [dreg:$0xd];
	[sflag:s20] =	ssyncadd.s32 $0xFFFFC000  }
0x479: {  	[hbm4b:s31+s2] =	stream.linear.scatter [tilespmem:s12], [sflag:$0xB], $0x4000, $0x38;
	[tilespmem:$0x1E400] =	vst v63  }
0x47a: {  	_ =	swait.ge [sflag:s16], $0x4000  }
0x47b: {  	s1 =	sld [smem:$0x7E1]  }
0x47c: {  	[sflag:s16] =	ssyncset.done $0x0  }
0x47d: {  	[sflag:s16] =	ssyncadd.s32 $0xFFFFC000  }
0x47e: {  	[tilespmem:s13], [sflag:$0x4] =	stream.indirect.gather [hbm4b:s4+s8], $0x20, s1, s8, $0xb8;
	[tilespmem:$0x1E400] =	vst v63  }
0x47f: {  	_ =	swait.ge [sflag:s21], $0x4000  }
0x480: {  	[sflag:s21] =	ssyncset.done $0x0  }
0x481: {  	s30 =	rddreg [dreg:$0xe];
	[sflag:s21] =	ssyncadd.s32 $0xFFFFC000  }
0x482: {  	[hbm4b:s30+s2] =	stream.linear.scatter [tilespmem:s11], [sflag:$0xC], $0x4000, $0x38;
	[tilespmem:$0x1E400] =	vst v63  }
0x483: {  	_ =	swait.ge [sflag:s17], $0x4000  }
0x484: {  	s31 =	sld [smem:$0x7E2]  }
0x485: {  	[sflag:s17] =	ssyncset.done $0x0  }
0x486: {  	[sflag:s17] =	ssyncadd.s32 $0xFFFFC000  }
0x487: {  	[tilespmem:s12], [sflag:$0x5] =	stream.indirect.gather [hbm4b:s4+s8], $0x20, s31, s8, $0xb8;
	[tilespmem:$0x1E400] =	vst v63  }
0x488: {  	_ =	swait.ge [sflag:s10], $0x4000  }
0x489: {  	[sflag:s10] =	ssyncset.done $0x0  }
0x48a: {  	s1 =	rddreg [dreg:$0xf];
	[sflag:s10] =	ssyncadd.s32 $0xFFFFC000  }
0x48b: {  	[hbm4b:s1+s2] =	stream.linear.scatter [tilespmem:s5], [sflag:$0x7], $0x4000, $0x38;
	[tilespmem:$0x1E400] =	vst v63  }
0x48c: {  	_ =	swait.ge [sflag:s18], $0x4000  }
0x48d: {  	s30 =	sld [smem:$0x7E3]  }
0x48e: {  	[sflag:s18] =	ssyncset.done $0x0  }
0x48f: {  	[sflag:s18] =	ssyncadd.s32 $0xFFFFC000  }
0x490: {  	[tilespmem:s11], [sflag:$0x6] =	stream.indirect.gather [hbm4b:s4+s8], $0x20, s30, s8, $0xb8;
	[tilespmem:$0x1E400] =	vst v63  }
0x491: {  	_ =	swait.ge [sflag:s9], $0x4000  }
0x492: {  	[sflag:s9] =	ssyncset.done $0x0  }
0x493: {  	s31 =	rddreg [dreg:$0x10];
	[sflag:s9] =	ssyncadd.s32 $0xFFFFC000  }
0x494: {  	[hbm4b:s31+s2] =	stream.linear.scatter [tilespmem:s3], [sflag:$0x8], $0x4000, $0x38;
	[tilespmem:$0x1E400] =	vst v63  }
0x495: {  	_ =	swait.ge [sflag:s6], $0x4000  }
0x496: {  	s1 =	sld [smem:$0x7E4]  }
0x497: {  	[sflag:s6] =	ssyncset.done $0x0  }
0x498: {  	[sflag:s6] =	ssyncadd.s32 $0xFFFFC000  }
0x499: {  	[tilespmem:s5], [sflag:$0x1] =	stream.indirect.gather [hbm4b:s4+s8], $0x20, s1, s8, $0xb8;
	[tilespmem:$0x1E400] =	vst v63  }
0x49a: {  	_ =	swait.ge [sflag:s22], $0x4000  }
0x49b: {  	[sflag:s22] =	ssyncset.done $0x0  }
0x49c: {  	s30 =	rddreg [dreg:$0x11];
	[sflag:s22] =	ssyncadd.s32 $0xFFFFC000  }
0x49d: {  	[hbm4b:s30+s2] =	stream.linear.scatter [tilespmem:s15], [sflag:$0x9], $0x4000, $0x38;
	[tilespmem:$0x1E400] =	vst v63  }
0x49e: {  	_ =	swait.ge [sflag:s7], $0x4000  }
0x49f: {  	s31 =	sld [smem:$0x7E5]  }
0x4a0: {  	[sflag:s7] =	ssyncset.done $0x0  }
0x4a1: {  	[sflag:s7] =	ssyncadd.s32 $0xFFFFC000  }
0x4a2: {  	[tilespmem:s3], [sflag:$0x2] =	stream.indirect.gather [hbm4b:s4+s8], $0x20, s31, s8, $0xb8;
	[tilespmem:$0x1E400] =	vst v63  }
0x4a3: {  	_ =	swait.ge [sflag:s19], $0x4000  }
0x4a4: {  	[sflag:s19] =	ssyncset.done $0x0  }
0x4a5: {  	s1 =	rddreg [dreg:$0x12];
	[sflag:s19] =	ssyncadd.s32 $0xFFFFC000  }
0x4a6: {  	[hbm4b:s1+s2] =	stream.linear.scatter [tilespmem:s13], [sflag:$0xA], $0x4000, $0x38;
	[tilespmem:$0x1E400] =	vst v63  }
0x4a7: {  	_ =	swait.ge [sflag:s14], $0x4000  }
0x4a8: {  	s30 =	sld [smem:$0x7E6]  }
0x4a9: {  	[sflag:s14] =	ssyncset.done $0x0  }
0x4aa: {  	[sflag:s14] =	ssyncadd.s32 $0xFFFFC000  }
0x4ab: {  	[tilespmem:s15], [sflag:$0x3] =	stream.indirect.gather [hbm4b:s4+s8], $0x20, s30, s8, $0xb8;
	[tilespmem:$0x1E400] =	vst v63  }
0x4ac: {  	_ =	swait.ge [sflag:s20], $0x4000  }
0x4ad: {  	[sflag:s20] =	ssyncset.done $0x0  }
0x4ae: {  	s31 =	rddreg [dreg:$0x13];
	[sflag:s20] =	ssyncadd.s32 $0xFFFFC000  }
0x4af: {  	[hbm4b:s31+s2] =	stream.linear.scatter [tilespmem:s12], [sflag:$0xB], $0x4000, $0x38;
	[tilespmem:$0x1E400] =	vst v63  }
0x4b0: {  	_ =	swait.ge [sflag:s16], $0x4000  }
0x4b1: {  	s1 =	sld [smem:$0x7E7]  }
0x4b2: {  	[sflag:s16] =	ssyncset.done $0x0  }
0x4b3: {  	[sflag:s16] =	ssyncadd.s32 $0xFFFFC000  }
0x4b4: {  	[tilespmem:s13], [sflag:$0x4] =	stream.indirect.gather [hbm4b:s4+s8], $0x20, s1, s8, $0xb8;
	[tilespmem:$0x1E400] =	vst v63  }
0x4b5: {  	_ =	swait.ge [sflag:s21], $0x4000  }
0x4b6: {  	[sflag:s21] =	ssyncset.done $0x0  }
0x4b7: {  	s30 =	rddreg [dreg:$0x14];
	[sflag:s21] =	ssyncadd.s32 $0xFFFFC000  }
0x4b8: {  	[hbm4b:s30+s2] =	stream.linear.scatter [tilespmem:s11], [sflag:$0xC], $0x4000, $0x38;
	[tilespmem:$0x1E400] =	vst v63  }
0x4b9: {  	_ =	swait.ge [sflag:s17], $0x4000  }
0x4ba: {  	s31 =	sld [smem:$0x7E8]  }
0x4bb: {  	[sflag:s17] =	ssyncset.done $0x0  }
0x4bc: {  	[sflag:s17] =	ssyncadd.s32 $0xFFFFC000  }
0x4bd: {  	[tilespmem:s12], [sflag:$0x5] =	stream.indirect.gather [hbm4b:s4+s8], $0x20, s31, s8, $0xb8;
	[tilespmem:$0x1E400] =	vst v63  }
0x4be: {  	_ =	swait.ge [sflag:s10], $0x4000  }
0x4bf: {  	[sflag:s10] =	ssyncset.done $0x0  }
0x4c0: {  	s1 =	rddreg [dreg:$0x15];
	[sflag:s10] =	ssyncadd.s32 $0xFFFFC000  }
0x4c1: {  	[hbm4b:s1+s2] =	stream.linear.scatter [tilespmem:s5], [sflag:$0x7], $0x4000, $0x38;
	[tilespmem:$0x1E400] =	vst v63  }
0x4c2: {  	_ =	swait.ge [sflag:s18], $0x4000  }
0x4c3: {  	s30 =	sld [smem:$0x7E9]  }
0x4c4: {  	[sflag:s18] =	ssyncset.done $0x0  }
0x4c5: {  	[sflag:s18] =	ssyncadd.s32 $0xFFFFC000  }
0x4c6: {  	[tilespmem:s11], [sflag:$0x6] =	stream.indirect.gather [hbm4b:s4+s8], $0x20, s30, s8, $0xb8;
	[tilespmem:$0x1E400] =	vst v63  }
0x4c7: {  	_ =	swait.ge [sflag:s9], $0x4000  }
0x4c8: {  	[sflag:s9] =	ssyncset.done $0x0  }
0x4c9: {  	s31 =	rddreg [dreg:$0x16];
	[sflag:s9] =	ssyncadd.s32 $0xFFFFC000  }
0x4ca: {  	[hbm4b:s31+s2] =	stream.linear.scatter [tilespmem:s3], [sflag:$0x8], $0x4000, $0x38;
	[tilespmem:$0x1E400] =	vst v63  }
0x4cb: {  	_ =	swait.ge [sflag:s6], $0x4000  }
0x4cc: {  	s1 =	sld [smem:$0x7EA]  }
0x4cd: {  	[sflag:s6] =	ssyncset.done $0x0  }
0x4ce: {  	[sflag:s6] =	ssyncadd.s32 $0xFFFFC000  }
0x4cf: {  	[tilespmem:s5], [sflag:$0x1] =	stream.indirect.gather [hbm4b:s4+s8], $0x20, s1, s8, $0xb8;
	[tilespmem:$0x1E400] =	vst v63  }
0x4d0: {  	_ =	swait.ge [sflag:s22], $0x4000  }
0x4d1: {  	[sflag:s22] =	ssyncset.done $0x0  }
0x4d2: {  	s30 =	rddreg [dreg:$0x17];
	[sflag:s22] =	ssyncadd.s32 $0xFFFFC000  }
0x4d3: {  	[hbm4b:s30+s2] =	stream.linear.scatter [tilespmem:s15], [sflag:$0x9], $0x4000, $0x38;
	[tilespmem:$0x1E400] =	vst v63  }
0x4d4: {  	_ =	swait.ge [sflag:s7], $0x4000  }
0x4d5: {  	s31 =	sld [smem:$0x7EB]  }
0x4d6: {  	[sflag:s7] =	ssyncset.done $0x0  }
0x4d7: {  	[sflag:s7] =	ssyncadd.s32 $0xFFFFC000  }
0x4d8: {  	[tilespmem:s3], [sflag:$0x2] =	stream.indirect.gather [hbm4b:s4+s8], $0x20, s31, s8, $0xb8;
	[tilespmem:$0x1E400] =	vst v63  }
0x4d9: {  	_ =	swait.ge [sflag:s19], $0x4000  }
0x4da: {  	[sflag:s19] =	ssyncset.done $0x0  }
0x4db: {  	s1 =	rddreg [dreg:$0x18];
	[sflag:s19] =	ssyncadd.s32 $0xFFFFC000  }
0x4dc: {  	[hbm4b:s1+s2] =	stream.linear.scatter [tilespmem:s13], [sflag:$0xA], $0x4000, $0x38;
	[tilespmem:$0x1E400] =	vst v63  }
0x4dd: {  	_ =	swait.ge [sflag:s14], $0x4000  }
0x4de: {  	s30 =	sld [smem:$0x7EC]  }
0x4df: {  	[sflag:s14] =	ssyncset.done $0x0  }
0x4e0: {  	[sflag:s14] =	ssyncadd.s32 $0xFFFFC000  }
0x4e1: {  	[tilespmem:s15], [sflag:$0x3] =	stream.indirect.gather [hbm4b:s4+s8], $0x20, s30, s8, $0xb8;
	[tilespmem:$0x1E400] =	vst v63  }
0x4e2: {  	_ =	swait.ge [sflag:s20], $0x4000  }
0x4e3: {  	[sflag:s20] =	ssyncset.done $0x0  }
0x4e4: {  	s31 =	rddreg [dreg:$0x19];
	[sflag:s20] =	ssyncadd.s32 $0xFFFFC000  }
0x4e5: {  	[hbm4b:s31+s2] =	stream.linear.scatter [tilespmem:s12], [sflag:$0xB], $0x4000, $0x38;
	[tilespmem:$0x1E400] =	vst v63  }
0x4e6: {  	_ =	swait.ge [sflag:s16], $0x4000  }
0x4e7: {  	s1 =	sld [smem:$0x7ED]  }
0x4e8: {  	[sflag:s16] =	ssyncset.done $0x0  }
0x4e9: {  	[sflag:s16] =	ssyncadd.s32 $0xFFFFC000  }
0x4ea: {  	[tilespmem:s13], [sflag:$0x4] =	stream.indirect.gather [hbm4b:s4+s8], $0x20, s1, s8, $0xb8;
	[tilespmem:$0x1E400] =	vst v63  }
0x4eb: {  	_ =	swait.ge [sflag:s21], $0x4000  }
0x4ec: {  	[sflag:s21] =	ssyncset.done $0x0  }
0x4ed: {  	s30 =	rddreg [dreg:$0x1a];
	[sflag:s21] =	ssyncadd.s32 $0xFFFFC000  }
0x4ee: {  	[hbm4b:s30+s2] =	stream.linear.scatter [tilespmem:s11], [sflag:$0xC], $0x4000, $0x38;
	[tilespmem:$0x1E400] =	vst v63  }
0x4ef: {  	_ =	swait.ge [sflag:s17], $0x4000  }
0x4f0: {  	s31 =	sld [smem:$0x7EE]  }
0x4f1: {  	[sflag:s17] =	ssyncset.done $0x0  }
0x4f2: {  	[sflag:s17] =	ssyncadd.s32 $0xFFFFC000  }
0x4f3: {  	[tilespmem:s12], [sflag:$0x5] =	stream.indirect.gather [hbm4b:s4+s8], $0x20, s31, s8, $0xb8;
	[tilespmem:$0x1E400] =	vst v63  }
0x4f4: {  	_ =	swait.ge [sflag:s10], $0x4000  }
0x4f5: {  	[sflag:s10] =	ssyncset.done $0x0  }
0x4f6: {  	s1 =	rddreg [dreg:$0x1b];
	[sflag:s10] =	ssyncadd.s32 $0xFFFFC000  }
0x4f7: {  	[hbm4b:s1+s2] =	stream.linear.scatter [tilespmem:s5], [sflag:$0x7], $0x4000, $0x38;
	[tilespmem:$0x1E400] =	vst v63  }
0x4f8: {  	_ =	swait.ge [sflag:s18], $0x4000  }
0x4f9: {  	s30 =	sld [smem:$0x7EF]  }
0x4fa: {  	[sflag:s18] =	ssyncset.done $0x0  }
0x4fb: {  	[sflag:s18] =	ssyncadd.s32 $0xFFFFC000  }
0x4fc: {  	[tilespmem:s11], [sflag:$0x6] =	stream.indirect.gather [hbm4b:s4+s8], $0x20, s30, s8, $0xb8;
	[tilespmem:$0x1E400] =	vst v63  }
0x4fd: {  	_ =	swait.ge [sflag:s9], $0x4000  }
0x4fe: {  	[sflag:s9] =	ssyncset.done $0x0  }
0x4ff: {  	s31 =	rddreg [dreg:$0x1c];
	[sflag:s9] =	ssyncadd.s32 $0xFFFFC000  }
0x500: {  	[hbm4b:s31+s2] =	stream.linear.scatter [tilespmem:s3], [sflag:$0x8], $0x4000, $0x38;
	[tilespmem:$0x1E400] =	vst v63  }
0x501: {  	_ =	swait.ge [sflag:s6], $0x4000  }
0x502: {  	s1 =	sld [smem:$0x7F0]  }
0x503: {  	[sflag:s6] =	ssyncset.done $0x0  }
0x504: {  	[sflag:s6] =	ssyncadd.s32 $0xFFFFC000  }
0x505: {  	[tilespmem:s5], [sflag:$0x1] =	stream.indirect.gather [hbm4b:s4+s8], $0x20, s1, s8, $0xb8;
	[tilespmem:$0x1E400] =	vst v63  }
0x506: {  	_ =	swait.ge [sflag:s22], $0x4000  }
0x507: {  	[sflag:s22] =	ssyncset.done $0x0  }
0x508: {  	s30 =	rddreg [dreg:$0x1d];
	[sflag:s22] =	ssyncadd.s32 $0xFFFFC000  }
0x509: {  	[hbm4b:s30+s2] =	stream.linear.scatter [tilespmem:s15], [sflag:$0x9], $0x4000, $0x38;
	[tilespmem:$0x1E400] =	vst v63  }
0x50a: {  	_ =	swait.ge [sflag:s7], $0x4000  }
0x50b: {  	s31 =	sld [smem:$0x7F1]  }
0x50c: {  	[sflag:s7] =	ssyncset.done $0x0  }
0x50d: {  	[sflag:s7] =	ssyncadd.s32 $0xFFFFC000  }
0x50e: {  	[tilespmem:s3], [sflag:$0x2] =	stream.indirect.gather [hbm4b:s4+s8], $0x20, s31, s8, $0xb8;
	[tilespmem:$0x1E400] =	vst v63  }
0x50f: {  	_ =	swait.ge [sflag:s19], $0x4000  }
0x510: {  	[sflag:s19] =	ssyncset.done $0x0  }
0x511: {  	s1 =	rddreg [dreg:$0x1e];
	[sflag:s19] =	ssyncadd.s32 $0xFFFFC000  }
0x512: {  	[hbm4b:s1+s2] =	stream.linear.scatter [tilespmem:s13], [sflag:$0xA], $0x4000, $0x38;
	[tilespmem:$0x1E400] =	vst v63  }
0x513: {  	_ =	swait.ge [sflag:s14], $0x4000  }
0x514: {  	s30 =	sld [smem:$0x7F2]  }
0x515: {  	[sflag:s14] =	ssyncset.done $0x0  }
0x516: {  	[sflag:s14] =	ssyncadd.s32 $0xFFFFC000  }
0x517: {  	[tilespmem:s15], [sflag:$0x3] =	stream.indirect.gather [hbm4b:s4+s8], $0x20, s30, s8, $0xb8;
	[tilespmem:$0x1E400] =	vst v63  }
0x518: {  	_ =	swait.ge [sflag:s20], $0x4000  }
0x519: {  	[sflag:s20] =	ssyncset.done $0x0  }
0x51a: {  	s31 =	rddreg [dreg:$0x1f];
	[sflag:s20] =	ssyncadd.s32 $0xFFFFC000  }
0x51b: {  	[hbm4b:s31+s2] =	stream.linear.scatter [tilespmem:s12], [sflag:$0xB], $0x4000, $0x38;
	[tilespmem:$0x1E400] =	vst v63  }
0x51c: {  	_ =	swait.ge [sflag:s16], $0x4000  }
0x51d: {  	s1 =	sld [smem:$0x7F3]  }
0x51e: {  	[sflag:s16] =	ssyncset.done $0x0  }
0x51f: {  	[sflag:s16] =	ssyncadd.s32 $0xFFFFC000  }
0x520: {  	[tilespmem:s13], [sflag:$0x4] =	stream.indirect.gather [hbm4b:s4+s8], $0x20, s1, s8, $0xb8;
	[tilespmem:$0x1E400] =	vst v63  }
0x521: {  	_ =	swait.ge [sflag:s21], $0x4000  }
0x522: {  	s30 =	sld [smem:$0x7BF]  }
0x523: {  	[sflag:s21] =	ssyncset.done $0x0  }
0x524: {  	[sflag:s21] =	ssyncadd.s32 $0xFFFFC000  }
0x525: {  	[hbm4b:s30+s2] =	stream.linear.scatter [tilespmem:s11], [sflag:$0xC], $0x4000, $0x38;
	[tilespmem:$0x1E400] =	vst v63  }
0x526: {  	_ =	swait.ge [sflag:s17], $0x4000  }
0x527: {  	s31 =	sld [smem:$0x7F4]  }
0x528: {  	[sflag:s17] =	ssyncset.done $0x0  }
0x529: {  	[sflag:s17] =	ssyncadd.s32 $0xFFFFC000  }
0x52a: {  	[tilespmem:s12], [sflag:$0x5] =	stream.indirect.gather [hbm4b:s4+s8], $0x20, s31, s8, $0xb8;
	[tilespmem:$0x1E400] =	vst v63  }
0x52b: {  	_ =	swait.ge [sflag:s10], $0x4000  }
0x52c: {  	s1 =	sld [smem:$0x7C0]  }
0x52d: {  	[sflag:s10] =	ssyncset.done $0x0  }
0x52e: {  	[sflag:s10] =	ssyncadd.s32 $0xFFFFC000  }
0x52f: {  	[hbm4b:s1+s2] =	stream.linear.scatter [tilespmem:s5], [sflag:$0x7], $0x4000, $0x38;
	[tilespmem:$0x1E400] =	vst v63  }
0x530: {  	_ =	swait.ge [sflag:s18], $0x4000  }
0x531: {  	s30 =	sld [smem:$0x7F5]  }
0x532: {  	[sflag:s18] =	ssyncset.done $0x0  }
0x533: {  	[sflag:s18] =	ssyncadd.s32 $0xFFFFC000  }
0x534: {  	[tilespmem:s11], [sflag:$0x6] =	stream.indirect.gather [hbm4b:s4+s8], $0x20, s30, s8, $0xb8;
	[tilespmem:$0x1E400] =	vst v63  }
0x535: {  	_ =	swait.ge [sflag:s9], $0x4000  }
0x536: {  	s31 =	sld [smem:$0x7C1]  }
0x537: {  	[sflag:s9] =	ssyncset.done $0x0  }
0x538: {  	[sflag:s9] =	ssyncadd.s32 $0xFFFFC000  }
0x539: {  	[hbm4b:s31+s2] =	stream.linear.scatter [tilespmem:s3], [sflag:$0x8], $0x4000, $0x38;
	[tilespmem:$0x1E400] =	vst v63  }
0x53a: {  	_ =	swait.ge [sflag:s6], $0x4000  }
0x53b: {  	s1 =	sld [smem:$0x7F6]  }
0x53c: {  	[sflag:s6] =	ssyncset.done $0x0  }
0x53d: {  	[sflag:s6] =	ssyncadd.s32 $0xFFFFC000  }
0x53e: {  	[tilespmem:s5], [sflag:$0x1] =	stream.indirect.gather [hbm4b:s4+s8], $0x20, s1, s8, $0xb8;
	[tilespmem:$0x1E400] =	vst v63  }
0x53f: {  	_ =	swait.ge [sflag:s22], $0x4000  }
0x540: {  	s30 =	sld [smem:$0x7C2]  }
0x541: {  	[sflag:s22] =	ssyncset.done $0x0  }
0x542: {  	[sflag:s22] =	ssyncadd.s32 $0xFFFFC000  }
0x543: {  	[hbm4b:s30+s2] =	stream.linear.scatter [tilespmem:s15], [sflag:$0x9], $0x4000, $0x38;
	[tilespmem:$0x1E400] =	vst v63  }
0x544: {  	_ =	swait.ge [sflag:s7], $0x4000  }
0x545: {  	s31 =	sld [smem:$0x7F7]  }
0x546: {  	[sflag:s7] =	ssyncset.done $0x0  }
0x547: {  	[sflag:s7] =	ssyncadd.s32 $0xFFFFC000  }
0x548: {  	[tilespmem:s3], [sflag:$0x2] =	stream.indirect.gather [hbm4b:s4+s8], $0x20, s31, s8, $0xb8;
	[tilespmem:$0x1E400] =	vst v63  }
0x549: {  	_ =	swait.ge [sflag:s19], $0x4000  }
0x54a: {  	s1 =	sld [smem:$0x7C3]  }
0x54b: {  	[sflag:s19] =	ssyncset.done $0x0  }
0x54c: {  	[sflag:s19] =	ssyncadd.s32 $0xFFFFC000  }
0x54d: {  	[hbm4b:s1+s2] =	stream.linear.scatter [tilespmem:s13], [sflag:$0xA], $0x4000, $0x38;
	[tilespmem:$0x1E400] =	vst v63  }
0x54e: {  	_ =	swait.ge [sflag:s14], $0x4000  }
0x54f: {  	s30 =	sld [smem:$0x7F8]  }
0x550: {  	[sflag:s14] =	ssyncset.done $0x0  }
0x551: {  	[sflag:s14] =	ssyncadd.s32 $0xFFFFC000  }
0x552: {  	[tilespmem:s15], [sflag:$0x3] =	stream.indirect.gather [hbm4b:s4+s8], $0x20, s30, s8, $0xb8;
	[tilespmem:$0x1E400] =	vst v63  }
0x553: {  	_ =	swait.ge [sflag:s20], $0x4000  }
0x554: {  	s31 =	sld [smem:$0x7C4]  }
0x555: {  	[sflag:s20] =	ssyncset.done $0x0  }
0x556: {  	[sflag:s20] =	ssyncadd.s32 $0xFFFFC000  }
0x557: {  	[hbm4b:s31+s2] =	stream.linear.scatter [tilespmem:s12], [sflag:$0xB], $0x4000, $0x38;
	[tilespmem:$0x1E400] =	vst v63  }
0x558: {  	_ =	swait.ge [sflag:s16], $0x4000  }
0x559: {  	s1 =	sld [smem:$0x7F9]  }
0x55a: {  	[sflag:s16] =	ssyncset.done $0x0  }
0x55b: {  	[sflag:s16] =	ssyncadd.s32 $0xFFFFC000  }
0x55c: {  	[tilespmem:s13], [sflag:$0x4] =	stream.indirect.gather [hbm4b:s4+s8], $0x20, s1, s8, $0xb8;
	[tilespmem:$0x1E400] =	vst v63  }
0x55d: {  	_ =	swait.ge [sflag:s21], $0x4000  }
0x55e: {  	s30 =	sld [smem:$0x7C5]  }
0x55f: {  	[sflag:s21] =	ssyncset.done $0x0  }
0x560: {  	[sflag:s21] =	ssyncadd.s32 $0xFFFFC000  }
0x561: {  	[hbm4b:s30+s2] =	stream.linear.scatter [tilespmem:s11], [sflag:$0xC], $0x4000, $0x38;
	[tilespmem:$0x1E400] =	vst v63  }
0x562: {  	_ =	swait.ge [sflag:s17], $0x4000  }
0x563: {  	s31 =	sld [smem:$0x7FA]  }
0x564: {  	[sflag:s17] =	ssyncset.done $0x0  }
0x565: {  	[sflag:s17] =	ssyncadd.s32 $0xFFFFC000  }
0x566: {  	[tilespmem:s12], [sflag:$0x5] =	stream.indirect.gather [hbm4b:s4+s8], $0x20, s31, s8, $0xb8;
	[tilespmem:$0x1E400] =	vst v63  }
0x567: {  	_ =	swait.ge [sflag:s10], $0x4000  }
0x568: {  	s1 =	sld [smem:$0x7C6]  }
0x569: {  	[sflag:s10] =	ssyncset.done $0x0  }
0x56a: {  	[sflag:s10] =	ssyncadd.s32 $0xFFFFC000  }
0x56b: {  	[hbm4b:s1+s2] =	stream.linear.scatter [tilespmem:s5], [sflag:$0x7], $0x4000, $0x38;
	[tilespmem:$0x1E400] =	vst v63  }
0x56c: {  	_ =	swait.ge [sflag:s18], $0x4000  }
0x56d: {  	s30 =	sld [smem:$0x7FB]  }
0x56e: {  	[sflag:s18] =	ssyncset.done $0x0  }
0x56f: {  	[sflag:s18] =	ssyncadd.s32 $0xFFFFC000  }
0x570: {  	[tilespmem:s11], [sflag:$0x6] =	stream.indirect.gather [hbm4b:s4+s8], $0x20, s30, s8, $0xb8;
	[tilespmem:$0x1E400] =	vst v63  }
0x571: {  	_ =	swait.ge [sflag:s9], $0x4000  }
0x572: {  	s31 =	sld [smem:$0x7C7]  }
0x573: {  	[sflag:s9] =	ssyncset.done $0x0  }
0x574: {  	[sflag:s9] =	ssyncadd.s32 $0xFFFFC000  }
0x575: {  	[hbm4b:s31+s2] =	stream.linear.scatter [tilespmem:s3], [sflag:$0x8], $0x4000, $0x38;
	[tilespmem:$0x1E400] =	vst v63  }
0x576: {  	_ =	swait.ge [sflag:s6], $0x4000  }
0x577: {  	s1 =	sld [smem:$0x7FC]  }
0x578: {  	[sflag:s6] =	ssyncset.done $0x0  }
0x579: {  	[sflag:s6] =	ssyncadd.s32 $0xFFFFC000  }
0x57a: {  	[tilespmem:s5], [sflag:$0x1] =	stream.indirect.gather [hbm4b:s4+s8], $0x20, s1, s8, $0xb8;
	[tilespmem:$0x1E400] =	vst v63  }
0x57b: {  	_ =	swait.ge [sflag:s22], $0x4000  }
0x57c: {  	s30 =	sld [smem:$0x7C8]  }
0x57d: {  	[sflag:s22] =	ssyncset.done $0x0  }
0x57e: {  	[sflag:s22] =	ssyncadd.s32 $0xFFFFC000  }
0x57f: {  	[hbm4b:s30+s2] =	stream.linear.scatter [tilespmem:s15], [sflag:$0x9], $0x4000, $0x38;
	[tilespmem:$0x1E400] =	vst v63  }
0x580: {  	_ =	swait.ge [sflag:s7], $0x4000  }
0x581: {  	s31 =	sld [smem:$0x7FD]  }
0x582: {  	[sflag:s7] =	ssyncset.done $0x0  }
0x583: {  	[sflag:s7] =	ssyncadd.s32 $0xFFFFC000  }
0x584: {  	[tilespmem:s3], [sflag:$0x2] =	stream.indirect.gather [hbm4b:s4+s8], $0x20, s31, s8, $0xb8;
	[tilespmem:$0x1E400] =	vst v63  }
0x585: {  	_ =	swait.ge [sflag:s19], $0x4000  }
0x586: {  	s1 =	sld [smem:$0x7C9]  }
0x587: {  	[sflag:s19] =	ssyncset.done $0x0  }
0x588: {  	[sflag:s19] =	ssyncadd.s32 $0xFFFFC000  }
0x589: {  	[hbm4b:s1+s2] =	stream.linear.scatter [tilespmem:s13], [sflag:$0xA], $0x4000, $0x38;
	[tilespmem:$0x1E400] =	vst v63  }
0x58a: {  	_ =	swait.ge [sflag:s14], $0x4000  }
0x58b: {  	[sflag:s14] =	ssyncset.done $0x0  }
0x58c: {  	[sflag:s14] =	ssyncadd.s32 $0xFFFFC000  }
0x58d: {  	[tilespmem:s15], [sflag:$0x3] =	stream.indirect.gather [hbm4b:s4+s8], $0x20, s24, s8, $0xb8;
	[tilespmem:$0x1E400] =	vst v63  }
0x58e: {  	_ =	swait.ge [sflag:s20], $0x4000  }
0x58f: {  	s24 =	sld [smem:$0x7CA]  }
0x590: {  	[sflag:s20] =	ssyncset.done $0x0  }
0x591: {  	[sflag:s20] =	ssyncadd.s32 $0xFFFFC000  }
0x592: {  	[hbm4b:s24+s2] =	stream.linear.scatter [tilespmem:s12], [sflag:$0xB], $0x4000, $0x38;
	[tilespmem:$0x1E400] =	vst v63  }
0x593: {  	_ =	swait.ge [sflag:s16], $0x4000  }
0x594: {  	[sflag:s16] =	ssyncset.done $0x0  }
0x595: {  	[sflag:s16] =	ssyncadd.s32 $0xFFFFC000  }
0x596: {  	[tilespmem:s13], [sflag:$0x4] =	stream.indirect.gather [hbm4b:s4+s8], $0x20, s29, s8, $0xb8;
	[tilespmem:$0x1E400] =	vst v63  }
0x597: {  	_ =	swait.ge [sflag:s21], $0x4000  }
0x598: {  	s30 =	sld [smem:$0x7CB]  }
0x599: {  	[sflag:s21] =	ssyncset.done $0x0  }
0x59a: {  	[sflag:s21] =	ssyncadd.s32 $0xFFFFC000  }
0x59b: {  	[hbm4b:s30+s2] =	stream.linear.scatter [tilespmem:s11], [sflag:$0xC], $0x4000, $0x38;
	[tilespmem:$0x1E400] =	vst v63  }
0x59c: {  	_ =	swait.ge [sflag:s17], $0x4000  }
0x59d: {  	[sflag:s17] =	ssyncset.done $0x0  }
0x59e: {  	[sflag:s17] =	ssyncadd.s32 $0xFFFFC000  }
0x59f: {  	[tilespmem:s12], [sflag:$0x5] =	stream.indirect.gather [hbm4b:s4+s8], $0x20, s28, s8, $0xb8;
	[tilespmem:$0x1E400] =	vst v63  }
0x5a0: {  	_ =	swait.ge [sflag:s10], $0x4000  }
0x5a1: {  	s31 =	sld [smem:$0x7CC]  }
0x5a2: {  	[sflag:s10] =	ssyncset.done $0x0  }
0x5a3: {  	[sflag:s10] =	ssyncadd.s32 $0xFFFFC000  }
0x5a4: {  	[hbm4b:s31+s2] =	stream.linear.scatter [tilespmem:s5], [sflag:$0x7], $0x4000, $0x38;
	[tilespmem:$0x1E400] =	vst v63  }
0x5a5: {  	_ =	swait.ge [sflag:s18], $0x4000  }
0x5a6: {  	[sflag:s18] =	ssyncset.done $0x0  }
0x5a7: {  	[sflag:s18] =	ssyncadd.s32 $0xFFFFC000  }
0x5a8: {  	[tilespmem:s11], [sflag:$0x6] =	stream.indirect.gather [hbm4b:s4+s8], $0x20, s26, s8, $0xb8;
	[tilespmem:$0x1E400] =	vst v63  }
0x5a9: {  	_ =	swait.ge [sflag:s9], $0x4000  }
0x5aa: {  	s1 =	sld [smem:$0x7CD]  }
0x5ab: {  	[sflag:s9] =	ssyncset.done $0x0  }
0x5ac: {  	[sflag:s9] =	ssyncadd.s32 $0xFFFFC000  }
0x5ad: {  	[hbm4b:s1+s2] =	stream.linear.scatter [tilespmem:s3], [sflag:$0x8], $0x4000, $0x38;
	[tilespmem:$0x1E400] =	vst v63  }
0x5ae: {  	_ =	swait.ge [sflag:s6], $0x4000  }
0x5af: {  	[sflag:s6] =	ssyncset.done $0x0  }
0x5b0: {  	[sflag:s6] =	ssyncadd.s32 $0xFFFFC000  }
0x5b1: {  	[tilespmem:s5], [sflag:$0x1] =	stream.indirect.gather [hbm4b:s4+s8], $0x20, s25, s8, $0xb8;
	[tilespmem:$0x1E400] =	vst v63  }
0x5b2: {  	_ =	swait.ge [sflag:s22], $0x4000  }
0x5b3: {  	s24 =	sld [smem:$0x7CE]  }
0x5b4: {  	[sflag:s22] =	ssyncset.done $0x0  }
0x5b5: {  	[sflag:s22] =	ssyncadd.s32 $0xFFFFC000  }
0x5b6: {  	[hbm4b:s24+s2] =	stream.linear.scatter [tilespmem:s15], [sflag:$0x9], $0x4000, $0x38;
	[tilespmem:$0x1E400] =	vst v63  }
0x5b7: {  	_ =	swait.ge [sflag:s7], $0x4000  }
0x5b8: {  	[sflag:s7] =	ssyncset.done $0x0  }
0x5b9: {  	s25 =	simm.s32 $0x6200;
	[sflag:s7] =	ssyncadd.s32 $0xFFFFC000  }
0x5ba: {  	[tilespmem:s3], [sflag:$0x2] =	stream.indirect.gather [hbm4b:s4+s8], $0x20, s25, s8, $0xb8;
	[tilespmem:$0x1E400] =	vst v63  }
0x5bb: {  	_ =	swait.ge [sflag:s19], $0x4000  }
0x5bc: {  	s26 =	sld [smem:$0x7CF]  }
0x5bd: {  	[sflag:s19] =	ssyncset.done $0x0  }
0x5be: {  	[sflag:s19] =	ssyncadd.s32 $0xFFFFC000  }
0x5bf: {  	[hbm4b:s26+s2] =	stream.linear.scatter [tilespmem:s13], [sflag:$0xA], $0x4000, $0x38;
	[tilespmem:$0x1E400] =	vst v63  }
0x5c0: {  	_ =	swait.ge [sflag:s20], $0x4000  }
0x5c1: {  	s28 =	sld [smem:$0x7D0]  }
0x5c2: {  	[sflag:s20] =	ssyncset.done $0x0  }
0x5c3: {  	[sflag:s20] =	ssyncadd.s32 $0xFFFFC000  }
0x5c4: {  	[hbm4b:s28+s2] =	stream.linear.scatter [tilespmem:s12], [sflag:$0xB], $0x4000, $0x38;
	[tilespmem:$0x1E400] =	vst v63  }
0x5c5: {  	_ =	swait.ge [sflag:s21], $0x4000  }
0x5c6: {  	s29 =	sld [smem:$0x7D1]  }
0x5c7: {  	[sflag:s21] =	ssyncset.done $0x0  }
0x5c8: {  	[sflag:s21] =	ssyncadd.s32 $0xFFFFC000  }
0x5c9: {  	[hbm4b:s29+s2] =	stream.linear.scatter [tilespmem:s11], [sflag:$0xC], $0x4000, $0x38;
	[tilespmem:$0x1E400] =	vst v63  }
0x5ca: {  	_ =	swait.ge [sflag:s10], $0x4000  }
0x5cb: {  	s30 =	sld [smem:$0x7D2]  }
0x5cc: {  	[sflag:s10] =	ssyncset.done $0x0  }
0x5cd: {  	[sflag:s10] =	ssyncadd.s32 $0xFFFFC000  }
0x5ce: {  	[hbm4b:s30+s2] =	stream.linear.scatter [tilespmem:s5], [sflag:$0x7], $0x4000, $0x38;
	[tilespmem:$0x1E400] =	vst v63  }
0x5cf: {  	_ =	swait.ge [sflag:s9], $0x4000  }
0x5d0: {  	s31 =	sld [smem:$0x7D3]  }
0x5d1: {  	[sflag:s9] =	ssyncset.done $0x0  }
0x5d2: {  	[sflag:s9] =	ssyncadd.s32 $0xFFFFC000  }
0x5d3: {  	[hbm4b:s31+s2] =	stream.linear.scatter [tilespmem:s3], [sflag:$0x8], $0x4000, $0x38;
	[tilespmem:$0x1E400] =	vst v63  }
0x5d4: {  	_ =	swait.ge [sflag:s14], $0x4000  }
0x5d5: {  	[sflag:s14] =	ssyncset.done $0x0  }
0x5d6: {  	[sflag:s14] =	ssyncadd.s32 $0xFFFFC000  }
0x5d7: {  	_ =	swait.ge [sflag:s16], $0x4000  }
0x5d8: {  	[sflag:s16] =	ssyncset.done $0x0  }
0x5d9: {  	[sflag:s16] =	ssyncadd.s32 $0xFFFFC000  }
0x5da: {  	_ =	swait.ge [sflag:s17], $0x4000  }
0x5db: {  	[sflag:s17] =	ssyncset.done $0x0  }
0x5dc: {  	[sflag:s17] =	ssyncadd.s32 $0xFFFFC000  }
0x5dd: {  	_ =	swait.ge [sflag:s18], $0x4000  }
0x5de: {  	[sflag:s18] =	ssyncset.done $0x0  }
0x5df: {  	[sflag:s18] =	ssyncadd.s32 $0xFFFFC000  }
0x5e0: {  	_ =	swait.ge [sflag:s6], $0x4000  }
0x5e1: {  	[sflag:s6] =	ssyncset.done $0x0  }
0x5e2: {  	[sflag:s6] =	ssyncadd.s32 $0xFFFFC000  }
0x5e3: {  	_ =	swait.ge [sflag:s7], $0x4000  }
0x5e4: {  	[sflag:s7] =	ssyncset.done $0x0  }
0x5e5: {  	[sflag:s7] =	ssyncadd.s32 $0xFFFFC000  }
0x5e6: {  	_ =	sfence.sel $0x180000  }
0x5e7: {  	[bflag:$0x0] =	sbarrier.arrive $0xFFFF  }
0x5e8: {  	_ =	strace $0x90000047  }
0x5e9: {  	[bflag:$0x2] =	sbarrier.arrive $0xFFFF  }
0x5ea: {  	p0 =	sne.s32 s23, $0x0;
	s0 =	rddreg [dreg:$0x2]  }
0x5eb: {  	s0 =	sadd.s32 @!p0 $0x100000, s0  }
0x5ec: {  	[sflag:s0] =	ssyncadd.tile.s32 @!p0 $0x1;
	_ =	shalt  }
.LBB2_1:
.Ltmp3:
0x5ed: {  	(pc) =	sbr.rel .LBB2_6-.Ltmp3, $3  }
0x5ee: {  	_ =	sdelay $0x1  }
0x5ef: {  	s24 =	simm.s32 $0x5800;
	s29 =	simm.s32 $0x5A00  }
0x5f0: {  	s28 =	simm.s32 $0x5C00;
	s26 =	simm.s32 $0x5E00;
	s25 =	simm.s32 $0x6000  }
.LBB2_3:
.Ltmp4:
0x5f1: {  	(pc) =	sbr.rel .LBB2_6-.Ltmp4, $3  }
0x5f2: {  	_ =	sdelay $0x1  }
0x5f3: {  	s24 =	simm.s32 $0x5800;
	s29 =	simm.s32 $0x5A00;
	s28 =	simm.s32 $0x5C00  }
0x5f4: {  	s26 =	simm.s32 $0x5E00;
	s25 =	simm.s32 $0x6000;
	s23 =	stileid.u32  }
.Lfunc_end2:
_tile_overlayer_lowered:
.L_overlay_start_2:
0x5f5: {  	(tag) =	ssettag $0x2  }
0x5f6: {  	s0 =	rddreg [dreg:$0x0];
	s2 =	stileid.u32  }
0x5f7: {  	s1 =	rddreg [dreg:$0x1];
	p0 =	sne.s32 s2, $0x0  }
0x5f8: {  	s3 =	rddreg [dreg:$0x2];
	[bflag:$0x3] =	sbarrier.arrive $0xFFFF;
	s2 =	simm.s32 @!p0 $0x1C0D  }
0x5f9: {  	[timem:s3], [sflag:s2] =	dma.local @!p0 [hbm:s0], s1  }
0x5fa: {  	s0 =	simm.s32 @!p0 $0xD  }
0x5fb: {  	_ =	swait.ge @!p0 [sflag:s0], s1  }
0x5fc: {  	s1 =	ssub.s32 @!p0 $0x0, s1;
	[sflag:s0] =	ssyncset.done @!p0 $0x0  }
0x5fd: {  	[sflag:s0] =	ssyncadd.s32 @!p0 s1  }
0x5fe: {  	[bflag:$0x3] =	sbarrier.arrive $0xFFFF  }
0x5ff: {  	_ =	shalt  }

// kernel: sparse-core-data-format-call.cloned.1.call-start
scs
called_computation_lowered:
.L_overlay_start_0:
0x0: {  	s2 =	sld [smem:$0x3FD9]  }
0x1: {  	s3 =	sld [smem:$0x3FFE];
	_ =	sdelay $0x1  }
0x2: {  	s1 =	srdreg.scid  }
0x3: {  	s0 =	sand.u32 $0x1, s1  }
0x4: {  	s18 =	sshll.u32 s0, $0xA;
	s2 =	sadd.s32 s3, s2  }
0x5: {  	s2 =	sadd.s32 s2, s18  }
0x6: {  	[smem:$0x3FC6] =	sst s2  }
0x7: {  	_ = 	snop  }
0x8: {  	s2 =	sld [smem:$0x3FD0];
	(tm) =	ssettm $0x1  }
0x9: {  	s19 =	sld [smem:$0x3FFB];
	_ =	sdelay $0x3  }
0xa: {  	_ =	strace s19  }
0xb: {  	s3 =	sld [smem:$0x3FFC];
	_ =	sdelay $0x3  }
0xc: {  	_ =	strace s3  }
0xd: {  	s3 =	sld [smem:$0x3FFD];
	_ =	sdelay $0x3  }
0xe: {  	_ =	strace s3  }
0xf: {  	_ =	strace $0x8FFFFFFF  }
0x10: {  	s20 =	sld [smem:$0x3FDB];
	_ =	sdelay $0x1  }
0x11: {  	s4 =	simm.s32 $_scs_section_size  }
0x12: {  	s5 =	simm.s32 $_size__tile_overlayer_lowered;
	s6 =	simm.s32 $_tile_overlayer_lowered  }
0x13: {  	s23 =	simm.s32 $0x1BFF;
	s22 =	sshll.u32 s6, $0x1;
	s3 =	sadd.s32 s4, s20  }
0x14: {  	s7 =	simm.s32 $0x0;
	s21 =	sshll.u32 s5, $0x1;
	s5 =	sadd.s32 s22, s3  }
0x15: {  	[timem:s7], [sflag:s23] =	dma.local [hbm:s5], s21  }
0x16: {  	_ =	swait.ge [sflag:s23], s21  }
0x17: {  	s4 =	ssub.s32 $0x0, s21;
	[sflag:s23] =	ssyncset.done $0x0  }
0x18: {  	[sflag:s23] =	ssyncadd.s32 s4;
	_ =	sdelay $0x1  }
0x19: {  	s24 =	simm.s32 $0x1B8B  }
0x1a: {  	_ =	swait.ge [sflag:s24], $0x1  }
0x1b: {  	[sflag:s24] =	ssyncset.done $0x0  }
0x1c: {  	s26 =	simm.s32 $0x1B8E;
	s25 =	sld [smem:$0x3FFE];
	[sflag:s24] =	ssyncadd.s32 $0xFFFFFFFF  }
0x1d: {  	s27 =	simm.s32 $execute0_lowered;
	[smem:$0x3FD2] =	sst s26  }
0x1e: {  	s5 =	sshll.u32 s27, $0x1;
	_ =	strace $0x80000049;
	[dreg:$0x1] =	wrdreg $0xFFFFFFFF  }
0x1f: {  	s28 =	simm.s32 $_size_execute0_lowered;
	s3 =	sadd.s32 s3, s5;
	[dreg:$0x0] =	wrdreg $0x0  }
0x20: {  	s5 =	sshll.u32 s28, $0x1;
	[dreg:$0x2] =	wrdreg s3  }
0x21: {  	[dreg:$0x3] =	wrdreg s5  }
0x22: {  	[dreg:$0x4] =	wrdreg $0xC0  }
0x23: {  	_ =	task [dreg:s7], $0x5FFFF  }
0x24: {  	[dreg:$0x1] =	wrdreg $0xFFFFFFFF  }
0x25: {  	[dreg:$0x0] =	wrdreg $0x60  }
0x26: {  	[dreg:$0x2] =	wrdreg s25  }
0x27: {  	[dreg:$0x3] =	wrdreg s2  }
0x28: {  	[dreg:$0x4] =	wrdreg $0x9  }
0x29: {  	_ =	task.clear_ibuf [dreg:s7], $0x5FFFF;
	_ =	strace $0x90000049  }
0x2a: {  	s29 =	simm.s32 $0x9;
	_ =	strace $0x8000004B  }
0x2b: {  	_ =	swait.ge [sflag:s29], $0x1  }
0x2c: {  	[sflag:s29] =	ssyncadd.s32 $0xFFFFFFFF  }
0x2d: {  	_ =	strace $0x9000004B  }
0x2e: {  	_ =	sfence  }
0x2f: {  	s30 =	sld [smem:$0x0];
	_ =	sdelay $0x2  }
0x30: {  	s31 =	sshll.u32 s1, $0xD;
	s1 =	sshrl.u32 s1, $0x2  }
0x31: {  	s3 =	sand.u32 $0x4000, s31;
	s1 =	sadd.s32 s1, s30  }
0x32: {  	s0 =	sor.u32 s3, s0;
	s1 =	sshll.u32 s1, $0x11  }
0x33: {  	s0 =	sor.u32 s1, s0  }
0x34: {  	s0 =	sadd.s32 $0x8F2B, s0  }
0x35: {  	[sflag:s0] =	ssyncadd.remote.s32 $0x1  }
0x36: {  	_ =	sfence.sel $0xFFFF  }
0x37: {  	[dreg:$0x0] =	wrdreg $0xFFFFFFFF;
	(pc) =	sbr.abs _section_cstart, $3  }
0x38: {  	[dreg:$0x1] =	wrdreg $0xFFFFFFFF  }
0x39: {  	_ =	task.clear_ibuf [dreg:s7], $0x2FFFF;
	_ =	strace $0x9FFFFFFF  }
0x3a: {  	(tm) =	ssettm $0x7FFFFFFF  }
0x3b: {  	_ =	shalt  }
tec
execute0_lowered:
.L_overlay_start_1:
0x0: {  	(tag) =	ssettag $0x1  }
0x1: {  	s0 =	srdreg.scid  }
0x2: {  	s1 =	sshll.u32 s0, $0x4  }
0x3: {  	s0 =	stileid.u32;
	s1 =	sand.u32 $0x10, s1  }
0x4: {  	s1 =	sor.u32 s0, s1  }
0x5: {  	s6 =	rddreg [dreg:$0x0];
	s4 =	simm.s32 $0x1;
	s2 =	sshll.u32 s1, $0x7  }
0x6: {  	s7 =	simm.s32 $0x2;
	s12 =	simm.s32 $0x0;
	s1 =	ssub.s32 $0x1000, s2  }
0x7: {  	s8 =	simm.s32 $0x8000;
	s13 =	simm.s32 $0x0;
	s3 =	sand.u32 $0xF80, s1  }
0x8: {  	s9 =	simm.s32 $0x0;
	s5 =	sshrl.u32 s1, $0xC;
	p0 =	sne.s32 s3, $0x0  }
.Ltmp0:
0x9: {  	s1 =	rddreg [dreg:$0x2];
	s4 =	simm.s32 @!p0 $0x0;
	(pc) =	sbr.rel .LBB1_1-.Ltmp0, $4  }
0xa: {  	s11 =	simm.s32 $0x0;
	s3 =	rddreg [dreg:$0x1];
	s5 =	sadd.s32 s4, s5  }
0xb: {  	_ =	strace $0x8000004A;
	s4 =	simm.s32 $0x1;
	s5 =	smul.u32 $0xC8, s5  }
0xc: {  	s6 =	sadd.s32 $0xA00, s6;
	s10 =	smov.u32 s2;
	[sflag:s4] =	ssyncpa.u1 $0x0  }
0xd: {  	p0 =	por $0x0, $0x0;
	[sflag:s7] =	ssyncpa.u1 $0x0;
	s7 =	sor.u32 $0x1, s5  }
.LBB1_4:
0xe: {  	s16 =	sshll.u32 s13, $0x3;
	s17 =	sand.u32 $0x78, s13  }
0xf: {  	s30 =	sand.u32 $0x3E00, s13;
	s12 =	sshll.u32 s12, $0xE;
	s16 =	sand.u32 $0xC00, s16  }
0x10: {  	s31 =	sand.u32 $0x7, s13;
	s16 =	sor.u32 s17, s16;
	s17 =	sadd.s32 s3, s30  }
0x11: {  	s13 =	sshll.u32 s31, $0x12;
	s16 =	sshrl.u32 s16, $0x3;
	s12 =	sadd.s32 s12, s17  }
0x12: {  	[tilespmem:s15+$0x0 ss:$0x81] =	vst.msk $0xffff, v0;
	s13 =	sor.u32 $0x400, s13;
	s12 =	sadd.s32 s16, s12  }
0x13: {  	[hbm4b:s12+s13] =	stream.strided.scatter [tilespmem:s14], [sflag:$0x2], $0x1000, s8, s13, $0x20;
	[tilespmem:$0x4040] =	vst v63  }
.LBB1_5:
0x14: {  	s14 =	sadd.s32 $0x1, s9  }
0x15: {  	s12 =	sadd.s32 $0x1000, s10;
	s16 =	smov.u32 s10;
	p2 =	sgt.s32 s14, $0xC7  }
0x16: {  	s16 =	smov.u32 @p2 s12  }
0x17: {  	s14 =	simm.s32 @p2 $0x0;
	p2 =	sgt.s32 s16, $0xFFF  }
0x18: {  	s16 =	smov.u32 @p2 s2;
	p2 =	sne.s32 s11, s7  }
.Ltmp1:
0x19: {  	p1 =	slt.u32 s11, $0x2;
	(pc) =	sbr.rel @!p2 .LBB1_6-.Ltmp1, $4  }
0x1a: {  	s15 =	simm.s32 @!p1 $0x2  }
0x1b: {  	s13 =	smov.u32 s10;
	p0 =	por !p0, !p0;
	_ =	swait.ge @!p1 [sflag:s15], $0x1000  }
0x1c: {  	s12 =	smov.u32 s9;
	[sflag:s15] =	ssyncset.done @!p1 $0x0;
	s9 =	smov.u32 s14  }
0x1d: {  	s11 =	sadd.s32 $0x1, s11;
	[sflag:s15] =	ssyncadd.s32 @!p1 $0xFFFFF000;
	s10 =	smov.u32 s16  }
.LBB1_1:
0x1e: {  	p1 =	sge.u32 s11, s5  }
0x1f: {  	s14 =	sand.u32 @!p1 $0x1FFFFFF, s9  }
0x20: {  	s15 =	smulhi.u32 @!p1 $0x147AE15, s14;
	_ =	sdelay $0x1  }
0x21: {  	s15 =	smul.u32 @!p1 $0xC8, s15  }
0x22: {  	s16 =	sxor.u32 @!p1 $0xFFFFFFFF, s11;
	s17 =	smul.u32 @!p1 $0xC80, s10  }
0x23: {  	s31 =	sadd.s32 $0xFFFFFFFF, s11;
	s16 =	sshll.u32 @!p1 s16, $0xC;
	s14 =	ssub.s32 @!p1 s14, s15  }
0x24: {  	s15 =	sand.u32 @!p1 $0x1000, s16;
	s16 =	sadd.s32 @!p1 s6, s17;
	s14 =	sshll.u32 @!p1 s14, $0x4  }
0x25: {  	s17 =	simm.s32 @!p1 $0x6400;
	s14 =	sadd.s32 @!p1 s14, s16;
	s16 =	simm.s32 @!p1 $0x20  }
0x26: {  	[tilespmem:s15], [sflag:$0x1] =	stream.strided.gather @!p1 [hbm4b:s14+s16], $0x1000, s17, s16, $0x38;
	[tilespmem:$0x4040] =	vst v63  }
0x27: {  	p1 =	sge.u32 s31, s5  }
.Ltmp2:
0x28: {  	_ = 	snop;
	(pc) =	sbr.rel @p1 .LBB1_5-.Ltmp2, $1  }
0x29: {  	_ =	sdelay $0x3  }
0x2a: {  	s14 =	simm.s32 $0x1  }
0x2b: {  	_ =	swait.ge [sflag:s4], $0x1000;
	s14 =	simm.s32 @!p0 $0x0  }
0x2c: {  	[sflag:s4] =	ssyncset.done $0x0;
	s15 =	sshll.u32 s14, $0xC  }
0x2d: {  	[sflag:s4] =	ssyncadd.s32 $0xFFFFF000;
	s18 =	sor.u32 $0x10, s15  }
0x2e: {  	s14 =	smul.u32 $0x4080, s14;
	v1 =	vld [tilespmem:s18+$0x0]  }
0x2f: {  	s30 =	sand.u32 $0x1, s11;
	v0 =	vld [tilespmem:s18+$0xFFFFFFF0]  }
0x30: {  	s15 =	smul.u32 $0x4080, s30;
	s14 =	sshrl.u32 s14, $0x2  }
0x31: {  	s16 =	sor.u32 $0x2000, s14  }
0x32: {  	s31 =	sshrl.u32 s15, $0x2;
	s15 =	sadd.s32 $0x0, s16  }
0x33: {  	s17 =	simm.s32 $0x4;
	s18 =	sadd.s32 $0x20, s18;
	s14 =	sor.u32 $0x2000, s31;
	[tilespmem:s15+$0x810 ss:$0x81] =	vst.msk $0xffff, v1  }
.LBB1_3:
0x34: {  	v1 =	vld [tilespmem:s18+$0x0];
	p1 =	sne.s32 s17, $0x1FC;
	[tilespmem:s15+$0x0 ss:$0x81] =	vst.msk $0xffff, v0;
	s15 =	smov.u32 s17;
	s17 =	sadd.s32 $0x4, s17  }
.Ltmp3:
0x35: {  	v0 =	vld [tilespmem:s18+$0xFFFFFFF0];
	(pc) =	sbr.rel @p1 .LBB1_3-.Ltmp3, $4  }
0x36: {  	_ = 	snop  }
0x37: {  	s15 =	sshra.s32 s15, $0x2  }
0x38: {  	s15 =	sadd.s32 s15, s16  }
0x39: {  	s18 =	sadd.s32 $0x20, s18;
	[tilespmem:s15+$0x810 ss:$0x81] =	vst.msk $0xffff, v1  }
.Ltmp4:
0x3a: {  	_ = 	snop;
	(pc) =	sbr.rel .LBB1_4-.Ltmp4, $1  }
0x3b: {  	_ =	sdelay $0x3  }
.LBB1_6:
0x3c: {  	_ =	sfence.sel $0x180000  }
0x3d: {  	s2 =	simm.s32 $0x1;
	[bflag:$0x0] =	sbarrier.arrive $0xFFFF  }
0x3e: {  	s31 =	simm.s32 $0x2;
	[sflag:s2] =	ssyncpa.u1 $0x1  }
0x3f: {  	[sflag:s31] =	ssyncpa.u1 $0x1  }
0x40: {  	p0 =	sne.s32 s0, $0x0;
	_ =	strace $0x9000004A  }
0x41: {  	s0 =	sadd.s32 @!p0 $0x100000, s1;
	[bflag:$0x2] =	sbarrier.arrive $0xFFFF  }
0x42: {  	[sflag:s0] =	ssyncadd.tile.s32 @!p0 $0x1;
	_ =	shalt  }
.Lfunc_end1:
_tile_overlayer_lowered:
.L_overlay_start_2:
0x43: {  	(tag) =	ssettag $0x2  }
0x44: {  	s0 =	rddreg [dreg:$0x0];
	s2 =	stileid.u32  }
0x45: {  	s1 =	rddreg [dreg:$0x1];
	p0 =	sne.s32 s2, $0x0  }
0x46: {  	s3 =	rddreg [dreg:$0x2];
	[bflag:$0x3] =	sbarrier.arrive $0xFFFF;
	s2 =	simm.s32 @!p0 $0x1C01  }
0x47: {  	[timem:s3], [sflag:s2] =	dma.local @!p0 [hbm:s0], s1  }
0x48: {  	s0 =	simm.s32 @!p0 $0x1  }
0x49: {  	_ =	swait.ge @!p0 [sflag:s0], s1  }
0x4a: {  	s1 =	ssub.s32 @!p0 $0x0, s1;
	[sflag:s0] =	ssyncset.done @!p0 $0x0  }
0x4b: {  	[sflag:s0] =	ssyncadd.s32 @!p0 s1  }
0x4c: {  	[bflag:$0x3] =	sbarrier.arrive $0xFFFF  }
0x4d: {  	_ =	shalt  }

</sc_bundles>
